<compile_context>
chip_gen: v7x
topology: tpu7x:2x2x1
jax: 0.10.2.dev20260603
libtpu: 0.0.44.dev20260713+nightly
codegen_flags: <defaults>
</compile_context>

<pallas_src>
import functools

import jax
import jax.numpy as jnp
from jax import lax
from jax.experimental import pallas as pl
from jax.experimental.pallas import tpu as pltpu
from jax.experimental.pallas import tpu_sc as plsc

N = 10000
M = 32
F = 42
FP = 128
D3 = 3
FD = F * D3
H1, H2 = 64, 32
FE = 128
NPAD = 10016
BLK = 1024
B2 = N * M
NWK = 32
PW = B2 // NWK
CH = 200
NCH = PW // CH
BA = 400
BAM = BA * M


def _mlp_body(img_ref, w1_ref, b1_ref, w2_ref, b2_ref, w3t_ref, b3_ref,
              ei_ref, de_ref, etot_ref):
    i = pl.program_id(0)
    img = img_ref[...]
    z1 = jnp.dot(img, w1_ref[...],
                 preferred_element_type=jnp.float32) + b1_ref[...]
    a1 = jax.nn.sigmoid(z1)
    z2 = jnp.dot(a1, w2_ref[...],
                 preferred_element_type=jnp.float32) + b2_ref[...]
    a2 = jax.nn.sigmoid(z2)
    w3t = w3t_ref[...]
    ei = jnp.sum(a2 * w3t, axis=1, keepdims=True) + b3_ref[...]
    rid = i * BLK + lax.broadcasted_iota(jnp.int32, (BLK, 1), 0)
    valid = rid < N
    ei = jnp.where(valid, ei, 0.0)
    g2 = a2 * (1.0 - a2) * w3t
    g1 = lax.dot_general(g2, w2_ref[...], (((1,), (1,)), ((), ())),
                         preferred_element_type=jnp.float32)
    g1 = g1 * (a1 * (1.0 - a1))
    de = lax.dot_general(g1, w1_ref[...], (((1,), (1,)), ((), ())),
                         preferred_element_type=jnp.float32)
    de = jnp.where(valid, de, 0.0)
    ei_ref[...] = ei
    de_ref[...] = de

    @pl.when(i == 0)
    def _init():
        etot_ref[...] = jnp.zeros_like(etot_ref)

    etot_ref[...] += jnp.sum(ei)


def _run_mlp(img_pad, w1p, b1r, w2, b2r, w3t, b3r):
    grid = (NPAD + BLK - 1) // BLK
    full = lambda s: pl.BlockSpec(s, lambda i: tuple(0 for _ in s))
    return pl.pallas_call(
        _mlp_body,
        grid=(grid,),
        in_specs=[
            pl.BlockSpec((BLK, FP), lambda i: (i, 0)),
            full((FP, H1)), full((1, H1)),
            full((H1, H2)), full((1, H2)),
            full((1, H2)), full((1, 1)),
        ],
        out_specs=[
            pl.BlockSpec((BLK, 1), lambda i: (i, 0)),
            pl.BlockSpec((BLK, FP), lambda i: (i, 0)),
            pl.BlockSpec((1, 1), lambda i: (0, 0)),
        ],
        out_shape=[
            jax.ShapeDtypeStruct((NPAD, 1), jnp.float32),
            jax.ShapeDtypeStruct((NPAD, FP), jnp.float32),
            jax.ShapeDtypeStruct((1, 1), jnp.float32),
        ],
    )(img_pad, w1p, b1r, w2, b2r, w3t, b3r)


def _gather_body(de_hbm, idx_hbm, out_hbm,
                 idx0, idx1, rows0, rows1, gs0, gs1, os0, os1):
    nc = 2
    wid = lax.axis_index("s") * nc + lax.axis_index("c")
    base = wid * PW
    idxs = (idx0, idx1)
    rows = (rows0, rows1)
    gss = (gs0, gs1)
    oss = (os0, os1)

    def fire(k, s):
        pltpu.sync_copy(idx_hbm.at[pl.ds(base + k * CH, CH)], idxs[s])
        pltpu.async_copy(de_hbm.at[idxs[s]], rows[s], gss[s])

    def drain(j, s):
        pltpu.make_async_copy(de_hbm.at[idxs[s]], rows[s], gss[s]).wait()
        pltpu.async_copy(rows[s], out_hbm.at[pl.ds(base + j * CH, CH)], oss[s])

    for k in range(NCH + 1):
        s = k % 2
        if k >= 2:
            pltpu.make_async_copy(rows[s], out_hbm.at[pl.ds(base, CH)],
                                  oss[s]).wait()
        if k < NCH:
            fire(k, s)
        if k >= 1:
            drain(k - 1, (k - 1) % 2)

    s = (NCH - 1) % 2
    pltpu.make_async_copy(rows[s], out_hbm.at[pl.ds(base, CH)], oss[s]).wait()


def _run_gather(de_pad, idx2):
    call = functools.partial(
        pl.kernel,
        out_type=jax.ShapeDtypeStruct((B2, FP), jnp.float32),
        mesh=plsc.VectorSubcoreMesh(core_axis_name="c", subcore_axis_name="s",
                                    num_cores=2, num_subcores=16),
        compiler_params=pltpu.CompilerParams(needs_layout_passes=False,
                                             use_tc_tiling_on_sc=False),
        scratch_types=[
            pltpu.VMEM((CH,), jnp.int32),
            pltpu.VMEM((CH,), jnp.int32),
            pltpu.VMEM((CH, FP), jnp.float32),
            pltpu.VMEM((CH, FP), jnp.float32),
            pltpu.SemaphoreType.DMA,
            pltpu.SemaphoreType.DMA,
            pltpu.SemaphoreType.DMA,
            pltpu.SemaphoreType.DMA,
        ],
    )
    return call(_gather_body)(de_pad, idx2)


def _contract_body(a_ref, d_ref, out_ref):
    a = a_ref[...]
    d = d_ref[...]
    fidx = lax.broadcasted_iota(jnp.int32, (FP, FD), 0)
    cidx = lax.broadcasted_iota(jnp.int32, (FP, FD), 1)
    expand = (cidx // D3 == fidx).astype(jnp.float32)
    e1 = jnp.dot(a, expand, preferred_element_type=jnp.float32)
    p = e1 * d
    ps = jnp.sum(p.reshape(BA, M, FD), axis=1)
    ridx = lax.broadcasted_iota(jnp.int32, (FD, 8), 0)
    didx = lax.broadcasted_iota(jnp.int32, (FD, 8), 1)
    sel = (ridx % D3 == didx).astype(jnp.float32)
    out_ref[...] = jnp.dot(ps, sel, preferred_element_type=jnp.float32)


def _run_contract(a_rows, dflat):
    grid = N // BA
    return pl.pallas_call(
        _contract_body,
        grid=(grid,),
        in_specs=[
            pl.BlockSpec((BAM, FP), lambda i: (i, 0)),
            pl.BlockSpec((BAM, FD), lambda i: (i, 0)),
        ],
        out_specs=pl.BlockSpec((BA, 8), lambda i: (i, 0)),
        out_shape=jax.ShapeDtypeStruct((N, 8), jnp.float32),
    )(a_rows, dflat)


def kernel(image, dfeat, neighbor, Egroup_weight, divider, W1, b1, W2, b2, W3, b3):
    del Egroup_weight, divider
    img = image[0]
    img_pad = jnp.pad(img, ((0, NPAD - N), (0, FP - F)))
    w1p = jnp.pad(W1, ((0, FP - F), (0, 0)))
    b1r = b1.reshape(1, H1)
    b2r = b2.reshape(1, H2)
    w3t = W3.reshape(1, H2)
    b3r = b3.reshape(1, 1)

    ei_pad, de_pad, etot = _run_mlp(img_pad, w1p, b1r, W2, b2r, w3t, b3r)

    nbr = neighbor[0].astype(jnp.int32).reshape(B2)
    idx2 = jnp.where(nbr > 0, nbr - 1, N)

    a_rows = _run_gather(de_pad, idx2)

    dflat = dfeat.reshape(B2, FD)
    force8 = _run_contract(a_rows, dflat)

    Ei = ei_pad[:N, 0][None]
    Etot = etot
    Force = force8[:, :3][None]
    return (Etot, Ei, Force)

# --- scband reference (transcript-rebuilt; emitter-appended) ---
"""Pipeline reference for scband-mlff-78838419685604 (READ-ONLY COPY).

The authoritative reference and input builder live on the scoring server;
editing this copy changes nothing except your own understanding.
"""

import jax, jax.numpy as jnp
import numpy as np

B, N, M, F = 1, 10000, 32, 42
H1, H2 = 64, 32

def setup_inputs(seed: int = 0) -> dict:
    key = jax.random.key(seed)
    ks = jax.random.split(key, 12)
    image = jax.random.normal(ks[0], (B, N, F), dtype=jnp.float32)
    dfeat = jax.random.normal(ks[1], (B, N, M, F, 3), dtype=jnp.float32) * 0.1
    # neighbor values in [0, N); 0 means 'no neighbor' (padding), k>0 means atom index k-1
    neighbor = jax.random.randint(ks[2], (B, N, M), 0, N)
    Egroup_weight = jax.random.uniform(ks[3], (B, N), dtype=jnp.float32)
    divider = jax.random.uniform(ks[4], (B, N), dtype=jnp.float32) + 0.5
    W1 = jax.random.normal(ks[5], (F, H1), dtype=jnp.float32) * (1.0 / np.sqrt(F))
    b1 = jnp.zeros((H1,), dtype=jnp.float32)
    W2 = jax.random.normal(ks[6], (H1, H2), dtype=jnp.float32) * (1.0 / np.sqrt(H1))
    b2 = jnp.zeros((H2,), dtype=jnp.float32)
    W3 = jax.random.normal(ks[7], (H2, 1), dtype=jnp.float32) * (1.0 / np.sqrt(H2))
    b3 = jnp.zeros((1,), dtype=jnp.float32)
    return {"image": image, "dfeat": dfeat, "neighbor": neighbor,
            "Egroup_weight": Egroup_weight, "divider": divider,
            "W1": W1, "b1": b1, "W2": W2, "b2": b2, "W3": W3, "b3": b3}

def reference(image, dfeat, neighbor, Egroup_weight, divider, W1, b1, W2, b2, W3, b3):
    # Per-atom energy network (f_FC with sigmoid activation); dE = dEi/dfeat via autodiff,
    # mirroring the dmirror/autograd net which returns (Ei, dEi_dFeat).
    def energy_sum(img):
        h = jax.nn.sigmoid(img @ W1 + b1)
        h = jax.nn.sigmoid(h @ W2 + b2)
        Ei = (h @ W3 + b3)[..., 0]  # [B, N]
        return Ei.sum(), Ei
    (_, Ei), dE = jax.value_and_grad(energy_sum, has_aux=True)(image)  # dE: [B, N, F]
    Etot = Ei.sum(axis=1, keepdims=True)  # [B, 1]
    # Force assembly: for each atom i, gather dE of its neighbors (neighbor entry k>0 -> atom k-1),
    # contract with dfeat[b, i, m] of shape [F, 3], sum over neighbors. Zero entries are padding.
    mask = (neighbor > 0).astype(dE.dtype)  # [B, N, M]
    atom_idx = jnp.maximum(neighbor - 1, 0)  # [B, N, M]
    def gather_b(dE_b, idx_b):
        return jnp.take(dE_b, idx_b, axis=0)  # [N, M, F]
    a = jax.vmap(gather_b)(dE, atom_idx)  # [B, N, M, F]
    a = a * mask[..., None]
    Force = jnp.einsum('bnmf,bnmfd->bnd', a, dfeat)  # [B, N, 3]
    return (Etot, Ei, Force)

if __name__ == "__main__":
    import jax
    _d = setup_inputs()
    print(jax.jit(kernel)(*tuple(_d.values())))

</pallas_src>

<mosaic_0001>
#map = affine_map<(d0, d1) -> (0, 0)>
#map1 = affine_map<(d0, d1) -> (0)>
module attributes {stable_mosaic.version = 14 : i64} {
  func.func @_gather_body(%arg0: i32, %arg1: i32, %arg2: memref<10016x128xf32, #tpu.memory_space<hbm>>, %arg3: memref<320000xi32, #tpu.memory_space<hbm>>, %arg4: memref<320000x128xf32, #tpu.memory_space<hbm>>, %arg5: memref<200xi32, #tpu.memory_space<vmem>>, %arg6: memref<200xi32, #tpu.memory_space<vmem>>, %arg7: memref<200x128xf32, #tpu.memory_space<vmem>>, %arg8: memref<200x128xf32, #tpu.memory_space<vmem>>, %arg9: memref<!tpu.dma_semaphore, #tpu.memory_space<semaphore_mem>>, %arg10: memref<!tpu.dma_semaphore, #tpu.memory_space<semaphore_mem>>, %arg11: memref<!tpu.dma_semaphore, #tpu.memory_space<semaphore_mem>>, %arg12: memref<!tpu.dma_semaphore, #tpu.memory_space<semaphore_mem>>) attributes {dimension_semantics = [#tpu.dimension_semantics<core_parallel>, #tpu.dimension_semantics<subcore_parallel>], iteration_bounds = array<i64: 2, 16>, scalar_prefetch = 0 : i64, scratch_operands = 8 : i64, tpu.core_type = #tpu.core_type<sc_vector_subcore>, window_params = [{transform_indices = #map}, {transform_indices = #map1}, {transform_indices = #map}]} {
    %mul3A = arith.constant 2 : i32
    %mul3A_0 = arith.muli %arg1, %mul3A : i32
    %add3A = arith.addi %mul3A_0, %arg0 : i32
    %mul3A_1 = arith.constant 10000 : i32
    %mul3A_2 = arith.muli %add3A, %mul3A_1 : i32
    %add3A_3 = arith.constant 0 : i32
    %add3A_4 = arith.addi %mul3A_2, %add3A_3 : i32
    "tpu.region"() ({
      %run_scoped3A = tpu.sem_alloc : memref<!tpu.dma_semaphore, #tpu.memory_space<semaphore_mem>>
      %dma_start3A_901 = tpu.memref_slice %arg3[%add3A_4] : memref<320000xi32, #tpu.memory_space<hbm>> -> memref<200xi32, #tpu.memory_space<hbm>>
      %dma_start3A_902 = tpu.memref_slice %arg3[%add3A_4] : memref<320000xi32, #tpu.memory_space<hbm>> -> memref<200xi32, #tpu.memory_space<hbm>>
      tpu.enqueue_dma source(%dma_start3A_902 : memref<200xi32, #tpu.memory_space<hbm>>) target(%arg5 : memref<200xi32, #tpu.memory_space<vmem>>) target_semaphore(%run_scoped3A : memref<!tpu.dma_semaphore, #tpu.memory_space<semaphore_mem>>)
      %dma_wait3A_903 = tpu.memref_slice %arg3[%add3A_4] : memref<320000xi32, #tpu.memory_space<hbm>> -> memref<200xi32, #tpu.memory_space<hbm>>
      %dma_wait3A_904 = tpu.memref_slice %arg3[%add3A_4] : memref<320000xi32, #tpu.memory_space<hbm>> -> memref<200xi32, #tpu.memory_space<hbm>>
      tpu.wait_dma2 semaphore(%run_scoped3A : memref<!tpu.dma_semaphore, #tpu.memory_space<semaphore_mem>>) src(%dma_wait3A_904 : memref<200xi32, #tpu.memory_space<hbm>>) dst(%arg5 : memref<200xi32, #tpu.memory_space<vmem>>)
      tpu.yield
    }) : () -> ()
    %dma_start3A = arith.constant 0 : i32
    %dma_start3A_5 = arith.constant 0 : i32
    %dma_start3A_6 = tpu.memref_slice %arg2[%dma_start3A, %dma_start3A_5] : memref<10016x128xf32, #tpu.memory_space<hbm>> -> memref<10016x128xf32, #tpu.memory_space<hbm>>
    tpu.enqueue_indirect_dma source(%dma_start3A_6 : memref<10016x128xf32, #tpu.memory_space<hbm>>) target(%arg7 : memref<200x128xf32, #tpu.memory_space<vmem>>) offsets(%arg5 : memref<200xi32, #tpu.memory_space<vmem>>) semaphore(%arg9 : memref<!tpu.dma_semaphore, #tpu.memory_space<semaphore_mem>>)
    %add3A_7 = arith.constant 200 : i32
    %add3A_8 = arith.addi %mul3A_2, %add3A_7 : i32
    "tpu.region"() ({
      %run_scoped3A = tpu.sem_alloc : memref<!tpu.dma_semaphore, #tpu.memory_space<semaphore_mem>>
      %dma_start3A_901 = tpu.memref_slice %arg3[%add3A_8] : memref<320000xi32, #tpu.memory_space<hbm>> -> memref<200xi32, #tpu.memory_space<hbm>>
      %dma_start3A_902 = tpu.memref_slice %arg3[%add3A_8] : memref<320000xi32, #tpu.memory_space<hbm>> -> memref<200xi32, #tpu.memory_space<hbm>>
      tpu.enqueue_dma source(%dma_start3A_902 : memref<200xi32, #tpu.memory_space<hbm>>) target(%arg6 : memref<200xi32, #tpu.memory_space<vmem>>) target_semaphore(%run_scoped3A : memref<!tpu.dma_semaphore, #tpu.memory_space<semaphore_mem>>)
      %dma_wait3A_903 = tpu.memref_slice %arg3[%add3A_8] : memref<320000xi32, #tpu.memory_space<hbm>> -> memref<200xi32, #tpu.memory_space<hbm>>
      %dma_wait3A_904 = tpu.memref_slice %arg3[%add3A_8] : memref<320000xi32, #tpu.memory_space<hbm>> -> memref<200xi32, #tpu.memory_space<hbm>>
      tpu.wait_dma2 semaphore(%run_scoped3A : memref<!tpu.dma_semaphore, #tpu.memory_space<semaphore_mem>>) src(%dma_wait3A_904 : memref<200xi32, #tpu.memory_space<hbm>>) dst(%arg6 : memref<200xi32, #tpu.memory_space<vmem>>)
      tpu.yield
    }) : () -> ()
    %dma_start3A_9 = arith.constant 0 : i32
    %dma_start3A_10 = arith.constant 0 : i32
    %dma_start3A_11 = tpu.memref_slice %arg2[%dma_start3A_9, %dma_start3A_10] : memref<10016x128xf32, #tpu.memory_space<hbm>> -> memref<10016x128xf32, #tpu.memory_space<hbm>>
    tpu.enqueue_indirect_dma source(%dma_start3A_11 : memref<10016x128xf32, #tpu.memory_space<hbm>>) target(%arg8 : memref<200x128xf32, #tpu.memory_space<vmem>>) offsets(%arg6 : memref<200xi32, #tpu.memory_space<vmem>>) semaphore(%arg10 : memref<!tpu.dma_semaphore, #tpu.memory_space<semaphore_mem>>)
    %dma_wait3A = arith.constant 0 : i32
    %dma_wait3A_12 = arith.constant 0 : i32
    %dma_wait3A_13 = tpu.memref_slice %arg2[%dma_wait3A, %dma_wait3A_12] : memref<10016x128xf32, #tpu.memory_space<hbm>> -> memref<10016x128xf32, #tpu.memory_space<hbm>>
    tpu.wait_indirect_dma semaphore(%arg9 : memref<!tpu.dma_semaphore, #tpu.memory_space<semaphore_mem>>) src(%dma_wait3A_13 : memref<10016x128xf32, #tpu.memory_space<hbm>>) dst(%arg7 : memref<200x128xf32, #tpu.memory_space<vmem>>)
    %add3A_14 = arith.constant 0 : i32
    %add3A_15 = arith.addi %mul3A_2, %add3A_14 : i32
    %dma_start3A_16 = arith.constant 0 : i32
    %dma_start3A_17 = tpu.memref_slice %arg4[%add3A_15, %dma_start3A_16] : memref<320000x128xf32, #tpu.memory_space<hbm>> -> memref<200x128xf32, #tpu.memory_space<hbm>>
    %dma_start3A_18 = arith.constant 0 : i32
    %dma_start3A_19 = tpu.memref_slice %arg4[%add3A_15, %dma_start3A_18] : memref<320000x128xf32, #tpu.memory_space<hbm>> -> memref<200x128xf32, #tpu.memory_space<hbm>>
    tpu.enqueue_dma source(%arg7 : memref<200x128xf32, #tpu.memory_space<vmem>>) target(%dma_start3A_19 : memref<200x128xf32, #tpu.memory_space<hbm>>) target_semaphore(%arg11 : memref<!tpu.dma_semaphore, #tpu.memory_space<semaphore_mem>>)
    %dma_wait3A_20 = arith.constant 0 : i32
    %dma_wait3A_21 = tpu.memref_slice %arg4[%mul3A_2, %dma_wait3A_20] : memref<320000x128xf32, #tpu.memory_space<hbm>> -> memref<200x128xf32, #tpu.memory_space<hbm>>
    %dma_wait3A_22 = arith.constant 0 : i32
    %dma_wait3A_23 = tpu.memref_slice %arg4[%mul3A_2, %dma_wait3A_22] : memref<320000x128xf32, #tpu.memory_space<hbm>> -> memref<200x128xf32, #tpu.memory_space<hbm>>
    tpu.wait_dma2 semaphore(%arg11 : memref<!tpu.dma_semaphore, #tpu.memory_space<semaphore_mem>>) src(%arg7 : memref<200x128xf32, #tpu.memory_space<vmem>>) dst(%dma_wait3A_23 : memref<200x128xf32, #tpu.memory_space<hbm>>)
    %add3A_24 = arith.constant 400 : i32
    %add3A_25 = arith.addi %mul3A_2, %add3A_24 : i32
    "tpu.region"() ({
      %run_scoped3A = tpu.sem_alloc : memref<!tpu.dma_semaphore, #tpu.memory_space<semaphore_mem>>
      %dma_start3A_901 = tpu.memref_slice %arg3[%add3A_25] : memref<320000xi32, #tpu.memory_space<hbm>> -> memref<200xi32, #tpu.memory_space<hbm>>
      %dma_start3A_902 = tpu.memref_slice %arg3[%add3A_25] : memref<320000xi32, #tpu.memory_space<hbm>> -> memref<200xi32, #tpu.memory_space<hbm>>
      tpu.enqueue_dma source(%dma_start3A_902 : memref<200xi32, #tpu.memory_space<hbm>>) target(%arg5 : memref<200xi32, #tpu.memory_space<vmem>>) target_semaphore(%run_scoped3A : memref<!tpu.dma_semaphore, #tpu.memory_space<semaphore_mem>>)
      %dma_wait3A_903 = tpu.memref_slice %arg3[%add3A_25] : memref<320000xi32, #tpu.memory_space<hbm>> -> memref<200xi32, #tpu.memory_space<hbm>>
      %dma_wait3A_904 = tpu.memref_slice %arg3[%add3A_25] : memref<320000xi32, #tpu.memory_space<hbm>> -> memref<200xi32, #tpu.memory_space<hbm>>
      tpu.wait_dma2 semaphore(%run_scoped3A : memref<!tpu.dma_semaphore, #tpu.memory_space<semaphore_mem>>) src(%dma_wait3A_904 : memref<200xi32, #tpu.memory_space<hbm>>) dst(%arg5 : memref<200xi32, #tpu.memory_space<vmem>>)
      tpu.yield
    }) : () -> ()
    %dma_start3A_26 = arith.constant 0 : i32
    %dma_start3A_27 = arith.constant 0 : i32
    %dma_start3A_28 = tpu.memref_slice %arg2[%dma_start3A_26, %dma_start3A_27] : memref<10016x128xf32, #tpu.memory_space<hbm>> -> memref<10016x128xf32, #tpu.memory_space<hbm>>
    tpu.enqueue_indirect_dma source(%dma_start3A_28 : memref<10016x128xf32, #tpu.memory_space<hbm>>) target(%arg7 : memref<200x128xf32, #tpu.memory_space<vmem>>) offsets(%arg5 : memref<200xi32, #tpu.memory_space<vmem>>) semaphore(%arg9 : memref<!tpu.dma_semaphore, #tpu.memory_space<semaphore_mem>>)
    %dma_wait3A_29 = arith.constant 0 : i32
    %dma_wait3A_30 = arith.constant 0 : i32
    %dma_wait3A_31 = tpu.memref_slice %arg2[%dma_wait3A_29, %dma_wait3A_30] : memref<10016x128xf32, #tpu.memory_space<hbm>> -> memref<10016x128xf32, #tpu.memory_space<hbm>>
    tpu.wait_indirect_dma semaphore(%arg10 : memref<!tpu.dma_semaphore, #tpu.memory_space<semaphore_mem>>) src(%dma_wait3A_31 : memref<10016x128xf32, #tpu.memory_space<hbm>>) dst(%arg8 : memref<200x128xf32, #tpu.memory_space<vmem>>)
    %add3A_32 = arith.constant 200 : i32
    %add3A_33 = arith.addi %mul3A_2, %add3A_32 : i32
    %dma_start3A_34 = arith.constant 0 : i32
    %dma_start3A_35 = tpu.memref_slice %arg4[%add3A_33, %dma_start3A_34] : memref<320000x128xf32, #tpu.memory_space<hbm>> -> memref<200x128xf32, #tpu.memory_space<hbm>>
    %dma_start3A_36 = arith.constant 0 : i32
    %dma_start3A_37 = tpu.memref_slice %arg4[%add3A_33, %dma_start3A_36] : memref<320000x128xf32, #tpu.memory_space<hbm>> -> memref<200x128xf32, #tpu.memory_space<hbm>>
    tpu.enqueue_dma source(%arg8 : memref<200x128xf32, #tpu.memory_space<vmem>>) target(%dma_start3A_37 : memref<200x128xf32, #tpu.memory_space<hbm>>) target_semaphore(%arg12 : memref<!tpu.dma_semaphore, #tpu.memory_space<semaphore_mem>>)
    %dma_wait3A_38 = arith.constant 0 : i32
    %dma_wait3A_39 = tpu.memref_slice %arg4[%mul3A_2, %dma_wait3A_38] : memref<320000x128xf32, #tpu.memory_space<hbm>> -> memref<200x128xf32, #tpu.memory_space<hbm>>
    %dma_wait3A_40 = arith.constant 0 : i32
    %dma_wait3A_41 = tpu.memref_slice %arg4[%mul3A_2, %dma_wait3A_40] : memref<320000x128xf32, #tpu.memory_space<hbm>> -> memref<200x128xf32, #tpu.memory_space<hbm>>
    tpu.wait_dma2 semaphore(%arg12 : memref<!tpu.dma_semaphore, #tpu.memory_space<semaphore_mem>>) src(%arg8 : memref<200x128xf32, #tpu.memory_space<vmem>>) dst(%dma_wait3A_41 : memref<200x128xf32, #tpu.memory_space<hbm>>)
    %add3A_42 = arith.constant 600 : i32
    %add3A_43 = arith.addi %mul3A_2, %add3A_42 : i32
    "tpu.region"() ({
      %run_scoped3A = tpu.sem_alloc : memref<!tpu.dma_semaphore, #tpu.memory_space<semaphore_mem>>
      %dma_start3A_901 = tpu.memref_slice %arg3[%add3A_43] : memref<320000xi32, #tpu.memory_space<hbm>> -> memref<200xi32, #tpu.memory_space<hbm>>
      %dma_start3A_902 = tpu.memref_slice %arg3[%add3A_43] : memref<320000xi32, #tpu.memory_space<hbm>> -> memref<200xi32, #tpu.memory_space<hbm>>
      tpu.enqueue_dma source(%dma_start3A_902 : memref<200xi32, #tpu.memory_space<hbm>>) target(%arg6 : memref<200xi32, #tpu.memory_space<vmem>>) target_semaphore(%run_scoped3A : memref<!tpu.dma_semaphore, #tpu.memory_space<semaphore_mem>>)
      %dma_wait3A_903 = tpu.memref_slice %arg3[%add3A_43] : memref<320000xi32, #tpu.memory_space<hbm>> -> memref<200xi32, #tpu.memory_space<hbm>>
      %dma_wait3A_904 = tpu.memref_slice %arg3[%add3A_43] : memref<320000xi32, #tpu.memory_space<hbm>> -> memref<200xi32, #tpu.memory_space<hbm>>
      tpu.wait_dma2 semaphore(%run_scoped3A : memref<!tpu.dma_semaphore, #tpu.memory_space<semaphore_mem>>) src(%dma_wait3A_904 : memref<200xi32, #tpu.memory_space<hbm>>) dst(%arg6 : memref<200xi32, #tpu.memory_space<vmem>>)
      tpu.yield
    }) : () -> ()
    %dma_start3A_44 = arith.constant 0 : i32
    %dma_start3A_45 = arith.constant 0 : i32
    %dma_start3A_46 = tpu.memref_slice %arg2[%dma_start3A_44, %dma_start3A_45] : memref<10016x128xf32, #tpu.memory_space<hbm>> -> memref<10016x128xf32, #tpu.memory_space<hbm>>
    tpu.enqueue_indirect_dma source(%dma_start3A_46 : memref<10016x128xf32, #tpu.memory_space<hbm>>) target(%arg8 : memref<200x128xf32, #tpu.memory_space<vmem>>) offsets(%arg6 : memref<200xi32, #tpu.memory_space<vmem>>) semaphore(%arg10 : memref<!tpu.dma_semaphore, #tpu.memory_space<semaphore_mem>>)
    %dma_wait3A_47 = arith.constant 0 : i32
    %dma_wait3A_48 = arith.constant 0 : i32
    %dma_wait3A_49 = tpu.memref_slice %arg2[%dma_wait3A_47, %dma_wait3A_48] : memref<10016x128xf32, #tpu.memory_space<hbm>> -> memref<10016x128xf32, #tpu.memory_space<hbm>>
    tpu.wait_indirect_dma semaphore(%arg9 : memref<!tpu.dma_semaphore, #tpu.memory_space<semaphore_mem>>) src(%dma_wait3A_49 : memref<10016x128xf32, #tpu.memory_space<hbm>>) dst(%arg7 : memref<200x128xf32, #tpu.memory_space<vmem>>)
    %add3A_50 = arith.constant 400 : i32
    %add3A_51 = arith.addi %mul3A_2, %add3A_50 : i32
    %dma_start3A_52 = arith.constant 0 : i32
    %dma_start3A_53 = tpu.memref_slice %arg4[%add3A_51, %dma_start3A_52] : memref<320000x128xf32, #tpu.memory_space<hbm>> -> memref<200x128xf32, #tpu.memory_space<hbm>>
    %dma_start3A_54 = arith.constant 0 : i32
    %dma_start3A_55 = tpu.memref_slice %arg4[%add3A_51, %dma_start3A_54] : memref<320000x128xf32, #tpu.memory_space<hbm>> -> memref<200x128xf32, #tpu.memory_space<hbm>>
    tpu.enqueue_dma source(%arg7 : memref<200x128xf32, #tpu.memory_space<vmem>>) target(%dma_start3A_55 : memref<200x128xf32, #tpu.memory_space<hbm>>) target_semaphore(%arg11 : memref<!tpu.dma_semaphore, #tpu.memory_space<semaphore_mem>>)
    %dma_wait3A_56 = arith.constant 0 : i32
    %dma_wait3A_57 = tpu.memref_slice %arg4[%mul3A_2, %dma_wait3A_56] : memref<320000x128xf32, #tpu.memory_space<hbm>> -> memref<200x128xf32, #tpu.memory_space<hbm>>
    %dma_wait3A_58 = arith.constant 0 : i32
    %dma_wait3A_59 = tpu.memref_slice %arg4[%mul3A_2, %dma_wait3A_58] : memref<320000x128xf32, #tpu.memory_space<hbm>> -> memref<200x128xf32, #tpu.memory_space<hbm>>
    tpu.wait_dma2 semaphore(%arg11 : memref<!tpu.dma_semaphore, #tpu.memory_space<semaphore_mem>>) src(%arg7 : memref<200x128xf32, #tpu.memory_space<vmem>>) dst(%dma_wait3A_59 : memref<200x128xf32, #tpu.memory_space<hbm>>)
    %add3A_60 = arith.constant 800 : i32
    %add3A_61 = arith.addi %mul3A_2, %add3A_60 : i32
    "tpu.region"() ({
      %run_scoped3A = tpu.sem_alloc : memref<!tpu.dma_semaphore, #tpu.memory_space<semaphore_mem>>
      %dma_start3A_901 = tpu.memref_slice %arg3[%add3A_61] : memref<320000xi32, #tpu.memory_space<hbm>> -> memref<200xi32, #tpu.memory_space<hbm>>
      %dma_start3A_902 = tpu.memref_slice %arg3[%add3A_61] : memref<320000xi32, #tpu.memory_space<hbm>> -> memref<200xi32, #tpu.memory_space<hbm>>
      tpu.enqueue_dma source(%dma_start3A_902 : memref<200xi32, #tpu.memory_space<hbm>>) target(%arg5 : memref<200xi32, #tpu.memory_space<vmem>>) target_semaphore(%run_scoped3A : memref<!tpu.dma_semaphore, #tpu.memory_space<semaphore_mem>>)
      %dma_wait3A_903 = tpu.memref_slice %arg3[%add3A_61] : memref<320000xi32, #tpu.memory_space<hbm>> -> memref<200xi32, #tpu.memory_space<hbm>>
      %dma_wait3A_904 = tpu.memref_slice %arg3[%add3A_61] : memref<320000xi32, #tpu.memory_space<hbm>> -> memref<200xi32, #tpu.memory_space<hbm>>
      tpu.wait_dma2 semaphore(%run_scoped3A : memref<!tpu.dma_semaphore, #tpu.memory_space<semaphore_mem>>) src(%dma_wait3A_904 : memref<200xi32, #tpu.memory_space<hbm>>) dst(%arg5 : memref<200xi32, #tpu.memory_space<vmem>>)
      tpu.yield
    }) : () -> ()
    %dma_start3A_62 = arith.constant 0 : i32
    %dma_start3A_63 = arith.constant 0 : i32
    %dma_start3A_64 = tpu.memref_slice %arg2[%dma_start3A_62, %dma_start3A_63] : memref<10016x128xf32, #tpu.memory_space<hbm>> -> memref<10016x128xf32, #tpu.memory_space<hbm>>
    tpu.enqueue_indirect_dma source(%dma_start3A_64 : memref<10016x128xf32, #tpu.memory_space<hbm>>) target(%arg7 : memref<200x128xf32, #tpu.memory_space<vmem>>) offsets(%arg5 : memref<200xi32, #tpu.memory_space<vmem>>) semaphore(%arg9 : memref<!tpu.dma_semaphore, #tpu.memory_space<semaphore_mem>>)
    %dma_wait3A_65 = arith.constant 0 : i32
    %dma_wait3A_66 = arith.constant 0 : i32
    %dma_wait3A_67 = tpu.memref_slice %arg2[%dma_wait3A_65, %dma_wait3A_66] : memref<10016x128xf32, #tpu.memory_space<hbm>> -> memref<10016x128xf32, #tpu.memory_space<hbm>>
    tpu.wait_indirect_dma semaphore(%arg10 : memref<!tpu.dma_semaphore, #tpu.memory_space<semaphore_mem>>) src(%dma_wait3A_67 : memref<10016x128xf32, #tpu.memory_space<hbm>>) dst(%arg8 : memref<200x128xf32, #tpu.memory_space<vmem>>)
    %add3A_68 = arith.constant 600 : i32
    %add3A_69 = arith.addi %mul3A_2, %add3A_68 : i32
    %dma_start3A_70 = arith.constant 0 : i32
    %dma_start3A_71 = tpu.memref_slice %arg4[%add3A_69, %dma_start3A_70] : memref<320000x128xf32, #tpu.memory_space<hbm>> -> memref<200x128xf32, #tpu.memory_space<hbm>>
    %dma_start3A_72 = arith.constant 0 : i32
    %dma_start3A_73 = tpu.memref_slice %arg4[%add3A_69, %dma_start3A_72] : memref<320000x128xf32, #tpu.memory_space<hbm>> -> memref<200x128xf32, #tpu.memory_space<hbm>>
    tpu.enqueue_dma source(%arg8 : memref<200x128xf32, #tpu.memory_space<vmem>>) target(%dma_start3A_73 : memref<200x128xf32, #tpu.memory_space<hbm>>) target_semaphore(%arg12 : memref<!tpu.dma_semaphore, #tpu.memory_space<semaphore_mem>>)
    %dma_wait3A_74 = arith.constant 0 : i32
    %dma_wait3A_75 = tpu.memref_slice %arg4[%mul3A_2, %dma_wait3A_74] : memref<320000x128xf32, #tpu.memory_space<hbm>> -> memref<200x128xf32, #tpu.memory_space<hbm>>
    %dma_wait3A_76 = arith.constant 0 : i32
    %dma_wait3A_77 = tpu.memref_slice %arg4[%mul3A_2, %dma_wait3A_76] : memref<320000x128xf32, #tpu.memory_space<hbm>> -> memref<200x128xf32, #tpu.memory_space<hbm>>
    tpu.wait_dma2 semaphore(%arg12 : memref<!tpu.dma_semaphore, #tpu.memory_space<semaphore_mem>>) src(%arg8 : memref<200x128xf32, #tpu.memory_space<vmem>>) dst(%dma_wait3A_77 : memref<200x128xf32, #tpu.memory_space<hbm>>)
    %add3A_78 = arith.constant 1000 : i32
    %add3A_79 = arith.addi %mul3A_2, %add3A_78 : i32
    "tpu.region"() ({
      %run_scoped3A = tpu.sem_alloc : memref<!tpu.dma_semaphore, #tpu.memory_space<semaphore_mem>>
      %dma_start3A_901 = tpu.memref_slice %arg3[%add3A_79] : memref<320000xi32, #tpu.memory_space<hbm>> -> memref<200xi32, #tpu.memory_space<hbm>>
      %dma_start3A_902 = tpu.memref_slice %arg3[%add3A_79] : memref<320000xi32, #tpu.memory_space<hbm>> -> memref<200xi32, #tpu.memory_space<hbm>>
      tpu.enqueue_dma source(%dma_start3A_902 : memref<200xi32, #tpu.memory_space<hbm>>) target(%arg6 : memref<200xi32, #tpu.memory_space<vmem>>) target_semaphore(%run_scoped3A : memref<!tpu.dma_semaphore, #tpu.memory_space<semaphore_mem>>)
      %dma_wait3A_903 = tpu.memref_slice %arg3[%add3A_79] : memref<320000xi32, #tpu.memory_space<hbm>> -> memref<200xi32, #tpu.memory_space<hbm>>
      %dma_wait3A_904 = tpu.memref_slice %arg3[%add3A_79] : memref<320000xi32, #tpu.memory_space<hbm>> -> memref<200xi32, #tpu.memory_space<hbm>>
      tpu.wait_dma2 semaphore(%run_scoped3A : memref<!tpu.dma_semaphore, #tpu.memory_space<semaphore_mem>>) src(%dma_wait3A_904 : memref<200xi32, #tpu.memory_space<hbm>>) dst(%arg6 : memref<200xi32, #tpu.memory_space<vmem>>)
      tpu.yield
    }) : () -> ()
    %dma_start3A_80 = arith.constant 0 : i32
    %dma_start3A_81 = arith.constant 0 : i32
    %dma_start3A_82 = tpu.memref_slice %arg2[%dma_start3A_80, %dma_start3A_81] : memref<10016x128xf32, #tpu.memory_space<hbm>> -> memref<10016x128xf32, #tpu.memory_space<hbm>>
    tpu.enqueue_indirect_dma source(%dma_start3A_82 : memref<10016x128xf32, #tpu.memory_space<hbm>>) target(%arg8 : memref<200x128xf32, #tpu.memory_space<vmem>>) offsets(%arg6 : memref<200xi32, #tpu.memory_space<vmem>>) semaphore(%arg10 : memref<!tpu.dma_semaphore, #tpu.memory_space<semaphore_mem>>)
    %dma_wait3A_83 = arith.constant 0 : i32
    %dma_wait3A_84 = arith.constant 0 : i32
    %dma_wait3A_85 = tpu.memref_slice %arg2[%dma_wait3A_83, %dma_wait3A_84] : memref<10016x128xf32, #tpu.memory_space<hbm>> -> memref<10016x128xf32, #tpu.memory_space<hbm>>
    tpu.wait_indirect_dma semaphore(%arg9 : memref<!tpu.dma_semaphore, #tpu.memory_space<semaphore_mem>>) src(%dma_wait3A_85 : memref<10016x128xf32, #tpu.memory_space<hbm>>) dst(%arg7 : memref<200x128xf32, #tpu.memory_space<vmem>>)
    %add3A_86 = arith.constant 800 : i32
    %add3A_87 = arith.addi %mul3A_2, %add3A_86 : i32
    %dma_start3A_88 = arith.constant 0 : i32
    %dma_start3A_89 = tpu.memref_slice %arg4[%add3A_87, %dma_start3A_88] : memref<320000x128xf32, #tpu.memory_space<hbm>> -> memref<200x128xf32, #tpu.memory_space<hbm>>
    %dma_start3A_90 = arith.constant 0 : i32
    %dma_start3A_91 = tpu.memref_slice %arg4[%add3A_87, %dma_start3A_90] : memref<320000x128xf32, #tpu.memory_space<hbm>> -> memref<200x128xf32, #tpu.memory_space<hbm>>
    tpu.enqueue_dma source(%arg7 : memref<200x128xf32, #tpu.memory_space<vmem>>) target(%dma_start3A_91 : memref<200x128xf32, #tpu.memory_space<hbm>>) target_semaphore(%arg11 : memref<!tpu.dma_semaphore, #tpu.memory_space<semaphore_mem>>)
    %dma_wait3A_92 = arith.constant 0 : i32
    %dma_wait3A_93 = tpu.memref_slice %arg4[%mul3A_2, %dma_wait3A_92] : memref<320000x128xf32, #tpu.memory_space<hbm>> -> memref<200x128xf32, #tpu.memory_space<hbm>>
    %dma_wait3A_94 = arith.constant 0 : i32
    %dma_wait3A_95 = tpu.memref_slice %arg4[%mul3A_2, %dma_wait3A_94] : memref<320000x128xf32, #tpu.memory_space<hbm>> -> memref<200x128xf32, #tpu.memory_space<hbm>>
    tpu.wait_dma2 semaphore(%arg11 : memref<!tpu.dma_semaphore, #tpu.memory_space<semaphore_mem>>) src(%arg7 : memref<200x128xf32, #tpu.memory_space<vmem>>) dst(%dma_wait3A_95 : memref<200x128xf32, #tpu.memory_space<hbm>>)
    %add3A_96 = arith.constant 1200 : i32
    %add3A_97 = arith.addi %mul3A_2, %add3A_96 : i32
    "tpu.region"() ({
      %run_scoped3A = tpu.sem_alloc : memref<!tpu.dma_semaphore, #tpu.memory_space<semaphore_mem>>
      %dma_start3A_901 = tpu.memref_slice %arg3[%add3A_97] : memref<320000xi32, #tpu.memory_space<hbm>> -> memref<200xi32, #tpu.memory_space<hbm>>
      %dma_start3A_902 = tpu.memref_slice %arg3[%add3A_97] : memref<320000xi32, #tpu.memory_space<hbm>> -> memref<200xi32, #tpu.memory_space<hbm>>
      tpu.enqueue_dma source(%dma_start3A_902 : memref<200xi32, #tpu.memory_space<hbm>>) target(%arg5 : memref<200xi32, #tpu.memory_space<vmem>>) target_semaphore(%run_scoped3A : memref<!tpu.dma_semaphore, #tpu.memory_space<semaphore_mem>>)
      %dma_wait3A_903 = tpu.memref_slice %arg3[%add3A_97] : memref<320000xi32, #tpu.memory_space<hbm>> -> memref<200xi32, #tpu.memory_space<hbm>>
      %dma_wait3A_904 = tpu.memref_slice %arg3[%add3A_97] : memref<320000xi32, #tpu.memory_space<hbm>> -> memref<200xi32, #tpu.memory_space<hbm>>
      tpu.wait_dma2 semaphore(%run_scoped3A : memref<!tpu.dma_semaphore, #tpu.memory_space<semaphore_mem>>) src(%dma_wait3A_904 : memref<200xi32, #tpu.memory_space<hbm>>) dst(%arg5 : memref<200xi32, #tpu.memory_space<vmem>>)
      tpu.yield
    }) : () -> ()
    %dma_start3A_98 = arith.constant 0 : i32
    %dma_start3A_99 = arith.constant 0 : i32
    %dma_start3A_100 = tpu.memref_slice %arg2[%dma_start3A_98, %dma_start3A_99] : memref<10016x128xf32, #tpu.memory_space<hbm>> -> memref<10016x128xf32, #tpu.memory_space<hbm>>
    tpu.enqueue_indirect_dma source(%dma_start3A_100 : memref<10016x128xf32, #tpu.memory_space<hbm>>) target(%arg7 : memref<200x128xf32, #tpu.memory_space<vmem>>) offsets(%arg5 : memref<200xi32, #tpu.memory_space<vmem>>) semaphore(%arg9 : memref<!tpu.dma_semaphore, #tpu.memory_space<semaphore_mem>>)
    %dma_wait3A_101 = arith.constant 0 : i32
    %dma_wait3A_102 = arith.constant 0 : i32
    %dma_wait3A_103 = tpu.memref_slice %arg2[%dma_wait3A_101, %dma_wait3A_102] : memref<10016x128xf32, #tpu.memory_space<hbm>> -> memref<10016x128xf32, #tpu.memory_space<hbm>>
    tpu.wait_indirect_dma semaphore(%arg10 : memref<!tpu.dma_semaphore, #tpu.memory_space<semaphore_mem>>) src(%dma_wait3A_103 : memref<10016x128xf32, #tpu.memory_space<hbm>>) dst(%arg8 : memref<200x128xf32, #tpu.memory_space<vmem>>)
    %add3A_104 = arith.constant 1000 : i32
    %add3A_105 = arith.addi %mul3A_2, %add3A_104 : i32
    %dma_start3A_106 = arith.constant 0 : i32
    %dma_start3A_107 = tpu.memref_slice %arg4[%add3A_105, %dma_start3A_106] : memref<320000x128xf32, #tpu.memory_space<hbm>> -> memref<200x128xf32, #tpu.memory_space<hbm>>
    %dma_start3A_108 = arith.constant 0 : i32
    %dma_start3A_109 = tpu.memref_slice %arg4[%add3A_105, %dma_start3A_108] : memref<320000x128xf32, #tpu.memory_space<hbm>> -> memref<200x128xf32, #tpu.memory_space<hbm>>
    tpu.enqueue_dma source(%arg8 : memref<200x128xf32, #tpu.memory_space<vmem>>) target(%dma_start3A_109 : memref<200x128xf32, #tpu.memory_space<hbm>>) target_semaphore(%arg12 : memref<!tpu.dma_semaphore, #tpu.memory_space<semaphore_mem>>)
    %dma_wait3A_110 = arith.constant 0 : i32
    %dma_wait3A_111 = tpu.memref_slice %arg4[%mul3A_2, %dma_wait3A_110] : memref<320000x128xf32, #tpu.memory_space<hbm>> -> memref<200x128xf32, #tpu.memory_space<hbm>>
    %dma_wait3A_112 = arith.constant 0 : i32
    %dma_wait3A_113 = tpu.memref_slice %arg4[%mul3A_2, %dma_wait3A_112] : memref<320000x128xf32, #tpu.memory_space<hbm>> -> memref<200x128xf32, #tpu.memory_space<hbm>>
    tpu.wait_dma2 semaphore(%arg12 : memref<!tpu.dma_semaphore, #tpu.memory_space<semaphore_mem>>) src(%arg8 : memref<200x128xf32, #tpu.memory_space<vmem>>) dst(%dma_wait3A_113 : memref<200x128xf32, #tpu.memory_space<hbm>>)
    %add3A_114 = arith.constant 1400 : i32
    %add3A_115 = arith.addi %mul3A_2, %add3A_114 : i32
    "tpu.region"() ({
      %run_scoped3A = tpu.sem_alloc : memref<!tpu.dma_semaphore, #tpu.memory_space<semaphore_mem>>
      %dma_start3A_901 = tpu.memref_slice %arg3[%add3A_115] : memref<320000xi32, #tpu.memory_space<hbm>> -> memref<200xi32, #tpu.memory_space<hbm>>
      %dma_start3A_902 = tpu.memref_slice %arg3[%add3A_115] : memref<320000xi32, #tpu.memory_space<hbm>> -> memref<200xi32, #tpu.memory_space<hbm>>
      tpu.enqueue_dma source(%dma_start3A_902 : memref<200xi32, #tpu.memory_space<hbm>>) target(%arg6 : memref<200xi32, #tpu.memory_space<vmem>>) target_semaphore(%run_scoped3A : memref<!tpu.dma_semaphore, #tpu.memory_space<semaphore_mem>>)
      %dma_wait3A_903 = tpu.memref_slice %arg3[%add3A_115] : memref<320000xi32, #tpu.memory_space<hbm>> -> memref<200xi32, #tpu.memory_space<hbm>>
      %dma_wait3A_904 = tpu.memref_slice %arg3[%add3A_115] : memref<320000xi32, #tpu.memory_space<hbm>> -> memref<200xi32, #tpu.memory_space<hbm>>
      tpu.wait_dma2 semaphore(%run_scoped3A : memref<!tpu.dma_semaphore, #tpu.memory_space<semaphore_mem>>) src(%dma_wait3A_904 : memref<200xi32, #tpu.memory_space<hbm>>) dst(%arg6 : memref<200xi32, #tpu.memory_space<vmem>>)
      tpu.yield
    }) : () -> ()
    %dma_start3A_116 = arith.constant 0 : i32
    %dma_start3A_117 = arith.constant 0 : i32
    %dma_start3A_118 = tpu.memref_slice %arg2[%dma_start3A_116, %dma_start3A_117] : memref<10016x128xf32, #tpu.memory_space<hbm>> -> memref<10016x128xf32, #tpu.memory_space<hbm>>
    tpu.enqueue_indirect_dma source(%dma_start3A_118 : memref<10016x128xf32, #tpu.memory_space<hbm>>) target(%arg8 : memref<200x128xf32, #tpu.memory_space<vmem>>) offsets(%arg6 : memref<200xi32, #tpu.memory_space<vmem>>) semaphore(%arg10 : memref<!tpu.dma_semaphore, #tpu.memory_space<semaphore_mem>>)
    %dma_wait3A_119 = arith.constant 0 : i32
    %dma_wait3A_120 = arith.constant 0 : i32
    %dma_wait3A_121 = tpu.memref_slice %arg2[%dma_wait3A_119, %dma_wait3A_120] : memref<10016x128xf32, #tpu.memory_space<hbm>> -> memref<10016x128xf32, #tpu.memory_space<hbm>>
    tpu.wait_indirect_dma semaphore(%arg9 : memref<!tpu.dma_semaphore, #tpu.memory_space<semaphore_mem>>) src(%dma_wait3A_121 : memref<10016x128xf32, #tpu.memory_space<hbm>>) dst(%arg7 : memref<200x128xf32, #tpu.memory_space<vmem>>)
    %add3A_122 = arith.constant 1200 : i32
    %add3A_123 = arith.addi %mul3A_2, %add3A_122 : i32
    %dma_start3A_124 = arith.constant 0 : i32
    %dma_start3A_125 = tpu.memref_slice %arg4[%add3A_123, %dma_start3A_124] : memref<320000x128xf32, #tpu.memory_space<hbm>> -> memref<200x128xf32, #tpu.memory_space<hbm>>
    %dma_start3A_126 = arith.constant 0 : i32
    %dma_start3A_127 = tpu.memref_slice %arg4[%add3A_123, %dma_start3A_126] : memref<320000x128xf32, #tpu.memory_space<hbm>> -> memref<200x128xf32, #tpu.memory_space<hbm>>
    tpu.enqueue_dma source(%arg7 : memref<200x128xf32, #tpu.memory_space<vmem>>) target(%dma_start3A_127 : memref<200x128xf32, #tpu.memory_space<hbm>>) target_semaphore(%arg11 : memref<!tpu.dma_semaphore, #tpu.memory_space<semaphore_mem>>)
    %dma_wait3A_128 = arith.constant 0 : i32
    %dma_wait3A_129 = tpu.memref_slice %arg4[%mul3A_2, %dma_wait3A_128] : memref<320000x128xf32, #tpu.memory_space<hbm>> -> memref<200x128xf32, #tpu.memory_space<hbm>>
    %dma_wait3A_130 = arith.constant 0 : i32
    %dma_wait3A_131 = tpu.memref_slice %arg4[%mul3A_2, %dma_wait3A_130] : memref<320000x128xf32, #tpu.memory_space<hbm>> -> memref<200x128xf32, #tpu.memory_space<hbm>>
    tpu.wait_dma2 semaphore(%arg11 : memref<!tpu.dma_semaphore, #tpu.memory_space<semaphore_mem>>) src(%arg7 : memref<200x128xf32, #tpu.memory_space<vmem>>) dst(%dma_wait3A_131 : memref<200x128xf32, #tpu.memory_space<hbm>>)
    %add3A_132 = arith.constant 1600 : i32
    %add3A_133 = arith.addi %mul3A_2, %add3A_132 : i32
    "tpu.region"() ({
      %run_scoped3A = tpu.sem_alloc : memref<!tpu.dma_semaphore, #tpu.memory_space<semaphore_mem>>
      %dma_start3A_901 = tpu.memref_slice %arg3[%add3A_133] : memref<320000xi32, #tpu.memory_space<hbm>> -> memref<200xi32, #tpu.memory_space<hbm>>
      %dma_start3A_902 = tpu.memref_slice %arg3[%add3A_133] : memref<320000xi32, #tpu.memory_space<hbm>> -> memref<200xi32, #tpu.memory_space<hbm>>
      tpu.enqueue_dma source(%dma_start3A_902 : memref<200xi32, #tpu.memory_space<hbm>>) target(%arg5 : memref<200xi32, #tpu.memory_space<vmem>>) target_semaphore(%run_scoped3A : memref<!tpu.dma_semaphore, #tpu.memory_space<semaphore_mem>>)
      %dma_wait3A_903 = tpu.memref_slice %arg3[%add3A_133] : memref<320000xi32, #tpu.memory_space<hbm>> -> memref<200xi32, #tpu.memory_space<hbm>>
      %dma_wait3A_904 = tpu.memref_slice %arg3[%add3A_133] : memref<320000xi32, #tpu.memory_space<hbm>> -> memref<200xi32, #tpu.memory_space<hbm>>
      tpu.wait_dma2 semaphore(%run_scoped3A : memref<!tpu.dma_semaphore, #tpu.memory_space<semaphore_mem>>) src(%dma_wait3A_904 : memref<200xi32, #tpu.memory_space<hbm>>) dst(%arg5 : memref<200xi32, #tpu.memory_space<vmem>>)
      tpu.yield
    }) : () -> ()
    %dma_start3A_134 = arith.constant 0 : i32
    %dma_start3A_135 = arith.constant 0 : i32
    %dma_start3A_136 = tpu.memref_slice %arg2[%dma_start3A_134, %dma_start3A_135] : memref<10016x128xf32, #tpu.memory_space<hbm>> -> memref<10016x128xf32, #tpu.memory_space<hbm>>
    tpu.enqueue_indirect_dma source(%dma_start3A_136 : memref<10016x128xf32, #tpu.memory_space<hbm>>) target(%arg7 : memref<200x128xf32, #tpu.memory_space<vmem>>) offsets(%arg5 : memref<200xi32, #tpu.memory_space<vmem>>) semaphore(%arg9 : memref<!tpu.dma_semaphore, #tpu.memory_space<semaphore_mem>>)
    %dma_wait3A_137 = arith.constant 0 : i32
    %dma_wait3A_138 = arith.constant 0 : i32
    %dma_wait3A_139 = tpu.memref_slice %arg2[%dma_wait3A_137, %dma_wait3A_138] : memref<10016x128xf32, #tpu.memory_space<hbm>> -> memref<10016x128xf32, #tpu.memory_space<hbm>>
    tpu.wait_indirect_dma semaphore(%arg10 : memref<!tpu.dma_semaphore, #tpu.memory_space<semaphore_mem>>) src(%dma_wait3A_139 : memref<10016x128xf32, #tpu.memory_space<hbm>>) dst(%arg8 : memref<200x128xf32, #tpu.memory_space<vmem>>)
    %add3A_140 = arith.constant 1400 : i32
    %add3A_141 = arith.addi %mul3A_2, %add3A_140 : i32
    %dma_start3A_142 = arith.constant 0 : i32
    %dma_start3A_143 = tpu.memref_slice %arg4[%add3A_141, %dma_start3A_142] : memref<320000x128xf32, #tpu.memory_space<hbm>> -> memref<200x128xf32, #tpu.memory_space<hbm>>
    %dma_start3A_144 = arith.constant 0 : i32
    %dma_start3A_145 = tpu.memref_slice %arg4[%add3A_141, %dma_start3A_144] : memref<320000x128xf32, #tpu.memory_space<hbm>> -> memref<200x128xf32, #tpu.memory_space<hbm>>
    tpu.enqueue_dma source(%arg8 : memref<200x128xf32, #tpu.memory_space<vmem>>) target(%dma_start3A_145 : memref<200x128xf32, #tpu.memory_space<hbm>>) target_semaphore(%arg12 : memref<!tpu.dma_semaphore, #tpu.memory_space<semaphore_mem>>)
    %dma_wait3A_146 = arith.constant 0 : i32
    %dma_wait3A_147 = tpu.memref_slice %arg4[%mul3A_2, %dma_wait3A_146] : memref<320000x128xf32, #tpu.memory_space<hbm>> -> memref<200x128xf32, #tpu.memory_space<hbm>>
    %dma_wait3A_148 = arith.constant 0 : i32
    %dma_wait3A_149 = tpu.memref_slice %arg4[%mul3A_2, %dma_wait3A_148] : memref<320000x128xf32, #tpu.memory_space<hbm>> -> memref<200x128xf32, #tpu.memory_space<hbm>>
    tpu.wait_dma2 semaphore(%arg12 : memref<!tpu.dma_semaphore, #tpu.memory_space<semaphore_mem>>) src(%arg8 : memref<200x128xf32, #tpu.memory_space<vmem>>) dst(%dma_wait3A_149 : memref<200x128xf32, #tpu.memory_space<hbm>>)
    %add3A_150 = arith.constant 1800 : i32
    %add3A_151 = arith.addi %mul3A_2, %add3A_150 : i32
    "tpu.region"() ({
      %run_scoped3A = tpu.sem_alloc : memref<!tpu.dma_semaphore, #tpu.memory_space<semaphore_mem>>
      %dma_start3A_901 = tpu.memref_slice %arg3[%add3A_151] : memref<320000xi32, #tpu.memory_space<hbm>> -> memref<200xi32, #tpu.memory_space<hbm>>
      %dma_start3A_902 = tpu.memref_slice %arg3[%add3A_151] : memref<320000xi32, #tpu.memory_space<hbm>> -> memref<200xi32, #tpu.memory_space<hbm>>
      tpu.enqueue_dma source(%dma_start3A_902 : memref<200xi32, #tpu.memory_space<hbm>>) target(%arg6 : memref<200xi32, #tpu.memory_space<vmem>>) target_semaphore(%run_scoped3A : memref<!tpu.dma_semaphore, #tpu.memory_space<semaphore_mem>>)
      %dma_wait3A_903 = tpu.memref_slice %arg3[%add3A_151] : memref<320000xi32, #tpu.memory_space<hbm>> -> memref<200xi32, #tpu.memory_space<hbm>>
      %dma_wait3A_904 = tpu.memref_slice %arg3[%add3A_151] : memref<320000xi32, #tpu.memory_space<hbm>> -> memref<200xi32, #tpu.memory_space<hbm>>
      tpu.wait_dma2 semaphore(%run_scoped3A : memref<!tpu.dma_semaphore, #tpu.memory_space<semaphore_mem>>) src(%dma_wait3A_904 : memref<200xi32, #tpu.memory_space<hbm>>) dst(%arg6 : memref<200xi32, #tpu.memory_space<vmem>>)
      tpu.yield
    }) : () -> ()
    %dma_start3A_152 = arith.constant 0 : i32
    %dma_start3A_153 = arith.constant 0 : i32
    %dma_start3A_154 = tpu.memref_slice %arg2[%dma_start3A_152, %dma_start3A_153] : memref<10016x128xf32, #tpu.memory_space<hbm>> -> memref<10016x128xf32, #tpu.memory_space<hbm>>
    tpu.enqueue_indirect_dma source(%dma_start3A_154 : memref<10016x128xf32, #tpu.memory_space<hbm>>) target(%arg8 : memref<200x128xf32, #tpu.memory_space<vmem>>) offsets(%arg6 : memref<200xi32, #tpu.memory_space<vmem>>) semaphore(%arg10 : memref<!tpu.dma_semaphore, #tpu.memory_space<semaphore_mem>>)
    %dma_wait3A_155 = arith.constant 0 : i32
    %dma_wait3A_156 = arith.constant 0 : i32
    %dma_wait3A_157 = tpu.memref_slice %arg2[%dma_wait3A_155, %dma_wait3A_156] : memref<10016x128xf32, #tpu.memory_space<hbm>> -> memref<10016x128xf32, #tpu.memory_space<hbm>>
    tpu.wait_indirect_dma semaphore(%arg9 : memref<!tpu.dma_semaphore, #tpu.memory_space<semaphore_mem>>) src(%dma_wait3A_157 : memref<10016x128xf32, #tpu.memory_space<hbm>>) dst(%arg7 : memref<200x128xf32, #tpu.memory_space<vmem>>)
    %add3A_158 = arith.constant 1600 : i32
    %add3A_159 = arith.addi %mul3A_2, %add3A_158 : i32
    %dma_start3A_160 = arith.constant 0 : i32
    %dma_start3A_161 = tpu.memref_slice %arg4[%add3A_159, %dma_start3A_160] : memref<320000x128xf32, #tpu.memory_space<hbm>> -> memref<200x128xf32, #tpu.memory_space<hbm>>
    %dma_start3A_162 = arith.constant 0 : i32
    %dma_start3A_163 = tpu.memref_slice %arg4[%add3A_159, %dma_start3A_162] : memref<320000x128xf32, #tpu.memory_space<hbm>> -> memref<200x128xf32, #tpu.memory_space<hbm>>
    tpu.enqueue_dma source(%arg7 : memref<200x128xf32, #tpu.memory_space<vmem>>) target(%dma_start3A_163 : memref<200x128xf32, #tpu.memory_space<hbm>>) target_semaphore(%arg11 : memref<!tpu.dma_semaphore, #tpu.memory_space<semaphore_mem>>)
    %dma_wait3A_164 = arith.constant 0 : i32
    %dma_wait3A_165 = tpu.memref_slice %arg4[%mul3A_2, %dma_wait3A_164] : memref<320000x128xf32, #tpu.memory_space<hbm>> -> memref<200x128xf32, #tpu.memory_space<hbm>>
    %dma_wait3A_166 = arith.constant 0 : i32
    %dma_wait3A_167 = tpu.memref_slice %arg4[%mul3A_2, %dma_wait3A_166] : memref<320000x128xf32, #tpu.memory_space<hbm>> -> memref<200x128xf32, #tpu.memory_space<hbm>>
    tpu.wait_dma2 semaphore(%arg11 : memref<!tpu.dma_semaphore, #tpu.memory_space<semaphore_mem>>) src(%arg7 : memref<200x128xf32, #tpu.memory_space<vmem>>) dst(%dma_wait3A_167 : memref<200x128xf32, #tpu.memory_space<hbm>>)
    %add3A_168 = arith.constant 2000 : i32
    %add3A_169 = arith.addi %mul3A_2, %add3A_168 : i32
    "tpu.region"() ({
      %run_scoped3A = tpu.sem_alloc : memref<!tpu.dma_semaphore, #tpu.memory_space<semaphore_mem>>
      %dma_start3A_901 = tpu.memref_slice %arg3[%add3A_169] : memref<320000xi32, #tpu.memory_space<hbm>> -> memref<200xi32, #tpu.memory_space<hbm>>
      %dma_start3A_902 = tpu.memref_slice %arg3[%add3A_169] : memref<320000xi32, #tpu.memory_space<hbm>> -> memref<200xi32, #tpu.memory_space<hbm>>
      tpu.enqueue_dma source(%dma_start3A_902 : memref<200xi32, #tpu.memory_space<hbm>>) target(%arg5 : memref<200xi32, #tpu.memory_space<vmem>>) target_semaphore(%run_scoped3A : memref<!tpu.dma_semaphore, #tpu.memory_space<semaphore_mem>>)
      %dma_wait3A_903 = tpu.memref_slice %arg3[%add3A_169] : memref<320000xi32, #tpu.memory_space<hbm>> -> memref<200xi32, #tpu.memory_space<hbm>>
      %dma_wait3A_904 = tpu.memref_slice %arg3[%add3A_169] : memref<320000xi32, #tpu.memory_space<hbm>> -> memref<200xi32, #tpu.memory_space<hbm>>
      tpu.wait_dma2 semaphore(%run_scoped3A : memref<!tpu.dma_semaphore, #tpu.memory_space<semaphore_mem>>) src(%dma_wait3A_904 : memref<200xi32, #tpu.memory_space<hbm>>) dst(%arg5 : memref<200xi32, #tpu.memory_space<vmem>>)
      tpu.yield
    }) : () -> ()
    %dma_start3A_170 = arith.constant 0 : i32
    %dma_start3A_171 = arith.constant 0 : i32
    %dma_start3A_172 = tpu.memref_slice %arg2[%dma_start3A_170, %dma_start3A_171] : memref<10016x128xf32, #tpu.memory_space<hbm>> -> memref<10016x128xf32, #tpu.memory_space<hbm>>
    tpu.enqueue_indirect_dma source(%dma_start3A_172 : memref<10016x128xf32, #tpu.memory_space<hbm>>) target(%arg7 : memref<200x128xf32, #tpu.memory_space<vmem>>) offsets(%arg5 : memref<200xi32, #tpu.memory_space<vmem>>) semaphore(%arg9 : memref<!tpu.dma_semaphore, #tpu.memory_space<semaphore_mem>>)
    %dma_wait3A_173 = arith.constant 0 : i32
    %dma_wait3A_174 = arith.constant 0 : i32
    %dma_wait3A_175 = tpu.memref_slice %arg2[%dma_wait3A_173, %dma_wait3A_174] : memref<10016x128xf32, #tpu.memory_space<hbm>> -> memref<10016x128xf32, #tpu.memory_space<hbm>>
    tpu.wait_indirect_dma semaphore(%arg10 : memref<!tpu.dma_semaphore, #tpu.memory_space<semaphore_mem>>) src(%dma_wait3A_175 : memref<10016x128xf32, #tpu.memory_space<hbm>>) dst(%arg8 : memref<200x128xf32, #tpu.memory_space<vmem>>)
    %add3A_176 = arith.constant 1800 : i32
    %add3A_177 = arith.addi %mul3A_2, %add3A_176 : i32
    %dma_start3A_178 = arith.constant 0 : i32
    %dma_start3A_179 = tpu.memref_slice %arg4[%add3A_177, %dma_start3A_178] : memref<320000x128xf32, #tpu.memory_space<hbm>> -> memref<200x128xf32, #tpu.memory_space<hbm>>
    %dma_start3A_180 = arith.constant 0 : i32
    %dma_start3A_181 = tpu.memref_slice %arg4[%add3A_177, %dma_start3A_180] : memref<320000x128xf32, #tpu.memory_space<hbm>> -> memref<200x128xf32, #tpu.memory_space<hbm>>
    tpu.enqueue_dma source(%arg8 : memref<200x128xf32, #tpu.memory_space<vmem>>) target(%dma_start3A_181 : memref<200x128xf32, #tpu.memory_space<hbm>>) target_semaphore(%arg12 : memref<!tpu.dma_semaphore, #tpu.memory_space<semaphore_mem>>)
    %dma_wait3A_182 = arith.constant 0 : i32
    %dma_wait3A_183 = tpu.memref_slice %arg4[%mul3A_2, %dma_wait3A_182] : memref<320000x128xf32, #tpu.memory_space<hbm>> -> memref<200x128xf32, #tpu.memory_space<hbm>>
    %dma_wait3A_184 = arith.constant 0 : i32
    %dma_wait3A_185 = tpu.memref_slice %arg4[%mul3A_2, %dma_wait3A_184] : memref<320000x128xf32, #tpu.memory_space<hbm>> -> memref<200x128xf32, #tpu.memory_space<hbm>>
    tpu.wait_dma2 semaphore(%arg12 : memref<!tpu.dma_semaphore, #tpu.memory_space<semaphore_mem>>) src(%arg8 : memref<200x128xf32, #tpu.memory_space<vmem>>) dst(%dma_wait3A_185 : memref<200x128xf32, #tpu.memory_space<hbm>>)
    %add3A_186 = arith.constant 2200 : i32
    %add3A_187 = arith.addi %mul3A_2, %add3A_186 : i32
    "tpu.region"() ({
      %run_scoped3A = tpu.sem_alloc : memref<!tpu.dma_semaphore, #tpu.memory_space<semaphore_mem>>
      %dma_start3A_901 = tpu.memref_slice %arg3[%add3A_187] : memref<320000xi32, #tpu.memory_space<hbm>> -> memref<200xi32, #tpu.memory_space<hbm>>
      %dma_start3A_902 = tpu.memref_slice %arg3[%add3A_187] : memref<320000xi32, #tpu.memory_space<hbm>> -> memref<200xi32, #tpu.memory_space<hbm>>
      tpu.enqueue_dma source(%dma_start3A_902 : memref<200xi32, #tpu.memory_space<hbm>>) target(%arg6 : memref<200xi32, #tpu.memory_space<vmem>>) target_semaphore(%run_scoped3A : memref<!tpu.dma_semaphore, #tpu.memory_space<semaphore_mem>>)
      %dma_wait3A_903 = tpu.memref_slice %arg3[%add3A_187] : memref<320000xi32, #tpu.memory_space<hbm>> -> memref<200xi32, #tpu.memory_space<hbm>>
      %dma_wait3A_904 = tpu.memref_slice %arg3[%add3A_187] : memref<320000xi32, #tpu.memory_space<hbm>> -> memref<200xi32, #tpu.memory_space<hbm>>
      tpu.wait_dma2 semaphore(%run_scoped3A : memref<!tpu.dma_semaphore, #tpu.memory_space<semaphore_mem>>) src(%dma_wait3A_904 : memref<200xi32, #tpu.memory_space<hbm>>) dst(%arg6 : memref<200xi32, #tpu.memory_space<vmem>>)
      tpu.yield
    }) : () -> ()
    %dma_start3A_188 = arith.constant 0 : i32
    %dma_start3A_189 = arith.constant 0 : i32
    %dma_start3A_190 = tpu.memref_slice %arg2[%dma_start3A_188, %dma_start3A_189] : memref<10016x128xf32, #tpu.memory_space<hbm>> -> memref<10016x128xf32, #tpu.memory_space<hbm>>
    tpu.enqueue_indirect_dma source(%dma_start3A_190 : memref<10016x128xf32, #tpu.memory_space<hbm>>) target(%arg8 : memref<200x128xf32, #tpu.memory_space<vmem>>) offsets(%arg6 : memref<200xi32, #tpu.memory_space<vmem>>) semaphore(%arg10 : memref<!tpu.dma_semaphore, #tpu.memory_space<semaphore_mem>>)
    %dma_wait3A_191 = arith.constant 0 : i32
    %dma_wait3A_192 = arith.constant 0 : i32
    %dma_wait3A_193 = tpu.memref_slice %arg2[%dma_wait3A_191, %dma_wait3A_192] : memref<10016x128xf32, #tpu.memory_space<hbm>> -> memref<10016x128xf32, #tpu.memory_space<hbm>>
    tpu.wait_indirect_dma semaphore(%arg9 : memref<!tpu.dma_semaphore, #tpu.memory_space<semaphore_mem>>) src(%dma_wait3A_193 : memref<10016x128xf32, #tpu.memory_space<hbm>>) dst(%arg7 : memref<200x128xf32, #tpu.memory_space<vmem>>)
    %add3A_194 = arith.constant 2000 : i32
    %add3A_195 = arith.addi %mul3A_2, %add3A_194 : i32
    %dma_start3A_196 = arith.constant 0 : i32
    %dma_start3A_197 = tpu.memref_slice %arg4[%add3A_195, %dma_start3A_196] : memref<320000x128xf32, #tpu.memory_space<hbm>> -> memref<200x128xf32, #tpu.memory_space<hbm>>
    %dma_start3A_198 = arith.constant 0 : i32
    %dma_start3A_199 = tpu.memref_slice %arg4[%add3A_195, %dma_start3A_198] : memref<320000x128xf32, #tpu.memory_space<hbm>> -> memref<200x128xf32, #tpu.memory_space<hbm>>
    tpu.enqueue_dma source(%arg7 : memref<200x128xf32, #tpu.memory_space<vmem>>) target(%dma_start3A_199 : memref<200x128xf32, #tpu.memory_space<hbm>>) target_semaphore(%arg11 : memref<!tpu.dma_semaphore, #tpu.memory_space<semaphore_mem>>)
    %dma_wait3A_200 = arith.constant 0 : i32
    %dma_wait3A_201 = tpu.memref_slice %arg4[%mul3A_2, %dma_wait3A_200] : memref<320000x128xf32, #tpu.memory_space<hbm>> -> memref<200x128xf32, #tpu.memory_space<hbm>>
    %dma_wait3A_202 = arith.constant 0 : i32
    %dma_wait3A_203 = tpu.memref_slice %arg4[%mul3A_2, %dma_wait3A_202] : memref<320000x128xf32, #tpu.memory_space<hbm>> -> memref<200x128xf32, #tpu.memory_space<hbm>>
    tpu.wait_dma2 semaphore(%arg11 : memref<!tpu.dma_semaphore, #tpu.memory_space<semaphore_mem>>) src(%arg7 : memref<200x128xf32, #tpu.memory_space<vmem>>) dst(%dma_wait3A_203 : memref<200x128xf32, #tpu.memory_space<hbm>>)
    %add3A_204 = arith.constant 2400 : i32
    %add3A_205 = arith.addi %mul3A_2, %add3A_204 : i32
    "tpu.region"() ({
      %run_scoped3A = tpu.sem_alloc : memref<!tpu.dma_semaphore, #tpu.memory_space<semaphore_mem>>
      %dma_start3A_901 = tpu.memref_slice %arg3[%add3A_205] : memref<320000xi32, #tpu.memory_space<hbm>> -> memref<200xi32, #tpu.memory_space<hbm>>
      %dma_start3A_902 = tpu.memref_slice %arg3[%add3A_205] : memref<320000xi32, #tpu.memory_space<hbm>> -> memref<200xi32, #tpu.memory_space<hbm>>
      tpu.enqueue_dma source(%dma_start3A_902 : memref<200xi32, #tpu.memory_space<hbm>>) target(%arg5 : memref<200xi32, #tpu.memory_space<vmem>>) target_semaphore(%run_scoped3A : memref<!tpu.dma_semaphore, #tpu.memory_space<semaphore_mem>>)
      %dma_wait3A_903 = tpu.memref_slice %arg3[%add3A_205] : memref<320000xi32, #tpu.memory_space<hbm>> -> memref<200xi32, #tpu.memory_space<hbm>>
      %dma_wait3A_904 = tpu.memref_slice %arg3[%add3A_205] : memref<320000xi32, #tpu.memory_space<hbm>> -> memref<200xi32, #tpu.memory_space<hbm>>
      tpu.wait_dma2 semaphore(%run_scoped3A : memref<!tpu.dma_semaphore, #tpu.memory_space<semaphore_mem>>) src(%dma_wait3A_904 : memref<200xi32, #tpu.memory_space<hbm>>) dst(%arg5 : memref<200xi32, #tpu.memory_space<vmem>>)
      tpu.yield
    }) : () -> ()
    %dma_start3A_206 = arith.constant 0 : i32
    %dma_start3A_207 = arith.constant 0 : i32
    %dma_start3A_208 = tpu.memref_slice %arg2[%dma_start3A_206, %dma_start3A_207] : memref<10016x128xf32, #tpu.memory_space<hbm>> -> memref<10016x128xf32, #tpu.memory_space<hbm>>
    tpu.enqueue_indirect_dma source(%dma_start3A_208 : memref<10016x128xf32, #tpu.memory_space<hbm>>) target(%arg7 : memref<200x128xf32, #tpu.memory_space<vmem>>) offsets(%arg5 : memref<200xi32, #tpu.memory_space<vmem>>) semaphore(%arg9 : memref<!tpu.dma_semaphore, #tpu.memory_space<semaphore_mem>>)
    %dma_wait3A_209 = arith.constant 0 : i32
    %dma_wait3A_210 = arith.constant 0 : i32
    %dma_wait3A_211 = tpu.memref_slice %arg2[%dma_wait3A_209, %dma_wait3A_210] : memref<10016x128xf32, #tpu.memory_space<hbm>> -> memref<10016x128xf32, #tpu.memory_space<hbm>>
    tpu.wait_indirect_dma semaphore(%arg10 : memref<!tpu.dma_semaphore, #tpu.memory_space<semaphore_mem>>) src(%dma_wait3A_211 : memref<10016x128xf32, #tpu.memory_space<hbm>>) dst(%arg8 : memref<200x128xf32, #tpu.memory_space<vmem>>)
    %add3A_212 = arith.constant 2200 : i32
    %add3A_213 = arith.addi %mul3A_2, %add3A_212 : i32
    %dma_start3A_214 = arith.constant 0 : i32
    %dma_start3A_215 = tpu.memref_slice %arg4[%add3A_213, %dma_start3A_214] : memref<320000x128xf32, #tpu.memory_space<hbm>> -> memref<200x128xf32, #tpu.memory_space<hbm>>
    %dma_start3A_216 = arith.constant 0 : i32
    %dma_start3A_217 = tpu.memref_slice %arg4[%add3A_213, %dma_start3A_216] : memref<320000x128xf32, #tpu.memory_space<hbm>> -> memref<200x128xf32, #tpu.memory_space<hbm>>
    tpu.enqueue_dma source(%arg8 : memref<200x128xf32, #tpu.memory_space<vmem>>) target(%dma_start3A_217 : memref<200x128xf32, #tpu.memory_space<hbm>>) target_semaphore(%arg12 : memref<!tpu.dma_semaphore, #tpu.memory_space<semaphore_mem>>)
    %dma_wait3A_218 = arith.constant 0 : i32
    %dma_wait3A_219 = tpu.memref_slice %arg4[%mul3A_2, %dma_wait3A_218] : memref<320000x128xf32, #tpu.memory_space<hbm>> -> memref<200x128xf32, #tpu.memory_space<hbm>>
    %dma_wait3A_220 = arith.constant 0 : i32
    %dma_wait3A_221 = tpu.memref_slice %arg4[%mul3A_2, %dma_wait3A_220] : memref<320000x128xf32, #tpu.memory_space<hbm>> -> memref<200x128xf32, #tpu.memory_space<hbm>>
    tpu.wait_dma2 semaphore(%arg12 : memref<!tpu.dma_semaphore, #tpu.memory_space<semaphore_mem>>) src(%arg8 : memref<200x128xf32, #tpu.memory_space<vmem>>) dst(%dma_wait3A_221 : memref<200x128xf32, #tpu.memory_space<hbm>>)
    %add3A_222 = arith.constant 2600 : i32
    %add3A_223 = arith.addi %mul3A_2, %add3A_222 : i32
    "tpu.region"() ({
      %run_scoped3A = tpu.sem_alloc : memref<!tpu.dma_semaphore, #tpu.memory_space<semaphore_mem>>
      %dma_start3A_901 = tpu.memref_slice %arg3[%add3A_223] : memref<320000xi32, #tpu.memory_space<hbm>> -> memref<200xi32, #tpu.memory_space<hbm>>
      %dma_start3A_902 = tpu.memref_slice %arg3[%add3A_223] : memref<320000xi32, #tpu.memory_space<hbm>> -> memref<200xi32, #tpu.memory_space<hbm>>
      tpu.enqueue_dma source(%dma_start3A_902 : memref<200xi32, #tpu.memory_space<hbm>>) target(%arg6 : memref<200xi32, #tpu.memory_space<vmem>>) target_semaphore(%run_scoped3A : memref<!tpu.dma_semaphore, #tpu.memory_space<semaphore_mem>>)
      %dma_wait3A_903 = tpu.memref_slice %arg3[%add3A_223] : memref<320000xi32, #tpu.memory_space<hbm>> -> memref<200xi32, #tpu.memory_space<hbm>>
      %dma_wait3A_904 = tpu.memref_slice %arg3[%add3A_223] : memref<320000xi32, #tpu.memory_space<hbm>> -> memref<200xi32, #tpu.memory_space<hbm>>
      tpu.wait_dma2 semaphore(%run_scoped3A : memref<!tpu.dma_semaphore, #tpu.memory_space<semaphore_mem>>) src(%dma_wait3A_904 : memref<200xi32, #tpu.memory_space<hbm>>) dst(%arg6 : memref<200xi32, #tpu.memory_space<vmem>>)
      tpu.yield
    }) : () -> ()
    %dma_start3A_224 = arith.constant 0 : i32
    %dma_start3A_225 = arith.constant 0 : i32
    %dma_start3A_226 = tpu.memref_slice %arg2[%dma_start3A_224, %dma_start3A_225] : memref<10016x128xf32, #tpu.memory_space<hbm>> -> memref<10016x128xf32, #tpu.memory_space<hbm>>
    tpu.enqueue_indirect_dma source(%dma_start3A_226 : memref<10016x128xf32, #tpu.memory_space<hbm>>) target(%arg8 : memref<200x128xf32, #tpu.memory_space<vmem>>) offsets(%arg6 : memref<200xi32, #tpu.memory_space<vmem>>) semaphore(%arg10 : memref<!tpu.dma_semaphore, #tpu.memory_space<semaphore_mem>>)
    %dma_wait3A_227 = arith.constant 0 : i32
    %dma_wait3A_228 = arith.constant 0 : i32
    %dma_wait3A_229 = tpu.memref_slice %arg2[%dma_wait3A_227, %dma_wait3A_228] : memref<10016x128xf32, #tpu.memory_space<hbm>> -> memref<10016x128xf32, #tpu.memory_space<hbm>>
    tpu.wait_indirect_dma semaphore(%arg9 : memref<!tpu.dma_semaphore, #tpu.memory_space<semaphore_mem>>) src(%dma_wait3A_229 : memref<10016x128xf32, #tpu.memory_space<hbm>>) dst(%arg7 : memref<200x128xf32, #tpu.memory_space<vmem>>)
    %add3A_230 = arith.constant 2400 : i32
    %add3A_231 = arith.addi %mul3A_2, %add3A_230 : i32
    %dma_start3A_232 = arith.constant 0 : i32
    %dma_start3A_233 = tpu.memref_slice %arg4[%add3A_231, %dma_start3A_232] : memref<320000x128xf32, #tpu.memory_space<hbm>> -> memref<200x128xf32, #tpu.memory_space<hbm>>
    %dma_start3A_234 = arith.constant 0 : i32
    %dma_start3A_235 = tpu.memref_slice %arg4[%add3A_231, %dma_start3A_234] : memref<320000x128xf32, #tpu.memory_space<hbm>> -> memref<200x128xf32, #tpu.memory_space<hbm>>
    tpu.enqueue_dma source(%arg7 : memref<200x128xf32, #tpu.memory_space<vmem>>) target(%dma_start3A_235 : memref<200x128xf32, #tpu.memory_space<hbm>>) target_semaphore(%arg11 : memref<!tpu.dma_semaphore, #tpu.memory_space<semaphore_mem>>)
    %dma_wait3A_236 = arith.constant 0 : i32
    %dma_wait3A_237 = tpu.memref_slice %arg4[%mul3A_2, %dma_wait3A_236] : memref<320000x128xf32, #tpu.memory_space<hbm>> -> memref<200x128xf32, #tpu.memory_space<hbm>>
    %dma_wait3A_238 = arith.constant 0 : i32
    %dma_wait3A_239 = tpu.memref_slice %arg4[%mul3A_2, %dma_wait3A_238] : memref<320000x128xf32, #tpu.memory_space<hbm>> -> memref<200x128xf32, #tpu.memory_space<hbm>>
    tpu.wait_dma2 semaphore(%arg11 : memref<!tpu.dma_semaphore, #tpu.memory_space<semaphore_mem>>) src(%arg7 : memref<200x128xf32, #tpu.memory_space<vmem>>) dst(%dma_wait3A_239 : memref<200x128xf32, #tpu.memory_space<hbm>>)
    %add3A_240 = arith.constant 2800 : i32
    %add3A_241 = arith.addi %mul3A_2, %add3A_240 : i32
    "tpu.region"() ({
      %run_scoped3A = tpu.sem_alloc : memref<!tpu.dma_semaphore, #tpu.memory_space<semaphore_mem>>
      %dma_start3A_901 = tpu.memref_slice %arg3[%add3A_241] : memref<320000xi32, #tpu.memory_space<hbm>> -> memref<200xi32, #tpu.memory_space<hbm>>
      %dma_start3A_902 = tpu.memref_slice %arg3[%add3A_241] : memref<320000xi32, #tpu.memory_space<hbm>> -> memref<200xi32, #tpu.memory_space<hbm>>
      tpu.enqueue_dma source(%dma_start3A_902 : memref<200xi32, #tpu.memory_space<hbm>>) target(%arg5 : memref<200xi32, #tpu.memory_space<vmem>>) target_semaphore(%run_scoped3A : memref<!tpu.dma_semaphore, #tpu.memory_space<semaphore_mem>>)
      %dma_wait3A_903 = tpu.memref_slice %arg3[%add3A_241] : memref<320000xi32, #tpu.memory_space<hbm>> -> memref<200xi32, #tpu.memory_space<hbm>>
      %dma_wait3A_904 = tpu.memref_slice %arg3[%add3A_241] : memref<320000xi32, #tpu.memory_space<hbm>> -> memref<200xi32, #tpu.memory_space<hbm>>
      tpu.wait_dma2 semaphore(%run_scoped3A : memref<!tpu.dma_semaphore, #tpu.memory_space<semaphore_mem>>) src(%dma_wait3A_904 : memref<200xi32, #tpu.memory_space<hbm>>) dst(%arg5 : memref<200xi32, #tpu.memory_space<vmem>>)
      tpu.yield
    }) : () -> ()
    %dma_start3A_242 = arith.constant 0 : i32
    %dma_start3A_243 = arith.constant 0 : i32
    %dma_start3A_244 = tpu.memref_slice %arg2[%dma_start3A_242, %dma_start3A_243] : memref<10016x128xf32, #tpu.memory_space<hbm>> -> memref<10016x128xf32, #tpu.memory_space<hbm>>
    tpu.enqueue_indirect_dma source(%dma_start3A_244 : memref<10016x128xf32, #tpu.memory_space<hbm>>) target(%arg7 : memref<200x128xf32, #tpu.memory_space<vmem>>) offsets(%arg5 : memref<200xi32, #tpu.memory_space<vmem>>) semaphore(%arg9 : memref<!tpu.dma_semaphore, #tpu.memory_space<semaphore_mem>>)
    %dma_wait3A_245 = arith.constant 0 : i32
    %dma_wait3A_246 = arith.constant 0 : i32
    %dma_wait3A_247 = tpu.memref_slice %arg2[%dma_wait3A_245, %dma_wait3A_246] : memref<10016x128xf32, #tpu.memory_space<hbm>> -> memref<10016x128xf32, #tpu.memory_space<hbm>>
    tpu.wait_indirect_dma semaphore(%arg10 : memref<!tpu.dma_semaphore, #tpu.memory_space<semaphore_mem>>) src(%dma_wait3A_247 : memref<10016x128xf32, #tpu.memory_space<hbm>>) dst(%arg8 : memref<200x128xf32, #tpu.memory_space<vmem>>)
    %add3A_248 = arith.constant 2600 : i32
    %add3A_249 = arith.addi %mul3A_2, %add3A_248 : i32
    %dma_start3A_250 = arith.constant 0 : i32
    %dma_start3A_251 = tpu.memref_slice %arg4[%add3A_249, %dma_start3A_250] : memref<320000x128xf32, #tpu.memory_space<hbm>> -> memref<200x128xf32, #tpu.memory_space<hbm>>
    %dma_start3A_252 = arith.constant 0 : i32
    %dma_start3A_253 = tpu.memref_slice %arg4[%add3A_249, %dma_start3A_252] : memref<320000x128xf32, #tpu.memory_space<hbm>> -> memref<200x128xf32, #tpu.memory_space<hbm>>
    tpu.enqueue_dma source(%arg8 : memref<200x128xf32, #tpu.memory_space<vmem>>) target(%dma_start3A_253 : memref<200x128xf32, #tpu.memory_space<hbm>>) target_semaphore(%arg12 : memref<!tpu.dma_semaphore, #tpu.memory_space<semaphore_mem>>)
    %dma_wait3A_254 = arith.constant 0 : i32
    %dma_wait3A_255 = tpu.memref_slice %arg4[%mul3A_2, %dma_wait3A_254] : memref<320000x128xf32, #tpu.memory_space<hbm>> -> memref<200x128xf32, #tpu.memory_space<hbm>>
    %dma_wait3A_256 = arith.constant 0 : i32
    %dma_wait3A_257 = tpu.memref_slice %arg4[%mul3A_2, %dma_wait3A_256] : memref<320000x128xf32, #tpu.memory_space<hbm>> -> memref<200x128xf32, #tpu.memory_space<hbm>>
    tpu.wait_dma2 semaphore(%arg12 : memref<!tpu.dma_semaphore, #tpu.memory_space<semaphore_mem>>) src(%arg8 : memref<200x128xf32, #tpu.memory_space<vmem>>) dst(%dma_wait3A_257 : memref<200x128xf32, #tpu.memory_space<hbm>>)
    %add3A_258 = arith.constant 3000 : i32
    %add3A_259 = arith.addi %mul3A_2, %add3A_258 : i32
    "tpu.region"() ({
      %run_scoped3A = tpu.sem_alloc : memref<!tpu.dma_semaphore, #tpu.memory_space<semaphore_mem>>
      %dma_start3A_901 = tpu.memref_slice %arg3[%add3A_259] : memref<320000xi32, #tpu.memory_space<hbm>> -> memref<200xi32, #tpu.memory_space<hbm>>
      %dma_start3A_902 = tpu.memref_slice %arg3[%add3A_259] : memref<320000xi32, #tpu.memory_space<hbm>> -> memref<200xi32, #tpu.memory_space<hbm>>
      tpu.enqueue_dma source(%dma_start3A_902 : memref<200xi32, #tpu.memory_space<hbm>>) target(%arg6 : memref<200xi32, #tpu.memory_space<vmem>>) target_semaphore(%run_scoped3A : memref<!tpu.dma_semaphore, #tpu.memory_space<semaphore_mem>>)
      %dma_wait3A_903 = tpu.memref_slice %arg3[%add3A_259] : memref<320000xi32, #tpu.memory_space<hbm>> -> memref<200xi32, #tpu.memory_space<hbm>>
      %dma_wait3A_904 = tpu.memref_slice %arg3[%add3A_259] : memref<320000xi32, #tpu.memory_space<hbm>> -> memref<200xi32, #tpu.memory_space<hbm>>
      tpu.wait_dma2 semaphore(%run_scoped3A : memref<!tpu.dma_semaphore, #tpu.memory_space<semaphore_mem>>) src(%dma_wait3A_904 : memref<200xi32, #tpu.memory_space<hbm>>) dst(%arg6 : memref<200xi32, #tpu.memory_space<vmem>>)
      tpu.yield
    }) : () -> ()
    %dma_start3A_260 = arith.constant 0 : i32
    %dma_start3A_261 = arith.constant 0 : i32
    %dma_start3A_262 = tpu.memref_slice %arg2[%dma_start3A_260, %dma_start3A_261] : memref<10016x128xf32, #tpu.memory_space<hbm>> -> memref<10016x128xf32, #tpu.memory_space<hbm>>
    tpu.enqueue_indirect_dma source(%dma_start3A_262 : memref<10016x128xf32, #tpu.memory_space<hbm>>) target(%arg8 : memref<200x128xf32, #tpu.memory_space<vmem>>) offsets(%arg6 : memref<200xi32, #tpu.memory_space<vmem>>) semaphore(%arg10 : memref<!tpu.dma_semaphore, #tpu.memory_space<semaphore_mem>>)
    %dma_wait3A_263 = arith.constant 0 : i32
    %dma_wait3A_264 = arith.constant 0 : i32
    %dma_wait3A_265 = tpu.memref_slice %arg2[%dma_wait3A_263, %dma_wait3A_264] : memref<10016x128xf32, #tpu.memory_space<hbm>> -> memref<10016x128xf32, #tpu.memory_space<hbm>>
    tpu.wait_indirect_dma semaphore(%arg9 : memref<!tpu.dma_semaphore, #tpu.memory_space<semaphore_mem>>) src(%dma_wait3A_265 : memref<10016x128xf32, #tpu.memory_space<hbm>>) dst(%arg7 : memref<200x128xf32, #tpu.memory_space<vmem>>)
    %add3A_266 = arith.constant 2800 : i32
    %add3A_267 = arith.addi %mul3A_2, %add3A_266 : i32
    %dma_start3A_268 = arith.constant 0 : i32
    %dma_start3A_269 = tpu.memref_slice %arg4[%add3A_267, %dma_start3A_268] : memref<320000x128xf32, #tpu.memory_space<hbm>> -> memref<200x128xf32, #tpu.memory_space<hbm>>
    %dma_start3A_270 = arith.constant 0 : i32
    %dma_start3A_271 = tpu.memref_slice %arg4[%add3A_267, %dma_start3A_270] : memref<320000x128xf32, #tpu.memory_space<hbm>> -> memref<200x128xf32, #tpu.memory_space<hbm>>
    tpu.enqueue_dma source(%arg7 : memref<200x128xf32, #tpu.memory_space<vmem>>) target(%dma_start3A_271 : memref<200x128xf32, #tpu.memory_space<hbm>>) target_semaphore(%arg11 : memref<!tpu.dma_semaphore, #tpu.memory_space<semaphore_mem>>)
    %dma_wait3A_272 = arith.constant 0 : i32
    %dma_wait3A_273 = tpu.memref_slice %arg4[%mul3A_2, %dma_wait3A_272] : memref<320000x128xf32, #tpu.memory_space<hbm>> -> memref<200x128xf32, #tpu.memory_space<hbm>>
    %dma_wait3A_274 = arith.constant 0 : i32
    %dma_wait3A_275 = tpu.memref_slice %arg4[%mul3A_2, %dma_wait3A_274] : memref<320000x128xf32, #tpu.memory_space<hbm>> -> memref<200x128xf32, #tpu.memory_space<hbm>>
    tpu.wait_dma2 semaphore(%arg11 : memref<!tpu.dma_semaphore, #tpu.memory_space<semaphore_mem>>) src(%arg7 : memref<200x128xf32, #tpu.memory_space<vmem>>) dst(%dma_wait3A_275 : memref<200x128xf32, #tpu.memory_space<hbm>>)
    %add3A_276 = arith.constant 3200 : i32
    %add3A_277 = arith.addi %mul3A_2, %add3A_276 : i32
    "tpu.region"() ({
      %run_scoped3A = tpu.sem_alloc : memref<!tpu.dma_semaphore, #tpu.memory_space<semaphore_mem>>
      %dma_start3A_901 = tpu.memref_slice %arg3[%add3A_277] : memref<320000xi32, #tpu.memory_space<hbm>> -> memref<200xi32, #tpu.memory_space<hbm>>
      %dma_start3A_902 = tpu.memref_slice %arg3[%add3A_277] : memref<320000xi32, #tpu.memory_space<hbm>> -> memref<200xi32, #tpu.memory_space<hbm>>
      tpu.enqueue_dma source(%dma_start3A_902 : memref<200xi32, #tpu.memory_space<hbm>>) target(%arg5 : memref<200xi32, #tpu.memory_space<vmem>>) target_semaphore(%run_scoped3A : memref<!tpu.dma_semaphore, #tpu.memory_space<semaphore_mem>>)
      %dma_wait3A_903 = tpu.memref_slice %arg3[%add3A_277] : memref<320000xi32, #tpu.memory_space<hbm>> -> memref<200xi32, #tpu.memory_space<hbm>>
      %dma_wait3A_904 = tpu.memref_slice %arg3[%add3A_277] : memref<320000xi32, #tpu.memory_space<hbm>> -> memref<200xi32, #tpu.memory_space<hbm>>
      tpu.wait_dma2 semaphore(%run_scoped3A : memref<!tpu.dma_semaphore, #tpu.memory_space<semaphore_mem>>) src(%dma_wait3A_904 : memref<200xi32, #tpu.memory_space<hbm>>) dst(%arg5 : memref<200xi32, #tpu.memory_space<vmem>>)
      tpu.yield
    }) : () -> ()
    %dma_start3A_278 = arith.constant 0 : i32
    %dma_start3A_279 = arith.constant 0 : i32
    %dma_start3A_280 = tpu.memref_slice %arg2[%dma_start3A_278, %dma_start3A_279] : memref<10016x128xf32, #tpu.memory_space<hbm>> -> memref<10016x128xf32, #tpu.memory_space<hbm>>
    tpu.enqueue_indirect_dma source(%dma_start3A_280 : memref<10016x128xf32, #tpu.memory_space<hbm>>) target(%arg7 : memref<200x128xf32, #tpu.memory_space<vmem>>) offsets(%arg5 : memref<200xi32, #tpu.memory_space<vmem>>) semaphore(%arg9 : memref<!tpu.dma_semaphore, #tpu.memory_space<semaphore_mem>>)
    %dma_wait3A_281 = arith.constant 0 : i32
    %dma_wait3A_282 = arith.constant 0 : i32
    %dma_wait3A_283 = tpu.memref_slice %arg2[%dma_wait3A_281, %dma_wait3A_282] : memref<10016x128xf32, #tpu.memory_space<hbm>> -> memref<10016x128xf32, #tpu.memory_space<hbm>>
    tpu.wait_indirect_dma semaphore(%arg10 : memref<!tpu.dma_semaphore, #tpu.memory_space<semaphore_mem>>) src(%dma_wait3A_283 : memref<10016x128xf32, #tpu.memory_space<hbm>>) dst(%arg8 : memref<200x128xf32, #tpu.memory_space<vmem>>)
    %add3A_284 = arith.constant 3000 : i32
    %add3A_285 = arith.addi %mul3A_2, %add3A_284 : i32
    %dma_start3A_286 = arith.constant 0 : i32
    %dma_start3A_287 = tpu.memref_slice %arg4[%add3A_285, %dma_start3A_286] : memref<320000x128xf32, #tpu.memory_space<hbm>> -> memref<200x128xf32, #tpu.memory_space<hbm>>
    %dma_start3A_288 = arith.constant 0 : i32
    %dma_start3A_289 = tpu.memref_slice %arg4[%add3A_285, %dma_start3A_288] : memref<320000x128xf32, #tpu.memory_space<hbm>> -> memref<200x128xf32, #tpu.memory_space<hbm>>
    tpu.enqueue_dma source(%arg8 : memref<200x128xf32, #tpu.memory_space<vmem>>) target(%dma_start3A_289 : memref<200x128xf32, #tpu.memory_space<hbm>>) target_semaphore(%arg12 : memref<!tpu.dma_semaphore, #tpu.memory_space<semaphore_mem>>)
    %dma_wait3A_290 = arith.constant 0 : i32
    %dma_wait3A_291 = tpu.memref_slice %arg4[%mul3A_2, %dma_wait3A_290] : memref<320000x128xf32, #tpu.memory_space<hbm>> -> memref<200x128xf32, #tpu.memory_space<hbm>>
    %dma_wait3A_292 = arith.constant 0 : i32
    %dma_wait3A_293 = tpu.memref_slice %arg4[%mul3A_2, %dma_wait3A_292] : memref<320000x128xf32, #tpu.memory_space<hbm>> -> memref<200x128xf32, #tpu.memory_space<hbm>>
    tpu.wait_dma2 semaphore(%arg12 : memref<!tpu.dma_semaphore, #tpu.memory_space<semaphore_mem>>) src(%arg8 : memref<200x128xf32, #tpu.memory_space<vmem>>) dst(%dma_wait3A_293 : memref<200x128xf32, #tpu.memory_space<hbm>>)
    %add3A_294 = arith.constant 3400 : i32
    %add3A_295 = arith.addi %mul3A_2, %add3A_294 : i32
    "tpu.region"() ({
      %run_scoped3A = tpu.sem_alloc : memref<!tpu.dma_semaphore, #tpu.memory_space<semaphore_mem>>
      %dma_start3A_901 = tpu.memref_slice %arg3[%add3A_295] : memref<320000xi32, #tpu.memory_space<hbm>> -> memref<200xi32, #tpu.memory_space<hbm>>
      %dma_start3A_902 = tpu.memref_slice %arg3[%add3A_295] : memref<320000xi32, #tpu.memory_space<hbm>> -> memref<200xi32, #tpu.memory_space<hbm>>
      tpu.enqueue_dma source(%dma_start3A_902 : memref<200xi32, #tpu.memory_space<hbm>>) target(%arg6 : memref<200xi32, #tpu.memory_space<vmem>>) target_semaphore(%run_scoped3A : memref<!tpu.dma_semaphore, #tpu.memory_space<semaphore_mem>>)
      %dma_wait3A_903 = tpu.memref_slice %arg3[%add3A_295] : memref<320000xi32, #tpu.memory_space<hbm>> -> memref<200xi32, #tpu.memory_space<hbm>>
      %dma_wait3A_904 = tpu.memref_slice %arg3[%add3A_295] : memref<320000xi32, #tpu.memory_space<hbm>> -> memref<200xi32, #tpu.memory_space<hbm>>
      tpu.wait_dma2 semaphore(%run_scoped3A : memref<!tpu.dma_semaphore, #tpu.memory_space<semaphore_mem>>) src(%dma_wait3A_904 : memref<200xi32, #tpu.memory_space<hbm>>) dst(%arg6 : memref<200xi32, #tpu.memory_space<vmem>>)
      tpu.yield
    }) : () -> ()
    %dma_start3A_296 = arith.constant 0 : i32
    %dma_start3A_297 = arith.constant 0 : i32
    %dma_start3A_298 = tpu.memref_slice %arg2[%dma_start3A_296, %dma_start3A_297] : memref<10016x128xf32, #tpu.memory_space<hbm>> -> memref<10016x128xf32, #tpu.memory_space<hbm>>
    tpu.enqueue_indirect_dma source(%dma_start3A_298 : memref<10016x128xf32, #tpu.memory_space<hbm>>) target(%arg8 : memref<200x128xf32, #tpu.memory_space<vmem>>) offsets(%arg6 : memref<200xi32, #tpu.memory_space<vmem>>) semaphore(%arg10 : memref<!tpu.dma_semaphore, #tpu.memory_space<semaphore_mem>>)
    %dma_wait3A_299 = arith.constant 0 : i32
    %dma_wait3A_300 = arith.constant 0 : i32
    %dma_wait3A_301 = tpu.memref_slice %arg2[%dma_wait3A_299, %dma_wait3A_300] : memref<10016x128xf32, #tpu.memory_space<hbm>> -> memref<10016x128xf32, #tpu.memory_space<hbm>>
    tpu.wait_indirect_dma semaphore(%arg9 : memref<!tpu.dma_semaphore, #tpu.memory_space<semaphore_mem>>) src(%dma_wait3A_301 : memref<10016x128xf32, #tpu.memory_space<hbm>>) dst(%arg7 : memref<200x128xf32, #tpu.memory_space<vmem>>)
    %add3A_302 = arith.constant 3200 : i32
    %add3A_303 = arith.addi %mul3A_2, %add3A_302 : i32
    %dma_start3A_304 = arith.constant 0 : i32
    %dma_start3A_305 = tpu.memref_slice %arg4[%add3A_303, %dma_start3A_304] : memref<320000x128xf32, #tpu.memory_space<hbm>> -> memref<200x128xf32, #tpu.memory_space<hbm>>
    %dma_start3A_306 = arith.constant 0 : i32
    %dma_start3A_307 = tpu.memref_slice %arg4[%add3A_303, %dma_start3A_306] : memref<320000x128xf32, #tpu.memory_space<hbm>> -> memref<200x128xf32, #tpu.memory_space<hbm>>
    tpu.enqueue_dma source(%arg7 : memref<200x128xf32, #tpu.memory_space<vmem>>) target(%dma_start3A_307 : memref<200x128xf32, #tpu.memory_space<hbm>>) target_semaphore(%arg11 : memref<!tpu.dma_semaphore, #tpu.memory_space<semaphore_mem>>)
    %dma_wait3A_308 = arith.constant 0 : i32
    %dma_wait3A_309 = tpu.memref_slice %arg4[%mul3A_2, %dma_wait3A_308] : memref<320000x128xf32, #tpu.memory_space<hbm>> -> memref<200x128xf32, #tpu.memory_space<hbm>>
    %dma_wait3A_310 = arith.constant 0 : i32
    %dma_wait3A_311 = tpu.memref_slice %arg4[%mul3A_2, %dma_wait3A_310] : memref<320000x128xf32, #tpu.memory_space<hbm>> -> memref<200x128xf32, #tpu.memory_space<hbm>>
    tpu.wait_dma2 semaphore(%arg11 : memref<!tpu.dma_semaphore, #tpu.memory_space<semaphore_mem>>) src(%arg7 : memref<200x128xf32, #tpu.memory_space<vmem>>) dst(%dma_wait3A_311 : memref<200x128xf32, #tpu.memory_space<hbm>>)
    %add3A_312 = arith.constant 3600 : i32
    %add3A_313 = arith.addi %mul3A_2, %add3A_312 : i32
    "tpu.region"() ({
      %run_scoped3A = tpu.sem_alloc : memref<!tpu.dma_semaphore, #tpu.memory_space<semaphore_mem>>
      %dma_start3A_901 = tpu.memref_slice %arg3[%add3A_313] : memref<320000xi32, #tpu.memory_space<hbm>> -> memref<200xi32, #tpu.memory_space<hbm>>
      %dma_start3A_902 = tpu.memref_slice %arg3[%add3A_313] : memref<320000xi32, #tpu.memory_space<hbm>> -> memref<200xi32, #tpu.memory_space<hbm>>
      tpu.enqueue_dma source(%dma_start3A_902 : memref<200xi32, #tpu.memory_space<hbm>>) target(%arg5 : memref<200xi32, #tpu.memory_space<vmem>>) target_semaphore(%run_scoped3A : memref<!tpu.dma_semaphore, #tpu.memory_space<semaphore_mem>>)
      %dma_wait3A_903 = tpu.memref_slice %arg3[%add3A_313] : memref<320000xi32, #tpu.memory_space<hbm>> -> memref<200xi32, #tpu.memory_space<hbm>>
      %dma_wait3A_904 = tpu.memref_slice %arg3[%add3A_313] : memref<320000xi32, #tpu.memory_space<hbm>> -> memref<200xi32, #tpu.memory_space<hbm>>
      tpu.wait_dma2 semaphore(%run_scoped3A : memref<!tpu.dma_semaphore, #tpu.memory_space<semaphore_mem>>) src(%dma_wait3A_904 : memref<200xi32, #tpu.memory_space<hbm>>) dst(%arg5 : memref<200xi32, #tpu.memory_space<vmem>>)
      tpu.yield
    }) : () -> ()
    %dma_start3A_314 = arith.constant 0 : i32
    %dma_start3A_315 = arith.constant 0 : i32
    %dma_start3A_316 = tpu.memref_slice %arg2[%dma_start3A_314, %dma_start3A_315] : memref<10016x128xf32, #tpu.memory_space<hbm>> -> memref<10016x128xf32, #tpu.memory_space<hbm>>
    tpu.enqueue_indirect_dma source(%dma_start3A_316 : memref<10016x128xf32, #tpu.memory_space<hbm>>) target(%arg7 : memref<200x128xf32, #tpu.memory_space<vmem>>) offsets(%arg5 : memref<200xi32, #tpu.memory_space<vmem>>) semaphore(%arg9 : memref<!tpu.dma_semaphore, #tpu.memory_space<semaphore_mem>>)
    %dma_wait3A_317 = arith.constant 0 : i32
    %dma_wait3A_318 = arith.constant 0 : i32
    %dma_wait3A_319 = tpu.memref_slice %arg2[%dma_wait3A_317, %dma_wait3A_318] : memref<10016x128xf32, #tpu.memory_space<hbm>> -> memref<10016x128xf32, #tpu.memory_space<hbm>>
    tpu.wait_indirect_dma semaphore(%arg10 : memref<!tpu.dma_semaphore, #tpu.memory_space<semaphore_mem>>) src(%dma_wait3A_319 : memref<10016x128xf32, #tpu.memory_space<hbm>>) dst(%arg8 : memref<200x128xf32, #tpu.memory_space<vmem>>)
    %add3A_320 = arith.constant 3400 : i32
    %add3A_321 = arith.addi %mul3A_2, %add3A_320 : i32
    %dma_start3A_322 = arith.constant 0 : i32
    %dma_start3A_323 = tpu.memref_slice %arg4[%add3A_321, %dma_start3A_322] : memref<320000x128xf32, #tpu.memory_space<hbm>> -> memref<200x128xf32, #tpu.memory_space<hbm>>
    %dma_start3A_324 = arith.constant 0 : i32
    %dma_start3A_325 = tpu.memref_slice %arg4[%add3A_321, %dma_start3A_324] : memref<320000x128xf32, #tpu.memory_space<hbm>> -> memref<200x128xf32, #tpu.memory_space<hbm>>
    tpu.enqueue_dma source(%arg8 : memref<200x128xf32, #tpu.memory_space<vmem>>) target(%dma_start3A_325 : memref<200x128xf32, #tpu.memory_space<hbm>>) target_semaphore(%arg12 : memref<!tpu.dma_semaphore, #tpu.memory_space<semaphore_mem>>)
    %dma_wait3A_326 = arith.constant 0 : i32
    %dma_wait3A_327 = tpu.memref_slice %arg4[%mul3A_2, %dma_wait3A_326] : memref<320000x128xf32, #tpu.memory_space<hbm>> -> memref<200x128xf32, #tpu.memory_space<hbm>>
    %dma_wait3A_328 = arith.constant 0 : i32
    %dma_wait3A_329 = tpu.memref_slice %arg4[%mul3A_2, %dma_wait3A_328] : memref<320000x128xf32, #tpu.memory_space<hbm>> -> memref<200x128xf32, #tpu.memory_space<hbm>>
    tpu.wait_dma2 semaphore(%arg12 : memref<!tpu.dma_semaphore, #tpu.memory_space<semaphore_mem>>) src(%arg8 : memref<200x128xf32, #tpu.memory_space<vmem>>) dst(%dma_wait3A_329 : memref<200x128xf32, #tpu.memory_space<hbm>>)
    %add3A_330 = arith.constant 3800 : i32
    %add3A_331 = arith.addi %mul3A_2, %add3A_330 : i32
    "tpu.region"() ({
      %run_scoped3A = tpu.sem_alloc : memref<!tpu.dma_semaphore, #tpu.memory_space<semaphore_mem>>
      %dma_start3A_901 = tpu.memref_slice %arg3[%add3A_331] : memref<320000xi32, #tpu.memory_space<hbm>> -> memref<200xi32, #tpu.memory_space<hbm>>
      %dma_start3A_902 = tpu.memref_slice %arg3[%add3A_331] : memref<320000xi32, #tpu.memory_space<hbm>> -> memref<200xi32, #tpu.memory_space<hbm>>
      tpu.enqueue_dma source(%dma_start3A_902 : memref<200xi32, #tpu.memory_space<hbm>>) target(%arg6 : memref<200xi32, #tpu.memory_space<vmem>>) target_semaphore(%run_scoped3A : memref<!tpu.dma_semaphore, #tpu.memory_space<semaphore_mem>>)
      %dma_wait3A_903 = tpu.memref_slice %arg3[%add3A_331] : memref<320000xi32, #tpu.memory_space<hbm>> -> memref<200xi32, #tpu.memory_space<hbm>>
      %dma_wait3A_904 = tpu.memref_slice %arg3[%add3A_331] : memref<320000xi32, #tpu.memory_space<hbm>> -> memref<200xi32, #tpu.memory_space<hbm>>
      tpu.wait_dma2 semaphore(%run_scoped3A : memref<!tpu.dma_semaphore, #tpu.memory_space<semaphore_mem>>) src(%dma_wait3A_904 : memref<200xi32, #tpu.memory_space<hbm>>) dst(%arg6 : memref<200xi32, #tpu.memory_space<vmem>>)
      tpu.yield
    }) : () -> ()
    %dma_start3A_332 = arith.constant 0 : i32
    %dma_start3A_333 = arith.constant 0 : i32
    %dma_start3A_334 = tpu.memref_slice %arg2[%dma_start3A_332, %dma_start3A_333] : memref<10016x128xf32, #tpu.memory_space<hbm>> -> memref<10016x128xf32, #tpu.memory_space<hbm>>
    tpu.enqueue_indirect_dma source(%dma_start3A_334 : memref<10016x128xf32, #tpu.memory_space<hbm>>) target(%arg8 : memref<200x128xf32, #tpu.memory_space<vmem>>) offsets(%arg6 : memref<200xi32, #tpu.memory_space<vmem>>) semaphore(%arg10 : memref<!tpu.dma_semaphore, #tpu.memory_space<semaphore_mem>>)
    %dma_wait3A_335 = arith.constant 0 : i32
    %dma_wait3A_336 = arith.constant 0 : i32
    %dma_wait3A_337 = tpu.memref_slice %arg2[%dma_wait3A_335, %dma_wait3A_336] : memref<10016x128xf32, #tpu.memory_space<hbm>> -> memref<10016x128xf32, #tpu.memory_space<hbm>>
    tpu.wait_indirect_dma semaphore(%arg9 : memref<!tpu.dma_semaphore, #tpu.memory_space<semaphore_mem>>) src(%dma_wait3A_337 : memref<10016x128xf32, #tpu.memory_space<hbm>>) dst(%arg7 : memref<200x128xf32, #tpu.memory_space<vmem>>)
    %add3A_338 = arith.constant 3600 : i32
    %add3A_339 = arith.addi %mul3A_2, %add3A_338 : i32
    %dma_start3A_340 = arith.constant 0 : i32
    %dma_start3A_341 = tpu.memref_slice %arg4[%add3A_339, %dma_start3A_340] : memref<320000x128xf32, #tpu.memory_space<hbm>> -> memref<200x128xf32, #tpu.memory_space<hbm>>
    %dma_start3A_342 = arith.constant 0 : i32
    %dma_start3A_343 = tpu.memref_slice %arg4[%add3A_339, %dma_start3A_342] : memref<320000x128xf32, #tpu.memory_space<hbm>> -> memref<200x128xf32, #tpu.memory_space<hbm>>
    tpu.enqueue_dma source(%arg7 : memref<200x128xf32, #tpu.memory_space<vmem>>) target(%dma_start3A_343 : memref<200x128xf32, #tpu.memory_space<hbm>>) target_semaphore(%arg11 : memref<!tpu.dma_semaphore, #tpu.memory_space<semaphore_mem>>)
    %dma_wait3A_344 = arith.constant 0 : i32
    %dma_wait3A_345 = tpu.memref_slice %arg4[%mul3A_2, %dma_wait3A_344] : memref<320000x128xf32, #tpu.memory_space<hbm>> -> memref<200x128xf32, #tpu.memory_space<hbm>>
    %dma_wait3A_346 = arith.constant 0 : i32
    %dma_wait3A_347 = tpu.memref_slice %arg4[%mul3A_2, %dma_wait3A_346] : memref<320000x128xf32, #tpu.memory_space<hbm>> -> memref<200x128xf32, #tpu.memory_space<hbm>>
    tpu.wait_dma2 semaphore(%arg11 : memref<!tpu.dma_semaphore, #tpu.memory_space<semaphore_mem>>) src(%arg7 : memref<200x128xf32, #tpu.memory_space<vmem>>) dst(%dma_wait3A_347 : memref<200x128xf32, #tpu.memory_space<hbm>>)
    %add3A_348 = arith.constant 4000 : i32
    %add3A_349 = arith.addi %mul3A_2, %add3A_348 : i32
    "tpu.region"() ({
      %run_scoped3A = tpu.sem_alloc : memref<!tpu.dma_semaphore, #tpu.memory_space<semaphore_mem>>
      %dma_start3A_901 = tpu.memref_slice %arg3[%add3A_349] : memref<320000xi32, #tpu.memory_space<hbm>> -> memref<200xi32, #tpu.memory_space<hbm>>
      %dma_start3A_902 = tpu.memref_slice %arg3[%add3A_349] : memref<320000xi32, #tpu.memory_space<hbm>> -> memref<200xi32, #tpu.memory_space<hbm>>
      tpu.enqueue_dma source(%dma_start3A_902 : memref<200xi32, #tpu.memory_space<hbm>>) target(%arg5 : memref<200xi32, #tpu.memory_space<vmem>>) target_semaphore(%run_scoped3A : memref<!tpu.dma_semaphore, #tpu.memory_space<semaphore_mem>>)
      %dma_wait3A_903 = tpu.memref_slice %arg3[%add3A_349] : memref<320000xi32, #tpu.memory_space<hbm>> -> memref<200xi32, #tpu.memory_space<hbm>>
      %dma_wait3A_904 = tpu.memref_slice %arg3[%add3A_349] : memref<320000xi32, #tpu.memory_space<hbm>> -> memref<200xi32, #tpu.memory_space<hbm>>
      tpu.wait_dma2 semaphore(%run_scoped3A : memref<!tpu.dma_semaphore, #tpu.memory_space<semaphore_mem>>) src(%dma_wait3A_904 : memref<200xi32, #tpu.memory_space<hbm>>) dst(%arg5 : memref<200xi32, #tpu.memory_space<vmem>>)
      tpu.yield
    }) : () -> ()
    %dma_start3A_350 = arith.constant 0 : i32
    %dma_start3A_351 = arith.constant 0 : i32
    %dma_start3A_352 = tpu.memref_slice %arg2[%dma_start3A_350, %dma_start3A_351] : memref<10016x128xf32, #tpu.memory_space<hbm>> -> memref<10016x128xf32, #tpu.memory_space<hbm>>
    tpu.enqueue_indirect_dma source(%dma_start3A_352 : memref<10016x128xf32, #tpu.memory_space<hbm>>) target(%arg7 : memref<200x128xf32, #tpu.memory_space<vmem>>) offsets(%arg5 : memref<200xi32, #tpu.memory_space<vmem>>) semaphore(%arg9 : memref<!tpu.dma_semaphore, #tpu.memory_space<semaphore_mem>>)
    %dma_wait3A_353 = arith.constant 0 : i32
    %dma_wait3A_354 = arith.constant 0 : i32
    %dma_wait3A_355 = tpu.memref_slice %arg2[%dma_wait3A_353, %dma_wait3A_354] : memref<10016x128xf32, #tpu.memory_space<hbm>> -> memref<10016x128xf32, #tpu.memory_space<hbm>>
    tpu.wait_indirect_dma semaphore(%arg10 : memref<!tpu.dma_semaphore, #tpu.memory_space<semaphore_mem>>) src(%dma_wait3A_355 : memref<10016x128xf32, #tpu.memory_space<hbm>>) dst(%arg8 : memref<200x128xf32, #tpu.memory_space<vmem>>)
    %add3A_356 = arith.constant 3800 : i32
    %add3A_357 = arith.addi %mul3A_2, %add3A_356 : i32
    %dma_start3A_358 = arith.constant 0 : i32
    %dma_start3A_359 = tpu.memref_slice %arg4[%add3A_357, %dma_start3A_358] : memref<320000x128xf32, #tpu.memory_space<hbm>> -> memref<200x128xf32, #tpu.memory_space<hbm>>
    %dma_start3A_360 = arith.constant 0 : i32
    %dma_start3A_361 = tpu.memref_slice %arg4[%add3A_357, %dma_start3A_360] : memref<320000x128xf32, #tpu.memory_space<hbm>> -> memref<200x128xf32, #tpu.memory_space<hbm>>
    tpu.enqueue_dma source(%arg8 : memref<200x128xf32, #tpu.memory_space<vmem>>) target(%dma_start3A_361 : memref<200x128xf32, #tpu.memory_space<hbm>>) target_semaphore(%arg12 : memref<!tpu.dma_semaphore, #tpu.memory_space<semaphore_mem>>)
    %dma_wait3A_362 = arith.constant 0 : i32
    %dma_wait3A_363 = tpu.memref_slice %arg4[%mul3A_2, %dma_wait3A_362] : memref<320000x128xf32, #tpu.memory_space<hbm>> -> memref<200x128xf32, #tpu.memory_space<hbm>>
    %dma_wait3A_364 = arith.constant 0 : i32
    %dma_wait3A_365 = tpu.memref_slice %arg4[%mul3A_2, %dma_wait3A_364] : memref<320000x128xf32, #tpu.memory_space<hbm>> -> memref<200x128xf32, #tpu.memory_space<hbm>>
    tpu.wait_dma2 semaphore(%arg12 : memref<!tpu.dma_semaphore, #tpu.memory_space<semaphore_mem>>) src(%arg8 : memref<200x128xf32, #tpu.memory_space<vmem>>) dst(%dma_wait3A_365 : memref<200x128xf32, #tpu.memory_space<hbm>>)
    %add3A_366 = arith.constant 4200 : i32
    %add3A_367 = arith.addi %mul3A_2, %add3A_366 : i32
    "tpu.region"() ({
      %run_scoped3A = tpu.sem_alloc : memref<!tpu.dma_semaphore, #tpu.memory_space<semaphore_mem>>
      %dma_start3A_901 = tpu.memref_slice %arg3[%add3A_367] : memref<320000xi32, #tpu.memory_space<hbm>> -> memref<200xi32, #tpu.memory_space<hbm>>
      %dma_start3A_902 = tpu.memref_slice %arg3[%add3A_367] : memref<320000xi32, #tpu.memory_space<hbm>> -> memref<200xi32, #tpu.memory_space<hbm>>
      tpu.enqueue_dma source(%dma_start3A_902 : memref<200xi32, #tpu.memory_space<hbm>>) target(%arg6 : memref<200xi32, #tpu.memory_space<vmem>>) target_semaphore(%run_scoped3A : memref<!tpu.dma_semaphore, #tpu.memory_space<semaphore_mem>>)
      %dma_wait3A_903 = tpu.memref_slice %arg3[%add3A_367] : memref<320000xi32, #tpu.memory_space<hbm>> -> memref<200xi32, #tpu.memory_space<hbm>>
      %dma_wait3A_904 = tpu.memref_slice %arg3[%add3A_367] : memref<320000xi32, #tpu.memory_space<hbm>> -> memref<200xi32, #tpu.memory_space<hbm>>
      tpu.wait_dma2 semaphore(%run_scoped3A : memref<!tpu.dma_semaphore, #tpu.memory_space<semaphore_mem>>) src(%dma_wait3A_904 : memref<200xi32, #tpu.memory_space<hbm>>) dst(%arg6 : memref<200xi32, #tpu.memory_space<vmem>>)
      tpu.yield
    }) : () -> ()
    %dma_start3A_368 = arith.constant 0 : i32
    %dma_start3A_369 = arith.constant 0 : i32
    %dma_start3A_370 = tpu.memref_slice %arg2[%dma_start3A_368, %dma_start3A_369] : memref<10016x128xf32, #tpu.memory_space<hbm>> -> memref<10016x128xf32, #tpu.memory_space<hbm>>
    tpu.enqueue_indirect_dma source(%dma_start3A_370 : memref<10016x128xf32, #tpu.memory_space<hbm>>) target(%arg8 : memref<200x128xf32, #tpu.memory_space<vmem>>) offsets(%arg6 : memref<200xi32, #tpu.memory_space<vmem>>) semaphore(%arg10 : memref<!tpu.dma_semaphore, #tpu.memory_space<semaphore_mem>>)
    %dma_wait3A_371 = arith.constant 0 : i32
    %dma_wait3A_372 = arith.constant 0 : i32
    %dma_wait3A_373 = tpu.memref_slice %arg2[%dma_wait3A_371, %dma_wait3A_372] : memref<10016x128xf32, #tpu.memory_space<hbm>> -> memref<10016x128xf32, #tpu.memory_space<hbm>>
    tpu.wait_indirect_dma semaphore(%arg9 : memref<!tpu.dma_semaphore, #tpu.memory_space<semaphore_mem>>) src(%dma_wait3A_373 : memref<10016x128xf32, #tpu.memory_space<hbm>>) dst(%arg7 : memref<200x128xf32, #tpu.memory_space<vmem>>)
    %add3A_374 = arith.constant 4000 : i32
    %add3A_375 = arith.addi %mul3A_2, %add3A_374 : i32
    %dma_start3A_376 = arith.constant 0 : i32
    %dma_start3A_377 = tpu.memref_slice %arg4[%add3A_375, %dma_start3A_376] : memref<320000x128xf32, #tpu.memory_space<hbm>> -> memref<200x128xf32, #tpu.memory_space<hbm>>
    %dma_start3A_378 = arith.constant 0 : i32
    %dma_start3A_379 = tpu.memref_slice %arg4[%add3A_375, %dma_start3A_378] : memref<320000x128xf32, #tpu.memory_space<hbm>> -> memref<200x128xf32, #tpu.memory_space<hbm>>
    tpu.enqueue_dma source(%arg7 : memref<200x128xf32, #tpu.memory_space<vmem>>) target(%dma_start3A_379 : memref<200x128xf32, #tpu.memory_space<hbm>>) target_semaphore(%arg11 : memref<!tpu.dma_semaphore, #tpu.memory_space<semaphore_mem>>)
    %dma_wait3A_380 = arith.constant 0 : i32
    %dma_wait3A_381 = tpu.memref_slice %arg4[%mul3A_2, %dma_wait3A_380] : memref<320000x128xf32, #tpu.memory_space<hbm>> -> memref<200x128xf32, #tpu.memory_space<hbm>>
    %dma_wait3A_382 = arith.constant 0 : i32
    %dma_wait3A_383 = tpu.memref_slice %arg4[%mul3A_2, %dma_wait3A_382] : memref<320000x128xf32, #tpu.memory_space<hbm>> -> memref<200x128xf32, #tpu.memory_space<hbm>>
    tpu.wait_dma2 semaphore(%arg11 : memref<!tpu.dma_semaphore, #tpu.memory_space<semaphore_mem>>) src(%arg7 : memref<200x128xf32, #tpu.memory_space<vmem>>) dst(%dma_wait3A_383 : memref<200x128xf32, #tpu.memory_space<hbm>>)
    %add3A_384 = arith.constant 4400 : i32
    %add3A_385 = arith.addi %mul3A_2, %add3A_384 : i32
    "tpu.region"() ({
      %run_scoped3A = tpu.sem_alloc : memref<!tpu.dma_semaphore, #tpu.memory_space<semaphore_mem>>
      %dma_start3A_901 = tpu.memref_slice %arg3[%add3A_385] : memref<320000xi32, #tpu.memory_space<hbm>> -> memref<200xi32, #tpu.memory_space<hbm>>
      %dma_start3A_902 = tpu.memref_slice %arg3[%add3A_385] : memref<320000xi32, #tpu.memory_space<hbm>> -> memref<200xi32, #tpu.memory_space<hbm>>
      tpu.enqueue_dma source(%dma_start3A_902 : memref<200xi32, #tpu.memory_space<hbm>>) target(%arg5 : memref<200xi32, #tpu.memory_space<vmem>>) target_semaphore(%run_scoped3A : memref<!tpu.dma_semaphore, #tpu.memory_space<semaphore_mem>>)
      %dma_wait3A_903 = tpu.memref_slice %arg3[%add3A_385] : memref<320000xi32, #tpu.memory_space<hbm>> -> memref<200xi32, #tpu.memory_space<hbm>>
      %dma_wait3A_904 = tpu.memref_slice %arg3[%add3A_385] : memref<320000xi32, #tpu.memory_space<hbm>> -> memref<200xi32, #tpu.memory_space<hbm>>
      tpu.wait_dma2 semaphore(%run_scoped3A : memref<!tpu.dma_semaphore, #tpu.memory_space<semaphore_mem>>) src(%dma_wait3A_904 : memref<200xi32, #tpu.memory_space<hbm>>) dst(%arg5 : memref<200xi32, #tpu.memory_space<vmem>>)
      tpu.yield
    }) : () -> ()
    %dma_start3A_386 = arith.constant 0 : i32
    %dma_start3A_387 = arith.constant 0 : i32
    %dma_start3A_388 = tpu.memref_slice %arg2[%dma_start3A_386, %dma_start3A_387] : memref<10016x128xf32, #tpu.memory_space<hbm>> -> memref<10016x128xf32, #tpu.memory_space<hbm>>
    tpu.enqueue_indirect_dma source(%dma_start3A_388 : memref<10016x128xf32, #tpu.memory_space<hbm>>) target(%arg7 : memref<200x128xf32, #tpu.memory_space<vmem>>) offsets(%arg5 : memref<200xi32, #tpu.memory_space<vmem>>) semaphore(%arg9 : memref<!tpu.dma_semaphore, #tpu.memory_space<semaphore_mem>>)
    %dma_wait3A_389 = arith.constant 0 : i32
    %dma_wait3A_390 = arith.constant 0 : i32
    %dma_wait3A_391 = tpu.memref_slice %arg2[%dma_wait3A_389, %dma_wait3A_390] : memref<10016x128xf32, #tpu.memory_space<hbm>> -> memref<10016x128xf32, #tpu.memory_space<hbm>>
    tpu.wait_indirect_dma semaphore(%arg10 : memref<!tpu.dma_semaphore, #tpu.memory_space<semaphore_mem>>) src(%dma_wait3A_391 : memref<10016x128xf32, #tpu.memory_space<hbm>>) dst(%arg8 : memref<200x128xf32, #tpu.memory_space<vmem>>)
    %add3A_392 = arith.constant 4200 : i32
    %add3A_393 = arith.addi %mul3A_2, %add3A_392 : i32
    %dma_start3A_394 = arith.constant 0 : i32
    %dma_start3A_395 = tpu.memref_slice %arg4[%add3A_393, %dma_start3A_394] : memref<320000x128xf32, #tpu.memory_space<hbm>> -> memref<200x128xf32, #tpu.memory_space<hbm>>
    %dma_start3A_396 = arith.constant 0 : i32
    %dma_start3A_397 = tpu.memref_slice %arg4[%add3A_393, %dma_start3A_396] : memref<320000x128xf32, #tpu.memory_space<hbm>> -> memref<200x128xf32, #tpu.memory_space<hbm>>
    tpu.enqueue_dma source(%arg8 : memref<200x128xf32, #tpu.memory_space<vmem>>) target(%dma_start3A_397 : memref<200x128xf32, #tpu.memory_space<hbm>>) target_semaphore(%arg12 : memref<!tpu.dma_semaphore, #tpu.memory_space<semaphore_mem>>)
    %dma_wait3A_398 = arith.constant 0 : i32
    %dma_wait3A_399 = tpu.memref_slice %arg4[%mul3A_2, %dma_wait3A_398] : memref<320000x128xf32, #tpu.memory_space<hbm>> -> memref<200x128xf32, #tpu.memory_space<hbm>>
    %dma_wait3A_400 = arith.constant 0 : i32
    %dma_wait3A_401 = tpu.memref_slice %arg4[%mul3A_2, %dma_wait3A_400] : memref<320000x128xf32, #tpu.memory_space<hbm>> -> memref<200x128xf32, #tpu.memory_space<hbm>>
    tpu.wait_dma2 semaphore(%arg12 : memref<!tpu.dma_semaphore, #tpu.memory_space<semaphore_mem>>) src(%arg8 : memref<200x128xf32, #tpu.memory_space<vmem>>) dst(%dma_wait3A_401 : memref<200x128xf32, #tpu.memory_space<hbm>>)
    %add3A_402 = arith.constant 4600 : i32
    %add3A_403 = arith.addi %mul3A_2, %add3A_402 : i32
    "tpu.region"() ({
      %run_scoped3A = tpu.sem_alloc : memref<!tpu.dma_semaphore, #tpu.memory_space<semaphore_mem>>
      %dma_start3A_901 = tpu.memref_slice %arg3[%add3A_403] : memref<320000xi32, #tpu.memory_space<hbm>> -> memref<200xi32, #tpu.memory_space<hbm>>
      %dma_start3A_902 = tpu.memref_slice %arg3[%add3A_403] : memref<320000xi32, #tpu.memory_space<hbm>> -> memref<200xi32, #tpu.memory_space<hbm>>
      tpu.enqueue_dma source(%dma_start3A_902 : memref<200xi32, #tpu.memory_space<hbm>>) target(%arg6 : memref<200xi32, #tpu.memory_space<vmem>>) target_semaphore(%run_scoped3A : memref<!tpu.dma_semaphore, #tpu.memory_space<semaphore_mem>>)
      %dma_wait3A_903 = tpu.memref_slice %arg3[%add3A_403] : memref<320000xi32, #tpu.memory_space<hbm>> -> memref<200xi32, #tpu.memory_space<hbm>>
      %dma_wait3A_904 = tpu.memref_slice %arg3[%add3A_403] : memref<320000xi32, #tpu.memory_space<hbm>> -> memref<200xi32, #tpu.memory_space<hbm>>
      tpu.wait_dma2 semaphore(%run_scoped3A : memref<!tpu.dma_semaphore, #tpu.memory_space<semaphore_mem>>) src(%dma_wait3A_904 : memref<200xi32, #tpu.memory_space<hbm>>) dst(%arg6 : memref<200xi32, #tpu.memory_space<vmem>>)
      tpu.yield
    }) : () -> ()
    %dma_start3A_404 = arith.constant 0 : i32
    %dma_start3A_405 = arith.constant 0 : i32
    %dma_start3A_406 = tpu.memref_slice %arg2[%dma_start3A_404, %dma_start3A_405] : memref<10016x128xf32, #tpu.memory_space<hbm>> -> memref<10016x128xf32, #tpu.memory_space<hbm>>
    tpu.enqueue_indirect_dma source(%dma_start3A_406 : memref<10016x128xf32, #tpu.memory_space<hbm>>) target(%arg8 : memref<200x128xf32, #tpu.memory_space<vmem>>) offsets(%arg6 : memref<200xi32, #tpu.memory_space<vmem>>) semaphore(%arg10 : memref<!tpu.dma_semaphore, #tpu.memory_space<semaphore_mem>>)
    %dma_wait3A_407 = arith.constant 0 : i32
    %dma_wait3A_408 = arith.constant 0 : i32
    %dma_wait3A_409 = tpu.memref_slice %arg2[%dma_wait3A_407, %dma_wait3A_408] : memref<10016x128xf32, #tpu.memory_space<hbm>> -> memref<10016x128xf32, #tpu.memory_space<hbm>>
    tpu.wait_indirect_dma semaphore(%arg9 : memref<!tpu.dma_semaphore, #tpu.memory_space<semaphore_mem>>) src(%dma_wait3A_409 : memref<10016x128xf32, #tpu.memory_space<hbm>>) dst(%arg7 : memref<200x128xf32, #tpu.memory_space<vmem>>)
    %add3A_410 = arith.constant 4400 : i32
    %add3A_411 = arith.addi %mul3A_2, %add3A_410 : i32
    %dma_start3A_412 = arith.constant 0 : i32
    %dma_start3A_413 = tpu.memref_slice %arg4[%add3A_411, %dma_start3A_412] : memref<320000x128xf32, #tpu.memory_space<hbm>> -> memref<200x128xf32, #tpu.memory_space<hbm>>
    %dma_start3A_414 = arith.constant 0 : i32
    %dma_start3A_415 = tpu.memref_slice %arg4[%add3A_411, %dma_start3A_414] : memref<320000x128xf32, #tpu.memory_space<hbm>> -> memref<200x128xf32, #tpu.memory_space<hbm>>
    tpu.enqueue_dma source(%arg7 : memref<200x128xf32, #tpu.memory_space<vmem>>) target(%dma_start3A_415 : memref<200x128xf32, #tpu.memory_space<hbm>>) target_semaphore(%arg11 : memref<!tpu.dma_semaphore, #tpu.memory_space<semaphore_mem>>)
    %dma_wait3A_416 = arith.constant 0 : i32
    %dma_wait3A_417 = tpu.memref_slice %arg4[%mul3A_2, %dma_wait3A_416] : memref<320000x128xf32, #tpu.memory_space<hbm>> -> memref<200x128xf32, #tpu.memory_space<hbm>>
    %dma_wait3A_418 = arith.constant 0 : i32
    %dma_wait3A_419 = tpu.memref_slice %arg4[%mul3A_2, %dma_wait3A_418] : memref<320000x128xf32, #tpu.memory_space<hbm>> -> memref<200x128xf32, #tpu.memory_space<hbm>>
    tpu.wait_dma2 semaphore(%arg11 : memref<!tpu.dma_semaphore, #tpu.memory_space<semaphore_mem>>) src(%arg7 : memref<200x128xf32, #tpu.memory_space<vmem>>) dst(%dma_wait3A_419 : memref<200x128xf32, #tpu.memory_space<hbm>>)
    %add3A_420 = arith.constant 4800 : i32
    %add3A_421 = arith.addi %mul3A_2, %add3A_420 : i32
    "tpu.region"() ({
      %run_scoped3A = tpu.sem_alloc : memref<!tpu.dma_semaphore, #tpu.memory_space<semaphore_mem>>
      %dma_start3A_901 = tpu.memref_slice %arg3[%add3A_421] : memref<320000xi32, #tpu.memory_space<hbm>> -> memref<200xi32, #tpu.memory_space<hbm>>
      %dma_start3A_902 = tpu.memref_slice %arg3[%add3A_421] : memref<320000xi32, #tpu.memory_space<hbm>> -> memref<200xi32, #tpu.memory_space<hbm>>
      tpu.enqueue_dma source(%dma_start3A_902 : memref<200xi32, #tpu.memory_space<hbm>>) target(%arg5 : memref<200xi32, #tpu.memory_space<vmem>>) target_semaphore(%run_scoped3A : memref<!tpu.dma_semaphore, #tpu.memory_space<semaphore_mem>>)
      %dma_wait3A_903 = tpu.memref_slice %arg3[%add3A_421] : memref<320000xi32, #tpu.memory_space<hbm>> -> memref<200xi32, #tpu.memory_space<hbm>>
      %dma_wait3A_904 = tpu.memref_slice %arg3[%add3A_421] : memref<320000xi32, #tpu.memory_space<hbm>> -> memref<200xi32, #tpu.memory_space<hbm>>
      tpu.wait_dma2 semaphore(%run_scoped3A : memref<!tpu.dma_semaphore, #tpu.memory_space<semaphore_mem>>) src(%dma_wait3A_904 : memref<200xi32, #tpu.memory_space<hbm>>) dst(%arg5 : memref<200xi32, #tpu.memory_space<vmem>>)
      tpu.yield
    }) : () -> ()
    %dma_start3A_422 = arith.constant 0 : i32
    %dma_start3A_423 = arith.constant 0 : i32
    %dma_start3A_424 = tpu.memref_slice %arg2[%dma_start3A_422, %dma_start3A_423] : memref<10016x128xf32, #tpu.memory_space<hbm>> -> memref<10016x128xf32, #tpu.memory_space<hbm>>
    tpu.enqueue_indirect_dma source(%dma_start3A_424 : memref<10016x128xf32, #tpu.memory_space<hbm>>) target(%arg7 : memref<200x128xf32, #tpu.memory_space<vmem>>) offsets(%arg5 : memref<200xi32, #tpu.memory_space<vmem>>) semaphore(%arg9 : memref<!tpu.dma_semaphore, #tpu.memory_space<semaphore_mem>>)
    %dma_wait3A_425 = arith.constant 0 : i32
    %dma_wait3A_426 = arith.constant 0 : i32
    %dma_wait3A_427 = tpu.memref_slice %arg2[%dma_wait3A_425, %dma_wait3A_426] : memref<10016x128xf32, #tpu.memory_space<hbm>> -> memref<10016x128xf32, #tpu.memory_space<hbm>>
    tpu.wait_indirect_dma semaphore(%arg10 : memref<!tpu.dma_semaphore, #tpu.memory_space<semaphore_mem>>) src(%dma_wait3A_427 : memref<10016x128xf32, #tpu.memory_space<hbm>>) dst(%arg8 : memref<200x128xf32, #tpu.memory_space<vmem>>)
    %add3A_428 = arith.constant 4600 : i32
    %add3A_429 = arith.addi %mul3A_2, %add3A_428 : i32
    %dma_start3A_430 = arith.constant 0 : i32
    %dma_start3A_431 = tpu.memref_slice %arg4[%add3A_429, %dma_start3A_430] : memref<320000x128xf32, #tpu.memory_space<hbm>> -> memref<200x128xf32, #tpu.memory_space<hbm>>
    %dma_start3A_432 = arith.constant 0 : i32
    %dma_start3A_433 = tpu.memref_slice %arg4[%add3A_429, %dma_start3A_432] : memref<320000x128xf32, #tpu.memory_space<hbm>> -> memref<200x128xf32, #tpu.memory_space<hbm>>
    tpu.enqueue_dma source(%arg8 : memref<200x128xf32, #tpu.memory_space<vmem>>) target(%dma_start3A_433 : memref<200x128xf32, #tpu.memory_space<hbm>>) target_semaphore(%arg12 : memref<!tpu.dma_semaphore, #tpu.memory_space<semaphore_mem>>)
    %dma_wait3A_434 = arith.constant 0 : i32
    %dma_wait3A_435 = tpu.memref_slice %arg4[%mul3A_2, %dma_wait3A_434] : memref<320000x128xf32, #tpu.memory_space<hbm>> -> memref<200x128xf32, #tpu.memory_space<hbm>>
    %dma_wait3A_436 = arith.constant 0 : i32
    %dma_wait3A_437 = tpu.memref_slice %arg4[%mul3A_2, %dma_wait3A_436] : memref<320000x128xf32, #tpu.memory_space<hbm>> -> memref<200x128xf32, #tpu.memory_space<hbm>>
    tpu.wait_dma2 semaphore(%arg12 : memref<!tpu.dma_semaphore, #tpu.memory_space<semaphore_mem>>) src(%arg8 : memref<200x128xf32, #tpu.memory_space<vmem>>) dst(%dma_wait3A_437 : memref<200x128xf32, #tpu.memory_space<hbm>>)
    %add3A_438 = arith.constant 5000 : i32
    %add3A_439 = arith.addi %mul3A_2, %add3A_438 : i32
    "tpu.region"() ({
      %run_scoped3A = tpu.sem_alloc : memref<!tpu.dma_semaphore, #tpu.memory_space<semaphore_mem>>
      %dma_start3A_901 = tpu.memref_slice %arg3[%add3A_439] : memref<320000xi32, #tpu.memory_space<hbm>> -> memref<200xi32, #tpu.memory_space<hbm>>
      %dma_start3A_902 = tpu.memref_slice %arg3[%add3A_439] : memref<320000xi32, #tpu.memory_space<hbm>> -> memref<200xi32, #tpu.memory_space<hbm>>
      tpu.enqueue_dma source(%dma_start3A_902 : memref<200xi32, #tpu.memory_space<hbm>>) target(%arg6 : memref<200xi32, #tpu.memory_space<vmem>>) target_semaphore(%run_scoped3A : memref<!tpu.dma_semaphore, #tpu.memory_space<semaphore_mem>>)
      %dma_wait3A_903 = tpu.memref_slice %arg3[%add3A_439] : memref<320000xi32, #tpu.memory_space<hbm>> -> memref<200xi32, #tpu.memory_space<hbm>>
      %dma_wait3A_904 = tpu.memref_slice %arg3[%add3A_439] : memref<320000xi32, #tpu.memory_space<hbm>> -> memref<200xi32, #tpu.memory_space<hbm>>
      tpu.wait_dma2 semaphore(%run_scoped3A : memref<!tpu.dma_semaphore, #tpu.memory_space<semaphore_mem>>) src(%dma_wait3A_904 : memref<200xi32, #tpu.memory_space<hbm>>) dst(%arg6 : memref<200xi32, #tpu.memory_space<vmem>>)
      tpu.yield
    }) : () -> ()
    %dma_start3A_440 = arith.constant 0 : i32
    %dma_start3A_441 = arith.constant 0 : i32
    %dma_start3A_442 = tpu.memref_slice %arg2[%dma_start3A_440, %dma_start3A_441] : memref<10016x128xf32, #tpu.memory_space<hbm>> -> memref<10016x128xf32, #tpu.memory_space<hbm>>
    tpu.enqueue_indirect_dma source(%dma_start3A_442 : memref<10016x128xf32, #tpu.memory_space<hbm>>) target(%arg8 : memref<200x128xf32, #tpu.memory_space<vmem>>) offsets(%arg6 : memref<200xi32, #tpu.memory_space<vmem>>) semaphore(%arg10 : memref<!tpu.dma_semaphore, #tpu.memory_space<semaphore_mem>>)
    %dma_wait3A_443 = arith.constant 0 : i32
    %dma_wait3A_444 = arith.constant 0 : i32
    %dma_wait3A_445 = tpu.memref_slice %arg2[%dma_wait3A_443, %dma_wait3A_444] : memref<10016x128xf32, #tpu.memory_space<hbm>> -> memref<10016x128xf32, #tpu.memory_space<hbm>>
    tpu.wait_indirect_dma semaphore(%arg9 : memref<!tpu.dma_semaphore, #tpu.memory_space<semaphore_mem>>) src(%dma_wait3A_445 : memref<10016x128xf32, #tpu.memory_space<hbm>>) dst(%arg7 : memref<200x128xf32, #tpu.memory_space<vmem>>)
    %add3A_446 = arith.constant 4800 : i32
    %add3A_447 = arith.addi %mul3A_2, %add3A_446 : i32
    %dma_start3A_448 = arith.constant 0 : i32
    %dma_start3A_449 = tpu.memref_slice %arg4[%add3A_447, %dma_start3A_448] : memref<320000x128xf32, #tpu.memory_space<hbm>> -> memref<200x128xf32, #tpu.memory_space<hbm>>
    %dma_start3A_450 = arith.constant 0 : i32
    %dma_start3A_451 = tpu.memref_slice %arg4[%add3A_447, %dma_start3A_450] : memref<320000x128xf32, #tpu.memory_space<hbm>> -> memref<200x128xf32, #tpu.memory_space<hbm>>
    tpu.enqueue_dma source(%arg7 : memref<200x128xf32, #tpu.memory_space<vmem>>) target(%dma_start3A_451 : memref<200x128xf32, #tpu.memory_space<hbm>>) target_semaphore(%arg11 : memref<!tpu.dma_semaphore, #tpu.memory_space<semaphore_mem>>)
    %dma_wait3A_452 = arith.constant 0 : i32
    %dma_wait3A_453 = tpu.memref_slice %arg4[%mul3A_2, %dma_wait3A_452] : memref<320000x128xf32, #tpu.memory_space<hbm>> -> memref<200x128xf32, #tpu.memory_space<hbm>>
    %dma_wait3A_454 = arith.constant 0 : i32
    %dma_wait3A_455 = tpu.memref_slice %arg4[%mul3A_2, %dma_wait3A_454] : memref<320000x128xf32, #tpu.memory_space<hbm>> -> memref<200x128xf32, #tpu.memory_space<hbm>>
    tpu.wait_dma2 semaphore(%arg11 : memref<!tpu.dma_semaphore, #tpu.memory_space<semaphore_mem>>) src(%arg7 : memref<200x128xf32, #tpu.memory_space<vmem>>) dst(%dma_wait3A_455 : memref<200x128xf32, #tpu.memory_space<hbm>>)
    %add3A_456 = arith.constant 5200 : i32
    %add3A_457 = arith.addi %mul3A_2, %add3A_456 : i32
    "tpu.region"() ({
      %run_scoped3A = tpu.sem_alloc : memref<!tpu.dma_semaphore, #tpu.memory_space<semaphore_mem>>
      %dma_start3A_901 = tpu.memref_slice %arg3[%add3A_457] : memref<320000xi32, #tpu.memory_space<hbm>> -> memref<200xi32, #tpu.memory_space<hbm>>
      %dma_start3A_902 = tpu.memref_slice %arg3[%add3A_457] : memref<320000xi32, #tpu.memory_space<hbm>> -> memref<200xi32, #tpu.memory_space<hbm>>
      tpu.enqueue_dma source(%dma_start3A_902 : memref<200xi32, #tpu.memory_space<hbm>>) target(%arg5 : memref<200xi32, #tpu.memory_space<vmem>>) target_semaphore(%run_scoped3A : memref<!tpu.dma_semaphore, #tpu.memory_space<semaphore_mem>>)
      %dma_wait3A_903 = tpu.memref_slice %arg3[%add3A_457] : memref<320000xi32, #tpu.memory_space<hbm>> -> memref<200xi32, #tpu.memory_space<hbm>>
      %dma_wait3A_904 = tpu.memref_slice %arg3[%add3A_457] : memref<320000xi32, #tpu.memory_space<hbm>> -> memref<200xi32, #tpu.memory_space<hbm>>
      tpu.wait_dma2 semaphore(%run_scoped3A : memref<!tpu.dma_semaphore, #tpu.memory_space<semaphore_mem>>) src(%dma_wait3A_904 : memref<200xi32, #tpu.memory_space<hbm>>) dst(%arg5 : memref<200xi32, #tpu.memory_space<vmem>>)
      tpu.yield
    }) : () -> ()
    %dma_start3A_458 = arith.constant 0 : i32
    %dma_start3A_459 = arith.constant 0 : i32
    %dma_start3A_460 = tpu.memref_slice %arg2[%dma_start3A_458, %dma_start3A_459] : memref<10016x128xf32, #tpu.memory_space<hbm>> -> memref<10016x128xf32, #tpu.memory_space<hbm>>
    tpu.enqueue_indirect_dma source(%dma_start3A_460 : memref<10016x128xf32, #tpu.memory_space<hbm>>) target(%arg7 : memref<200x128xf32, #tpu.memory_space<vmem>>) offsets(%arg5 : memref<200xi32, #tpu.memory_space<vmem>>) semaphore(%arg9 : memref<!tpu.dma_semaphore, #tpu.memory_space<semaphore_mem>>)
    %dma_wait3A_461 = arith.constant 0 : i32
    %dma_wait3A_462 = arith.constant 0 : i32
    %dma_wait3A_463 = tpu.memref_slice %arg2[%dma_wait3A_461, %dma_wait3A_462] : memref<10016x128xf32, #tpu.memory_space<hbm>> -> memref<10016x128xf32, #tpu.memory_space<hbm>>
    tpu.wait_indirect_dma semaphore(%arg10 : memref<!tpu.dma_semaphore, #tpu.memory_space<semaphore_mem>>) src(%dma_wait3A_463 : memref<10016x128xf32, #tpu.memory_space<hbm>>) dst(%arg8 : memref<200x128xf32, #tpu.memory_space<vmem>>)
    %add3A_464 = arith.constant 5000 : i32
    %add3A_465 = arith.addi %mul3A_2, %add3A_464 : i32
    %dma_start3A_466 = arith.constant 0 : i32
    %dma_start3A_467 = tpu.memref_slice %arg4[%add3A_465, %dma_start3A_466] : memref<320000x128xf32, #tpu.memory_space<hbm>> -> memref<200x128xf32, #tpu.memory_space<hbm>>
    %dma_start3A_468 = arith.constant 0 : i32
    %dma_start3A_469 = tpu.memref_slice %arg4[%add3A_465, %dma_start3A_468] : memref<320000x128xf32, #tpu.memory_space<hbm>> -> memref<200x128xf32, #tpu.memory_space<hbm>>
    tpu.enqueue_dma source(%arg8 : memref<200x128xf32, #tpu.memory_space<vmem>>) target(%dma_start3A_469 : memref<200x128xf32, #tpu.memory_space<hbm>>) target_semaphore(%arg12 : memref<!tpu.dma_semaphore, #tpu.memory_space<semaphore_mem>>)
    %dma_wait3A_470 = arith.constant 0 : i32
    %dma_wait3A_471 = tpu.memref_slice %arg4[%mul3A_2, %dma_wait3A_470] : memref<320000x128xf32, #tpu.memory_space<hbm>> -> memref<200x128xf32, #tpu.memory_space<hbm>>
    %dma_wait3A_472 = arith.constant 0 : i32
    %dma_wait3A_473 = tpu.memref_slice %arg4[%mul3A_2, %dma_wait3A_472] : memref<320000x128xf32, #tpu.memory_space<hbm>> -> memref<200x128xf32, #tpu.memory_space<hbm>>
    tpu.wait_dma2 semaphore(%arg12 : memref<!tpu.dma_semaphore, #tpu.memory_space<semaphore_mem>>) src(%arg8 : memref<200x128xf32, #tpu.memory_space<vmem>>) dst(%dma_wait3A_473 : memref<200x128xf32, #tpu.memory_space<hbm>>)
    %add3A_474 = arith.constant 5400 : i32
    %add3A_475 = arith.addi %mul3A_2, %add3A_474 : i32
    "tpu.region"() ({
      %run_scoped3A = tpu.sem_alloc : memref<!tpu.dma_semaphore, #tpu.memory_space<semaphore_mem>>
      %dma_start3A_901 = tpu.memref_slice %arg3[%add3A_475] : memref<320000xi32, #tpu.memory_space<hbm>> -> memref<200xi32, #tpu.memory_space<hbm>>
      %dma_start3A_902 = tpu.memref_slice %arg3[%add3A_475] : memref<320000xi32, #tpu.memory_space<hbm>> -> memref<200xi32, #tpu.memory_space<hbm>>
      tpu.enqueue_dma source(%dma_start3A_902 : memref<200xi32, #tpu.memory_space<hbm>>) target(%arg6 : memref<200xi32, #tpu.memory_space<vmem>>) target_semaphore(%run_scoped3A : memref<!tpu.dma_semaphore, #tpu.memory_space<semaphore_mem>>)
      %dma_wait3A_903 = tpu.memref_slice %arg3[%add3A_475] : memref<320000xi32, #tpu.memory_space<hbm>> -> memref<200xi32, #tpu.memory_space<hbm>>
      %dma_wait3A_904 = tpu.memref_slice %arg3[%add3A_475] : memref<320000xi32, #tpu.memory_space<hbm>> -> memref<200xi32, #tpu.memory_space<hbm>>
      tpu.wait_dma2 semaphore(%run_scoped3A : memref<!tpu.dma_semaphore, #tpu.memory_space<semaphore_mem>>) src(%dma_wait3A_904 : memref<200xi32, #tpu.memory_space<hbm>>) dst(%arg6 : memref<200xi32, #tpu.memory_space<vmem>>)
      tpu.yield
    }) : () -> ()
    %dma_start3A_476 = arith.constant 0 : i32
    %dma_start3A_477 = arith.constant 0 : i32
    %dma_start3A_478 = tpu.memref_slice %arg2[%dma_start3A_476, %dma_start3A_477] : memref<10016x128xf32, #tpu.memory_space<hbm>> -> memref<10016x128xf32, #tpu.memory_space<hbm>>
    tpu.enqueue_indirect_dma source(%dma_start3A_478 : memref<10016x128xf32, #tpu.memory_space<hbm>>) target(%arg8 : memref<200x128xf32, #tpu.memory_space<vmem>>) offsets(%arg6 : memref<200xi32, #tpu.memory_space<vmem>>) semaphore(%arg10 : memref<!tpu.dma_semaphore, #tpu.memory_space<semaphore_mem>>)
    %dma_wait3A_479 = arith.constant 0 : i32
    %dma_wait3A_480 = arith.constant 0 : i32
    %dma_wait3A_481 = tpu.memref_slice %arg2[%dma_wait3A_479, %dma_wait3A_480] : memref<10016x128xf32, #tpu.memory_space<hbm>> -> memref<10016x128xf32, #tpu.memory_space<hbm>>
    tpu.wait_indirect_dma semaphore(%arg9 : memref<!tpu.dma_semaphore, #tpu.memory_space<semaphore_mem>>) src(%dma_wait3A_481 : memref<10016x128xf32, #tpu.memory_space<hbm>>) dst(%arg7 : memref<200x128xf32, #tpu.memory_space<vmem>>)
    %add3A_482 = arith.constant 5200 : i32
    %add3A_483 = arith.addi %mul3A_2, %add3A_482 : i32
    %dma_start3A_484 = arith.constant 0 : i32
    %dma_start3A_485 = tpu.memref_slice %arg4[%add3A_483, %dma_start3A_484] : memref<320000x128xf32, #tpu.memory_space<hbm>> -> memref<200x128xf32, #tpu.memory_space<hbm>>
    %dma_start3A_486 = arith.constant 0 : i32
    %dma_start3A_487 = tpu.memref_slice %arg4[%add3A_483, %dma_start3A_486] : memref<320000x128xf32, #tpu.memory_space<hbm>> -> memref<200x128xf32, #tpu.memory_space<hbm>>
    tpu.enqueue_dma source(%arg7 : memref<200x128xf32, #tpu.memory_space<vmem>>) target(%dma_start3A_487 : memref<200x128xf32, #tpu.memory_space<hbm>>) target_semaphore(%arg11 : memref<!tpu.dma_semaphore, #tpu.memory_space<semaphore_mem>>)
    %dma_wait3A_488 = arith.constant 0 : i32
    %dma_wait3A_489 = tpu.memref_slice %arg4[%mul3A_2, %dma_wait3A_488] : memref<320000x128xf32, #tpu.memory_space<hbm>> -> memref<200x128xf32, #tpu.memory_space<hbm>>
    %dma_wait3A_490 = arith.constant 0 : i32
    %dma_wait3A_491 = tpu.memref_slice %arg4[%mul3A_2, %dma_wait3A_490] : memref<320000x128xf32, #tpu.memory_space<hbm>> -> memref<200x128xf32, #tpu.memory_space<hbm>>
    tpu.wait_dma2 semaphore(%arg11 : memref<!tpu.dma_semaphore, #tpu.memory_space<semaphore_mem>>) src(%arg7 : memref<200x128xf32, #tpu.memory_space<vmem>>) dst(%dma_wait3A_491 : memref<200x128xf32, #tpu.memory_space<hbm>>)
    %add3A_492 = arith.constant 5600 : i32
    %add3A_493 = arith.addi %mul3A_2, %add3A_492 : i32
    "tpu.region"() ({
      %run_scoped3A = tpu.sem_alloc : memref<!tpu.dma_semaphore, #tpu.memory_space<semaphore_mem>>
      %dma_start3A_901 = tpu.memref_slice %arg3[%add3A_493] : memref<320000xi32, #tpu.memory_space<hbm>> -> memref<200xi32, #tpu.memory_space<hbm>>
      %dma_start3A_902 = tpu.memref_slice %arg3[%add3A_493] : memref<320000xi32, #tpu.memory_space<hbm>> -> memref<200xi32, #tpu.memory_space<hbm>>
      tpu.enqueue_dma source(%dma_start3A_902 : memref<200xi32, #tpu.memory_space<hbm>>) target(%arg5 : memref<200xi32, #tpu.memory_space<vmem>>) target_semaphore(%run_scoped3A : memref<!tpu.dma_semaphore, #tpu.memory_space<semaphore_mem>>)
      %dma_wait3A_903 = tpu.memref_slice %arg3[%add3A_493] : memref<320000xi32, #tpu.memory_space<hbm>> -> memref<200xi32, #tpu.memory_space<hbm>>
      %dma_wait3A_904 = tpu.memref_slice %arg3[%add3A_493] : memref<320000xi32, #tpu.memory_space<hbm>> -> memref<200xi32, #tpu.memory_space<hbm>>
      tpu.wait_dma2 semaphore(%run_scoped3A : memref<!tpu.dma_semaphore, #tpu.memory_space<semaphore_mem>>) src(%dma_wait3A_904 : memref<200xi32, #tpu.memory_space<hbm>>) dst(%arg5 : memref<200xi32, #tpu.memory_space<vmem>>)
      tpu.yield
    }) : () -> ()
    %dma_start3A_494 = arith.constant 0 : i32
    %dma_start3A_495 = arith.constant 0 : i32
    %dma_start3A_496 = tpu.memref_slice %arg2[%dma_start3A_494, %dma_start3A_495] : memref<10016x128xf32, #tpu.memory_space<hbm>> -> memref<10016x128xf32, #tpu.memory_space<hbm>>
    tpu.enqueue_indirect_dma source(%dma_start3A_496 : memref<10016x128xf32, #tpu.memory_space<hbm>>) target(%arg7 : memref<200x128xf32, #tpu.memory_space<vmem>>) offsets(%arg5 : memref<200xi32, #tpu.memory_space<vmem>>) semaphore(%arg9 : memref<!tpu.dma_semaphore, #tpu.memory_space<semaphore_mem>>)
    %dma_wait3A_497 = arith.constant 0 : i32
    %dma_wait3A_498 = arith.constant 0 : i32
    %dma_wait3A_499 = tpu.memref_slice %arg2[%dma_wait3A_497, %dma_wait3A_498] : memref<10016x128xf32, #tpu.memory_space<hbm>> -> memref<10016x128xf32, #tpu.memory_space<hbm>>
    tpu.wait_indirect_dma semaphore(%arg10 : memref<!tpu.dma_semaphore, #tpu.memory_space<semaphore_mem>>) src(%dma_wait3A_499 : memref<10016x128xf32, #tpu.memory_space<hbm>>) dst(%arg8 : memref<200x128xf32, #tpu.memory_space<vmem>>)
    %add3A_500 = arith.constant 5400 : i32
    %add3A_501 = arith.addi %mul3A_2, %add3A_500 : i32
    %dma_start3A_502 = arith.constant 0 : i32
    %dma_start3A_503 = tpu.memref_slice %arg4[%add3A_501, %dma_start3A_502] : memref<320000x128xf32, #tpu.memory_space<hbm>> -> memref<200x128xf32, #tpu.memory_space<hbm>>
    %dma_start3A_504 = arith.constant 0 : i32
    %dma_start3A_505 = tpu.memref_slice %arg4[%add3A_501, %dma_start3A_504] : memref<320000x128xf32, #tpu.memory_space<hbm>> -> memref<200x128xf32, #tpu.memory_space<hbm>>
    tpu.enqueue_dma source(%arg8 : memref<200x128xf32, #tpu.memory_space<vmem>>) target(%dma_start3A_505 : memref<200x128xf32, #tpu.memory_space<hbm>>) target_semaphore(%arg12 : memref<!tpu.dma_semaphore, #tpu.memory_space<semaphore_mem>>)
    %dma_wait3A_506 = arith.constant 0 : i32
    %dma_wait3A_507 = tpu.memref_slice %arg4[%mul3A_2, %dma_wait3A_506] : memref<320000x128xf32, #tpu.memory_space<hbm>> -> memref<200x128xf32, #tpu.memory_space<hbm>>
    %dma_wait3A_508 = arith.constant 0 : i32
    %dma_wait3A_509 = tpu.memref_slice %arg4[%mul3A_2, %dma_wait3A_508] : memref<320000x128xf32, #tpu.memory_space<hbm>> -> memref<200x128xf32, #tpu.memory_space<hbm>>
    tpu.wait_dma2 semaphore(%arg12 : memref<!tpu.dma_semaphore, #tpu.memory_space<semaphore_mem>>) src(%arg8 : memref<200x128xf32, #tpu.memory_space<vmem>>) dst(%dma_wait3A_509 : memref<200x128xf32, #tpu.memory_space<hbm>>)
    %add3A_510 = arith.constant 5800 : i32
    %add3A_511 = arith.addi %mul3A_2, %add3A_510 : i32
    "tpu.region"() ({
      %run_scoped3A = tpu.sem_alloc : memref<!tpu.dma_semaphore, #tpu.memory_space<semaphore_mem>>
      %dma_start3A_901 = tpu.memref_slice %arg3[%add3A_511] : memref<320000xi32, #tpu.memory_space<hbm>> -> memref<200xi32, #tpu.memory_space<hbm>>
      %dma_start3A_902 = tpu.memref_slice %arg3[%add3A_511] : memref<320000xi32, #tpu.memory_space<hbm>> -> memref<200xi32, #tpu.memory_space<hbm>>
      tpu.enqueue_dma source(%dma_start3A_902 : memref<200xi32, #tpu.memory_space<hbm>>) target(%arg6 : memref<200xi32, #tpu.memory_space<vmem>>) target_semaphore(%run_scoped3A : memref<!tpu.dma_semaphore, #tpu.memory_space<semaphore_mem>>)
      %dma_wait3A_903 = tpu.memref_slice %arg3[%add3A_511] : memref<320000xi32, #tpu.memory_space<hbm>> -> memref<200xi32, #tpu.memory_space<hbm>>
      %dma_wait3A_904 = tpu.memref_slice %arg3[%add3A_511] : memref<320000xi32, #tpu.memory_space<hbm>> -> memref<200xi32, #tpu.memory_space<hbm>>
      tpu.wait_dma2 semaphore(%run_scoped3A : memref<!tpu.dma_semaphore, #tpu.memory_space<semaphore_mem>>) src(%dma_wait3A_904 : memref<200xi32, #tpu.memory_space<hbm>>) dst(%arg6 : memref<200xi32, #tpu.memory_space<vmem>>)
      tpu.yield
    }) : () -> ()
    %dma_start3A_512 = arith.constant 0 : i32
    %dma_start3A_513 = arith.constant 0 : i32
    %dma_start3A_514 = tpu.memref_slice %arg2[%dma_start3A_512, %dma_start3A_513] : memref<10016x128xf32, #tpu.memory_space<hbm>> -> memref<10016x128xf32, #tpu.memory_space<hbm>>
    tpu.enqueue_indirect_dma source(%dma_start3A_514 : memref<10016x128xf32, #tpu.memory_space<hbm>>) target(%arg8 : memref<200x128xf32, #tpu.memory_space<vmem>>) offsets(%arg6 : memref<200xi32, #tpu.memory_space<vmem>>) semaphore(%arg10 : memref<!tpu.dma_semaphore, #tpu.memory_space<semaphore_mem>>)
    %dma_wait3A_515 = arith.constant 0 : i32
    %dma_wait3A_516 = arith.constant 0 : i32
    %dma_wait3A_517 = tpu.memref_slice %arg2[%dma_wait3A_515, %dma_wait3A_516] : memref<10016x128xf32, #tpu.memory_space<hbm>> -> memref<10016x128xf32, #tpu.memory_space<hbm>>
    tpu.wait_indirect_dma semaphore(%arg9 : memref<!tpu.dma_semaphore, #tpu.memory_space<semaphore_mem>>) src(%dma_wait3A_517 : memref<10016x128xf32, #tpu.memory_space<hbm>>) dst(%arg7 : memref<200x128xf32, #tpu.memory_space<vmem>>)
    %add3A_518 = arith.constant 5600 : i32
    %add3A_519 = arith.addi %mul3A_2, %add3A_518 : i32
    %dma_start3A_520 = arith.constant 0 : i32
    %dma_start3A_521 = tpu.memref_slice %arg4[%add3A_519, %dma_start3A_520] : memref<320000x128xf32, #tpu.memory_space<hbm>> -> memref<200x128xf32, #tpu.memory_space<hbm>>
    %dma_start3A_522 = arith.constant 0 : i32
    %dma_start3A_523 = tpu.memref_slice %arg4[%add3A_519, %dma_start3A_522] : memref<320000x128xf32, #tpu.memory_space<hbm>> -> memref<200x128xf32, #tpu.memory_space<hbm>>
    tpu.enqueue_dma source(%arg7 : memref<200x128xf32, #tpu.memory_space<vmem>>) target(%dma_start3A_523 : memref<200x128xf32, #tpu.memory_space<hbm>>) target_semaphore(%arg11 : memref<!tpu.dma_semaphore, #tpu.memory_space<semaphore_mem>>)
    %dma_wait3A_524 = arith.constant 0 : i32
    %dma_wait3A_525 = tpu.memref_slice %arg4[%mul3A_2, %dma_wait3A_524] : memref<320000x128xf32, #tpu.memory_space<hbm>> -> memref<200x128xf32, #tpu.memory_space<hbm>>
    %dma_wait3A_526 = arith.constant 0 : i32
    %dma_wait3A_527 = tpu.memref_slice %arg4[%mul3A_2, %dma_wait3A_526] : memref<320000x128xf32, #tpu.memory_space<hbm>> -> memref<200x128xf32, #tpu.memory_space<hbm>>
    tpu.wait_dma2 semaphore(%arg11 : memref<!tpu.dma_semaphore, #tpu.memory_space<semaphore_mem>>) src(%arg7 : memref<200x128xf32, #tpu.memory_space<vmem>>) dst(%dma_wait3A_527 : memref<200x128xf32, #tpu.memory_space<hbm>>)
    %add3A_528 = arith.constant 6000 : i32
    %add3A_529 = arith.addi %mul3A_2, %add3A_528 : i32
    "tpu.region"() ({
      %run_scoped3A = tpu.sem_alloc : memref<!tpu.dma_semaphore, #tpu.memory_space<semaphore_mem>>
      %dma_start3A_901 = tpu.memref_slice %arg3[%add3A_529] : memref<320000xi32, #tpu.memory_space<hbm>> -> memref<200xi32, #tpu.memory_space<hbm>>
      %dma_start3A_902 = tpu.memref_slice %arg3[%add3A_529] : memref<320000xi32, #tpu.memory_space<hbm>> -> memref<200xi32, #tpu.memory_space<hbm>>
      tpu.enqueue_dma source(%dma_start3A_902 : memref<200xi32, #tpu.memory_space<hbm>>) target(%arg5 : memref<200xi32, #tpu.memory_space<vmem>>) target_semaphore(%run_scoped3A : memref<!tpu.dma_semaphore, #tpu.memory_space<semaphore_mem>>)
      %dma_wait3A_903 = tpu.memref_slice %arg3[%add3A_529] : memref<320000xi32, #tpu.memory_space<hbm>> -> memref<200xi32, #tpu.memory_space<hbm>>
      %dma_wait3A_904 = tpu.memref_slice %arg3[%add3A_529] : memref<320000xi32, #tpu.memory_space<hbm>> -> memref<200xi32, #tpu.memory_space<hbm>>
      tpu.wait_dma2 semaphore(%run_scoped3A : memref<!tpu.dma_semaphore, #tpu.memory_space<semaphore_mem>>) src(%dma_wait3A_904 : memref<200xi32, #tpu.memory_space<hbm>>) dst(%arg5 : memref<200xi32, #tpu.memory_space<vmem>>)
      tpu.yield
    }) : () -> ()
    %dma_start3A_530 = arith.constant 0 : i32
    %dma_start3A_531 = arith.constant 0 : i32
    %dma_start3A_532 = tpu.memref_slice %arg2[%dma_start3A_530, %dma_start3A_531] : memref<10016x128xf32, #tpu.memory_space<hbm>> -> memref<10016x128xf32, #tpu.memory_space<hbm>>
    tpu.enqueue_indirect_dma source(%dma_start3A_532 : memref<10016x128xf32, #tpu.memory_space<hbm>>) target(%arg7 : memref<200x128xf32, #tpu.memory_space<vmem>>) offsets(%arg5 : memref<200xi32, #tpu.memory_space<vmem>>) semaphore(%arg9 : memref<!tpu.dma_semaphore, #tpu.memory_space<semaphore_mem>>)
    %dma_wait3A_533 = arith.constant 0 : i32
    %dma_wait3A_534 = arith.constant 0 : i32
    %dma_wait3A_535 = tpu.memref_slice %arg2[%dma_wait3A_533, %dma_wait3A_534] : memref<10016x128xf32, #tpu.memory_space<hbm>> -> memref<10016x128xf32, #tpu.memory_space<hbm>>
    tpu.wait_indirect_dma semaphore(%arg10 : memref<!tpu.dma_semaphore, #tpu.memory_space<semaphore_mem>>) src(%dma_wait3A_535 : memref<10016x128xf32, #tpu.memory_space<hbm>>) dst(%arg8 : memref<200x128xf32, #tpu.memory_space<vmem>>)
    %add3A_536 = arith.constant 5800 : i32
    %add3A_537 = arith.addi %mul3A_2, %add3A_536 : i32
    %dma_start3A_538 = arith.constant 0 : i32
    %dma_start3A_539 = tpu.memref_slice %arg4[%add3A_537, %dma_start3A_538] : memref<320000x128xf32, #tpu.memory_space<hbm>> -> memref<200x128xf32, #tpu.memory_space<hbm>>
    %dma_start3A_540 = arith.constant 0 : i32
    %dma_start3A_541 = tpu.memref_slice %arg4[%add3A_537, %dma_start3A_540] : memref<320000x128xf32, #tpu.memory_space<hbm>> -> memref<200x128xf32, #tpu.memory_space<hbm>>
    tpu.enqueue_dma source(%arg8 : memref<200x128xf32, #tpu.memory_space<vmem>>) target(%dma_start3A_541 : memref<200x128xf32, #tpu.memory_space<hbm>>) target_semaphore(%arg12 : memref<!tpu.dma_semaphore, #tpu.memory_space<semaphore_mem>>)
    %dma_wait3A_542 = arith.constant 0 : i32
    %dma_wait3A_543 = tpu.memref_slice %arg4[%mul3A_2, %dma_wait3A_542] : memref<320000x128xf32, #tpu.memory_space<hbm>> -> memref<200x128xf32, #tpu.memory_space<hbm>>
    %dma_wait3A_544 = arith.constant 0 : i32
    %dma_wait3A_545 = tpu.memref_slice %arg4[%mul3A_2, %dma_wait3A_544] : memref<320000x128xf32, #tpu.memory_space<hbm>> -> memref<200x128xf32, #tpu.memory_space<hbm>>
    tpu.wait_dma2 semaphore(%arg12 : memref<!tpu.dma_semaphore, #tpu.memory_space<semaphore_mem>>) src(%arg8 : memref<200x128xf32, #tpu.memory_space<vmem>>) dst(%dma_wait3A_545 : memref<200x128xf32, #tpu.memory_space<hbm>>)
    %add3A_546 = arith.constant 6200 : i32
    %add3A_547 = arith.addi %mul3A_2, %add3A_546 : i32
    "tpu.region"() ({
      %run_scoped3A = tpu.sem_alloc : memref<!tpu.dma_semaphore, #tpu.memory_space<semaphore_mem>>
      %dma_start3A_901 = tpu.memref_slice %arg3[%add3A_547] : memref<320000xi32, #tpu.memory_space<hbm>> -> memref<200xi32, #tpu.memory_space<hbm>>
      %dma_start3A_902 = tpu.memref_slice %arg3[%add3A_547] : memref<320000xi32, #tpu.memory_space<hbm>> -> memref<200xi32, #tpu.memory_space<hbm>>
      tpu.enqueue_dma source(%dma_start3A_902 : memref<200xi32, #tpu.memory_space<hbm>>) target(%arg6 : memref<200xi32, #tpu.memory_space<vmem>>) target_semaphore(%run_scoped3A : memref<!tpu.dma_semaphore, #tpu.memory_space<semaphore_mem>>)
      %dma_wait3A_903 = tpu.memref_slice %arg3[%add3A_547] : memref<320000xi32, #tpu.memory_space<hbm>> -> memref<200xi32, #tpu.memory_space<hbm>>
      %dma_wait3A_904 = tpu.memref_slice %arg3[%add3A_547] : memref<320000xi32, #tpu.memory_space<hbm>> -> memref<200xi32, #tpu.memory_space<hbm>>
      tpu.wait_dma2 semaphore(%run_scoped3A : memref<!tpu.dma_semaphore, #tpu.memory_space<semaphore_mem>>) src(%dma_wait3A_904 : memref<200xi32, #tpu.memory_space<hbm>>) dst(%arg6 : memref<200xi32, #tpu.memory_space<vmem>>)
      tpu.yield
    }) : () -> ()
    %dma_start3A_548 = arith.constant 0 : i32
    %dma_start3A_549 = arith.constant 0 : i32
    %dma_start3A_550 = tpu.memref_slice %arg2[%dma_start3A_548, %dma_start3A_549] : memref<10016x128xf32, #tpu.memory_space<hbm>> -> memref<10016x128xf32, #tpu.memory_space<hbm>>
    tpu.enqueue_indirect_dma source(%dma_start3A_550 : memref<10016x128xf32, #tpu.memory_space<hbm>>) target(%arg8 : memref<200x128xf32, #tpu.memory_space<vmem>>) offsets(%arg6 : memref<200xi32, #tpu.memory_space<vmem>>) semaphore(%arg10 : memref<!tpu.dma_semaphore, #tpu.memory_space<semaphore_mem>>)
    %dma_wait3A_551 = arith.constant 0 : i32
    %dma_wait3A_552 = arith.constant 0 : i32
    %dma_wait3A_553 = tpu.memref_slice %arg2[%dma_wait3A_551, %dma_wait3A_552] : memref<10016x128xf32, #tpu.memory_space<hbm>> -> memref<10016x128xf32, #tpu.memory_space<hbm>>
    tpu.wait_indirect_dma semaphore(%arg9 : memref<!tpu.dma_semaphore, #tpu.memory_space<semaphore_mem>>) src(%dma_wait3A_553 : memref<10016x128xf32, #tpu.memory_space<hbm>>) dst(%arg7 : memref<200x128xf32, #tpu.memory_space<vmem>>)
    %add3A_554 = arith.constant 6000 : i32
    %add3A_555 = arith.addi %mul3A_2, %add3A_554 : i32
    %dma_start3A_556 = arith.constant 0 : i32
    %dma_start3A_557 = tpu.memref_slice %arg4[%add3A_555, %dma_start3A_556] : memref<320000x128xf32, #tpu.memory_space<hbm>> -> memref<200x128xf32, #tpu.memory_space<hbm>>
    %dma_start3A_558 = arith.constant 0 : i32
    %dma_start3A_559 = tpu.memref_slice %arg4[%add3A_555, %dma_start3A_558] : memref<320000x128xf32, #tpu.memory_space<hbm>> -> memref<200x128xf32, #tpu.memory_space<hbm>>
    tpu.enqueue_dma source(%arg7 : memref<200x128xf32, #tpu.memory_space<vmem>>) target(%dma_start3A_559 : memref<200x128xf32, #tpu.memory_space<hbm>>) target_semaphore(%arg11 : memref<!tpu.dma_semaphore, #tpu.memory_space<semaphore_mem>>)
    %dma_wait3A_560 = arith.constant 0 : i32
    %dma_wait3A_561 = tpu.memref_slice %arg4[%mul3A_2, %dma_wait3A_560] : memref<320000x128xf32, #tpu.memory_space<hbm>> -> memref<200x128xf32, #tpu.memory_space<hbm>>
    %dma_wait3A_562 = arith.constant 0 : i32
    %dma_wait3A_563 = tpu.memref_slice %arg4[%mul3A_2, %dma_wait3A_562] : memref<320000x128xf32, #tpu.memory_space<hbm>> -> memref<200x128xf32, #tpu.memory_space<hbm>>
    tpu.wait_dma2 semaphore(%arg11 : memref<!tpu.dma_semaphore, #tpu.memory_space<semaphore_mem>>) src(%arg7 : memref<200x128xf32, #tpu.memory_space<vmem>>) dst(%dma_wait3A_563 : memref<200x128xf32, #tpu.memory_space<hbm>>)
    %add3A_564 = arith.constant 6400 : i32
    %add3A_565 = arith.addi %mul3A_2, %add3A_564 : i32
    "tpu.region"() ({
      %run_scoped3A = tpu.sem_alloc : memref<!tpu.dma_semaphore, #tpu.memory_space<semaphore_mem>>
      %dma_start3A_901 = tpu.memref_slice %arg3[%add3A_565] : memref<320000xi32, #tpu.memory_space<hbm>> -> memref<200xi32, #tpu.memory_space<hbm>>
      %dma_start3A_902 = tpu.memref_slice %arg3[%add3A_565] : memref<320000xi32, #tpu.memory_space<hbm>> -> memref<200xi32, #tpu.memory_space<hbm>>
      tpu.enqueue_dma source(%dma_start3A_902 : memref<200xi32, #tpu.memory_space<hbm>>) target(%arg5 : memref<200xi32, #tpu.memory_space<vmem>>) target_semaphore(%run_scoped3A : memref<!tpu.dma_semaphore, #tpu.memory_space<semaphore_mem>>)
      %dma_wait3A_903 = tpu.memref_slice %arg3[%add3A_565] : memref<320000xi32, #tpu.memory_space<hbm>> -> memref<200xi32, #tpu.memory_space<hbm>>
      %dma_wait3A_904 = tpu.memref_slice %arg3[%add3A_565] : memref<320000xi32, #tpu.memory_space<hbm>> -> memref<200xi32, #tpu.memory_space<hbm>>
      tpu.wait_dma2 semaphore(%run_scoped3A : memref<!tpu.dma_semaphore, #tpu.memory_space<semaphore_mem>>) src(%dma_wait3A_904 : memref<200xi32, #tpu.memory_space<hbm>>) dst(%arg5 : memref<200xi32, #tpu.memory_space<vmem>>)
      tpu.yield
    }) : () -> ()
    %dma_start3A_566 = arith.constant 0 : i32
    %dma_start3A_567 = arith.constant 0 : i32
    %dma_start3A_568 = tpu.memref_slice %arg2[%dma_start3A_566, %dma_start3A_567] : memref<10016x128xf32, #tpu.memory_space<hbm>> -> memref<10016x128xf32, #tpu.memory_space<hbm>>
    tpu.enqueue_indirect_dma source(%dma_start3A_568 : memref<10016x128xf32, #tpu.memory_space<hbm>>) target(%arg7 : memref<200x128xf32, #tpu.memory_space<vmem>>) offsets(%arg5 : memref<200xi32, #tpu.memory_space<vmem>>) semaphore(%arg9 : memref<!tpu.dma_semaphore, #tpu.memory_space<semaphore_mem>>)
    %dma_wait3A_569 = arith.constant 0 : i32
    %dma_wait3A_570 = arith.constant 0 : i32
    %dma_wait3A_571 = tpu.memref_slice %arg2[%dma_wait3A_569, %dma_wait3A_570] : memref<10016x128xf32, #tpu.memory_space<hbm>> -> memref<10016x128xf32, #tpu.memory_space<hbm>>
    tpu.wait_indirect_dma semaphore(%arg10 : memref<!tpu.dma_semaphore, #tpu.memory_space<semaphore_mem>>) src(%dma_wait3A_571 : memref<10016x128xf32, #tpu.memory_space<hbm>>) dst(%arg8 : memref<200x128xf32, #tpu.memory_space<vmem>>)
    %add3A_572 = arith.constant 6200 : i32
    %add3A_573 = arith.addi %mul3A_2, %add3A_572 : i32
    %dma_start3A_574 = arith.constant 0 : i32
    %dma_start3A_575 = tpu.memref_slice %arg4[%add3A_573, %dma_start3A_574] : memref<320000x128xf32, #tpu.memory_space<hbm>> -> memref<200x128xf32, #tpu.memory_space<hbm>>
    %dma_start3A_576 = arith.constant 0 : i32
    %dma_start3A_577 = tpu.memref_slice %arg4[%add3A_573, %dma_start3A_576] : memref<320000x128xf32, #tpu.memory_space<hbm>> -> memref<200x128xf32, #tpu.memory_space<hbm>>
    tpu.enqueue_dma source(%arg8 : memref<200x128xf32, #tpu.memory_space<vmem>>) target(%dma_start3A_577 : memref<200x128xf32, #tpu.memory_space<hbm>>) target_semaphore(%arg12 : memref<!tpu.dma_semaphore, #tpu.memory_space<semaphore_mem>>)
    %dma_wait3A_578 = arith.constant 0 : i32
    %dma_wait3A_579 = tpu.memref_slice %arg4[%mul3A_2, %dma_wait3A_578] : memref<320000x128xf32, #tpu.memory_space<hbm>> -> memref<200x128xf32, #tpu.memory_space<hbm>>
    %dma_wait3A_580 = arith.constant 0 : i32
    %dma_wait3A_581 = tpu.memref_slice %arg4[%mul3A_2, %dma_wait3A_580] : memref<320000x128xf32, #tpu.memory_space<hbm>> -> memref<200x128xf32, #tpu.memory_space<hbm>>
    tpu.wait_dma2 semaphore(%arg12 : memref<!tpu.dma_semaphore, #tpu.memory_space<semaphore_mem>>) src(%arg8 : memref<200x128xf32, #tpu.memory_space<vmem>>) dst(%dma_wait3A_581 : memref<200x128xf32, #tpu.memory_space<hbm>>)
    %add3A_582 = arith.constant 6600 : i32
    %add3A_583 = arith.addi %mul3A_2, %add3A_582 : i32
    "tpu.region"() ({
      %run_scoped3A = tpu.sem_alloc : memref<!tpu.dma_semaphore, #tpu.memory_space<semaphore_mem>>
      %dma_start3A_901 = tpu.memref_slice %arg3[%add3A_583] : memref<320000xi32, #tpu.memory_space<hbm>> -> memref<200xi32, #tpu.memory_space<hbm>>
      %dma_start3A_902 = tpu.memref_slice %arg3[%add3A_583] : memref<320000xi32, #tpu.memory_space<hbm>> -> memref<200xi32, #tpu.memory_space<hbm>>
      tpu.enqueue_dma source(%dma_start3A_902 : memref<200xi32, #tpu.memory_space<hbm>>) target(%arg6 : memref<200xi32, #tpu.memory_space<vmem>>) target_semaphore(%run_scoped3A : memref<!tpu.dma_semaphore, #tpu.memory_space<semaphore_mem>>)
      %dma_wait3A_903 = tpu.memref_slice %arg3[%add3A_583] : memref<320000xi32, #tpu.memory_space<hbm>> -> memref<200xi32, #tpu.memory_space<hbm>>
      %dma_wait3A_904 = tpu.memref_slice %arg3[%add3A_583] : memref<320000xi32, #tpu.memory_space<hbm>> -> memref<200xi32, #tpu.memory_space<hbm>>
      tpu.wait_dma2 semaphore(%run_scoped3A : memref<!tpu.dma_semaphore, #tpu.memory_space<semaphore_mem>>) src(%dma_wait3A_904 : memref<200xi32, #tpu.memory_space<hbm>>) dst(%arg6 : memref<200xi32, #tpu.memory_space<vmem>>)
      tpu.yield
    }) : () -> ()
    %dma_start3A_584 = arith.constant 0 : i32
    %dma_start3A_585 = arith.constant 0 : i32
    %dma_start3A_586 = tpu.memref_slice %arg2[%dma_start3A_584, %dma_start3A_585] : memref<10016x128xf32, #tpu.memory_space<hbm>> -> memref<10016x128xf32, #tpu.memory_space<hbm>>
    tpu.enqueue_indirect_dma source(%dma_start3A_586 : memref<10016x128xf32, #tpu.memory_space<hbm>>) target(%arg8 : memref<200x128xf32, #tpu.memory_space<vmem>>) offsets(%arg6 : memref<200xi32, #tpu.memory_space<vmem>>) semaphore(%arg10 : memref<!tpu.dma_semaphore, #tpu.memory_space<semaphore_mem>>)
    %dma_wait3A_587 = arith.constant 0 : i32
    %dma_wait3A_588 = arith.constant 0 : i32
    %dma_wait3A_589 = tpu.memref_slice %arg2[%dma_wait3A_587, %dma_wait3A_588] : memref<10016x128xf32, #tpu.memory_space<hbm>> -> memref<10016x128xf32, #tpu.memory_space<hbm>>
    tpu.wait_indirect_dma semaphore(%arg9 : memref<!tpu.dma_semaphore, #tpu.memory_space<semaphore_mem>>) src(%dma_wait3A_589 : memref<10016x128xf32, #tpu.memory_space<hbm>>) dst(%arg7 : memref<200x128xf32, #tpu.memory_space<vmem>>)
    %add3A_590 = arith.constant 6400 : i32
    %add3A_591 = arith.addi %mul3A_2, %add3A_590 : i32
    %dma_start3A_592 = arith.constant 0 : i32
    %dma_start3A_593 = tpu.memref_slice %arg4[%add3A_591, %dma_start3A_592] : memref<320000x128xf32, #tpu.memory_space<hbm>> -> memref<200x128xf32, #tpu.memory_space<hbm>>
    %dma_start3A_594 = arith.constant 0 : i32
    %dma_start3A_595 = tpu.memref_slice %arg4[%add3A_591, %dma_start3A_594] : memref<320000x128xf32, #tpu.memory_space<hbm>> -> memref<200x128xf32, #tpu.memory_space<hbm>>
    tpu.enqueue_dma source(%arg7 : memref<200x128xf32, #tpu.memory_space<vmem>>) target(%dma_start3A_595 : memref<200x128xf32, #tpu.memory_space<hbm>>) target_semaphore(%arg11 : memref<!tpu.dma_semaphore, #tpu.memory_space<semaphore_mem>>)
    %dma_wait3A_596 = arith.constant 0 : i32
    %dma_wait3A_597 = tpu.memref_slice %arg4[%mul3A_2, %dma_wait3A_596] : memref<320000x128xf32, #tpu.memory_space<hbm>> -> memref<200x128xf32, #tpu.memory_space<hbm>>
    %dma_wait3A_598 = arith.constant 0 : i32
    %dma_wait3A_599 = tpu.memref_slice %arg4[%mul3A_2, %dma_wait3A_598] : memref<320000x128xf32, #tpu.memory_space<hbm>> -> memref<200x128xf32, #tpu.memory_space<hbm>>
    tpu.wait_dma2 semaphore(%arg11 : memref<!tpu.dma_semaphore, #tpu.memory_space<semaphore_mem>>) src(%arg7 : memref<200x128xf32, #tpu.memory_space<vmem>>) dst(%dma_wait3A_599 : memref<200x128xf32, #tpu.memory_space<hbm>>)
    %add3A_600 = arith.constant 6800 : i32
    %add3A_601 = arith.addi %mul3A_2, %add3A_600 : i32
    "tpu.region"() ({
      %run_scoped3A = tpu.sem_alloc : memref<!tpu.dma_semaphore, #tpu.memory_space<semaphore_mem>>
      %dma_start3A_901 = tpu.memref_slice %arg3[%add3A_601] : memref<320000xi32, #tpu.memory_space<hbm>> -> memref<200xi32, #tpu.memory_space<hbm>>
      %dma_start3A_902 = tpu.memref_slice %arg3[%add3A_601] : memref<320000xi32, #tpu.memory_space<hbm>> -> memref<200xi32, #tpu.memory_space<hbm>>
      tpu.enqueue_dma source(%dma_start3A_902 : memref<200xi32, #tpu.memory_space<hbm>>) target(%arg5 : memref<200xi32, #tpu.memory_space<vmem>>) target_semaphore(%run_scoped3A : memref<!tpu.dma_semaphore, #tpu.memory_space<semaphore_mem>>)
      %dma_wait3A_903 = tpu.memref_slice %arg3[%add3A_601] : memref<320000xi32, #tpu.memory_space<hbm>> -> memref<200xi32, #tpu.memory_space<hbm>>
      %dma_wait3A_904 = tpu.memref_slice %arg3[%add3A_601] : memref<320000xi32, #tpu.memory_space<hbm>> -> memref<200xi32, #tpu.memory_space<hbm>>
      tpu.wait_dma2 semaphore(%run_scoped3A : memref<!tpu.dma_semaphore, #tpu.memory_space<semaphore_mem>>) src(%dma_wait3A_904 : memref<200xi32, #tpu.memory_space<hbm>>) dst(%arg5 : memref<200xi32, #tpu.memory_space<vmem>>)
      tpu.yield
    }) : () -> ()
    %dma_start3A_602 = arith.constant 0 : i32
    %dma_start3A_603 = arith.constant 0 : i32
    %dma_start3A_604 = tpu.memref_slice %arg2[%dma_start3A_602, %dma_start3A_603] : memref<10016x128xf32, #tpu.memory_space<hbm>> -> memref<10016x128xf32, #tpu.memory_space<hbm>>
    tpu.enqueue_indirect_dma source(%dma_start3A_604 : memref<10016x128xf32, #tpu.memory_space<hbm>>) target(%arg7 : memref<200x128xf32, #tpu.memory_space<vmem>>) offsets(%arg5 : memref<200xi32, #tpu.memory_space<vmem>>) semaphore(%arg9 : memref<!tpu.dma_semaphore, #tpu.memory_space<semaphore_mem>>)
    %dma_wait3A_605 = arith.constant 0 : i32
    %dma_wait3A_606 = arith.constant 0 : i32
    %dma_wait3A_607 = tpu.memref_slice %arg2[%dma_wait3A_605, %dma_wait3A_606] : memref<10016x128xf32, #tpu.memory_space<hbm>> -> memref<10016x128xf32, #tpu.memory_space<hbm>>
    tpu.wait_indirect_dma semaphore(%arg10 : memref<!tpu.dma_semaphore, #tpu.memory_space<semaphore_mem>>) src(%dma_wait3A_607 : memref<10016x128xf32, #tpu.memory_space<hbm>>) dst(%arg8 : memref<200x128xf32, #tpu.memory_space<vmem>>)
    %add3A_608 = arith.constant 6600 : i32
    %add3A_609 = arith.addi %mul3A_2, %add3A_608 : i32
    %dma_start3A_610 = arith.constant 0 : i32
    %dma_start3A_611 = tpu.memref_slice %arg4[%add3A_609, %dma_start3A_610] : memref<320000x128xf32, #tpu.memory_space<hbm>> -> memref<200x128xf32, #tpu.memory_space<hbm>>
    %dma_start3A_612 = arith.constant 0 : i32
    %dma_start3A_613 = tpu.memref_slice %arg4[%add3A_609, %dma_start3A_612] : memref<320000x128xf32, #tpu.memory_space<hbm>> -> memref<200x128xf32, #tpu.memory_space<hbm>>
    tpu.enqueue_dma source(%arg8 : memref<200x128xf32, #tpu.memory_space<vmem>>) target(%dma_start3A_613 : memref<200x128xf32, #tpu.memory_space<hbm>>) target_semaphore(%arg12 : memref<!tpu.dma_semaphore, #tpu.memory_space<semaphore_mem>>)
    %dma_wait3A_614 = arith.constant 0 : i32
    %dma_wait3A_615 = tpu.memref_slice %arg4[%mul3A_2, %dma_wait3A_614] : memref<320000x128xf32, #tpu.memory_space<hbm>> -> memref<200x128xf32, #tpu.memory_space<hbm>>
    %dma_wait3A_616 = arith.constant 0 : i32
    %dma_wait3A_617 = tpu.memref_slice %arg4[%mul3A_2, %dma_wait3A_616] : memref<320000x128xf32, #tpu.memory_space<hbm>> -> memref<200x128xf32, #tpu.memory_space<hbm>>
    tpu.wait_dma2 semaphore(%arg12 : memref<!tpu.dma_semaphore, #tpu.memory_space<semaphore_mem>>) src(%arg8 : memref<200x128xf32, #tpu.memory_space<vmem>>) dst(%dma_wait3A_617 : memref<200x128xf32, #tpu.memory_space<hbm>>)
    %add3A_618 = arith.constant 7000 : i32
    %add3A_619 = arith.addi %mul3A_2, %add3A_618 : i32
    "tpu.region"() ({
      %run_scoped3A = tpu.sem_alloc : memref<!tpu.dma_semaphore, #tpu.memory_space<semaphore_mem>>
      %dma_start3A_901 = tpu.memref_slice %arg3[%add3A_619] : memref<320000xi32, #tpu.memory_space<hbm>> -> memref<200xi32, #tpu.memory_space<hbm>>
      %dma_start3A_902 = tpu.memref_slice %arg3[%add3A_619] : memref<320000xi32, #tpu.memory_space<hbm>> -> memref<200xi32, #tpu.memory_space<hbm>>
      tpu.enqueue_dma source(%dma_start3A_902 : memref<200xi32, #tpu.memory_space<hbm>>) target(%arg6 : memref<200xi32, #tpu.memory_space<vmem>>) target_semaphore(%run_scoped3A : memref<!tpu.dma_semaphore, #tpu.memory_space<semaphore_mem>>)
      %dma_wait3A_903 = tpu.memref_slice %arg3[%add3A_619] : memref<320000xi32, #tpu.memory_space<hbm>> -> memref<200xi32, #tpu.memory_space<hbm>>
      %dma_wait3A_904 = tpu.memref_slice %arg3[%add3A_619] : memref<320000xi32, #tpu.memory_space<hbm>> -> memref<200xi32, #tpu.memory_space<hbm>>
      tpu.wait_dma2 semaphore(%run_scoped3A : memref<!tpu.dma_semaphore, #tpu.memory_space<semaphore_mem>>) src(%dma_wait3A_904 : memref<200xi32, #tpu.memory_space<hbm>>) dst(%arg6 : memref<200xi32, #tpu.memory_space<vmem>>)
      tpu.yield
    }) : () -> ()
    %dma_start3A_620 = arith.constant 0 : i32
    %dma_start3A_621 = arith.constant 0 : i32
    %dma_start3A_622 = tpu.memref_slice %arg2[%dma_start3A_620, %dma_start3A_621] : memref<10016x128xf32, #tpu.memory_space<hbm>> -> memref<10016x128xf32, #tpu.memory_space<hbm>>
    tpu.enqueue_indirect_dma source(%dma_start3A_622 : memref<10016x128xf32, #tpu.memory_space<hbm>>) target(%arg8 : memref<200x128xf32, #tpu.memory_space<vmem>>) offsets(%arg6 : memref<200xi32, #tpu.memory_space<vmem>>) semaphore(%arg10 : memref<!tpu.dma_semaphore, #tpu.memory_space<semaphore_mem>>)
    %dma_wait3A_623 = arith.constant 0 : i32
    %dma_wait3A_624 = arith.constant 0 : i32
    %dma_wait3A_625 = tpu.memref_slice %arg2[%dma_wait3A_623, %dma_wait3A_624] : memref<10016x128xf32, #tpu.memory_space<hbm>> -> memref<10016x128xf32, #tpu.memory_space<hbm>>
    tpu.wait_indirect_dma semaphore(%arg9 : memref<!tpu.dma_semaphore, #tpu.memory_space<semaphore_mem>>) src(%dma_wait3A_625 : memref<10016x128xf32, #tpu.memory_space<hbm>>) dst(%arg7 : memref<200x128xf32, #tpu.memory_space<vmem>>)
    %add3A_626 = arith.constant 6800 : i32
    %add3A_627 = arith.addi %mul3A_2, %add3A_626 : i32
    %dma_start3A_628 = arith.constant 0 : i32
    %dma_start3A_629 = tpu.memref_slice %arg4[%add3A_627, %dma_start3A_628] : memref<320000x128xf32, #tpu.memory_space<hbm>> -> memref<200x128xf32, #tpu.memory_space<hbm>>
    %dma_start3A_630 = arith.constant 0 : i32
    %dma_start3A_631 = tpu.memref_slice %arg4[%add3A_627, %dma_start3A_630] : memref<320000x128xf32, #tpu.memory_space<hbm>> -> memref<200x128xf32, #tpu.memory_space<hbm>>
    tpu.enqueue_dma source(%arg7 : memref<200x128xf32, #tpu.memory_space<vmem>>) target(%dma_start3A_631 : memref<200x128xf32, #tpu.memory_space<hbm>>) target_semaphore(%arg11 : memref<!tpu.dma_semaphore, #tpu.memory_space<semaphore_mem>>)
    %dma_wait3A_632 = arith.constant 0 : i32
    %dma_wait3A_633 = tpu.memref_slice %arg4[%mul3A_2, %dma_wait3A_632] : memref<320000x128xf32, #tpu.memory_space<hbm>> -> memref<200x128xf32, #tpu.memory_space<hbm>>
    %dma_wait3A_634 = arith.constant 0 : i32
    %dma_wait3A_635 = tpu.memref_slice %arg4[%mul3A_2, %dma_wait3A_634] : memref<320000x128xf32, #tpu.memory_space<hbm>> -> memref<200x128xf32, #tpu.memory_space<hbm>>
    tpu.wait_dma2 semaphore(%arg11 : memref<!tpu.dma_semaphore, #tpu.memory_space<semaphore_mem>>) src(%arg7 : memref<200x128xf32, #tpu.memory_space<vmem>>) dst(%dma_wait3A_635 : memref<200x128xf32, #tpu.memory_space<hbm>>)
    %add3A_636 = arith.constant 7200 : i32
    %add3A_637 = arith.addi %mul3A_2, %add3A_636 : i32
    "tpu.region"() ({
      %run_scoped3A = tpu.sem_alloc : memref<!tpu.dma_semaphore, #tpu.memory_space<semaphore_mem>>
      %dma_start3A_901 = tpu.memref_slice %arg3[%add3A_637] : memref<320000xi32, #tpu.memory_space<hbm>> -> memref<200xi32, #tpu.memory_space<hbm>>
      %dma_start3A_902 = tpu.memref_slice %arg3[%add3A_637] : memref<320000xi32, #tpu.memory_space<hbm>> -> memref<200xi32, #tpu.memory_space<hbm>>
      tpu.enqueue_dma source(%dma_start3A_902 : memref<200xi32, #tpu.memory_space<hbm>>) target(%arg5 : memref<200xi32, #tpu.memory_space<vmem>>) target_semaphore(%run_scoped3A : memref<!tpu.dma_semaphore, #tpu.memory_space<semaphore_mem>>)
      %dma_wait3A_903 = tpu.memref_slice %arg3[%add3A_637] : memref<320000xi32, #tpu.memory_space<hbm>> -> memref<200xi32, #tpu.memory_space<hbm>>
      %dma_wait3A_904 = tpu.memref_slice %arg3[%add3A_637] : memref<320000xi32, #tpu.memory_space<hbm>> -> memref<200xi32, #tpu.memory_space<hbm>>
      tpu.wait_dma2 semaphore(%run_scoped3A : memref<!tpu.dma_semaphore, #tpu.memory_space<semaphore_mem>>) src(%dma_wait3A_904 : memref<200xi32, #tpu.memory_space<hbm>>) dst(%arg5 : memref<200xi32, #tpu.memory_space<vmem>>)
      tpu.yield
    }) : () -> ()
    %dma_start3A_638 = arith.constant 0 : i32
    %dma_start3A_639 = arith.constant 0 : i32
    %dma_start3A_640 = tpu.memref_slice %arg2[%dma_start3A_638, %dma_start3A_639] : memref<10016x128xf32, #tpu.memory_space<hbm>> -> memref<10016x128xf32, #tpu.memory_space<hbm>>
    tpu.enqueue_indirect_dma source(%dma_start3A_640 : memref<10016x128xf32, #tpu.memory_space<hbm>>) target(%arg7 : memref<200x128xf32, #tpu.memory_space<vmem>>) offsets(%arg5 : memref<200xi32, #tpu.memory_space<vmem>>) semaphore(%arg9 : memref<!tpu.dma_semaphore, #tpu.memory_space<semaphore_mem>>)
    %dma_wait3A_641 = arith.constant 0 : i32
    %dma_wait3A_642 = arith.constant 0 : i32
    %dma_wait3A_643 = tpu.memref_slice %arg2[%dma_wait3A_641, %dma_wait3A_642] : memref<10016x128xf32, #tpu.memory_space<hbm>> -> memref<10016x128xf32, #tpu.memory_space<hbm>>
    tpu.wait_indirect_dma semaphore(%arg10 : memref<!tpu.dma_semaphore, #tpu.memory_space<semaphore_mem>>) src(%dma_wait3A_643 : memref<10016x128xf32, #tpu.memory_space<hbm>>) dst(%arg8 : memref<200x128xf32, #tpu.memory_space<vmem>>)
    %add3A_644 = arith.constant 7000 : i32
    %add3A_645 = arith.addi %mul3A_2, %add3A_644 : i32
    %dma_start3A_646 = arith.constant 0 : i32
    %dma_start3A_647 = tpu.memref_slice %arg4[%add3A_645, %dma_start3A_646] : memref<320000x128xf32, #tpu.memory_space<hbm>> -> memref<200x128xf32, #tpu.memory_space<hbm>>
    %dma_start3A_648 = arith.constant 0 : i32
    %dma_start3A_649 = tpu.memref_slice %arg4[%add3A_645, %dma_start3A_648] : memref<320000x128xf32, #tpu.memory_space<hbm>> -> memref<200x128xf32, #tpu.memory_space<hbm>>
    tpu.enqueue_dma source(%arg8 : memref<200x128xf32, #tpu.memory_space<vmem>>) target(%dma_start3A_649 : memref<200x128xf32, #tpu.memory_space<hbm>>) target_semaphore(%arg12 : memref<!tpu.dma_semaphore, #tpu.memory_space<semaphore_mem>>)
    %dma_wait3A_650 = arith.constant 0 : i32
    %dma_wait3A_651 = tpu.memref_slice %arg4[%mul3A_2, %dma_wait3A_650] : memref<320000x128xf32, #tpu.memory_space<hbm>> -> memref<200x128xf32, #tpu.memory_space<hbm>>
    %dma_wait3A_652 = arith.constant 0 : i32
    %dma_wait3A_653 = tpu.memref_slice %arg4[%mul3A_2, %dma_wait3A_652] : memref<320000x128xf32, #tpu.memory_space<hbm>> -> memref<200x128xf32, #tpu.memory_space<hbm>>
    tpu.wait_dma2 semaphore(%arg12 : memref<!tpu.dma_semaphore, #tpu.memory_space<semaphore_mem>>) src(%arg8 : memref<200x128xf32, #tpu.memory_space<vmem>>) dst(%dma_wait3A_653 : memref<200x128xf32, #tpu.memory_space<hbm>>)
    %add3A_654 = arith.constant 7400 : i32
    %add3A_655 = arith.addi %mul3A_2, %add3A_654 : i32
    "tpu.region"() ({
      %run_scoped3A = tpu.sem_alloc : memref<!tpu.dma_semaphore, #tpu.memory_space<semaphore_mem>>
      %dma_start3A_901 = tpu.memref_slice %arg3[%add3A_655] : memref<320000xi32, #tpu.memory_space<hbm>> -> memref<200xi32, #tpu.memory_space<hbm>>
      %dma_start3A_902 = tpu.memref_slice %arg3[%add3A_655] : memref<320000xi32, #tpu.memory_space<hbm>> -> memref<200xi32, #tpu.memory_space<hbm>>
      tpu.enqueue_dma source(%dma_start3A_902 : memref<200xi32, #tpu.memory_space<hbm>>) target(%arg6 : memref<200xi32, #tpu.memory_space<vmem>>) target_semaphore(%run_scoped3A : memref<!tpu.dma_semaphore, #tpu.memory_space<semaphore_mem>>)
      %dma_wait3A_903 = tpu.memref_slice %arg3[%add3A_655] : memref<320000xi32, #tpu.memory_space<hbm>> -> memref<200xi32, #tpu.memory_space<hbm>>
      %dma_wait3A_904 = tpu.memref_slice %arg3[%add3A_655] : memref<320000xi32, #tpu.memory_space<hbm>> -> memref<200xi32, #tpu.memory_space<hbm>>
      tpu.wait_dma2 semaphore(%run_scoped3A : memref<!tpu.dma_semaphore, #tpu.memory_space<semaphore_mem>>) src(%dma_wait3A_904 : memref<200xi32, #tpu.memory_space<hbm>>) dst(%arg6 : memref<200xi32, #tpu.memory_space<vmem>>)
      tpu.yield
    }) : () -> ()
    %dma_start3A_656 = arith.constant 0 : i32
    %dma_start3A_657 = arith.constant 0 : i32
    %dma_start3A_658 = tpu.memref_slice %arg2[%dma_start3A_656, %dma_start3A_657] : memref<10016x128xf32, #tpu.memory_space<hbm>> -> memref<10016x128xf32, #tpu.memory_space<hbm>>
    tpu.enqueue_indirect_dma source(%dma_start3A_658 : memref<10016x128xf32, #tpu.memory_space<hbm>>) target(%arg8 : memref<200x128xf32, #tpu.memory_space<vmem>>) offsets(%arg6 : memref<200xi32, #tpu.memory_space<vmem>>) semaphore(%arg10 : memref<!tpu.dma_semaphore, #tpu.memory_space<semaphore_mem>>)
    %dma_wait3A_659 = arith.constant 0 : i32
    %dma_wait3A_660 = arith.constant 0 : i32
    %dma_wait3A_661 = tpu.memref_slice %arg2[%dma_wait3A_659, %dma_wait3A_660] : memref<10016x128xf32, #tpu.memory_space<hbm>> -> memref<10016x128xf32, #tpu.memory_space<hbm>>
    tpu.wait_indirect_dma semaphore(%arg9 : memref<!tpu.dma_semaphore, #tpu.memory_space<semaphore_mem>>) src(%dma_wait3A_661 : memref<10016x128xf32, #tpu.memory_space<hbm>>) dst(%arg7 : memref<200x128xf32, #tpu.memory_space<vmem>>)
    %add3A_662 = arith.constant 7200 : i32
    %add3A_663 = arith.addi %mul3A_2, %add3A_662 : i32
    %dma_start3A_664 = arith.constant 0 : i32
    %dma_start3A_665 = tpu.memref_slice %arg4[%add3A_663, %dma_start3A_664] : memref<320000x128xf32, #tpu.memory_space<hbm>> -> memref<200x128xf32, #tpu.memory_space<hbm>>
    %dma_start3A_666 = arith.constant 0 : i32
    %dma_start3A_667 = tpu.memref_slice %arg4[%add3A_663, %dma_start3A_666] : memref<320000x128xf32, #tpu.memory_space<hbm>> -> memref<200x128xf32, #tpu.memory_space<hbm>>
    tpu.enqueue_dma source(%arg7 : memref<200x128xf32, #tpu.memory_space<vmem>>) target(%dma_start3A_667 : memref<200x128xf32, #tpu.memory_space<hbm>>) target_semaphore(%arg11 : memref<!tpu.dma_semaphore, #tpu.memory_space<semaphore_mem>>)
    %dma_wait3A_668 = arith.constant 0 : i32
    %dma_wait3A_669 = tpu.memref_slice %arg4[%mul3A_2, %dma_wait3A_668] : memref<320000x128xf32, #tpu.memory_space<hbm>> -> memref<200x128xf32, #tpu.memory_space<hbm>>
    %dma_wait3A_670 = arith.constant 0 : i32
    %dma_wait3A_671 = tpu.memref_slice %arg4[%mul3A_2, %dma_wait3A_670] : memref<320000x128xf32, #tpu.memory_space<hbm>> -> memref<200x128xf32, #tpu.memory_space<hbm>>
    tpu.wait_dma2 semaphore(%arg11 : memref<!tpu.dma_semaphore, #tpu.memory_space<semaphore_mem>>) src(%arg7 : memref<200x128xf32, #tpu.memory_space<vmem>>) dst(%dma_wait3A_671 : memref<200x128xf32, #tpu.memory_space<hbm>>)
    %add3A_672 = arith.constant 7600 : i32
    %add3A_673 = arith.addi %mul3A_2, %add3A_672 : i32
    "tpu.region"() ({
      %run_scoped3A = tpu.sem_alloc : memref<!tpu.dma_semaphore, #tpu.memory_space<semaphore_mem>>
      %dma_start3A_901 = tpu.memref_slice %arg3[%add3A_673] : memref<320000xi32, #tpu.memory_space<hbm>> -> memref<200xi32, #tpu.memory_space<hbm>>
      %dma_start3A_902 = tpu.memref_slice %arg3[%add3A_673] : memref<320000xi32, #tpu.memory_space<hbm>> -> memref<200xi32, #tpu.memory_space<hbm>>
      tpu.enqueue_dma source(%dma_start3A_902 : memref<200xi32, #tpu.memory_space<hbm>>) target(%arg5 : memref<200xi32, #tpu.memory_space<vmem>>) target_semaphore(%run_scoped3A : memref<!tpu.dma_semaphore, #tpu.memory_space<semaphore_mem>>)
      %dma_wait3A_903 = tpu.memref_slice %arg3[%add3A_673] : memref<320000xi32, #tpu.memory_space<hbm>> -> memref<200xi32, #tpu.memory_space<hbm>>
      %dma_wait3A_904 = tpu.memref_slice %arg3[%add3A_673] : memref<320000xi32, #tpu.memory_space<hbm>> -> memref<200xi32, #tpu.memory_space<hbm>>
      tpu.wait_dma2 semaphore(%run_scoped3A : memref<!tpu.dma_semaphore, #tpu.memory_space<semaphore_mem>>) src(%dma_wait3A_904 : memref<200xi32, #tpu.memory_space<hbm>>) dst(%arg5 : memref<200xi32, #tpu.memory_space<vmem>>)
      tpu.yield
    }) : () -> ()
    %dma_start3A_674 = arith.constant 0 : i32
    %dma_start3A_675 = arith.constant 0 : i32
    %dma_start3A_676 = tpu.memref_slice %arg2[%dma_start3A_674, %dma_start3A_675] : memref<10016x128xf32, #tpu.memory_space<hbm>> -> memref<10016x128xf32, #tpu.memory_space<hbm>>
    tpu.enqueue_indirect_dma source(%dma_start3A_676 : memref<10016x128xf32, #tpu.memory_space<hbm>>) target(%arg7 : memref<200x128xf32, #tpu.memory_space<vmem>>) offsets(%arg5 : memref<200xi32, #tpu.memory_space<vmem>>) semaphore(%arg9 : memref<!tpu.dma_semaphore, #tpu.memory_space<semaphore_mem>>)
    %dma_wait3A_677 = arith.constant 0 : i32
    %dma_wait3A_678 = arith.constant 0 : i32
    %dma_wait3A_679 = tpu.memref_slice %arg2[%dma_wait3A_677, %dma_wait3A_678] : memref<10016x128xf32, #tpu.memory_space<hbm>> -> memref<10016x128xf32, #tpu.memory_space<hbm>>
    tpu.wait_indirect_dma semaphore(%arg10 : memref<!tpu.dma_semaphore, #tpu.memory_space<semaphore_mem>>) src(%dma_wait3A_679 : memref<10016x128xf32, #tpu.memory_space<hbm>>) dst(%arg8 : memref<200x128xf32, #tpu.memory_space<vmem>>)
    %add3A_680 = arith.constant 7400 : i32
    %add3A_681 = arith.addi %mul3A_2, %add3A_680 : i32
    %dma_start3A_682 = arith.constant 0 : i32
    %dma_start3A_683 = tpu.memref_slice %arg4[%add3A_681, %dma_start3A_682] : memref<320000x128xf32, #tpu.memory_space<hbm>> -> memref<200x128xf32, #tpu.memory_space<hbm>>
    %dma_start3A_684 = arith.constant 0 : i32
    %dma_start3A_685 = tpu.memref_slice %arg4[%add3A_681, %dma_start3A_684] : memref<320000x128xf32, #tpu.memory_space<hbm>> -> memref<200x128xf32, #tpu.memory_space<hbm>>
    tpu.enqueue_dma source(%arg8 : memref<200x128xf32, #tpu.memory_space<vmem>>) target(%dma_start3A_685 : memref<200x128xf32, #tpu.memory_space<hbm>>) target_semaphore(%arg12 : memref<!tpu.dma_semaphore, #tpu.memory_space<semaphore_mem>>)
    %dma_wait3A_686 = arith.constant 0 : i32
    %dma_wait3A_687 = tpu.memref_slice %arg4[%mul3A_2, %dma_wait3A_686] : memref<320000x128xf32, #tpu.memory_space<hbm>> -> memref<200x128xf32, #tpu.memory_space<hbm>>
    %dma_wait3A_688 = arith.constant 0 : i32
    %dma_wait3A_689 = tpu.memref_slice %arg4[%mul3A_2, %dma_wait3A_688] : memref<320000x128xf32, #tpu.memory_space<hbm>> -> memref<200x128xf32, #tpu.memory_space<hbm>>
    tpu.wait_dma2 semaphore(%arg12 : memref<!tpu.dma_semaphore, #tpu.memory_space<semaphore_mem>>) src(%arg8 : memref<200x128xf32, #tpu.memory_space<vmem>>) dst(%dma_wait3A_689 : memref<200x128xf32, #tpu.memory_space<hbm>>)
    %add3A_690 = arith.constant 7800 : i32
    %add3A_691 = arith.addi %mul3A_2, %add3A_690 : i32
    "tpu.region"() ({
      %run_scoped3A = tpu.sem_alloc : memref<!tpu.dma_semaphore, #tpu.memory_space<semaphore_mem>>
      %dma_start3A_901 = tpu.memref_slice %arg3[%add3A_691] : memref<320000xi32, #tpu.memory_space<hbm>> -> memref<200xi32, #tpu.memory_space<hbm>>
      %dma_start3A_902 = tpu.memref_slice %arg3[%add3A_691] : memref<320000xi32, #tpu.memory_space<hbm>> -> memref<200xi32, #tpu.memory_space<hbm>>
      tpu.enqueue_dma source(%dma_start3A_902 : memref<200xi32, #tpu.memory_space<hbm>>) target(%arg6 : memref<200xi32, #tpu.memory_space<vmem>>) target_semaphore(%run_scoped3A : memref<!tpu.dma_semaphore, #tpu.memory_space<semaphore_mem>>)
      %dma_wait3A_903 = tpu.memref_slice %arg3[%add3A_691] : memref<320000xi32, #tpu.memory_space<hbm>> -> memref<200xi32, #tpu.memory_space<hbm>>
      %dma_wait3A_904 = tpu.memref_slice %arg3[%add3A_691] : memref<320000xi32, #tpu.memory_space<hbm>> -> memref<200xi32, #tpu.memory_space<hbm>>
      tpu.wait_dma2 semaphore(%run_scoped3A : memref<!tpu.dma_semaphore, #tpu.memory_space<semaphore_mem>>) src(%dma_wait3A_904 : memref<200xi32, #tpu.memory_space<hbm>>) dst(%arg6 : memref<200xi32, #tpu.memory_space<vmem>>)
      tpu.yield
    }) : () -> ()
    %dma_start3A_692 = arith.constant 0 : i32
    %dma_start3A_693 = arith.constant 0 : i32
    %dma_start3A_694 = tpu.memref_slice %arg2[%dma_start3A_692, %dma_start3A_693] : memref<10016x128xf32, #tpu.memory_space<hbm>> -> memref<10016x128xf32, #tpu.memory_space<hbm>>
    tpu.enqueue_indirect_dma source(%dma_start3A_694 : memref<10016x128xf32, #tpu.memory_space<hbm>>) target(%arg8 : memref<200x128xf32, #tpu.memory_space<vmem>>) offsets(%arg6 : memref<200xi32, #tpu.memory_space<vmem>>) semaphore(%arg10 : memref<!tpu.dma_semaphore, #tpu.memory_space<semaphore_mem>>)
    %dma_wait3A_695 = arith.constant 0 : i32
    %dma_wait3A_696 = arith.constant 0 : i32
    %dma_wait3A_697 = tpu.memref_slice %arg2[%dma_wait3A_695, %dma_wait3A_696] : memref<10016x128xf32, #tpu.memory_space<hbm>> -> memref<10016x128xf32, #tpu.memory_space<hbm>>
    tpu.wait_indirect_dma semaphore(%arg9 : memref<!tpu.dma_semaphore, #tpu.memory_space<semaphore_mem>>) src(%dma_wait3A_697 : memref<10016x128xf32, #tpu.memory_space<hbm>>) dst(%arg7 : memref<200x128xf32, #tpu.memory_space<vmem>>)
    %add3A_698 = arith.constant 7600 : i32
    %add3A_699 = arith.addi %mul3A_2, %add3A_698 : i32
    %dma_start3A_700 = arith.constant 0 : i32
    %dma_start3A_701 = tpu.memref_slice %arg4[%add3A_699, %dma_start3A_700] : memref<320000x128xf32, #tpu.memory_space<hbm>> -> memref<200x128xf32, #tpu.memory_space<hbm>>
    %dma_start3A_702 = arith.constant 0 : i32
    %dma_start3A_703 = tpu.memref_slice %arg4[%add3A_699, %dma_start3A_702] : memref<320000x128xf32, #tpu.memory_space<hbm>> -> memref<200x128xf32, #tpu.memory_space<hbm>>
    tpu.enqueue_dma source(%arg7 : memref<200x128xf32, #tpu.memory_space<vmem>>) target(%dma_start3A_703 : memref<200x128xf32, #tpu.memory_space<hbm>>) target_semaphore(%arg11 : memref<!tpu.dma_semaphore, #tpu.memory_space<semaphore_mem>>)
    %dma_wait3A_704 = arith.constant 0 : i32
    %dma_wait3A_705 = tpu.memref_slice %arg4[%mul3A_2, %dma_wait3A_704] : memref<320000x128xf32, #tpu.memory_space<hbm>> -> memref<200x128xf32, #tpu.memory_space<hbm>>
    %dma_wait3A_706 = arith.constant 0 : i32
    %dma_wait3A_707 = tpu.memref_slice %arg4[%mul3A_2, %dma_wait3A_706] : memref<320000x128xf32, #tpu.memory_space<hbm>> -> memref<200x128xf32, #tpu.memory_space<hbm>>
    tpu.wait_dma2 semaphore(%arg11 : memref<!tpu.dma_semaphore, #tpu.memory_space<semaphore_mem>>) src(%arg7 : memref<200x128xf32, #tpu.memory_space<vmem>>) dst(%dma_wait3A_707 : memref<200x128xf32, #tpu.memory_space<hbm>>)
    %add3A_708 = arith.constant 8000 : i32
    %add3A_709 = arith.addi %mul3A_2, %add3A_708 : i32
    "tpu.region"() ({
      %run_scoped3A = tpu.sem_alloc : memref<!tpu.dma_semaphore, #tpu.memory_space<semaphore_mem>>
      %dma_start3A_901 = tpu.memref_slice %arg3[%add3A_709] : memref<320000xi32, #tpu.memory_space<hbm>> -> memref<200xi32, #tpu.memory_space<hbm>>
      %dma_start3A_902 = tpu.memref_slice %arg3[%add3A_709] : memref<320000xi32, #tpu.memory_space<hbm>> -> memref<200xi32, #tpu.memory_space<hbm>>
      tpu.enqueue_dma source(%dma_start3A_902 : memref<200xi32, #tpu.memory_space<hbm>>) target(%arg5 : memref<200xi32, #tpu.memory_space<vmem>>) target_semaphore(%run_scoped3A : memref<!tpu.dma_semaphore, #tpu.memory_space<semaphore_mem>>)
      %dma_wait3A_903 = tpu.memref_slice %arg3[%add3A_709] : memref<320000xi32, #tpu.memory_space<hbm>> -> memref<200xi32, #tpu.memory_space<hbm>>
      %dma_wait3A_904 = tpu.memref_slice %arg3[%add3A_709] : memref<320000xi32, #tpu.memory_space<hbm>> -> memref<200xi32, #tpu.memory_space<hbm>>
      tpu.wait_dma2 semaphore(%run_scoped3A : memref<!tpu.dma_semaphore, #tpu.memory_space<semaphore_mem>>) src(%dma_wait3A_904 : memref<200xi32, #tpu.memory_space<hbm>>) dst(%arg5 : memref<200xi32, #tpu.memory_space<vmem>>)
      tpu.yield
    }) : () -> ()
    %dma_start3A_710 = arith.constant 0 : i32
    %dma_start3A_711 = arith.constant 0 : i32
    %dma_start3A_712 = tpu.memref_slice %arg2[%dma_start3A_710, %dma_start3A_711] : memref<10016x128xf32, #tpu.memory_space<hbm>> -> memref<10016x128xf32, #tpu.memory_space<hbm>>
    tpu.enqueue_indirect_dma source(%dma_start3A_712 : memref<10016x128xf32, #tpu.memory_space<hbm>>) target(%arg7 : memref<200x128xf32, #tpu.memory_space<vmem>>) offsets(%arg5 : memref<200xi32, #tpu.memory_space<vmem>>) semaphore(%arg9 : memref<!tpu.dma_semaphore, #tpu.memory_space<semaphore_mem>>)
    %dma_wait3A_713 = arith.constant 0 : i32
    %dma_wait3A_714 = arith.constant 0 : i32
    %dma_wait3A_715 = tpu.memref_slice %arg2[%dma_wait3A_713, %dma_wait3A_714] : memref<10016x128xf32, #tpu.memory_space<hbm>> -> memref<10016x128xf32, #tpu.memory_space<hbm>>
    tpu.wait_indirect_dma semaphore(%arg10 : memref<!tpu.dma_semaphore, #tpu.memory_space<semaphore_mem>>) src(%dma_wait3A_715 : memref<10016x128xf32, #tpu.memory_space<hbm>>) dst(%arg8 : memref<200x128xf32, #tpu.memory_space<vmem>>)
    %add3A_716 = arith.constant 7800 : i32
    %add3A_717 = arith.addi %mul3A_2, %add3A_716 : i32
    %dma_start3A_718 = arith.constant 0 : i32
    %dma_start3A_719 = tpu.memref_slice %arg4[%add3A_717, %dma_start3A_718] : memref<320000x128xf32, #tpu.memory_space<hbm>> -> memref<200x128xf32, #tpu.memory_space<hbm>>
    %dma_start3A_720 = arith.constant 0 : i32
    %dma_start3A_721 = tpu.memref_slice %arg4[%add3A_717, %dma_start3A_720] : memref<320000x128xf32, #tpu.memory_space<hbm>> -> memref<200x128xf32, #tpu.memory_space<hbm>>
    tpu.enqueue_dma source(%arg8 : memref<200x128xf32, #tpu.memory_space<vmem>>) target(%dma_start3A_721 : memref<200x128xf32, #tpu.memory_space<hbm>>) target_semaphore(%arg12 : memref<!tpu.dma_semaphore, #tpu.memory_space<semaphore_mem>>)
    %dma_wait3A_722 = arith.constant 0 : i32
    %dma_wait3A_723 = tpu.memref_slice %arg4[%mul3A_2, %dma_wait3A_722] : memref<320000x128xf32, #tpu.memory_space<hbm>> -> memref<200x128xf32, #tpu.memory_space<hbm>>
    %dma_wait3A_724 = arith.constant 0 : i32
    %dma_wait3A_725 = tpu.memref_slice %arg4[%mul3A_2, %dma_wait3A_724] : memref<320000x128xf32, #tpu.memory_space<hbm>> -> memref<200x128xf32, #tpu.memory_space<hbm>>
    tpu.wait_dma2 semaphore(%arg12 : memref<!tpu.dma_semaphore, #tpu.memory_space<semaphore_mem>>) src(%arg8 : memref<200x128xf32, #tpu.memory_space<vmem>>) dst(%dma_wait3A_725 : memref<200x128xf32, #tpu.memory_space<hbm>>)
    %add3A_726 = arith.constant 8200 : i32
    %add3A_727 = arith.addi %mul3A_2, %add3A_726 : i32
    "tpu.region"() ({
      %run_scoped3A = tpu.sem_alloc : memref<!tpu.dma_semaphore, #tpu.memory_space<semaphore_mem>>
      %dma_start3A_901 = tpu.memref_slice %arg3[%add3A_727] : memref<320000xi32, #tpu.memory_space<hbm>> -> memref<200xi32, #tpu.memory_space<hbm>>
      %dma_start3A_902 = tpu.memref_slice %arg3[%add3A_727] : memref<320000xi32, #tpu.memory_space<hbm>> -> memref<200xi32, #tpu.memory_space<hbm>>
      tpu.enqueue_dma source(%dma_start3A_902 : memref<200xi32, #tpu.memory_space<hbm>>) target(%arg6 : memref<200xi32, #tpu.memory_space<vmem>>) target_semaphore(%run_scoped3A : memref<!tpu.dma_semaphore, #tpu.memory_space<semaphore_mem>>)
      %dma_wait3A_903 = tpu.memref_slice %arg3[%add3A_727] : memref<320000xi32, #tpu.memory_space<hbm>> -> memref<200xi32, #tpu.memory_space<hbm>>
      %dma_wait3A_904 = tpu.memref_slice %arg3[%add3A_727] : memref<320000xi32, #tpu.memory_space<hbm>> -> memref<200xi32, #tpu.memory_space<hbm>>
      tpu.wait_dma2 semaphore(%run_scoped3A : memref<!tpu.dma_semaphore, #tpu.memory_space<semaphore_mem>>) src(%dma_wait3A_904 : memref<200xi32, #tpu.memory_space<hbm>>) dst(%arg6 : memref<200xi32, #tpu.memory_space<vmem>>)
      tpu.yield
    }) : () -> ()
    %dma_start3A_728 = arith.constant 0 : i32
    %dma_start3A_729 = arith.constant 0 : i32
    %dma_start3A_730 = tpu.memref_slice %arg2[%dma_start3A_728, %dma_start3A_729] : memref<10016x128xf32, #tpu.memory_space<hbm>> -> memref<10016x128xf32, #tpu.memory_space<hbm>>
    tpu.enqueue_indirect_dma source(%dma_start3A_730 : memref<10016x128xf32, #tpu.memory_space<hbm>>) target(%arg8 : memref<200x128xf32, #tpu.memory_space<vmem>>) offsets(%arg6 : memref<200xi32, #tpu.memory_space<vmem>>) semaphore(%arg10 : memref<!tpu.dma_semaphore, #tpu.memory_space<semaphore_mem>>)
    %dma_wait3A_731 = arith.constant 0 : i32
    %dma_wait3A_732 = arith.constant 0 : i32
    %dma_wait3A_733 = tpu.memref_slice %arg2[%dma_wait3A_731, %dma_wait3A_732] : memref<10016x128xf32, #tpu.memory_space<hbm>> -> memref<10016x128xf32, #tpu.memory_space<hbm>>
    tpu.wait_indirect_dma semaphore(%arg9 : memref<!tpu.dma_semaphore, #tpu.memory_space<semaphore_mem>>) src(%dma_wait3A_733 : memref<10016x128xf32, #tpu.memory_space<hbm>>) dst(%arg7 : memref<200x128xf32, #tpu.memory_space<vmem>>)
    %add3A_734 = arith.constant 8000 : i32
    %add3A_735 = arith.addi %mul3A_2, %add3A_734 : i32
    %dma_start3A_736 = arith.constant 0 : i32
    %dma_start3A_737 = tpu.memref_slice %arg4[%add3A_735, %dma_start3A_736] : memref<320000x128xf32, #tpu.memory_space<hbm>> -> memref<200x128xf32, #tpu.memory_space<hbm>>
    %dma_start3A_738 = arith.constant 0 : i32
    %dma_start3A_739 = tpu.memref_slice %arg4[%add3A_735, %dma_start3A_738] : memref<320000x128xf32, #tpu.memory_space<hbm>> -> memref<200x128xf32, #tpu.memory_space<hbm>>
    tpu.enqueue_dma source(%arg7 : memref<200x128xf32, #tpu.memory_space<vmem>>) target(%dma_start3A_739 : memref<200x128xf32, #tpu.memory_space<hbm>>) target_semaphore(%arg11 : memref<!tpu.dma_semaphore, #tpu.memory_space<semaphore_mem>>)
    %dma_wait3A_740 = arith.constant 0 : i32
    %dma_wait3A_741 = tpu.memref_slice %arg4[%mul3A_2, %dma_wait3A_740] : memref<320000x128xf32, #tpu.memory_space<hbm>> -> memref<200x128xf32, #tpu.memory_space<hbm>>
    %dma_wait3A_742 = arith.constant 0 : i32
    %dma_wait3A_743 = tpu.memref_slice %arg4[%mul3A_2, %dma_wait3A_742] : memref<320000x128xf32, #tpu.memory_space<hbm>> -> memref<200x128xf32, #tpu.memory_space<hbm>>
    tpu.wait_dma2 semaphore(%arg11 : memref<!tpu.dma_semaphore, #tpu.memory_space<semaphore_mem>>) src(%arg7 : memref<200x128xf32, #tpu.memory_space<vmem>>) dst(%dma_wait3A_743 : memref<200x128xf32, #tpu.memory_space<hbm>>)
    %add3A_744 = arith.constant 8400 : i32
    %add3A_745 = arith.addi %mul3A_2, %add3A_744 : i32
    "tpu.region"() ({
      %run_scoped3A = tpu.sem_alloc : memref<!tpu.dma_semaphore, #tpu.memory_space<semaphore_mem>>
      %dma_start3A_901 = tpu.memref_slice %arg3[%add3A_745] : memref<320000xi32, #tpu.memory_space<hbm>> -> memref<200xi32, #tpu.memory_space<hbm>>
      %dma_start3A_902 = tpu.memref_slice %arg3[%add3A_745] : memref<320000xi32, #tpu.memory_space<hbm>> -> memref<200xi32, #tpu.memory_space<hbm>>
      tpu.enqueue_dma source(%dma_start3A_902 : memref<200xi32, #tpu.memory_space<hbm>>) target(%arg5 : memref<200xi32, #tpu.memory_space<vmem>>) target_semaphore(%run_scoped3A : memref<!tpu.dma_semaphore, #tpu.memory_space<semaphore_mem>>)
      %dma_wait3A_903 = tpu.memref_slice %arg3[%add3A_745] : memref<320000xi32, #tpu.memory_space<hbm>> -> memref<200xi32, #tpu.memory_space<hbm>>
      %dma_wait3A_904 = tpu.memref_slice %arg3[%add3A_745] : memref<320000xi32, #tpu.memory_space<hbm>> -> memref<200xi32, #tpu.memory_space<hbm>>
      tpu.wait_dma2 semaphore(%run_scoped3A : memref<!tpu.dma_semaphore, #tpu.memory_space<semaphore_mem>>) src(%dma_wait3A_904 : memref<200xi32, #tpu.memory_space<hbm>>) dst(%arg5 : memref<200xi32, #tpu.memory_space<vmem>>)
      tpu.yield
    }) : () -> ()
    %dma_start3A_746 = arith.constant 0 : i32
    %dma_start3A_747 = arith.constant 0 : i32
    %dma_start3A_748 = tpu.memref_slice %arg2[%dma_start3A_746, %dma_start3A_747] : memref<10016x128xf32, #tpu.memory_space<hbm>> -> memref<10016x128xf32, #tpu.memory_space<hbm>>
    tpu.enqueue_indirect_dma source(%dma_start3A_748 : memref<10016x128xf32, #tpu.memory_space<hbm>>) target(%arg7 : memref<200x128xf32, #tpu.memory_space<vmem>>) offsets(%arg5 : memref<200xi32, #tpu.memory_space<vmem>>) semaphore(%arg9 : memref<!tpu.dma_semaphore, #tpu.memory_space<semaphore_mem>>)
    %dma_wait3A_749 = arith.constant 0 : i32
    %dma_wait3A_750 = arith.constant 0 : i32
    %dma_wait3A_751 = tpu.memref_slice %arg2[%dma_wait3A_749, %dma_wait3A_750] : memref<10016x128xf32, #tpu.memory_space<hbm>> -> memref<10016x128xf32, #tpu.memory_space<hbm>>
    tpu.wait_indirect_dma semaphore(%arg10 : memref<!tpu.dma_semaphore, #tpu.memory_space<semaphore_mem>>) src(%dma_wait3A_751 : memref<10016x128xf32, #tpu.memory_space<hbm>>) dst(%arg8 : memref<200x128xf32, #tpu.memory_space<vmem>>)
    %add3A_752 = arith.constant 8200 : i32
    %add3A_753 = arith.addi %mul3A_2, %add3A_752 : i32
    %dma_start3A_754 = arith.constant 0 : i32
    %dma_start3A_755 = tpu.memref_slice %arg4[%add3A_753, %dma_start3A_754] : memref<320000x128xf32, #tpu.memory_space<hbm>> -> memref<200x128xf32, #tpu.memory_space<hbm>>
    %dma_start3A_756 = arith.constant 0 : i32
    %dma_start3A_757 = tpu.memref_slice %arg4[%add3A_753, %dma_start3A_756] : memref<320000x128xf32, #tpu.memory_space<hbm>> -> memref<200x128xf32, #tpu.memory_space<hbm>>
    tpu.enqueue_dma source(%arg8 : memref<200x128xf32, #tpu.memory_space<vmem>>) target(%dma_start3A_757 : memref<200x128xf32, #tpu.memory_space<hbm>>) target_semaphore(%arg12 : memref<!tpu.dma_semaphore, #tpu.memory_space<semaphore_mem>>)
    %dma_wait3A_758 = arith.constant 0 : i32
    %dma_wait3A_759 = tpu.memref_slice %arg4[%mul3A_2, %dma_wait3A_758] : memref<320000x128xf32, #tpu.memory_space<hbm>> -> memref<200x128xf32, #tpu.memory_space<hbm>>
    %dma_wait3A_760 = arith.constant 0 : i32
    %dma_wait3A_761 = tpu.memref_slice %arg4[%mul3A_2, %dma_wait3A_760] : memref<320000x128xf32, #tpu.memory_space<hbm>> -> memref<200x128xf32, #tpu.memory_space<hbm>>
    tpu.wait_dma2 semaphore(%arg12 : memref<!tpu.dma_semaphore, #tpu.memory_space<semaphore_mem>>) src(%arg8 : memref<200x128xf32, #tpu.memory_space<vmem>>) dst(%dma_wait3A_761 : memref<200x128xf32, #tpu.memory_space<hbm>>)
    %add3A_762 = arith.constant 8600 : i32
    %add3A_763 = arith.addi %mul3A_2, %add3A_762 : i32
    "tpu.region"() ({
      %run_scoped3A = tpu.sem_alloc : memref<!tpu.dma_semaphore, #tpu.memory_space<semaphore_mem>>
      %dma_start3A_901 = tpu.memref_slice %arg3[%add3A_763] : memref<320000xi32, #tpu.memory_space<hbm>> -> memref<200xi32, #tpu.memory_space<hbm>>
      %dma_start3A_902 = tpu.memref_slice %arg3[%add3A_763] : memref<320000xi32, #tpu.memory_space<hbm>> -> memref<200xi32, #tpu.memory_space<hbm>>
      tpu.enqueue_dma source(%dma_start3A_902 : memref<200xi32, #tpu.memory_space<hbm>>) target(%arg6 : memref<200xi32, #tpu.memory_space<vmem>>) target_semaphore(%run_scoped3A : memref<!tpu.dma_semaphore, #tpu.memory_space<semaphore_mem>>)
      %dma_wait3A_903 = tpu.memref_slice %arg3[%add3A_763] : memref<320000xi32, #tpu.memory_space<hbm>> -> memref<200xi32, #tpu.memory_space<hbm>>
      %dma_wait3A_904 = tpu.memref_slice %arg3[%add3A_763] : memref<320000xi32, #tpu.memory_space<hbm>> -> memref<200xi32, #tpu.memory_space<hbm>>
      tpu.wait_dma2 semaphore(%run_scoped3A : memref<!tpu.dma_semaphore, #tpu.memory_space<semaphore_mem>>) src(%dma_wait3A_904 : memref<200xi32, #tpu.memory_space<hbm>>) dst(%arg6 : memref<200xi32, #tpu.memory_space<vmem>>)
      tpu.yield
    }) : () -> ()
    %dma_start3A_764 = arith.constant 0 : i32
    %dma_start3A_765 = arith.constant 0 : i32
    %dma_start3A_766 = tpu.memref_slice %arg2[%dma_start3A_764, %dma_start3A_765] : memref<10016x128xf32, #tpu.memory_space<hbm>> -> memref<10016x128xf32, #tpu.memory_space<hbm>>
    tpu.enqueue_indirect_dma source(%dma_start3A_766 : memref<10016x128xf32, #tpu.memory_space<hbm>>) target(%arg8 : memref<200x128xf32, #tpu.memory_space<vmem>>) offsets(%arg6 : memref<200xi32, #tpu.memory_space<vmem>>) semaphore(%arg10 : memref<!tpu.dma_semaphore, #tpu.memory_space<semaphore_mem>>)
    %dma_wait3A_767 = arith.constant 0 : i32
    %dma_wait3A_768 = arith.constant 0 : i32
    %dma_wait3A_769 = tpu.memref_slice %arg2[%dma_wait3A_767, %dma_wait3A_768] : memref<10016x128xf32, #tpu.memory_space<hbm>> -> memref<10016x128xf32, #tpu.memory_space<hbm>>
    tpu.wait_indirect_dma semaphore(%arg9 : memref<!tpu.dma_semaphore, #tpu.memory_space<semaphore_mem>>) src(%dma_wait3A_769 : memref<10016x128xf32, #tpu.memory_space<hbm>>) dst(%arg7 : memref<200x128xf32, #tpu.memory_space<vmem>>)
    %add3A_770 = arith.constant 8400 : i32
    %add3A_771 = arith.addi %mul3A_2, %add3A_770 : i32
    %dma_start3A_772 = arith.constant 0 : i32
    %dma_start3A_773 = tpu.memref_slice %arg4[%add3A_771, %dma_start3A_772] : memref<320000x128xf32, #tpu.memory_space<hbm>> -> memref<200x128xf32, #tpu.memory_space<hbm>>
    %dma_start3A_774 = arith.constant 0 : i32
    %dma_start3A_775 = tpu.memref_slice %arg4[%add3A_771, %dma_start3A_774] : memref<320000x128xf32, #tpu.memory_space<hbm>> -> memref<200x128xf32, #tpu.memory_space<hbm>>
    tpu.enqueue_dma source(%arg7 : memref<200x128xf32, #tpu.memory_space<vmem>>) target(%dma_start3A_775 : memref<200x128xf32, #tpu.memory_space<hbm>>) target_semaphore(%arg11 : memref<!tpu.dma_semaphore, #tpu.memory_space<semaphore_mem>>)
    %dma_wait3A_776 = arith.constant 0 : i32
    %dma_wait3A_777 = tpu.memref_slice %arg4[%mul3A_2, %dma_wait3A_776] : memref<320000x128xf32, #tpu.memory_space<hbm>> -> memref<200x128xf32, #tpu.memory_space<hbm>>
    %dma_wait3A_778 = arith.constant 0 : i32
    %dma_wait3A_779 = tpu.memref_slice %arg4[%mul3A_2, %dma_wait3A_778] : memref<320000x128xf32, #tpu.memory_space<hbm>> -> memref<200x128xf32, #tpu.memory_space<hbm>>
    tpu.wait_dma2 semaphore(%arg11 : memref<!tpu.dma_semaphore, #tpu.memory_space<semaphore_mem>>) src(%arg7 : memref<200x128xf32, #tpu.memory_space<vmem>>) dst(%dma_wait3A_779 : memref<200x128xf32, #tpu.memory_space<hbm>>)
    %add3A_780 = arith.constant 8800 : i32
    %add3A_781 = arith.addi %mul3A_2, %add3A_780 : i32
    "tpu.region"() ({
      %run_scoped3A = tpu.sem_alloc : memref<!tpu.dma_semaphore, #tpu.memory_space<semaphore_mem>>
      %dma_start3A_901 = tpu.memref_slice %arg3[%add3A_781] : memref<320000xi32, #tpu.memory_space<hbm>> -> memref<200xi32, #tpu.memory_space<hbm>>
      %dma_start3A_902 = tpu.memref_slice %arg3[%add3A_781] : memref<320000xi32, #tpu.memory_space<hbm>> -> memref<200xi32, #tpu.memory_space<hbm>>
      tpu.enqueue_dma source(%dma_start3A_902 : memref<200xi32, #tpu.memory_space<hbm>>) target(%arg5 : memref<200xi32, #tpu.memory_space<vmem>>) target_semaphore(%run_scoped3A : memref<!tpu.dma_semaphore, #tpu.memory_space<semaphore_mem>>)
      %dma_wait3A_903 = tpu.memref_slice %arg3[%add3A_781] : memref<320000xi32, #tpu.memory_space<hbm>> -> memref<200xi32, #tpu.memory_space<hbm>>
      %dma_wait3A_904 = tpu.memref_slice %arg3[%add3A_781] : memref<320000xi32, #tpu.memory_space<hbm>> -> memref<200xi32, #tpu.memory_space<hbm>>
      tpu.wait_dma2 semaphore(%run_scoped3A : memref<!tpu.dma_semaphore, #tpu.memory_space<semaphore_mem>>) src(%dma_wait3A_904 : memref<200xi32, #tpu.memory_space<hbm>>) dst(%arg5 : memref<200xi32, #tpu.memory_space<vmem>>)
      tpu.yield
    }) : () -> ()
    %dma_start3A_782 = arith.constant 0 : i32
    %dma_start3A_783 = arith.constant 0 : i32
    %dma_start3A_784 = tpu.memref_slice %arg2[%dma_start3A_782, %dma_start3A_783] : memref<10016x128xf32, #tpu.memory_space<hbm>> -> memref<10016x128xf32, #tpu.memory_space<hbm>>
    tpu.enqueue_indirect_dma source(%dma_start3A_784 : memref<10016x128xf32, #tpu.memory_space<hbm>>) target(%arg7 : memref<200x128xf32, #tpu.memory_space<vmem>>) offsets(%arg5 : memref<200xi32, #tpu.memory_space<vmem>>) semaphore(%arg9 : memref<!tpu.dma_semaphore, #tpu.memory_space<semaphore_mem>>)
    %dma_wait3A_785 = arith.constant 0 : i32
    %dma_wait3A_786 = arith.constant 0 : i32
    %dma_wait3A_787 = tpu.memref_slice %arg2[%dma_wait3A_785, %dma_wait3A_786] : memref<10016x128xf32, #tpu.memory_space<hbm>> -> memref<10016x128xf32, #tpu.memory_space<hbm>>
    tpu.wait_indirect_dma semaphore(%arg10 : memref<!tpu.dma_semaphore, #tpu.memory_space<semaphore_mem>>) src(%dma_wait3A_787 : memref<10016x128xf32, #tpu.memory_space<hbm>>) dst(%arg8 : memref<200x128xf32, #tpu.memory_space<vmem>>)
    %add3A_788 = arith.constant 8600 : i32
    %add3A_789 = arith.addi %mul3A_2, %add3A_788 : i32
    %dma_start3A_790 = arith.constant 0 : i32
    %dma_start3A_791 = tpu.memref_slice %arg4[%add3A_789, %dma_start3A_790] : memref<320000x128xf32, #tpu.memory_space<hbm>> -> memref<200x128xf32, #tpu.memory_space<hbm>>
    %dma_start3A_792 = arith.constant 0 : i32
    %dma_start3A_793 = tpu.memref_slice %arg4[%add3A_789, %dma_start3A_792] : memref<320000x128xf32, #tpu.memory_space<hbm>> -> memref<200x128xf32, #tpu.memory_space<hbm>>
    tpu.enqueue_dma source(%arg8 : memref<200x128xf32, #tpu.memory_space<vmem>>) target(%dma_start3A_793 : memref<200x128xf32, #tpu.memory_space<hbm>>) target_semaphore(%arg12 : memref<!tpu.dma_semaphore, #tpu.memory_space<semaphore_mem>>)
    %dma_wait3A_794 = arith.constant 0 : i32
    %dma_wait3A_795 = tpu.memref_slice %arg4[%mul3A_2, %dma_wait3A_794] : memref<320000x128xf32, #tpu.memory_space<hbm>> -> memref<200x128xf32, #tpu.memory_space<hbm>>
    %dma_wait3A_796 = arith.constant 0 : i32
    %dma_wait3A_797 = tpu.memref_slice %arg4[%mul3A_2, %dma_wait3A_796] : memref<320000x128xf32, #tpu.memory_space<hbm>> -> memref<200x128xf32, #tpu.memory_space<hbm>>
    tpu.wait_dma2 semaphore(%arg12 : memref<!tpu.dma_semaphore, #tpu.memory_space<semaphore_mem>>) src(%arg8 : memref<200x128xf32, #tpu.memory_space<vmem>>) dst(%dma_wait3A_797 : memref<200x128xf32, #tpu.memory_space<hbm>>)
    %add3A_798 = arith.constant 9000 : i32
    %add3A_799 = arith.addi %mul3A_2, %add3A_798 : i32
    "tpu.region"() ({
      %run_scoped3A = tpu.sem_alloc : memref<!tpu.dma_semaphore, #tpu.memory_space<semaphore_mem>>
      %dma_start3A_901 = tpu.memref_slice %arg3[%add3A_799] : memref<320000xi32, #tpu.memory_space<hbm>> -> memref<200xi32, #tpu.memory_space<hbm>>
      %dma_start3A_902 = tpu.memref_slice %arg3[%add3A_799] : memref<320000xi32, #tpu.memory_space<hbm>> -> memref<200xi32, #tpu.memory_space<hbm>>
      tpu.enqueue_dma source(%dma_start3A_902 : memref<200xi32, #tpu.memory_space<hbm>>) target(%arg6 : memref<200xi32, #tpu.memory_space<vmem>>) target_semaphore(%run_scoped3A : memref<!tpu.dma_semaphore, #tpu.memory_space<semaphore_mem>>)
      %dma_wait3A_903 = tpu.memref_slice %arg3[%add3A_799] : memref<320000xi32, #tpu.memory_space<hbm>> -> memref<200xi32, #tpu.memory_space<hbm>>
      %dma_wait3A_904 = tpu.memref_slice %arg3[%add3A_799] : memref<320000xi32, #tpu.memory_space<hbm>> -> memref<200xi32, #tpu.memory_space<hbm>>
      tpu.wait_dma2 semaphore(%run_scoped3A : memref<!tpu.dma_semaphore, #tpu.memory_space<semaphore_mem>>) src(%dma_wait3A_904 : memref<200xi32, #tpu.memory_space<hbm>>) dst(%arg6 : memref<200xi32, #tpu.memory_space<vmem>>)
      tpu.yield
    }) : () -> ()
    %dma_start3A_800 = arith.constant 0 : i32
    %dma_start3A_801 = arith.constant 0 : i32
    %dma_start3A_802 = tpu.memref_slice %arg2[%dma_start3A_800, %dma_start3A_801] : memref<10016x128xf32, #tpu.memory_space<hbm>> -> memref<10016x128xf32, #tpu.memory_space<hbm>>
    tpu.enqueue_indirect_dma source(%dma_start3A_802 : memref<10016x128xf32, #tpu.memory_space<hbm>>) target(%arg8 : memref<200x128xf32, #tpu.memory_space<vmem>>) offsets(%arg6 : memref<200xi32, #tpu.memory_space<vmem>>) semaphore(%arg10 : memref<!tpu.dma_semaphore, #tpu.memory_space<semaphore_mem>>)
    %dma_wait3A_803 = arith.constant 0 : i32
    %dma_wait3A_804 = arith.constant 0 : i32
    %dma_wait3A_805 = tpu.memref_slice %arg2[%dma_wait3A_803, %dma_wait3A_804] : memref<10016x128xf32, #tpu.memory_space<hbm>> -> memref<10016x128xf32, #tpu.memory_space<hbm>>
    tpu.wait_indirect_dma semaphore(%arg9 : memref<!tpu.dma_semaphore, #tpu.memory_space<semaphore_mem>>) src(%dma_wait3A_805 : memref<10016x128xf32, #tpu.memory_space<hbm>>) dst(%arg7 : memref<200x128xf32, #tpu.memory_space<vmem>>)
    %add3A_806 = arith.constant 8800 : i32
    %add3A_807 = arith.addi %mul3A_2, %add3A_806 : i32
    %dma_start3A_808 = arith.constant 0 : i32
    %dma_start3A_809 = tpu.memref_slice %arg4[%add3A_807, %dma_start3A_808] : memref<320000x128xf32, #tpu.memory_space<hbm>> -> memref<200x128xf32, #tpu.memory_space<hbm>>
    %dma_start3A_810 = arith.constant 0 : i32
    %dma_start3A_811 = tpu.memref_slice %arg4[%add3A_807, %dma_start3A_810] : memref<320000x128xf32, #tpu.memory_space<hbm>> -> memref<200x128xf32, #tpu.memory_space<hbm>>
    tpu.enqueue_dma source(%arg7 : memref<200x128xf32, #tpu.memory_space<vmem>>) target(%dma_start3A_811 : memref<200x128xf32, #tpu.memory_space<hbm>>) target_semaphore(%arg11 : memref<!tpu.dma_semaphore, #tpu.memory_space<semaphore_mem>>)
    %dma_wait3A_812 = arith.constant 0 : i32
    %dma_wait3A_813 = tpu.memref_slice %arg4[%mul3A_2, %dma_wait3A_812] : memref<320000x128xf32, #tpu.memory_space<hbm>> -> memref<200x128xf32, #tpu.memory_space<hbm>>
    %dma_wait3A_814 = arith.constant 0 : i32
    %dma_wait3A_815 = tpu.memref_slice %arg4[%mul3A_2, %dma_wait3A_814] : memref<320000x128xf32, #tpu.memory_space<hbm>> -> memref<200x128xf32, #tpu.memory_space<hbm>>
    tpu.wait_dma2 semaphore(%arg11 : memref<!tpu.dma_semaphore, #tpu.memory_space<semaphore_mem>>) src(%arg7 : memref<200x128xf32, #tpu.memory_space<vmem>>) dst(%dma_wait3A_815 : memref<200x128xf32, #tpu.memory_space<hbm>>)
    %add3A_816 = arith.constant 9200 : i32
    %add3A_817 = arith.addi %mul3A_2, %add3A_816 : i32
    "tpu.region"() ({
      %run_scoped3A = tpu.sem_alloc : memref<!tpu.dma_semaphore, #tpu.memory_space<semaphore_mem>>
      %dma_start3A_901 = tpu.memref_slice %arg3[%add3A_817] : memref<320000xi32, #tpu.memory_space<hbm>> -> memref<200xi32, #tpu.memory_space<hbm>>
      %dma_start3A_902 = tpu.memref_slice %arg3[%add3A_817] : memref<320000xi32, #tpu.memory_space<hbm>> -> memref<200xi32, #tpu.memory_space<hbm>>
      tpu.enqueue_dma source(%dma_start3A_902 : memref<200xi32, #tpu.memory_space<hbm>>) target(%arg5 : memref<200xi32, #tpu.memory_space<vmem>>) target_semaphore(%run_scoped3A : memref<!tpu.dma_semaphore, #tpu.memory_space<semaphore_mem>>)
      %dma_wait3A_903 = tpu.memref_slice %arg3[%add3A_817] : memref<320000xi32, #tpu.memory_space<hbm>> -> memref<200xi32, #tpu.memory_space<hbm>>
      %dma_wait3A_904 = tpu.memref_slice %arg3[%add3A_817] : memref<320000xi32, #tpu.memory_space<hbm>> -> memref<200xi32, #tpu.memory_space<hbm>>
      tpu.wait_dma2 semaphore(%run_scoped3A : memref<!tpu.dma_semaphore, #tpu.memory_space<semaphore_mem>>) src(%dma_wait3A_904 : memref<200xi32, #tpu.memory_space<hbm>>) dst(%arg5 : memref<200xi32, #tpu.memory_space<vmem>>)
      tpu.yield
    }) : () -> ()
    %dma_start3A_818 = arith.constant 0 : i32
    %dma_start3A_819 = arith.constant 0 : i32
    %dma_start3A_820 = tpu.memref_slice %arg2[%dma_start3A_818, %dma_start3A_819] : memref<10016x128xf32, #tpu.memory_space<hbm>> -> memref<10016x128xf32, #tpu.memory_space<hbm>>
    tpu.enqueue_indirect_dma source(%dma_start3A_820 : memref<10016x128xf32, #tpu.memory_space<hbm>>) target(%arg7 : memref<200x128xf32, #tpu.memory_space<vmem>>) offsets(%arg5 : memref<200xi32, #tpu.memory_space<vmem>>) semaphore(%arg9 : memref<!tpu.dma_semaphore, #tpu.memory_space<semaphore_mem>>)
    %dma_wait3A_821 = arith.constant 0 : i32
    %dma_wait3A_822 = arith.constant 0 : i32
    %dma_wait3A_823 = tpu.memref_slice %arg2[%dma_wait3A_821, %dma_wait3A_822] : memref<10016x128xf32, #tpu.memory_space<hbm>> -> memref<10016x128xf32, #tpu.memory_space<hbm>>
    tpu.wait_indirect_dma semaphore(%arg10 : memref<!tpu.dma_semaphore, #tpu.memory_space<semaphore_mem>>) src(%dma_wait3A_823 : memref<10016x128xf32, #tpu.memory_space<hbm>>) dst(%arg8 : memref<200x128xf32, #tpu.memory_space<vmem>>)
    %add3A_824 = arith.constant 9000 : i32
    %add3A_825 = arith.addi %mul3A_2, %add3A_824 : i32
    %dma_start3A_826 = arith.constant 0 : i32
    %dma_start3A_827 = tpu.memref_slice %arg4[%add3A_825, %dma_start3A_826] : memref<320000x128xf32, #tpu.memory_space<hbm>> -> memref<200x128xf32, #tpu.memory_space<hbm>>
    %dma_start3A_828 = arith.constant 0 : i32
    %dma_start3A_829 = tpu.memref_slice %arg4[%add3A_825, %dma_start3A_828] : memref<320000x128xf32, #tpu.memory_space<hbm>> -> memref<200x128xf32, #tpu.memory_space<hbm>>
    tpu.enqueue_dma source(%arg8 : memref<200x128xf32, #tpu.memory_space<vmem>>) target(%dma_start3A_829 : memref<200x128xf32, #tpu.memory_space<hbm>>) target_semaphore(%arg12 : memref<!tpu.dma_semaphore, #tpu.memory_space<semaphore_mem>>)
    %dma_wait3A_830 = arith.constant 0 : i32
    %dma_wait3A_831 = tpu.memref_slice %arg4[%mul3A_2, %dma_wait3A_830] : memref<320000x128xf32, #tpu.memory_space<hbm>> -> memref<200x128xf32, #tpu.memory_space<hbm>>
    %dma_wait3A_832 = arith.constant 0 : i32
    %dma_wait3A_833 = tpu.memref_slice %arg4[%mul3A_2, %dma_wait3A_832] : memref<320000x128xf32, #tpu.memory_space<hbm>> -> memref<200x128xf32, #tpu.memory_space<hbm>>
    tpu.wait_dma2 semaphore(%arg12 : memref<!tpu.dma_semaphore, #tpu.memory_space<semaphore_mem>>) src(%arg8 : memref<200x128xf32, #tpu.memory_space<vmem>>) dst(%dma_wait3A_833 : memref<200x128xf32, #tpu.memory_space<hbm>>)
    %add3A_834 = arith.constant 9400 : i32
    %add3A_835 = arith.addi %mul3A_2, %add3A_834 : i32
    "tpu.region"() ({
      %run_scoped3A = tpu.sem_alloc : memref<!tpu.dma_semaphore, #tpu.memory_space<semaphore_mem>>
      %dma_start3A_901 = tpu.memref_slice %arg3[%add3A_835] : memref<320000xi32, #tpu.memory_space<hbm>> -> memref<200xi32, #tpu.memory_space<hbm>>
      %dma_start3A_902 = tpu.memref_slice %arg3[%add3A_835] : memref<320000xi32, #tpu.memory_space<hbm>> -> memref<200xi32, #tpu.memory_space<hbm>>
      tpu.enqueue_dma source(%dma_start3A_902 : memref<200xi32, #tpu.memory_space<hbm>>) target(%arg6 : memref<200xi32, #tpu.memory_space<vmem>>) target_semaphore(%run_scoped3A : memref<!tpu.dma_semaphore, #tpu.memory_space<semaphore_mem>>)
      %dma_wait3A_903 = tpu.memref_slice %arg3[%add3A_835] : memref<320000xi32, #tpu.memory_space<hbm>> -> memref<200xi32, #tpu.memory_space<hbm>>
      %dma_wait3A_904 = tpu.memref_slice %arg3[%add3A_835] : memref<320000xi32, #tpu.memory_space<hbm>> -> memref<200xi32, #tpu.memory_space<hbm>>
      tpu.wait_dma2 semaphore(%run_scoped3A : memref<!tpu.dma_semaphore, #tpu.memory_space<semaphore_mem>>) src(%dma_wait3A_904 : memref<200xi32, #tpu.memory_space<hbm>>) dst(%arg6 : memref<200xi32, #tpu.memory_space<vmem>>)
      tpu.yield
    }) : () -> ()
    %dma_start3A_836 = arith.constant 0 : i32
    %dma_start3A_837 = arith.constant 0 : i32
    %dma_start3A_838 = tpu.memref_slice %arg2[%dma_start3A_836, %dma_start3A_837] : memref<10016x128xf32, #tpu.memory_space<hbm>> -> memref<10016x128xf32, #tpu.memory_space<hbm>>
    tpu.enqueue_indirect_dma source(%dma_start3A_838 : memref<10016x128xf32, #tpu.memory_space<hbm>>) target(%arg8 : memref<200x128xf32, #tpu.memory_space<vmem>>) offsets(%arg6 : memref<200xi32, #tpu.memory_space<vmem>>) semaphore(%arg10 : memref<!tpu.dma_semaphore, #tpu.memory_space<semaphore_mem>>)
    %dma_wait3A_839 = arith.constant 0 : i32
    %dma_wait3A_840 = arith.constant 0 : i32
    %dma_wait3A_841 = tpu.memref_slice %arg2[%dma_wait3A_839, %dma_wait3A_840] : memref<10016x128xf32, #tpu.memory_space<hbm>> -> memref<10016x128xf32, #tpu.memory_space<hbm>>
    tpu.wait_indirect_dma semaphore(%arg9 : memref<!tpu.dma_semaphore, #tpu.memory_space<semaphore_mem>>) src(%dma_wait3A_841 : memref<10016x128xf32, #tpu.memory_space<hbm>>) dst(%arg7 : memref<200x128xf32, #tpu.memory_space<vmem>>)
    %add3A_842 = arith.constant 9200 : i32
    %add3A_843 = arith.addi %mul3A_2, %add3A_842 : i32
    %dma_start3A_844 = arith.constant 0 : i32
    %dma_start3A_845 = tpu.memref_slice %arg4[%add3A_843, %dma_start3A_844] : memref<320000x128xf32, #tpu.memory_space<hbm>> -> memref<200x128xf32, #tpu.memory_space<hbm>>
    %dma_start3A_846 = arith.constant 0 : i32
    %dma_start3A_847 = tpu.memref_slice %arg4[%add3A_843, %dma_start3A_846] : memref<320000x128xf32, #tpu.memory_space<hbm>> -> memref<200x128xf32, #tpu.memory_space<hbm>>
    tpu.enqueue_dma source(%arg7 : memref<200x128xf32, #tpu.memory_space<vmem>>) target(%dma_start3A_847 : memref<200x128xf32, #tpu.memory_space<hbm>>) target_semaphore(%arg11 : memref<!tpu.dma_semaphore, #tpu.memory_space<semaphore_mem>>)
    %dma_wait3A_848 = arith.constant 0 : i32
    %dma_wait3A_849 = tpu.memref_slice %arg4[%mul3A_2, %dma_wait3A_848] : memref<320000x128xf32, #tpu.memory_space<hbm>> -> memref<200x128xf32, #tpu.memory_space<hbm>>
    %dma_wait3A_850 = arith.constant 0 : i32
    %dma_wait3A_851 = tpu.memref_slice %arg4[%mul3A_2, %dma_wait3A_850] : memref<320000x128xf32, #tpu.memory_space<hbm>> -> memref<200x128xf32, #tpu.memory_space<hbm>>
    tpu.wait_dma2 semaphore(%arg11 : memref<!tpu.dma_semaphore, #tpu.memory_space<semaphore_mem>>) src(%arg7 : memref<200x128xf32, #tpu.memory_space<vmem>>) dst(%dma_wait3A_851 : memref<200x128xf32, #tpu.memory_space<hbm>>)
    %add3A_852 = arith.constant 9600 : i32
    %add3A_853 = arith.addi %mul3A_2, %add3A_852 : i32
    "tpu.region"() ({
      %run_scoped3A = tpu.sem_alloc : memref<!tpu.dma_semaphore, #tpu.memory_space<semaphore_mem>>
      %dma_start3A_901 = tpu.memref_slice %arg3[%add3A_853] : memref<320000xi32, #tpu.memory_space<hbm>> -> memref<200xi32, #tpu.memory_space<hbm>>
      %dma_start3A_902 = tpu.memref_slice %arg3[%add3A_853] : memref<320000xi32, #tpu.memory_space<hbm>> -> memref<200xi32, #tpu.memory_space<hbm>>
      tpu.enqueue_dma source(%dma_start3A_902 : memref<200xi32, #tpu.memory_space<hbm>>) target(%arg5 : memref<200xi32, #tpu.memory_space<vmem>>) target_semaphore(%run_scoped3A : memref<!tpu.dma_semaphore, #tpu.memory_space<semaphore_mem>>)
      %dma_wait3A_903 = tpu.memref_slice %arg3[%add3A_853] : memref<320000xi32, #tpu.memory_space<hbm>> -> memref<200xi32, #tpu.memory_space<hbm>>
      %dma_wait3A_904 = tpu.memref_slice %arg3[%add3A_853] : memref<320000xi32, #tpu.memory_space<hbm>> -> memref<200xi32, #tpu.memory_space<hbm>>
      tpu.wait_dma2 semaphore(%run_scoped3A : memref<!tpu.dma_semaphore, #tpu.memory_space<semaphore_mem>>) src(%dma_wait3A_904 : memref<200xi32, #tpu.memory_space<hbm>>) dst(%arg5 : memref<200xi32, #tpu.memory_space<vmem>>)
      tpu.yield
    }) : () -> ()
    %dma_start3A_854 = arith.constant 0 : i32
    %dma_start3A_855 = arith.constant 0 : i32
    %dma_start3A_856 = tpu.memref_slice %arg2[%dma_start3A_854, %dma_start3A_855] : memref<10016x128xf32, #tpu.memory_space<hbm>> -> memref<10016x128xf32, #tpu.memory_space<hbm>>
    tpu.enqueue_indirect_dma source(%dma_start3A_856 : memref<10016x128xf32, #tpu.memory_space<hbm>>) target(%arg7 : memref<200x128xf32, #tpu.memory_space<vmem>>) offsets(%arg5 : memref<200xi32, #tpu.memory_space<vmem>>) semaphore(%arg9 : memref<!tpu.dma_semaphore, #tpu.memory_space<semaphore_mem>>)
    %dma_wait3A_857 = arith.constant 0 : i32
    %dma_wait3A_858 = arith.constant 0 : i32
    %dma_wait3A_859 = tpu.memref_slice %arg2[%dma_wait3A_857, %dma_wait3A_858] : memref<10016x128xf32, #tpu.memory_space<hbm>> -> memref<10016x128xf32, #tpu.memory_space<hbm>>
    tpu.wait_indirect_dma semaphore(%arg10 : memref<!tpu.dma_semaphore, #tpu.memory_space<semaphore_mem>>) src(%dma_wait3A_859 : memref<10016x128xf32, #tpu.memory_space<hbm>>) dst(%arg8 : memref<200x128xf32, #tpu.memory_space<vmem>>)
    %add3A_860 = arith.constant 9400 : i32
    %add3A_861 = arith.addi %mul3A_2, %add3A_860 : i32
    %dma_start3A_862 = arith.constant 0 : i32
    %dma_start3A_863 = tpu.memref_slice %arg4[%add3A_861, %dma_start3A_862] : memref<320000x128xf32, #tpu.memory_space<hbm>> -> memref<200x128xf32, #tpu.memory_space<hbm>>
    %dma_start3A_864 = arith.constant 0 : i32
    %dma_start3A_865 = tpu.memref_slice %arg4[%add3A_861, %dma_start3A_864] : memref<320000x128xf32, #tpu.memory_space<hbm>> -> memref<200x128xf32, #tpu.memory_space<hbm>>
    tpu.enqueue_dma source(%arg8 : memref<200x128xf32, #tpu.memory_space<vmem>>) target(%dma_start3A_865 : memref<200x128xf32, #tpu.memory_space<hbm>>) target_semaphore(%arg12 : memref<!tpu.dma_semaphore, #tpu.memory_space<semaphore_mem>>)
    %dma_wait3A_866 = arith.constant 0 : i32
    %dma_wait3A_867 = tpu.memref_slice %arg4[%mul3A_2, %dma_wait3A_866] : memref<320000x128xf32, #tpu.memory_space<hbm>> -> memref<200x128xf32, #tpu.memory_space<hbm>>
    %dma_wait3A_868 = arith.constant 0 : i32
    %dma_wait3A_869 = tpu.memref_slice %arg4[%mul3A_2, %dma_wait3A_868] : memref<320000x128xf32, #tpu.memory_space<hbm>> -> memref<200x128xf32, #tpu.memory_space<hbm>>
    tpu.wait_dma2 semaphore(%arg12 : memref<!tpu.dma_semaphore, #tpu.memory_space<semaphore_mem>>) src(%arg8 : memref<200x128xf32, #tpu.memory_space<vmem>>) dst(%dma_wait3A_869 : memref<200x128xf32, #tpu.memory_space<hbm>>)
    %add3A_870 = arith.constant 9800 : i32
    %add3A_871 = arith.addi %mul3A_2, %add3A_870 : i32
    "tpu.region"() ({
      %run_scoped3A = tpu.sem_alloc : memref<!tpu.dma_semaphore, #tpu.memory_space<semaphore_mem>>
      %dma_start3A_901 = tpu.memref_slice %arg3[%add3A_871] : memref<320000xi32, #tpu.memory_space<hbm>> -> memref<200xi32, #tpu.memory_space<hbm>>
      %dma_start3A_902 = tpu.memref_slice %arg3[%add3A_871] : memref<320000xi32, #tpu.memory_space<hbm>> -> memref<200xi32, #tpu.memory_space<hbm>>
      tpu.enqueue_dma source(%dma_start3A_902 : memref<200xi32, #tpu.memory_space<hbm>>) target(%arg6 : memref<200xi32, #tpu.memory_space<vmem>>) target_semaphore(%run_scoped3A : memref<!tpu.dma_semaphore, #tpu.memory_space<semaphore_mem>>)
      %dma_wait3A_903 = tpu.memref_slice %arg3[%add3A_871] : memref<320000xi32, #tpu.memory_space<hbm>> -> memref<200xi32, #tpu.memory_space<hbm>>
      %dma_wait3A_904 = tpu.memref_slice %arg3[%add3A_871] : memref<320000xi32, #tpu.memory_space<hbm>> -> memref<200xi32, #tpu.memory_space<hbm>>
      tpu.wait_dma2 semaphore(%run_scoped3A : memref<!tpu.dma_semaphore, #tpu.memory_space<semaphore_mem>>) src(%dma_wait3A_904 : memref<200xi32, #tpu.memory_space<hbm>>) dst(%arg6 : memref<200xi32, #tpu.memory_space<vmem>>)
      tpu.yield
    }) : () -> ()
    %dma_start3A_872 = arith.constant 0 : i32
    %dma_start3A_873 = arith.constant 0 : i32
    %dma_start3A_874 = tpu.memref_slice %arg2[%dma_start3A_872, %dma_start3A_873] : memref<10016x128xf32, #tpu.memory_space<hbm>> -> memref<10016x128xf32, #tpu.memory_space<hbm>>
    tpu.enqueue_indirect_dma source(%dma_start3A_874 : memref<10016x128xf32, #tpu.memory_space<hbm>>) target(%arg8 : memref<200x128xf32, #tpu.memory_space<vmem>>) offsets(%arg6 : memref<200xi32, #tpu.memory_space<vmem>>) semaphore(%arg10 : memref<!tpu.dma_semaphore, #tpu.memory_space<semaphore_mem>>)
    %dma_wait3A_875 = arith.constant 0 : i32
    %dma_wait3A_876 = arith.constant 0 : i32
    %dma_wait3A_877 = tpu.memref_slice %arg2[%dma_wait3A_875, %dma_wait3A_876] : memref<10016x128xf32, #tpu.memory_space<hbm>> -> memref<10016x128xf32, #tpu.memory_space<hbm>>
    tpu.wait_indirect_dma semaphore(%arg9 : memref<!tpu.dma_semaphore, #tpu.memory_space<semaphore_mem>>) src(%dma_wait3A_877 : memref<10016x128xf32, #tpu.memory_space<hbm>>) dst(%arg7 : memref<200x128xf32, #tpu.memory_space<vmem>>)
    %add3A_878 = arith.constant 9600 : i32
    %add3A_879 = arith.addi %mul3A_2, %add3A_878 : i32
    %dma_start3A_880 = arith.constant 0 : i32
    %dma_start3A_881 = tpu.memref_slice %arg4[%add3A_879, %dma_start3A_880] : memref<320000x128xf32, #tpu.memory_space<hbm>> -> memref<200x128xf32, #tpu.memory_space<hbm>>
    %dma_start3A_882 = arith.constant 0 : i32
    %dma_start3A_883 = tpu.memref_slice %arg4[%add3A_879, %dma_start3A_882] : memref<320000x128xf32, #tpu.memory_space<hbm>> -> memref<200x128xf32, #tpu.memory_space<hbm>>
    tpu.enqueue_dma source(%arg7 : memref<200x128xf32, #tpu.memory_space<vmem>>) target(%dma_start3A_883 : memref<200x128xf32, #tpu.memory_space<hbm>>) target_semaphore(%arg11 : memref<!tpu.dma_semaphore, #tpu.memory_space<semaphore_mem>>)
    %dma_wait3A_884 = arith.constant 0 : i32
    %dma_wait3A_885 = tpu.memref_slice %arg4[%mul3A_2, %dma_wait3A_884] : memref<320000x128xf32, #tpu.memory_space<hbm>> -> memref<200x128xf32, #tpu.memory_space<hbm>>
    %dma_wait3A_886 = arith.constant 0 : i32
    %dma_wait3A_887 = tpu.memref_slice %arg4[%mul3A_2, %dma_wait3A_886] : memref<320000x128xf32, #tpu.memory_space<hbm>> -> memref<200x128xf32, #tpu.memory_space<hbm>>
    tpu.wait_dma2 semaphore(%arg11 : memref<!tpu.dma_semaphore, #tpu.memory_space<semaphore_mem>>) src(%arg7 : memref<200x128xf32, #tpu.memory_space<vmem>>) dst(%dma_wait3A_887 : memref<200x128xf32, #tpu.memory_space<hbm>>)
    %dma_wait3A_888 = arith.constant 0 : i32
    %dma_wait3A_889 = arith.constant 0 : i32
    %dma_wait3A_890 = tpu.memref_slice %arg2[%dma_wait3A_888, %dma_wait3A_889] : memref<10016x128xf32, #tpu.memory_space<hbm>> -> memref<10016x128xf32, #tpu.memory_space<hbm>>
    tpu.wait_indirect_dma semaphore(%arg10 : memref<!tpu.dma_semaphore, #tpu.memory_space<semaphore_mem>>) src(%dma_wait3A_890 : memref<10016x128xf32, #tpu.memory_space<hbm>>) dst(%arg8 : memref<200x128xf32, #tpu.memory_space<vmem>>)
    %add3A_891 = arith.constant 9800 : i32
    %add3A_892 = arith.addi %mul3A_2, %add3A_891 : i32
    %dma_start3A_893 = arith.constant 0 : i32
    %dma_start3A_894 = tpu.memref_slice %arg4[%add3A_892, %dma_start3A_893] : memref<320000x128xf32, #tpu.memory_space<hbm>> -> memref<200x128xf32, #tpu.memory_space<hbm>>
    %dma_start3A_895 = arith.constant 0 : i32
    %dma_start3A_896 = tpu.memref_slice %arg4[%add3A_892, %dma_start3A_895] : memref<320000x128xf32, #tpu.memory_space<hbm>> -> memref<200x128xf32, #tpu.memory_space<hbm>>
    tpu.enqueue_dma source(%arg8 : memref<200x128xf32, #tpu.memory_space<vmem>>) target(%dma_start3A_896 : memref<200x128xf32, #tpu.memory_space<hbm>>) target_semaphore(%arg12 : memref<!tpu.dma_semaphore, #tpu.memory_space<semaphore_mem>>)
    %dma_wait3A_897 = arith.constant 0 : i32
    %dma_wait3A_898 = tpu.memref_slice %arg4[%mul3A_2, %dma_wait3A_897] : memref<320000x128xf32, #tpu.memory_space<hbm>> -> memref<200x128xf32, #tpu.memory_space<hbm>>
    %dma_wait3A_899 = arith.constant 0 : i32
    %dma_wait3A_900 = tpu.memref_slice %arg4[%mul3A_2, %dma_wait3A_899] : memref<320000x128xf32, #tpu.memory_space<hbm>> -> memref<200x128xf32, #tpu.memory_space<hbm>>
    tpu.wait_dma2 semaphore(%arg12 : memref<!tpu.dma_semaphore, #tpu.memory_space<semaphore_mem>>) src(%arg8 : memref<200x128xf32, #tpu.memory_space<vmem>>) dst(%dma_wait3A_900 : memref<200x128xf32, #tpu.memory_space<hbm>>)
    return
  }
}

module attributes {stable_mosaic.version = 14 : i64} {
  func.func @_mlp_body(%arg0: i32, %arg1: memref<1024x128xf32, #tpu.memory_space<vmem>>, %arg2: memref<128x64xf32, #tpu.memory_space<vmem>>, %arg3: memref<1x64xf32, #tpu.memory_space<vmem>>, %arg4: memref<64x32xf32, #tpu.memory_space<vmem>>, %arg5: memref<1x32xf32, #tpu.memory_space<vmem>>, %arg6: memref<1x32xf32, #tpu.memory_space<vmem>>, %arg7: memref<1x1xf32, #tpu.memory_space<vmem>>, %arg8: memref<1024x1xf32, #tpu.memory_space<vmem>>, %arg9: memref<1024x128xf32, #tpu.memory_space<vmem>>, %arg10: memref<1x1xf32, #tpu.memory_space<vmem>>) attributes {dimension_semantics = [#tpu.dimension_semantics<arbitrary>], iteration_bounds = array<i64: 10>, scalar_prefetch = 0 : i64, scratch_operands = 0 : i64, tpu.core_type = #tpu.core_type<tc>, window_params = [{transform_indices = @transform_0, window_bounds = array<i64: 1024, 128>}, {pipeline_mode = #tpu.pipeline_mode<synchronous>, transform_indices = @transform_1, window_bounds = array<i64: 128, 64>}, {pipeline_mode = #tpu.pipeline_mode<synchronous>, transform_indices = @transform_2, window_bounds = array<i64: 1, 64>}, {pipeline_mode = #tpu.pipeline_mode<synchronous>, transform_indices = @transform_3, window_bounds = array<i64: 64, 32>}, {pipeline_mode = #tpu.pipeline_mode<synchronous>, transform_indices = @transform_4, window_bounds = array<i64: 1, 32>}, {pipeline_mode = #tpu.pipeline_mode<synchronous>, transform_indices = @transform_5, window_bounds = array<i64: 1, 32>}, {pipeline_mode = #tpu.pipeline_mode<synchronous>, transform_indices = @transform_6, window_bounds = array<i64: 1, 1>}, {transform_indices = @transform_7, window_bounds = array<i64: 1024, 1>}, {transform_indices = @transform_8, window_bounds = array<i64: 1024, 128>}, {pipeline_mode = #tpu.pipeline_mode<synchronous>, transform_indices = @transform_9, window_bounds = array<i64: 1, 1>}]} {
    %get3A = arith.constant 0 : index
    %get3A_0 = arith.constant 0 : index
    %get3A_1 = vector.load %arg1[%get3A, %get3A_0] : memref<1024x128xf32, #tpu.memory_space<vmem>>, vector<1024x128xf32>
    %get3A_2 = arith.constant 0 : index
    %get3A_3 = arith.constant 0 : index
    %get3A_4 = vector.load %arg2[%get3A_2, %get3A_3] : memref<128x64xf32, #tpu.memory_space<vmem>>, vector<128x64xf32>
    %dot_general3A = arith.constant dense<0.000000e+00> : vector<1024x64xf32>
    %dot_general3A_5 = tpu.matmul %get3A_1, %get3A_4, %dot_general3A {dimension_numbers = #tpu.dot_dimension_numbers<[1], [0], [0], [1], [0, 0, 1, 1], [], []>, transpose_lhs_hint = false} : vector<1024x128xf32>, vector<128x64xf32>, vector<1024x64xf32> -> vector<1024x64xf32>
    %get3A_6 = arith.constant 0 : index
    %get3A_7 = arith.constant 0 : index
    %get3A_8 = vector.load %arg3[%get3A_6, %get3A_7] : memref<1x64xf32, #tpu.memory_space<vmem>>, vector<1x64xf32>
    %add3A = vector.broadcast %get3A_8 : vector<1x64xf32> to vector<1024x64xf32>
    %add3A_9 = arith.addf %dot_general3A_5, %add3A : vector<1024x64xf32>
    %logistic3A = arith.negf %add3A_9 : vector<1024x64xf32>
    %logistic3A_10 = math.exp %logistic3A : vector<1024x64xf32>
    %logistic3A_11 = arith.constant 1.000000e+00 : f32
    %logistic3A_12 = vector.broadcast %logistic3A_11 : f32 to vector<1024x64xf32>
    %logistic3A_13 = arith.addf %logistic3A_12, %logistic3A_10 : vector<1024x64xf32>
    %logistic3A_14 = arith.divf %logistic3A_12, %logistic3A_13 : vector<1024x64xf32>
    %get3A_15 = arith.constant 0 : index
    %get3A_16 = arith.constant 0 : index
    %get3A_17 = vector.load %arg4[%get3A_15, %get3A_16] : memref<64x32xf32, #tpu.memory_space<vmem>>, vector<64x32xf32>
    %dot_general3A_18 = arith.constant dense<0.000000e+00> : vector<1024x32xf32>
    %dot_general3A_19 = tpu.matmul %logistic3A_14, %get3A_17, %dot_general3A_18 {dimension_numbers = #tpu.dot_dimension_numbers<[1], [0], [0], [1], [0, 0, 1, 1], [], []>, transpose_lhs_hint = false} : vector<1024x64xf32>, vector<64x32xf32>, vector<1024x32xf32> -> vector<1024x32xf32>
    %get3A_20 = arith.constant 0 : index
    %get3A_21 = arith.constant 0 : index
    %get3A_22 = vector.load %arg5[%get3A_20, %get3A_21] : memref<1x32xf32, #tpu.memory_space<vmem>>, vector<1x32xf32>
    %add3A_23 = vector.broadcast %get3A_22 : vector<1x32xf32> to vector<1024x32xf32>
    %add3A_24 = arith.addf %dot_general3A_19, %add3A_23 : vector<1024x32xf32>
    %logistic3A_25 = arith.negf %add3A_24 : vector<1024x32xf32>
    %logistic3A_26 = math.exp %logistic3A_25 : vector<1024x32xf32>
    %logistic3A_27 = arith.constant 1.000000e+00 : f32
    %logistic3A_28 = vector.broadcast %logistic3A_27 : f32 to vector<1024x32xf32>
    %logistic3A_29 = arith.addf %logistic3A_28, %logistic3A_26 : vector<1024x32xf32>
    %logistic3A_30 = arith.divf %logistic3A_28, %logistic3A_29 : vector<1024x32xf32>
    %get3A_31 = arith.constant 0 : index
    %get3A_32 = arith.constant 0 : index
    %get3A_33 = vector.load %arg6[%get3A_31, %get3A_32] : memref<1x32xf32, #tpu.memory_space<vmem>>, vector<1x32xf32>
    %mul3A = vector.broadcast %get3A_33 : vector<1x32xf32> to vector<1024x32xf32>
    %mul3A_34 = arith.mulf %logistic3A_30, %mul3A : vector<1024x32xf32>
    %reduce_sum3A = arith.constant dense<0.000000e+00> : vector<1024xf32>
    %reduce_sum3A_35 = vector.multi_reduction <add>, %mul3A_34, %reduce_sum3A [1] : vector<1024x32xf32> to vector<1024xf32>
    %broadcast_in_dim3A = vector.shape_cast %reduce_sum3A_35 : vector<1024xf32> to vector<1024x1xf32>
    %get3A_36 = arith.constant 0 : index
    %get3A_37 = arith.constant 0 : index
    %get3A_38 = vector.load %arg7[%get3A_36, %get3A_37] : memref<1x1xf32, #tpu.memory_space<vmem>>, vector<1x1xf32>
    %add3A_39 = vector.broadcast %get3A_38 : vector<1x1xf32> to vector<1024x1xf32>
    %add3A_40 = arith.addf %broadcast_in_dim3A, %add3A_39 : vector<1024x1xf32>
    %mul3A_41 = arith.constant 1024 : i32
    %mul3A_42 = arith.muli %arg0, %mul3A_41 : i32
    %iota3A = tpu.iota {dimensions = array<i32: 0>} : vector<1024x1xi32>
    %add3A_43 = vector.broadcast %mul3A_42 : i32 to vector<1024x1xi32>
    %add3A_44 = arith.addi %add3A_43, %iota3A : vector<1024x1xi32>
    %lt3A = arith.constant 10000 : i32
    %lt3A_45 = vector.broadcast %lt3A : i32 to vector<1024x1xi32>
    %lt3A_46 = arith.cmpi slt, %add3A_44, %lt3A_45 : vector<1024x1xi32>
    %jit3A = arith.constant 0.000000e+00 : f32
    %broadcast_in_dim3A_47 = vector.broadcast %jit3A : f32 to vector<1024x1xf32>
    %select_n3A = arith.select %lt3A_46, %add3A_40, %broadcast_in_dim3A_47 : vector<1024x1xi1>, vector<1024x1xf32>
    %sub3A = arith.constant 1.000000e+00 : f32
    %sub3A_48 = vector.broadcast %sub3A : f32 to vector<1024x32xf32>
    %sub3A_49 = arith.subf %sub3A_48, %logistic3A_30 : vector<1024x32xf32>
    %mul3A_50 = arith.mulf %logistic3A_30, %sub3A_49 : vector<1024x32xf32>
    %mul3A_51 = vector.broadcast %get3A_33 : vector<1x32xf32> to vector<1024x32xf32>
    %mul3A_52 = arith.mulf %mul3A_50, %mul3A_51 : vector<1024x32xf32>
    %get3A_53 = arith.constant 0 : index
    %get3A_54 = arith.constant 0 : index
    %get3A_55 = vector.load %arg4[%get3A_53, %get3A_54] : memref<64x32xf32, #tpu.memory_space<vmem>>, vector<64x32xf32>
    %dot_general3A_56 = arith.constant dense<0.000000e+00> : vector<1024x64xf32>
    %dot_general3A_57 = tpu.matmul %mul3A_52, %get3A_55, %dot_general3A_56 {dimension_numbers = #tpu.dot_dimension_numbers<[1], [1], [0], [0], [0, 0, 1, 0], [], []>, transpose_lhs_hint = false} : vector<1024x32xf32>, vector<64x32xf32>, vector<1024x64xf32> -> vector<1024x64xf32>
    %sub3A_58 = arith.constant 1.000000e+00 : f32
    %sub3A_59 = vector.broadcast %sub3A_58 : f32 to vector<1024x64xf32>
    %sub3A_60 = arith.subf %sub3A_59, %logistic3A_14 : vector<1024x64xf32>
    %mul3A_61 = arith.mulf %logistic3A_14, %sub3A_60 : vector<1024x64xf32>
    %mul3A_62 = arith.mulf %dot_general3A_57, %mul3A_61 : vector<1024x64xf32>
    %get3A_63 = arith.constant 0 : index
    %get3A_64 = arith.constant 0 : index
    %get3A_65 = vector.load %arg2[%get3A_63, %get3A_64] : memref<128x64xf32, #tpu.memory_space<vmem>>, vector<128x64xf32>
    %dot_general3A_66 = arith.constant dense<0.000000e+00> : vector<1024x128xf32>
    %dot_general3A_67 = tpu.matmul %mul3A_62, %get3A_65, %dot_general3A_66 {dimension_numbers = #tpu.dot_dimension_numbers<[1], [1], [0], [0], [0, 0, 1, 0], [], []>, transpose_lhs_hint = false} : vector<1024x64xf32>, vector<128x64xf32>, vector<1024x128xf32> -> vector<1024x128xf32>
    %jit3A_68 = arith.constant 0.000000e+00 : f32
    %broadcast_in_dim3A_69 = vector.shape_cast %lt3A_46 : vector<1024x1xi1> to vector<1024x1xi1>
    %broadcast_in_dim3A_70 = vector.broadcast %broadcast_in_dim3A_69 : vector<1024x1xi1> to vector<1024x128xi1>
    %broadcast_in_dim3A_71 = vector.broadcast %jit3A_68 : f32 to vector<1024x128xf32>
    %select_n3A_72 = arith.select %broadcast_in_dim3A_70, %dot_general3A_67, %broadcast_in_dim3A_71 : vector<1024x128xi1>, vector<1024x128xf32>
    %swap3A = arith.constant 0 : index
    %swap3A_73 = arith.constant 0 : index
    %swap3A_74 = vector.load %arg8[%swap3A, %swap3A_73] : memref<1024x1xf32, #tpu.memory_space<vmem>>, vector<1024x1xf32>
    tpu.vector_store %arg8[%swap3A, %swap3A_73], %select_n3A {strides = array<i32>} : memref<1024x1xf32, #tpu.memory_space<vmem>>, vector<1024x1xf32>,
    %swap3A_75 = arith.constant 0 : index
    %swap3A_76 = arith.constant 0 : index
    %swap3A_77 = vector.load %arg9[%swap3A_75, %swap3A_76] : memref<1024x128xf32, #tpu.memory_space<vmem>>, vector<1024x128xf32>
    tpu.vector_store %arg9[%swap3A_75, %swap3A_76], %select_n3A_72 {strides = array<i32>} : memref<1024x128xf32, #tpu.memory_space<vmem>>, vector<1024x128xf32>,
    %eq3A = arith.constant 0 : i32
    %eq3A_78 = arith.cmpi eq, %arg0, %eq3A : i32
    %convert_element_type3A = arith.extui %eq3A_78 : i1 to i32
    %cond3A = arith.constant 0 : i32
    %cond3A_79 = arith.cmpi ne, %convert_element_type3A, %cond3A : i32
    scf.if %cond3A_79 {
      %broadcast_in_dim3A_93 = arith.constant 0.000000e+00 : f32
      %broadcast_in_dim3A_94 = vector.broadcast %broadcast_in_dim3A_93 : f32 to vector<1x1xf32>
      %swap3A_95 = arith.constant 0 : index
      %swap3A_96 = arith.constant 0 : index
      %swap3A_97 = vector.load %arg10[%swap3A_95, %swap3A_96] : memref<1x1xf32, #tpu.memory_space<vmem>>, vector<1x1xf32>
      tpu.vector_store %arg10[%swap3A_95, %swap3A_96], %broadcast_in_dim3A_94 {strides = array<i32>} : memref<1x1xf32, #tpu.memory_space<vmem>>, vector<1x1xf32>,
    } else {
    }
    %get3A_80 = arith.constant 0 : index
    %get3A_81 = arith.constant 0 : index
    %get3A_82 = vector.load %arg10[%get3A_80, %get3A_81] : memref<1x1xf32, #tpu.memory_space<vmem>>, vector<1x1xf32>
    %reduce_sum3A_83 = vector.shape_cast %select_n3A : vector<1024x1xf32> to vector<1x1024x1xf32>
    %reduce_sum3A_84 = arith.constant dense<0.000000e+00> : vector<1xf32>
    %reduce_sum3A_85 = vector.multi_reduction <add>, %reduce_sum3A_83, %reduce_sum3A_84 [1, 2] : vector<1x1024x1xf32> to vector<1xf32>
    %reduce_sum3A_86 = vector.shape_cast %reduce_sum3A_85 : vector<1xf32> to vector<1x1x1xf32>
    %reduce_sum3A_87 = vector.extract %reduce_sum3A_86[0, 0, 0] : f32 from vector<1x1x1xf32>
    %add3A_88 = vector.broadcast %reduce_sum3A_87 : f32 to vector<1x1xf32>
    %add3A_89 = arith.addf %get3A_82, %add3A_88 : vector<1x1xf32>
    %swap3A_90 = arith.constant 0 : index
    %swap3A_91 = arith.constant 0 : index
    %swap3A_92 = vector.load %arg10[%swap3A_90, %swap3A_91] : memref<1x1xf32, #tpu.memory_space<vmem>>, vector<1x1xf32>
    tpu.vector_store %arg10[%swap3A_90, %swap3A_91], %add3A_89 {strides = array<i32>} : memref<1x1xf32, #tpu.memory_space<vmem>>, vector<1x1xf32>,
    return
  }
  func.func @transform_0(%arg0: i32) -> (i32, i32) {
    %c0_i32 = arith.constant 0 : i32
    %c0_i32_0 = arith.constant 0 : i32
    return %arg0, %c0_i32 : i32, i32
  }
  func.func @transform_1(%arg0: i32) -> (i32, i32) {
    %c0_i32 = arith.constant 0 : i32
    %c0_i32_0 = arith.constant 0 : i32
    %c0_i32_1 = arith.constant 0 : i32
    return %c0_i32, %c0_i32_0 : i32, i32
  }
  func.func @transform_2(%arg0: i32) -> (i32, i32) {
    %c0_i32 = arith.constant 0 : i32
    %c0_i32_0 = arith.constant 0 : i32
    %c0_i32_1 = arith.constant 0 : i32
    return %c0_i32, %c0_i32_0 : i32, i32
  }
  func.func @transform_3(%arg0: i32) -> (i32, i32) {
    %c0_i32 = arith.constant 0 : i32
    %c0_i32_0 = arith.constant 0 : i32
    %c0_i32_1 = arith.constant 0 : i32
    return %c0_i32, %c0_i32_0 : i32, i32
  }
  func.func @transform_4(%arg0: i32) -> (i32, i32) {
    %c0_i32 = arith.constant 0 : i32
    %c0_i32_0 = arith.constant 0 : i32
    %c0_i32_1 = arith.constant 0 : i32
    return %c0_i32, %c0_i32_0 : i32, i32
  }
  func.func @transform_5(%arg0: i32) -> (i32, i32) {
    %c0_i32 = arith.constant 0 : i32
    %c0_i32_0 = arith.constant 0 : i32
    %c0_i32_1 = arith.constant 0 : i32
    return %c0_i32, %c0_i32_0 : i32, i32
  }
  func.func @transform_6(%arg0: i32) -> (i32, i32) {
    %c0_i32 = arith.constant 0 : i32
    %c0_i32_0 = arith.constant 0 : i32
    %c0_i32_1 = arith.constant 0 : i32
    return %c0_i32, %c0_i32_0 : i32, i32
  }
  func.func @transform_7(%arg0: i32) -> (i32, i32) {
    %c0_i32 = arith.constant 0 : i32
    %c0_i32_0 = arith.constant 0 : i32
    return %arg0, %c0_i32 : i32, i32
  }
  func.func @transform_8(%arg0: i32) -> (i32, i32) {
    %c0_i32 = arith.constant 0 : i32
    %c0_i32_0 = arith.constant 0 : i32
    return %arg0, %c0_i32 : i32, i32
  }
  func.func @transform_9(%arg0: i32) -> (i32, i32) {
    %c0_i32 = arith.constant 0 : i32
    %c0_i32_0 = arith.constant 0 : i32
    %c0_i32_1 = arith.constant 0 : i32
    return %c0_i32, %c0_i32_0 : i32, i32
  }
}

module attributes {stable_mosaic.version = 14 : i64} {
  func.func @_contract_body(%arg0: i32, %arg1: memref<12800x128xf32, #tpu.memory_space<vmem>>, %arg2: memref<12800x126xf32, #tpu.memory_space<vmem>>, %arg3: memref<400x8xf32, #tpu.memory_space<vmem>>) attributes {dimension_semantics = [#tpu.dimension_semantics<arbitrary>], iteration_bounds = array<i64: 25>, scalar_prefetch = 0 : i64, scratch_operands = 0 : i64, tpu.core_type = #tpu.core_type<tc>, window_params = [{transform_indices = @transform_0, window_bounds = array<i64: 12800, 128>}, {transform_indices = @transform_1, window_bounds = array<i64: 12800, 126>}, {transform_indices = @transform_2, window_bounds = array<i64: 400, 8>}]} {
    %get3A = arith.constant 0 : index
    %get3A_0 = arith.constant 0 : index
    %get3A_1 = vector.load %arg1[%get3A, %get3A_0] : memref<12800x128xf32, #tpu.memory_space<vmem>>, vector<12800x128xf32>
    %get3A_2 = arith.constant 0 : index
    %get3A_3 = arith.constant 0 : index
    %get3A_4 = vector.load %arg2[%get3A_2, %get3A_3] : memref<12800x126xf32, #tpu.memory_space<vmem>>, vector<12800x126xf32>
    %iota3A = tpu.iota {dimensions = array<i32: 0>} : vector<128x126xi32>
    %iota3A_5 = tpu.iota {dimensions = array<i32: 1>} : vector<128x126xi32>
    %jit3A = arith.constant 3 : i32
    %div3A = vector.broadcast %jit3A : i32 to vector<128x126xi32>
    %div3A_6 = arith.divsi %iota3A_5, %div3A : vector<128x126xi32>
    %sign3A = arith.constant 0 : i32
    %sign3A_7 = vector.broadcast %sign3A : i32 to vector<128x126xi32>
    %sign3A_8 = arith.cmpi sgt, %iota3A_5, %sign3A_7 : vector<128x126xi32>
    %sign3A_9 = arith.extui %sign3A_8 : vector<128x126xi1> to vector<128x126xi32>
    %sign3A_10 = arith.constant 0 : i32
    %sign3A_11 = vector.broadcast %sign3A_10 : i32 to vector<128x126xi32>
    %sign3A_12 = arith.cmpi slt, %iota3A_5, %sign3A_11 : vector<128x126xi32>
    %sign3A_13 = arith.extui %sign3A_12 : vector<128x126xi1> to vector<128x126xi32>
    %sign3A_14 = arith.subi %sign3A_9, %sign3A_13 : vector<128x126xi32>
    %sign3A_15 = arith.constant 0 : i32
    %sign3A_16 = arith.cmpi sgt, %jit3A, %sign3A_15 : i32
    %sign3A_17 = arith.extui %sign3A_16 : i1 to i32
    %sign3A_18 = arith.constant 0 : i32
    %sign3A_19 = arith.cmpi slt, %jit3A, %sign3A_18 : i32
    %sign3A_20 = arith.extui %sign3A_19 : i1 to i32
    %sign3A_21 = arith.subi %sign3A_17, %sign3A_20 : i32
    %ne3A = vector.broadcast %sign3A_21 : i32 to vector<128x126xi32>
    %ne3A_22 = arith.cmpi ne, %sign3A_14, %ne3A : vector<128x126xi32>
    %rem3A = vector.broadcast %jit3A : i32 to vector<128x126xi32>
    %rem3A_23 = arith.remsi %iota3A_5, %rem3A : vector<128x126xi32>
    %ne3A_24 = arith.constant 0 : i32
    %ne3A_25 = vector.broadcast %ne3A_24 : i32 to vector<128x126xi32>
    %ne3A_26 = arith.cmpi ne, %rem3A_23, %ne3A_25 : vector<128x126xi32>
    %and3A = arith.andi %ne3A_22, %ne3A_26 : vector<128x126xi1>
    %sub3A = arith.constant 1 : i32
    %sub3A_27 = vector.broadcast %sub3A : i32 to vector<128x126xi32>
    %sub3A_28 = arith.subi %div3A_6, %sub3A_27 : vector<128x126xi32>
    %select_n3A = arith.select %and3A, %sub3A_28, %div3A_6 : vector<128x126xi1>, vector<128x126xi32>
    %eq3A = arith.cmpi eq, %select_n3A, %iota3A : vector<128x126xi32>
    %convert_element_type3A = arith.extui %eq3A : vector<128x126xi1> to vector<128x126xi32>
    %convert_element_type3A_29 = arith.sitofp %convert_element_type3A : vector<128x126xi32> to vector<128x126xf32>
    %dot_general3A = arith.constant dense<0.000000e+00> : vector<12800x126xf32>
    %dot_general3A_30 = tpu.matmul %get3A_1, %convert_element_type3A_29, %dot_general3A {dimension_numbers = #tpu.dot_dimension_numbers<[1], [0], [0], [1], [0, 0, 1, 1], [], []>, transpose_lhs_hint = false} : vector<12800x128xf32>, vector<128x126xf32>, vector<12800x126xf32> -> vector<12800x126xf32>
    %mul3A = arith.mulf %dot_general3A_30, %get3A_4 : vector<12800x126xf32>
    %reshape3A = vector.shape_cast %mul3A : vector<12800x126xf32> to vector<400x32x126xf32>
    %reduce_sum3A = arith.constant dense<0.000000e+00> : vector<400x126xf32>
    %reduce_sum3A_31 = vector.multi_reduction <add>, %reshape3A, %reduce_sum3A [1] : vector<400x32x126xf32> to vector<400x126xf32>
    %iota3A_32 = tpu.iota {dimensions = array<i32: 0>} : vector<126x8xi32>
    %iota3A_33 = tpu.iota {dimensions = array<i32: 1>} : vector<126x8xi32>
    %jit3A_34 = arith.constant 3 : i32
    %eq3A_35 = arith.constant 0 : i32
    %eq3A_36 = arith.cmpi eq, %jit3A_34, %eq3A_35 : i32
    %jit3A_37 = arith.constant 1 : i32
    %select_n3A_38 = arith.select %eq3A_36, %jit3A_37, %jit3A_34 : i32
    %rem3A_39 = vector.broadcast %select_n3A_38 : i32 to vector<126x8xi32>
    %rem3A_40 = arith.remsi %iota3A_32, %rem3A_39 : vector<126x8xi32>
    %ne3A_41 = arith.constant 0 : i32
    %ne3A_42 = vector.broadcast %ne3A_41 : i32 to vector<126x8xi32>
    %ne3A_43 = arith.cmpi ne, %rem3A_40, %ne3A_42 : vector<126x8xi32>
    %lt3A = arith.constant 0 : i32
    %lt3A_44 = vector.broadcast %lt3A : i32 to vector<126x8xi32>
    %lt3A_45 = arith.cmpi slt, %rem3A_40, %lt3A_44 : vector<126x8xi32>
    %lt3A_46 = arith.constant 0 : i32
    %lt3A_47 = arith.cmpi slt, %select_n3A_38, %lt3A_46 : i32
    %ne3A_48 = vector.broadcast %lt3A_47 : i1 to vector<126x8xi1>
    %ne3A_49 = vector.broadcast %ne3A_48 : vector<126x8xi1> to vector<126x8xi1>
    %ne3A_50 = arith.xori %lt3A_45, %ne3A_49 : vector<126x8xi1>
    %and3A_51 = arith.andi %ne3A_50, %ne3A_43 : vector<126x8xi1>
    %add3A = vector.broadcast %select_n3A_38 : i32 to vector<126x8xi32>
    %add3A_52 = arith.addi %rem3A_40, %add3A : vector<126x8xi32>
    %select_n3A_53 = arith.select %and3A_51, %add3A_52, %rem3A_40 : vector<126x8xi1>, vector<126x8xi32>
    %eq3A_54 = arith.cmpi eq, %select_n3A_53, %iota3A_33 : vector<126x8xi32>
    %convert_element_type3A_55 = arith.extui %eq3A_54 : vector<126x8xi1> to vector<126x8xi32>
    %convert_element_type3A_56 = arith.sitofp %convert_element_type3A_55 : vector<126x8xi32> to vector<126x8xf32>
    %dot_general3A_57 = arith.constant dense<0.000000e+00> : vector<400x8xf32>
    %dot_general3A_58 = tpu.matmul %reduce_sum3A_31, %convert_element_type3A_56, %dot_general3A_57 {dimension_numbers = #tpu.dot_dimension_numbers<[1], [0], [0], [1], [0, 0, 1, 1], [], []>, transpose_lhs_hint = false} : vector<400x126xf32>, vector<126x8xf32>, vector<400x8xf32> -> vector<400x8xf32>
    %swap3A = arith.constant 0 : index
    %swap3A_59 = arith.constant 0 : index
    %swap3A_60 = vector.load %arg3[%swap3A, %swap3A_59] : memref<400x8xf32, #tpu.memory_space<vmem>>, vector<400x8xf32>
    tpu.vector_store %arg3[%swap3A, %swap3A_59], %dot_general3A_58 {strides = array<i32>} : memref<400x8xf32, #tpu.memory_space<vmem>>, vector<400x8xf32>,
    return
  }
  func.func @transform_0(%arg0: i32) -> (i32, i32) {
    %c0_i32 = arith.constant 0 : i32
    %c0_i32_0 = arith.constant 0 : i32
    return %arg0, %c0_i32 : i32, i32
  }
  func.func @transform_1(%arg0: i32) -> (i32, i32) {
    %c0_i32 = arith.constant 0 : i32
    %c0_i32_0 = arith.constant 0 : i32
    return %arg0, %c0_i32 : i32, i32
  }
  func.func @transform_2(%arg0: i32) -> (i32, i32) {
    %c0_i32 = arith.constant 0 : i32
    %c0_i32_0 = arith.constant 0 : i32
    return %arg0, %c0_i32 : i32, i32
  }
}

</mosaic_0001>

<sc_bundles>
// kernel: kernel.5.cloned.1.call-start
scs
__scs_entry_jumppad:
0x0: {  	(pc) =	sbr.rel $0x88, $3  }
0x1: {  	(tag) =	ssettag $0x0;
	lr =	simm.s32 $0x1  }
0x2: {  	[smem:$0x3F98] =	sst lr;
	_ =	strace $0xD0000000  }
0x3: {  	_ = 	snop  }
0x4: {  	_ = 	snop  }
0x5: {  	_ = 	snop  }
0x6: {  	_ = 	snop  }
0x7: {  	_ = 	snop  }
__scs_overlays_trampoline_lowered:
0x8: {  	[smem:$0x3FA7] =	sst s0  }
0x9: {  	[smem:$0x3FA8] =	sst s1  }
0xa: {  	[smem:$0x3FA9] =	sst s2  }
0xb: {  	[smem:$0x3FAA] =	sst s3  }
0xc: {  	[smem:$0x3FAB] =	sst s4  }
0xd: {  	[smem:$0x3FAC] =	sst s5  }
0xe: {  	[smem:$0x3FAD] =	sst s6  }
0xf: {  	[smem:$0x3FAE] =	sst s7  }
0x10: {  	[smem:$0x3FAF] =	sst s8  }
0x11: {  	[smem:$0x3FB0] =	sst s9;
	s0 =	simm.s32 @!p0 $0x0  }
0x12: {  	s1 =	sld [smem:$0x3F96];
	s0 =	simm.s32 @p0 $0x1  }
0x13: {  	[smem:$0x3FB1] =	sst s0;
	s0 =	simm.s32 @!p1 $0x0  }
0x14: {  	s2 =	sld [smem:$0x3F95];
	s0 =	simm.s32 @p1 $0x1  }
0x15: {  	[smem:$0x3FB2] =	sst s0;
	s0 =	simm.s32 @!p2 $0x0  }
0x16: {  	s3 =	sld [smem:$0x3FDB];
	s0 =	simm.s32 @p2 $0x1  }
0x17: {  	s4 =	simm.s32 $0x1BF5;
	[smem:$0x3FB4] =	sst s0  }
0x18: {  	s0 =	sld [smem:$0x3F97];
	_ =	swait.ge [sflag:s4], $0x0  }
0x19: {  	s7 =	sld [smem:$0x3F98]  }
0x1a: {  	s8 =	sadd.s32 $0xFFFFE003, lr  }
0x1b: {  	s9 =	sadd.s32 $0xFFFFFEF7, lr;
	s5 =	simm.s32 $0xFFFFFFFF;
	p2 =	slt.u32 s8, $0xFFFFF086  }
0x1c: {  	p1 =	slt.u32 s9, $0xF7A;
	s5 =	simm.s32 @!p2 $0x0  }
0x1d: {  	s5 =	simm.s32 @p1 $0x1;
	p0 =	seq.s32 s7, s2  }
0x1e: {  	s7 =	smul.u32 @!p0 $0xF7A, s2;
	p2 =	seq.s32 @!p0 s5, $0x0  }
0x1f: {  	s9 =	smul.u32 $0xF7A, s1;
	s8 =	simm.s32 @!p0 $0x1BF5;
	p2 =	por !p2, p0  }
0x20: {  	[sflag:s8] =	ssyncset.s32 @!p0 $0xFFFFF086;
	s6 =	sadd.s32 @!p0 s3, s7;
	s7 =	simm.s32 @!p0 $0x108  }
0x21: {  	s3 =	sadd.s32 s3, s9;
	s6 =	sadd.s32 @!p0 $0x88, s6;
	s7 =	simm.s32 @p2 $0x1082  }
0x22: {  	[simem:s7], [sflag:s8] =	dma.local @!p0 [hbm:s6], $0xF7A  }
0x23: {  	s9 =	sor.u32 $0xD0000000, s2;
	s6 =	simm.s32 $0x108;
	_ =	swait.ge @!p0 [sflag:s8], $0x0  }
0x24: {  	s3 =	sadd.s32 $0x88, s3;
	s6 =	simm.s32 @!p1 $0x1082;
	[sflag:s4] =	ssyncset.s32 $0xFFFFF086  }
0x25: {  	[simem:s6], [sflag:s4] =	dma.local [hbm:s3], $0xF7A  }
0x26: {  	[smem:$0x3F98] =	sst s1;
	(tag) =	ssettag s2;
	_ =	strace s9  }
0x27: {  	s1 =	sld [smem:$0x3FA8]  }
0x28: {  	s2 =	sld [smem:$0x3FA9]  }
0x29: {  	s4 =	sld [smem:$0x3FAB]  }
0x2a: {  	p0 =	seq.s32 s5, $0x0;
	s5 =	sld [smem:$0x3FAC]  }
0x2b: {  	s6 =	sld [smem:$0x3FAD]  }
0x2c: {  	s7 =	sld [smem:$0x3FAE]  }
0x2d: {  	s3 =	simm.s32 $0x108;
	s8 =	sld [smem:$0x3FAF]  }
0x2e: {  	s3 =	simm.s32 @!p0 $0x1082;
	s9 =	sld [smem:$0x3FB0]  }
0x2f: {  	lr =	sadd.s32 s0, s3;
	s0 =	sld [smem:$0x3FA7]  }
0x30: {  	s3 =	sld [smem:$0x3FAA]  }
0x31: {  	[smem:$0x3FB3] =	sst s10  }
0x32: {  	s10 =	sld [smem:$0x3FB1];
	_ =	sdelay $0x3  }
0x33: {  	p0 =	seq.s32 s10, $0x1;
	s10 =	sld [smem:$0x3FB3];
	_ =	sdelay $0x3  }
0x34: {  	[smem:$0x3FB3] =	sst s10  }
0x35: {  	s10 =	sld [smem:$0x3FB2];
	_ =	sdelay $0x3  }
0x36: {  	p1 =	seq.s32 s10, $0x1;
	s10 =	sld [smem:$0x3FB3];
	_ =	sdelay $0x3  }
0x37: {  	[smem:$0x3FB3] =	sst s10  }
0x38: {  	s10 =	sld [smem:$0x3FB4]  }
0x39: {  	_ = 	snop;
	(pc) =	sbr.ind lr, $3  }
0x3a: {  	_ = 	snop  }
0x3b: {  	_ = 	snop  }
0x3c: {  	p2 =	seq.s32 s10, $0x1;
	s10 =	sld [smem:$0x3FB3]  }
0x3d: {  	_ =	shalt  }
0x3e: {  	_ =	shalt  }
0x3f: {  	_ =	shalt  }
0x40: {  	_ =	shalt  }
0x41: {  	_ =	shalt  }
0x42: {  	_ =	shalt  }
0x43: {  	_ =	shalt  }
0x44: {  	_ =	shalt  }
0x45: {  	_ =	shalt  }
0x46: {  	_ =	shalt  }
0x47: {  	_ =	shalt  }
0x48: {  	_ =	shalt  }
0x49: {  	_ =	shalt  }
0x4a: {  	_ =	shalt  }
0x4b: {  	_ =	shalt  }
0x4c: {  	_ =	shalt  }
0x4d: {  	_ =	shalt  }
0x4e: {  	_ =	shalt  }
0x4f: {  	_ =	shalt  }
0x50: {  	_ =	shalt  }
0x51: {  	_ =	shalt  }
0x52: {  	_ =	shalt  }
0x53: {  	_ =	shalt  }
0x54: {  	_ =	shalt  }
0x55: {  	_ =	shalt  }
0x56: {  	_ =	shalt  }
0x57: {  	_ =	shalt  }
0x58: {  	_ =	shalt  }
0x59: {  	_ =	shalt  }
0x5a: {  	_ =	shalt  }
0x5b: {  	_ =	shalt  }
0x5c: {  	_ =	shalt  }
0x5d: {  	_ =	shalt  }
0x5e: {  	_ =	shalt  }
0x5f: {  	_ =	shalt  }
0x60: {  	_ =	shalt  }
0x61: {  	_ =	shalt  }
0x62: {  	_ =	shalt  }
0x63: {  	_ =	shalt  }
0x64: {  	_ =	shalt  }
0x65: {  	_ =	shalt  }
0x66: {  	_ =	shalt  }
0x67: {  	_ =	shalt  }
0x68: {  	_ =	shalt  }
0x69: {  	_ =	shalt  }
0x6a: {  	_ =	shalt  }
0x6b: {  	_ =	shalt  }
0x6c: {  	_ =	shalt  }
0x6d: {  	_ =	shalt  }
0x6e: {  	_ =	shalt  }
0x6f: {  	_ =	shalt  }
0x70: {  	_ =	shalt  }
0x71: {  	_ =	shalt  }
0x72: {  	_ =	shalt  }
0x73: {  	_ =	shalt  }
0x74: {  	_ =	shalt  }
0x75: {  	_ =	shalt  }
0x76: {  	_ =	shalt  }
0x77: {  	_ =	shalt  }
0x78: {  	_ =	shalt  }
0x79: {  	_ =	shalt  }
0x7a: {  	_ =	shalt  }
0x7b: {  	_ =	shalt  }
0x7c: {  	_ =	shalt  }
0x7d: {  	_ =	shalt  }
0x7e: {  	_ =	shalt  }
0x7f: {  	_ =	shalt  }
0x80: {  	_ =	shalt  }
0x81: {  	_ =	shalt  }
0x82: {  	_ =	shalt  }
0x83: {  	_ =	shalt  }
0x84: {  	_ =	shalt  }
0x85: {  	_ =	shalt  }
0x86: {  	_ =	shalt  }
0x87: {  	_ =	shalt  }
.Lfunc_end0:
.L_simem_size_0:
called_computation_lowered:
.L_overlay_start_0:
0x88: {  	s2 =	sld [smem:$0x3FD9]  }
0x89: {  	s3 =	sld [smem:$0x3FFE];
	_ =	sdelay $0x1  }
0x8a: {  	s1 =	srdreg.scid  }
0x8b: {  	s0 =	sand.u32 $0x1, s1  }
0x8c: {  	s16 =	sshll.u32 s0, $0xA;
	s2 =	sadd.s32 s3, s2  }
0x8d: {  	s2 =	sadd.s32 s2, s16  }
0x8e: {  	[smem:$0x3FBF] =	sst s2  }
0x8f: {  	_ = 	snop  }
0x90: {  	(tm) =	ssettm $0x1  }
0x91: {  	s17 =	sld [smem:$0x3FFB];
	_ =	sdelay $0x3  }
0x92: {  	_ =	strace s17  }
0x93: {  	s2 =	sld [smem:$0x3FFC];
	_ =	sdelay $0x3  }
0x94: {  	_ =	strace s2  }
0x95: {  	s2 =	sld [smem:$0x3FFD];
	_ =	sdelay $0x3  }
0x96: {  	_ =	strace s2  }
0x97: {  	_ =	strace $0x8FFFFFFF  }
0x98: {  	s18 =	sld [smem:$0x3FDB];
	_ =	sdelay $0x1  }
0x99: {  	s19 =	simm.s32 $_scs_section_size  }
0x9a: {  	s4 =	simm.s32 $_size__tile_overlayer_lowered;
	s5 =	simm.s32 $_tile_overlayer_lowered  }
0x9b: {  	s22 =	simm.s32 $0x1BFF;
	s21 =	sshll.u32 s5, $0x1;
	s2 =	sadd.s32 s19, s18  }
0x9c: {  	s6 =	simm.s32 $0x0;
	s20 =	sshll.u32 s4, $0x1;
	s4 =	sadd.s32 s21, s2  }
0x9d: {  	[timem:s6], [sflag:s22] =	dma.local [hbm:s4], s20  }
0x9e: {  	_ =	swait.ge [sflag:s22], s20  }
0x9f: {  	s3 =	ssub.s32 $0x0, s20;
	[sflag:s22] =	ssyncset.done $0x0  }
0xa0: {  	[sflag:s22] =	ssyncadd.s32 s3;
	_ =	sdelay $0x1  }
0xa1: {  	s23 =	simm.s32 $0x1B8B  }
0xa2: {  	_ =	swait.ge [sflag:s23], $0x1  }
0xa3: {  	[sflag:s23] =	ssyncset.done $0x0  }
0xa4: {  	s25 =	simm.s32 $0x1B8E;
	s24 =	sld [smem:$0x3FFE];
	[sflag:s23] =	ssyncadd.s32 $0xFFFFFFFF  }
0xa5: {  	s26 =	simm.s32 $execute0_lowered;
	[smem:$0x3FD2] =	sst s25  }
0xa6: {  	s4 =	sshll.u32 s26, $0x1;
	_ =	strace $0x80000046;
	[dreg:$0x1] =	wrdreg $0xFFFFFFFF  }
0xa7: {  	s28 =	simm.s32 $_size_execute0_lowered;
	s2 =	sadd.s32 s2, s4;
	[dreg:$0x0] =	wrdreg $0x0  }
0xa8: {  	s4 =	sshll.u32 s28, $0x1;
	[dreg:$0x2] =	wrdreg s2  }
0xa9: {  	[dreg:$0x3] =	wrdreg s4  }
0xaa: {  	[dreg:$0x4] =	wrdreg $0xC0  }
0xab: {  	_ =	task [dreg:s6], $0x5FFFF  }
0xac: {  	[dreg:$0x1] =	wrdreg $0xFFFFFFFF  }
0xad: {  	[dreg:$0x0] =	wrdreg $0x60  }
0xae: {  	[dreg:$0x2] =	wrdreg s24  }
0xaf: {  	[dreg:$0x3] =	wrdreg $0x9  }
0xb0: {  	_ =	task.clear_ibuf [dreg:s6], $0x4FFFF;
	_ =	strace $0x90000046  }
0xb1: {  	s29 =	simm.s32 $0x9;
	_ =	strace $0x80000048  }
0xb2: {  	_ =	swait.ge [sflag:s29], $0x1  }
0xb3: {  	[sflag:s29] =	ssyncadd.s32 $0xFFFFFFFF  }
0xb4: {  	_ =	strace $0x90000048  }
0xb5: {  	_ =	sfence  }
0xb6: {  	s30 =	sld [smem:$0x0];
	_ =	sdelay $0x2  }
0xb7: {  	s31 =	sshll.u32 s1, $0xD;
	s1 =	sshrl.u32 s1, $0x2  }
0xb8: {  	s3 =	sand.u32 $0x4000, s31;
	s1 =	sadd.s32 s1, s30  }
0xb9: {  	s0 =	sor.u32 s3, s0;
	s1 =	sshll.u32 s1, $0x11  }
0xba: {  	s0 =	sor.u32 s1, s0  }
0xbb: {  	s0 =	sadd.s32 $0x8F2B, s0  }
0xbc: {  	[sflag:s0] =	ssyncadd.remote.s32 $0x1  }
0xbd: {  	_ =	sfence.sel $0xFFFF  }
0xbe: {  	[dreg:$0x0] =	wrdreg $0xFFFFFFFF;
	(pc) =	sbr.abs _section_cstart, $3  }
0xbf: {  	[dreg:$0x1] =	wrdreg $0xFFFFFFFF  }
0xc0: {  	_ =	task.clear_ibuf [dreg:s6], $0x2FFFF;
	_ =	strace $0x9FFFFFFF  }
0xc1: {  	(tm) =	ssettm $0x7FFFFFFF  }
tec
execute0_lowered:
.L_overlay_start_1:
0x0: {  	(tag) =	ssettag $0x1  }
0x1: {  	s0 =	srdreg.scid  }
0x2: {  	s1 =	stileid.u32;
	s3 =	rddreg [dreg:$0x0]  }
0x3: {  	s2 =	simm.s32 $0x0;
	s6 =	sand.u32 $0x1, s0;
	s23 =	sshll.u32 s1, $0x1  }
0x4: {  	p0 =	por $0x0, $0x0;
	[smem:$0x7FF] =	sst s2;
	s0 =	sor.u32 s6, s23  }
0x5: {  	s4 =	sadd.s32 $0x1000, s3;
	s1 =	sadd.s32 $0x59200, s3;
	s5 =	smul.u32 $0x2710, s0  }
0x6: {  	s3 =	sadd.s32 $0xAE00, s3;
	_ =	strace $0x80000047;
	s0 =	smul.u32 $0x27100, s0  }
0x7: {  	s6 =	ssub.s32 $0x2, s6;
	s7 =	sshrl.u32 s5, $0x3;
	s8 =	sadd.s32 $0xC8, s5  }
0x8: {  	s25 =	sadd.s32 $0x190, s5;
	s0 =	sadd.s32 s1, s0;
	s12 =	sadd.s32 $0x258, s5  }
0x9: {  	s15 =	sadd.s32 $0x320, s5;
	s20 =	sadd.s32 $0x3E8, s5;
	s23 =	sadd.s32 $0x4B0, s5  }
0xa: {  	s7 =	sadd.s32 s4, s7;
	s9 =	sshrl.u32 s8, $0x3;
	s26 =	sshrl.u32 s25, $0x3  }
0xb: {  	[dreg:$0x4] =	wrdreg s0;
	s10 =	sshll.u32 s8, $0x4;
	s13 =	sshrl.u32 s12, $0x3  }
0xc: {  	s14 =	sshll.u32 s25, $0x4;
	s17 =	sshrl.u32 s15, $0x3;
	s21 =	sshrl.u32 s20, $0x3  }
0xd: {  	s22 =	sshll.u32 s15, $0x4;
	[dreg:$0x2] =	wrdreg s7;
	s24 =	sadd.s32 s4, s9  }
0xe: {  	s25 =	sshrl.u32 s23, $0x3;
	s7 =	sadd.s32 s4, s26;
	[dreg:$0x3] =	wrdreg s24  }
0xf: {  	s11 =	sadd.s32 s1, s10;
	s0 =	sadd.s32 s4, s13;
	[dreg:$0x5] =	wrdreg s7  }
0x10: {  	s16 =	sadd.s32 s1, s14;
	s18 =	sadd.s32 s4, s17;
	[dreg:$0x6] =	wrdreg s11  }
0x11: {  	s26 =	sadd.s32 s4, s25;
	s10 =	sadd.s32 $0x578, s5;
	[dreg:$0x7] =	wrdreg s0  }
0x12: {  	s13 =	sadd.s32 $0x640, s5;
	[dreg:$0x8] =	wrdreg s16;
	s7 =	sshll.u32 s12, $0x4  }
0x13: {  	[dreg:$0x9] =	wrdreg s18;
	s0 =	sadd.s32 s4, s21;
	s24 =	sadd.s32 s1, s22  }
0x14: {  	[dreg:$0xd] =	wrdreg s26;
	s11 =	sshrl.u32 s10, $0x3;
	s12 =	sshll.u32 s23, $0x4  }
0x15: {  	s15 =	sshrl.u32 s13, $0x3;
	s18 =	sadd.s32 $0x708, s5;
	s21 =	sadd.s32 $0x7D0, s5  }
0x16: {  	s26 =	sadd.s32 $0x898, s5;
	s19 =	sadd.s32 s1, s7;
	[dreg:$0xb] =	wrdreg s0  }
0x17: {  	[dreg:$0xc] =	wrdreg s24;
	s7 =	sshll.u32 s20, $0x4;
	s0 =	sadd.s32 s4, s11  }
0x18: {  	s14 =	sadd.s32 s1, s12;
	s16 =	sadd.s32 s4, s15;
	[dreg:$0xa] =	wrdreg s19  }
0x19: {  	s20 =	sshll.u32 s13, $0x4;
	s23 =	sshrl.u32 s21, $0x3;
	[dreg:$0xf] =	wrdreg s0  }
0x1a: {  	s9 =	sshll.u32 s21, $0x4;
	s15 =	sadd.s32 $0xA28, s5;
	[dreg:$0x10] =	wrdreg s14  }
0x1b: {  	s8 =	sadd.s32 s1, s7;
	s7 =	sshll.u32 s10, $0x4;
	[dreg:$0x11] =	wrdreg s16  }
0x1c: {  	s19 =	sshrl.u32 s18, $0x3;
	s22 =	sadd.s32 s1, s20;
	s24 =	sadd.s32 s4, s23  }
0x1d: {  	s10 =	sadd.s32 $0x960, s5;
	s11 =	sadd.s32 s1, s9;
	[dreg:$0xe] =	wrdreg s8  }
0x1e: {  	s16 =	sshrl.u32 s15, $0x3;
	s23 =	sadd.s32 $0xBB8, s5;
	[dreg:$0x14] =	wrdreg s22  }
0x1f: {  	s17 =	sadd.s32 s1, s7;
	s0 =	sadd.s32 s4, s19;
	[dreg:$0x15] =	wrdreg s24  }
0x20: {  	s7 =	sshll.u32 s18, $0x4;
	s8 =	sshrl.u32 s26, $0x3;
	[dreg:$0x18] =	wrdreg s11  }
0x21: {  	s12 =	sshrl.u32 s10, $0x3;
	s18 =	sadd.s32 $0xAF0, s5;
	[dreg:$0x12] =	wrdreg s17  }
0x22: {  	s24 =	sshrl.u32 s23, $0x3;
	[dreg:$0x13] =	wrdreg s0;
	s25 =	sadd.s32 s1, s7  }
0x23: {  	s0 =	sadd.s32 s4, s8;
	s13 =	sadd.s32 s4, s12;
	[dreg:$0x16] =	wrdreg s25  }
0x24: {  	s7 =	sshll.u32 s26, $0x4;
	s17 =	sshll.u32 s10, $0x4;
	[dreg:$0x17] =	wrdreg s0  }
0x25: {  	s20 =	sshrl.u32 s18, $0x3;
	s26 =	sadd.s32 $0xC80, s5;
	[dreg:$0x19] =	wrdreg s13  }
0x26: {  	s14 =	sadd.s32 s1, s7;
	s0 =	sadd.s32 s4, s16;
	s19 =	sadd.s32 s1, s17  }
0x27: {  	s21 =	sadd.s32 s4, s20;
	s7 =	sshll.u32 s15, $0x4;
	[dreg:$0x1a] =	wrdreg s14  }
0x28: {  	s25 =	sshll.u32 s18, $0x4;
	s10 =	sshrl.u32 s26, $0x3;
	[dreg:$0x1b] =	wrdreg s0  }
0x29: {  	s13 =	sadd.s32 $0xD48, s5;
	s15 =	sshll.u32 s26, $0x4;
	[dreg:$0x1c] =	wrdreg s19  }
0x2a: {  	s16 =	sadd.s32 $0xE10, s5;
	[dreg:$0x1d] =	wrdreg s21;
	s22 =	sadd.s32 s1, s7  }
0x2b: {  	s0 =	sadd.s32 s4, s24;
	s8 =	sadd.s32 s1, s25;
	s11 =	sadd.s32 s4, s10  }
0x2c: {  	s7 =	sshll.u32 s23, $0x4;
	s14 =	sshrl.u32 s13, $0x3;
	[dreg:$0x1e] =	wrdreg s22  }
0x2d: {  	s17 =	sadd.s32 s1, s15;
	s18 =	sshrl.u32 s16, $0x3;
	[dreg:$0x1f] =	wrdreg s0  }
0x2e: {  	s21 =	sadd.s32 $0xED8, s5;
	s23 =	sshll.u32 s16, $0x4;
	[smem:$0x7CB] =	sst s8  }
0x2f: {  	s24 =	sadd.s32 $0xFA0, s5;
	s15 =	sadd.s32 $0x1130, s5;
	[smem:$0x7CC] =	sst s11  }
0x30: {  	s12 =	sadd.s32 s1, s7;
	s0 =	sadd.s32 s4, s14;
	[smem:$0x7CF] =	sst s17  }
0x31: {  	s19 =	sadd.s32 s4, s18;
	s7 =	sshll.u32 s13, $0x4;
	s22 =	sshrl.u32 s21, $0x3  }
0x32: {  	s25 =	sadd.s32 s1, s23;
	s26 =	sshrl.u32 s24, $0x3;
	[smem:$0x7CD] =	sst s12  }
0x33: {  	s14 =	sshll.u32 s24, $0x4;
	s17 =	sshrl.u32 s15, $0x3;
	[smem:$0x7CE] =	sst s0  }
0x34: {  	s23 =	sadd.s32 $0x12C0, s5;
	[smem:$0x7D0] =	sst s19;
	s20 =	sadd.s32 s1, s7  }
0x35: {  	s0 =	sadd.s32 s4, s22;
	[smem:$0x7D3] =	sst s25;
	s10 =	sadd.s32 s4, s26  }
0x36: {  	s7 =	sshll.u32 s21, $0x4;
	s12 =	sadd.s32 $0x1068, s5;
	[smem:$0x7D1] =	sst s20  }
0x37: {  	s16 =	sadd.s32 s1, s14;
	s18 =	sadd.s32 s4, s17;
	[smem:$0x7D2] =	sst s0  }
0x38: {  	s22 =	sshll.u32 s15, $0x4;
	s25 =	sshrl.u32 s23, $0x3;
	[smem:$0x7D4] =	sst s10  }
0x39: {  	s11 =	sadd.s32 s1, s7;
	s13 =	sshrl.u32 s12, $0x3;
	[smem:$0x7D7] =	sst s16  }
0x3a: {  	s7 =	sshll.u32 s12, $0x4;
	[smem:$0x7D8] =	sst s18;
	s20 =	sadd.s32 $0x11F8, s5  }
0x3b: {  	s24 =	sadd.s32 s1, s22;
	s26 =	sadd.s32 s4, s25;
	s10 =	sadd.s32 $0x1388, s5  }
0x3c: {  	s12 =	sshll.u32 s23, $0x4;
	s18 =	sadd.s32 $0x1518, s5;
	[smem:$0x7D5] =	sst s11  }
0x3d: {  	s0 =	sadd.s32 s4, s13;
	s19 =	sadd.s32 s1, s7;
	[smem:$0x7DB] =	sst s24  }
0x3e: {  	s21 =	sshrl.u32 s20, $0x3;
	s7 =	sshll.u32 s20, $0x4;
	[smem:$0x7DC] =	sst s26  }
0x3f: {  	s11 =	sshrl.u32 s10, $0x3;
	s13 =	sadd.s32 $0x1450, s5;
	[smem:$0x7D6] =	sst s0  }
0x40: {  	s14 =	sadd.s32 s1, s12;
	s26 =	sadd.s32 $0x16A8, s5;
	[smem:$0x7D9] =	sst s19  }
0x41: {  	s0 =	sadd.s32 s4, s21;
	s8 =	sadd.s32 s1, s7;
	s15 =	sshrl.u32 s13, $0x3  }
0x42: {  	[smem:$0x7DF] =	sst s14;
	s7 =	sshll.u32 s10, $0x4;
	s19 =	sshrl.u32 s18, $0x3  }
0x43: {  	s20 =	sshll.u32 s13, $0x4;
	s21 =	sadd.s32 $0x15E0, s5;
	[smem:$0x7DA] =	sst s0  }
0x44: {  	s10 =	sadd.s32 $0x1770, s5;
	[smem:$0x7DD] =	sst s8;
	s0 =	sadd.s32 s4, s11  }
0x45: {  	s16 =	sadd.s32 s4, s15;
	s17 =	sadd.s32 s1, s7;
	s22 =	sadd.s32 s1, s20  }
0x46: {  	s23 =	sshrl.u32 s21, $0x3;
	s7 =	sshll.u32 s18, $0x4;
	[smem:$0x7DE] =	sst s0  }
0x47: {  	s8 =	sshrl.u32 s26, $0x3;
	s9 =	sshll.u32 s21, $0x4;
	[smem:$0x7E0] =	sst s16  }
0x48: {  	s12 =	sshrl.u32 s10, $0x3;
	s15 =	sadd.s32 $0x1838, s5;
	[smem:$0x7E1] =	sst s17  }
0x49: {  	s18 =	sadd.s32 $0x1900, s5;
	s0 =	sadd.s32 s4, s19;
	[smem:$0x7E3] =	sst s22  }
0x4a: {  	s24 =	sadd.s32 s4, s23;
	s25 =	sadd.s32 s1, s7;
	s11 =	sadd.s32 s1, s9  }
0x4b: {  	s13 =	sadd.s32 s4, s12;
	s7 =	sshll.u32 s26, $0x4;
	[smem:$0x7E2] =	sst s0  }
0x4c: {  	s16 =	sshrl.u32 s15, $0x3;
	s17 =	sshll.u32 s10, $0x4;
	[smem:$0x7E4] =	sst s24  }
0x4d: {  	s20 =	sshrl.u32 s18, $0x3;
	s23 =	sadd.s32 $0x19C8, s5;
	[smem:$0x7E5] =	sst s25  }
0x4e: {  	s26 =	sadd.s32 $0x1A90, s5;
	s0 =	sadd.s32 s4, s8;
	[smem:$0x7E7] =	sst s11  }
0x4f: {  	[smem:$0x7E8] =	sst s13;
	s14 =	sadd.s32 s1, s7;
	s19 =	sadd.s32 s1, s17  }
0x50: {  	s21 =	sadd.s32 s4, s20;
	s7 =	sshll.u32 s15, $0x4;
	[smem:$0x7E6] =	sst s0  }
0x51: {  	s24 =	sshrl.u32 s23, $0x3;
	s25 =	sshll.u32 s18, $0x4;
	[smem:$0x7E9] =	sst s14  }
0x52: {  	s10 =	sshrl.u32 s26, $0x3;
	s13 =	sadd.s32 $0x1B58, s5;
	[smem:$0x7EB] =	sst s19  }
0x53: {  	s15 =	sshll.u32 s26, $0x4;
	s0 =	sadd.s32 s4, s16;
	[smem:$0x7EC] =	sst s21  }
0x54: {  	s22 =	sadd.s32 s1, s7;
	s8 =	sadd.s32 s1, s25;
	s11 =	sadd.s32 s4, s10  }
0x55: {  	s7 =	sshll.u32 s23, $0x4;
	s14 =	sshrl.u32 s13, $0x3;
	[smem:$0x7EA] =	sst s0  }
0x56: {  	s16 =	sadd.s32 $0x1C20, s5;
	s17 =	sadd.s32 s1, s15;
	[smem:$0x7ED] =	sst s22  }
0x57: {  	s21 =	sadd.s32 $0x1CE8, s5;
	s10 =	sadd.s32 $0x1DB0, s5;
	[smem:$0x7EF] =	sst s8  }
0x58: {  	s0 =	sadd.s32 s4, s24;
	[smem:$0x7F0] =	sst s11;
	s12 =	sadd.s32 s1, s7  }
0x59: {  	s18 =	sshrl.u32 s16, $0x3;
	[smem:$0x7F3] =	sst s17;
	s7 =	sshll.u32 s13, $0x4  }
0x5a: {  	s22 =	sshrl.u32 s6, $0x1;
	s23 =	sshrl.u32 s21, $0x3;
	s9 =	sshll.u32 s16, $0x4  }
0x5b: {  	s25 =	sshrl.u32 s10, $0x3;
	s11 =	sadd.s32 $0x1E78, s5;
	[smem:$0x7EE] =	sst s0  }
0x5c: {  	s13 =	sshll.u32 s10, $0x4;
	s10 =	sadd.s32 $0x2260, s5;
	[smem:$0x7F1] =	sst s12  }
0x5d: {  	s0 =	sadd.s32 s4, s14;
	s19 =	sadd.s32 s4, s18;
	s20 =	sadd.s32 s1, s7  }
0x5e: {  	s24 =	sadd.s32 s1, s9;
	s26 =	sadd.s32 s4, s25;
	[smem:$0x7F2] =	sst s0  }
0x5f: {  	s7 =	sshll.u32 s21, $0x4;
	s6 =	ssub.s32 s6, s22;
	[smem:$0x7F4] =	sst s19  }
0x60: {  	s12 =	sshrl.u32 s11, $0x3;
	s14 =	sadd.s32 $0x1F40, s5;
	[smem:$0x7F5] =	sst s20  }
0x61: {  	s15 =	sadd.s32 s1, s13;
	s22 =	sadd.s32 $0x20D0, s5;
	[smem:$0x7F7] =	sst s24  }
0x62: {  	s13 =	sadd.s32 $0x2328, s5;
	s0 =	sadd.s32 s4, s23;
	[smem:$0x7F8] =	sst s26  }
0x63: {  	s9 =	sadd.s32 s1, s7;
	s16 =	sshrl.u32 s14, $0x3;
	[smem:$0x7FB] =	sst s15  }
0x64: {  	s7 =	sshll.u32 s11, $0x4;
	s19 =	sadd.s32 $0x2008, s5;
	s21 =	sshll.u32 s14, $0x4  }
0x65: {  	s23 =	sshrl.u32 s22, $0x3;
	s24 =	sadd.s32 $0x2198, s5;
	s11 =	sshrl.u32 s10, $0x3  }
0x66: {  	s14 =	sshrl.u32 s13, $0x3;
	s15 =	sadd.s32 $0x23F0, s5;
	[smem:$0x7F6] =	sst s0  }
0x67: {  	[smem:$0x7F9] =	sst s9;
	s0 =	sadd.s32 s4, s12;
	s17 =	sadd.s32 s4, s16  }
0x68: {  	s18 =	sadd.s32 s1, s7;
	s20 =	sshrl.u32 s19, $0x3;
	s29 =	sadd.s32 s1, s21  }
0x69: {  	s7 =	sshll.u32 s19, $0x4;
	s30 =	sadd.s32 s4, s23;
	s8 =	sshrl.u32 s24, $0x3  }
0x6a: {  	s12 =	sshll.u32 s24, $0x4;
	s24 =	sadd.s32 s4, s11;
	[smem:$0x7FA] =	sst s0  }
0x6b: {  	s23 =	sadd.s32 s4, s14;
	s16 =	sshrl.u32 s15, $0x3;
	[smem:$0x7FC] =	sst s17  }
0x6c: {  	s11 =	sadd.s32 $0x2580, s5;
	s9 =	simm.s32 $0x2;
	[smem:$0x7FD] =	sst s18  }
0x6d: {  	s31 =	sadd.s32 s4, s20;
	s28 =	sadd.s32 s1, s7;
	s26 =	sadd.s32 s4, s8  }
0x6e: {  	s0 =	sshll.u32 s22, $0x4;
	s22 =	sadd.s32 s1, s12;
	s7 =	sshll.u32 s10, $0x4  }
0x6f: {  	s20 =	sadd.s32 s4, s16;
	s17 =	sadd.s32 $0x24B8, s5;
	s10 =	sshll.u32 s15, $0x4  }
0x70: {  	s12 =	sshrl.u32 s11, $0x3;
	s5 =	sadd.s32 $0x2648, s5;
	s15 =	smax.u32 s6, $0x1  }
0x71: {  	s6 =	simm.s32 $0x6590;
	s25 =	sadd.s32 s1, s0;
	s21 =	sadd.s32 s1, s7  }
0x72: {  	s0 =	sshll.u32 s13, $0x4;
	s8 =	sshrl.u32 s17, $0x3;
	s16 =	sadd.s32 s1, s10  }
0x73: {  	s7 =	sshll.u32 s17, $0x4;
	s17 =	sadd.s32 s4, s12;
	s13 =	sshrl.u32 s5, $0x3  }
0x74: {  	s14 =	sshll.u32 s5, $0x4;
	s12 =	simm.s32 $0xC8;
	p1 =	sne.s32 s15, $0x1  }
.Ltmp0:
0x75: {  	s19 =	sadd.s32 s1, s0;
	s18 =	sadd.s32 s4, s8;
	(pc) =	sbr.rel @!p1 .LBB2_3-.Ltmp0, $4  }
0x76: {  	s10 =	sadd.s32 s1, s7;
	s8 =	sadd.s32 s4, s13;
	s0 =	sshll.u32 s11, $0x4  }
0x77: {  	s4 =	sadd.s32 s1, s14;
	s11 =	simm.s32 $0x5;
	s13 =	simm.s32 $0x190  }
0x78: {  	s14 =	simm.s32 $0x3;
	s7 =	simm.s32 $0x4;
	s5 =	sadd.s32 s1, s0  }
0x79: {  	s1 =	sadd.s32 $0xFFFFFFFF, s15;
	s15 =	simm.s32 $0x1;
	s0 =	rddreg [dreg:$0x2]  }
0x7a: {  	[tilespmem:s2], [sflag:$0x5] =	stream.linear.gather [hbm4b:s0+s2], $0xC8, $0x38;
	[tilespmem:$0xC990] =	vst v63  }
0x7b: {  	_ =	swait.ge [sflag:s11], $0xC8  }
0x7c: {  	[sflag:s11] =	ssyncset.done $0x0  }
0x7d: {  	[sflag:s11] =	ssyncadd.s32 $0xFFFFFF38  }
0x7e: {  	[tilespmem:s13], [sflag:$0x1] =	stream.indirect.gather [hbm4b:s3+s12], $0x80, s2, s12, $0xb8;
	[tilespmem:$0xC990] =	vst v63  }
0x7f: {  	s0 =	rddreg [dreg:$0x3]  }
0x80: {  	[tilespmem:s12], [sflag:$0x5] =	stream.linear.gather [hbm4b:s0+s2], $0xC8, $0x38;
	[tilespmem:$0xC990] =	vst v63  }
0x81: {  	_ =	swait.ge [sflag:s11], $0xC8  }
0x82: {  	[sflag:s11] =	ssyncset.done $0x0  }
0x83: {  	[sflag:s11] =	ssyncadd.s32 $0xFFFFFF38  }
0x84: {  	[tilespmem:s6], [sflag:$0x2] =	stream.indirect.gather [hbm4b:s3+s12], $0x80, s12, s12, $0xb8;
	[tilespmem:$0xC990] =	vst v63  }
0x85: {  	_ =	swait.ge [sflag:s15], $0x6400  }
0x86: {  	[sflag:s15] =	ssyncset.done $0x0  }
0x87: {  	s0 =	rddreg [dreg:$0x4];
	[sflag:s15] =	ssyncadd.s32 $0xFFFF9C00  }
0x88: {  	[hbm4b:s0+s2] =	stream.linear.scatter [tilespmem:s13], [sflag:$0x3], $0x6400, $0x38;
	[tilespmem:$0xC990] =	vst v63  }
0x89: {  	_ =	swait.ge [sflag:s14], $0x6400  }
0x8a: {  	[sflag:s14] =	ssyncset.done $0x0  }
0x8b: {  	s0 =	rddreg [dreg:$0x5];
	[sflag:s14] =	ssyncadd.s32 $0xFFFF9C00  }
0x8c: {  	[tilespmem:s2], [sflag:$0x5] =	stream.linear.gather [hbm4b:s0+s2], $0xC8, $0x38;
	[tilespmem:$0xC990] =	vst v63  }
0x8d: {  	_ =	swait.ge [sflag:s11], $0xC8  }
0x8e: {  	[sflag:s11] =	ssyncset.done $0x0  }
0x8f: {  	[sflag:s11] =	ssyncadd.s32 $0xFFFFFF38  }
0x90: {  	[tilespmem:s13], [sflag:$0x1] =	stream.indirect.gather [hbm4b:s3+s12], $0x80, s2, s12, $0xb8;
	[tilespmem:$0xC990] =	vst v63  }
0x91: {  	_ =	swait.ge [sflag:s9], $0x6400  }
0x92: {  	[sflag:s9] =	ssyncset.done $0x0  }
0x93: {  	s0 =	rddreg [dreg:$0x6];
	[sflag:s9] =	ssyncadd.s32 $0xFFFF9C00  }
0x94: {  	[hbm4b:s0+s2] =	stream.linear.scatter [tilespmem:s6], [sflag:$0x4], $0x6400, $0x38;
	[tilespmem:$0xC990] =	vst v63  }
0x95: {  	_ =	swait.ge [sflag:s7], $0x6400  }
0x96: {  	[sflag:s7] =	ssyncset.done $0x0  }
0x97: {  	s0 =	rddreg [dreg:$0x7];
	[sflag:s7] =	ssyncadd.s32 $0xFFFF9C00  }
0x98: {  	[tilespmem:s12], [sflag:$0x5] =	stream.linear.gather [hbm4b:s0+s2], $0xC8, $0x38;
	[tilespmem:$0xC990] =	vst v63  }
0x99: {  	_ =	swait.ge [sflag:s11], $0xC8  }
0x9a: {  	[sflag:s11] =	ssyncset.done $0x0  }
0x9b: {  	[sflag:s11] =	ssyncadd.s32 $0xFFFFFF38  }
0x9c: {  	[tilespmem:s6], [sflag:$0x2] =	stream.indirect.gather [hbm4b:s3+s12], $0x80, s12, s12, $0xb8;
	[tilespmem:$0xC990] =	vst v63  }
0x9d: {  	_ =	swait.ge [sflag:s15], $0x6400  }
0x9e: {  	[sflag:s15] =	ssyncset.done $0x0  }
0x9f: {  	s0 =	rddreg [dreg:$0x8];
	[sflag:s15] =	ssyncadd.s32 $0xFFFF9C00  }
0xa0: {  	[hbm4b:s0+s2] =	stream.linear.scatter [tilespmem:s13], [sflag:$0x3], $0x6400, $0x38;
	[tilespmem:$0xC990] =	vst v63  }
0xa1: {  	_ =	swait.ge [sflag:s14], $0x6400  }
0xa2: {  	[sflag:s14] =	ssyncset.done $0x0  }
0xa3: {  	s0 =	rddreg [dreg:$0x9];
	[sflag:s14] =	ssyncadd.s32 $0xFFFF9C00  }
0xa4: {  	[tilespmem:s2], [sflag:$0x5] =	stream.linear.gather [hbm4b:s0+s2], $0xC8, $0x38;
	[tilespmem:$0xC990] =	vst v63  }
0xa5: {  	_ =	swait.ge [sflag:s11], $0xC8  }
0xa6: {  	[sflag:s11] =	ssyncset.done $0x0  }
0xa7: {  	[sflag:s11] =	ssyncadd.s32 $0xFFFFFF38  }
0xa8: {  	[tilespmem:s13], [sflag:$0x1] =	stream.indirect.gather [hbm4b:s3+s12], $0x80, s2, s12, $0xb8;
	[tilespmem:$0xC990] =	vst v63  }
0xa9: {  	_ =	swait.ge [sflag:s9], $0x6400  }
0xaa: {  	[sflag:s9] =	ssyncset.done $0x0  }
0xab: {  	s0 =	rddreg [dreg:$0xa];
	[sflag:s9] =	ssyncadd.s32 $0xFFFF9C00  }
0xac: {  	[hbm4b:s0+s2] =	stream.linear.scatter [tilespmem:s6], [sflag:$0x4], $0x6400, $0x38;
	[tilespmem:$0xC990] =	vst v63  }
0xad: {  	_ =	swait.ge [sflag:s7], $0x6400  }
0xae: {  	[sflag:s7] =	ssyncset.done $0x0  }
0xaf: {  	s0 =	rddreg [dreg:$0xb];
	[sflag:s7] =	ssyncadd.s32 $0xFFFF9C00  }
0xb0: {  	[tilespmem:s12], [sflag:$0x5] =	stream.linear.gather [hbm4b:s0+s2], $0xC8, $0x38;
	[tilespmem:$0xC990] =	vst v63  }
0xb1: {  	_ =	swait.ge [sflag:s11], $0xC8  }
0xb2: {  	[sflag:s11] =	ssyncset.done $0x0  }
0xb3: {  	[sflag:s11] =	ssyncadd.s32 $0xFFFFFF38  }
0xb4: {  	[tilespmem:s6], [sflag:$0x2] =	stream.indirect.gather [hbm4b:s3+s12], $0x80, s12, s12, $0xb8;
	[tilespmem:$0xC990] =	vst v63  }
0xb5: {  	_ =	swait.ge [sflag:s15], $0x6400  }
0xb6: {  	[sflag:s15] =	ssyncset.done $0x0  }
0xb7: {  	s0 =	rddreg [dreg:$0xc];
	[sflag:s15] =	ssyncadd.s32 $0xFFFF9C00  }
0xb8: {  	[hbm4b:s0+s2] =	stream.linear.scatter [tilespmem:s13], [sflag:$0x3], $0x6400, $0x38;
	[tilespmem:$0xC990] =	vst v63  }
0xb9: {  	_ =	swait.ge [sflag:s14], $0x6400  }
0xba: {  	[sflag:s14] =	ssyncset.done $0x0  }
0xbb: {  	s0 =	rddreg [dreg:$0xd];
	[sflag:s14] =	ssyncadd.s32 $0xFFFF9C00  }
0xbc: {  	[tilespmem:s2], [sflag:$0x5] =	stream.linear.gather [hbm4b:s0+s2], $0xC8, $0x38;
	[tilespmem:$0xC990] =	vst v63  }
0xbd: {  	_ =	swait.ge [sflag:s11], $0xC8  }
0xbe: {  	[sflag:s11] =	ssyncset.done $0x0  }
0xbf: {  	[sflag:s11] =	ssyncadd.s32 $0xFFFFFF38  }
0xc0: {  	[tilespmem:s13], [sflag:$0x1] =	stream.indirect.gather [hbm4b:s3+s12], $0x80, s2, s12, $0xb8;
	[tilespmem:$0xC990] =	vst v63  }
0xc1: {  	_ =	swait.ge [sflag:s9], $0x6400  }
0xc2: {  	[sflag:s9] =	ssyncset.done $0x0  }
0xc3: {  	s0 =	rddreg [dreg:$0xe];
	[sflag:s9] =	ssyncadd.s32 $0xFFFF9C00  }
0xc4: {  	[hbm4b:s0+s2] =	stream.linear.scatter [tilespmem:s6], [sflag:$0x4], $0x6400, $0x38;
	[tilespmem:$0xC990] =	vst v63  }
0xc5: {  	_ =	swait.ge [sflag:s7], $0x6400  }
0xc6: {  	[sflag:s7] =	ssyncset.done $0x0  }
0xc7: {  	s0 =	rddreg [dreg:$0xf];
	[sflag:s7] =	ssyncadd.s32 $0xFFFF9C00  }
0xc8: {  	[tilespmem:s12], [sflag:$0x5] =	stream.linear.gather [hbm4b:s0+s2], $0xC8, $0x38;
	[tilespmem:$0xC990] =	vst v63  }
0xc9: {  	_ =	swait.ge [sflag:s11], $0xC8  }
0xca: {  	[sflag:s11] =	ssyncset.done $0x0  }
0xcb: {  	[sflag:s11] =	ssyncadd.s32 $0xFFFFFF38  }
0xcc: {  	[tilespmem:s6], [sflag:$0x2] =	stream.indirect.gather [hbm4b:s3+s12], $0x80, s12, s12, $0xb8;
	[tilespmem:$0xC990] =	vst v63  }
0xcd: {  	_ =	swait.ge [sflag:s15], $0x6400  }
0xce: {  	[sflag:s15] =	ssyncset.done $0x0  }
0xcf: {  	s0 =	rddreg [dreg:$0x10];
	[sflag:s15] =	ssyncadd.s32 $0xFFFF9C00  }
0xd0: {  	[hbm4b:s0+s2] =	stream.linear.scatter [tilespmem:s13], [sflag:$0x3], $0x6400, $0x38;
	[tilespmem:$0xC990] =	vst v63  }
0xd1: {  	_ =	swait.ge [sflag:s14], $0x6400  }
0xd2: {  	[sflag:s14] =	ssyncset.done $0x0  }
0xd3: {  	s0 =	rddreg [dreg:$0x11];
	[sflag:s14] =	ssyncadd.s32 $0xFFFF9C00  }
0xd4: {  	[tilespmem:s2], [sflag:$0x5] =	stream.linear.gather [hbm4b:s0+s2], $0xC8, $0x38;
	[tilespmem:$0xC990] =	vst v63  }
0xd5: {  	_ =	swait.ge [sflag:s11], $0xC8  }
0xd6: {  	[sflag:s11] =	ssyncset.done $0x0  }
0xd7: {  	[sflag:s11] =	ssyncadd.s32 $0xFFFFFF38  }
0xd8: {  	[tilespmem:s13], [sflag:$0x1] =	stream.indirect.gather [hbm4b:s3+s12], $0x80, s2, s12, $0xb8;
	[tilespmem:$0xC990] =	vst v63  }
0xd9: {  	_ =	swait.ge [sflag:s9], $0x6400  }
0xda: {  	[sflag:s9] =	ssyncset.done $0x0  }
0xdb: {  	s0 =	rddreg [dreg:$0x12];
	[sflag:s9] =	ssyncadd.s32 $0xFFFF9C00  }
0xdc: {  	[hbm4b:s0+s2] =	stream.linear.scatter [tilespmem:s6], [sflag:$0x4], $0x6400, $0x38;
	[tilespmem:$0xC990] =	vst v63  }
0xdd: {  	_ =	swait.ge [sflag:s7], $0x6400  }
0xde: {  	[sflag:s7] =	ssyncset.done $0x0  }
0xdf: {  	s0 =	rddreg [dreg:$0x13];
	[sflag:s7] =	ssyncadd.s32 $0xFFFF9C00  }
0xe0: {  	[tilespmem:s12], [sflag:$0x5] =	stream.linear.gather [hbm4b:s0+s2], $0xC8, $0x38;
	[tilespmem:$0xC990] =	vst v63  }
0xe1: {  	_ =	swait.ge [sflag:s11], $0xC8  }
0xe2: {  	[sflag:s11] =	ssyncset.done $0x0  }
0xe3: {  	[sflag:s11] =	ssyncadd.s32 $0xFFFFFF38  }
0xe4: {  	[tilespmem:s6], [sflag:$0x2] =	stream.indirect.gather [hbm4b:s3+s12], $0x80, s12, s12, $0xb8;
	[tilespmem:$0xC990] =	vst v63  }
0xe5: {  	_ =	swait.ge [sflag:s15], $0x6400  }
0xe6: {  	[sflag:s15] =	ssyncset.done $0x0  }
0xe7: {  	s0 =	rddreg [dreg:$0x14];
	[sflag:s15] =	ssyncadd.s32 $0xFFFF9C00  }
0xe8: {  	[hbm4b:s0+s2] =	stream.linear.scatter [tilespmem:s13], [sflag:$0x3], $0x6400, $0x38;
	[tilespmem:$0xC990] =	vst v63  }
0xe9: {  	_ =	swait.ge [sflag:s14], $0x6400  }
0xea: {  	[sflag:s14] =	ssyncset.done $0x0  }
0xeb: {  	s0 =	rddreg [dreg:$0x15];
	[sflag:s14] =	ssyncadd.s32 $0xFFFF9C00  }
0xec: {  	[tilespmem:s2], [sflag:$0x5] =	stream.linear.gather [hbm4b:s0+s2], $0xC8, $0x38;
	[tilespmem:$0xC990] =	vst v63  }
0xed: {  	_ =	swait.ge [sflag:s11], $0xC8  }
0xee: {  	[sflag:s11] =	ssyncset.done $0x0  }
0xef: {  	[sflag:s11] =	ssyncadd.s32 $0xFFFFFF38  }
0xf0: {  	[tilespmem:s13], [sflag:$0x1] =	stream.indirect.gather [hbm4b:s3+s12], $0x80, s2, s12, $0xb8;
	[tilespmem:$0xC990] =	vst v63  }
0xf1: {  	_ =	swait.ge [sflag:s9], $0x6400  }
0xf2: {  	[sflag:s9] =	ssyncset.done $0x0  }
0xf3: {  	s0 =	rddreg [dreg:$0x16];
	[sflag:s9] =	ssyncadd.s32 $0xFFFF9C00  }
0xf4: {  	[hbm4b:s0+s2] =	stream.linear.scatter [tilespmem:s6], [sflag:$0x4], $0x6400, $0x38;
	[tilespmem:$0xC990] =	vst v63  }
0xf5: {  	_ =	swait.ge [sflag:s7], $0x6400  }
0xf6: {  	[sflag:s7] =	ssyncset.done $0x0  }
0xf7: {  	s0 =	rddreg [dreg:$0x17];
	[sflag:s7] =	ssyncadd.s32 $0xFFFF9C00  }
0xf8: {  	[tilespmem:s12], [sflag:$0x5] =	stream.linear.gather [hbm4b:s0+s2], $0xC8, $0x38;
	[tilespmem:$0xC990] =	vst v63  }
0xf9: {  	_ =	swait.ge [sflag:s11], $0xC8  }
0xfa: {  	[sflag:s11] =	ssyncset.done $0x0  }
0xfb: {  	[sflag:s11] =	ssyncadd.s32 $0xFFFFFF38  }
0xfc: {  	[tilespmem:s6], [sflag:$0x2] =	stream.indirect.gather [hbm4b:s3+s12], $0x80, s12, s12, $0xb8;
	[tilespmem:$0xC990] =	vst v63  }
0xfd: {  	_ =	swait.ge [sflag:s15], $0x6400  }
0xfe: {  	[sflag:s15] =	ssyncset.done $0x0  }
0xff: {  	s0 =	rddreg [dreg:$0x18];
	[sflag:s15] =	ssyncadd.s32 $0xFFFF9C00  }
0x100: {  	[hbm4b:s0+s2] =	stream.linear.scatter [tilespmem:s13], [sflag:$0x3], $0x6400, $0x38;
	[tilespmem:$0xC990] =	vst v63  }
0x101: {  	_ =	swait.ge [sflag:s14], $0x6400  }
0x102: {  	[sflag:s14] =	ssyncset.done $0x0  }
0x103: {  	s0 =	rddreg [dreg:$0x19];
	[sflag:s14] =	ssyncadd.s32 $0xFFFF9C00  }
0x104: {  	[tilespmem:s2], [sflag:$0x5] =	stream.linear.gather [hbm4b:s0+s2], $0xC8, $0x38;
	[tilespmem:$0xC990] =	vst v63  }
0x105: {  	_ =	swait.ge [sflag:s11], $0xC8  }
0x106: {  	[sflag:s11] =	ssyncset.done $0x0  }
0x107: {  	[sflag:s11] =	ssyncadd.s32 $0xFFFFFF38  }
0x108: {  	[tilespmem:s13], [sflag:$0x1] =	stream.indirect.gather [hbm4b:s3+s12], $0x80, s2, s12, $0xb8;
	[tilespmem:$0xC990] =	vst v63  }
0x109: {  	_ =	swait.ge [sflag:s9], $0x6400  }
0x10a: {  	[sflag:s9] =	ssyncset.done $0x0  }
0x10b: {  	s0 =	rddreg [dreg:$0x1a];
	[sflag:s9] =	ssyncadd.s32 $0xFFFF9C00  }
0x10c: {  	[hbm4b:s0+s2] =	stream.linear.scatter [tilespmem:s6], [sflag:$0x4], $0x6400, $0x38;
	[tilespmem:$0xC990] =	vst v63  }
0x10d: {  	_ =	swait.ge [sflag:s7], $0x6400  }
0x10e: {  	[sflag:s7] =	ssyncset.done $0x0  }
0x10f: {  	s0 =	rddreg [dreg:$0x1b];
	[sflag:s7] =	ssyncadd.s32 $0xFFFF9C00  }
0x110: {  	[tilespmem:s12], [sflag:$0x5] =	stream.linear.gather [hbm4b:s0+s2], $0xC8, $0x38;
	[tilespmem:$0xC990] =	vst v63  }
0x111: {  	_ =	swait.ge [sflag:s11], $0xC8  }
0x112: {  	[sflag:s11] =	ssyncset.done $0x0  }
0x113: {  	[sflag:s11] =	ssyncadd.s32 $0xFFFFFF38  }
0x114: {  	[tilespmem:s6], [sflag:$0x2] =	stream.indirect.gather [hbm4b:s3+s12], $0x80, s12, s12, $0xb8;
	[tilespmem:$0xC990] =	vst v63  }
0x115: {  	_ =	swait.ge [sflag:s15], $0x6400  }
0x116: {  	[sflag:s15] =	ssyncset.done $0x0  }
0x117: {  	s0 =	rddreg [dreg:$0x1c];
	[sflag:s15] =	ssyncadd.s32 $0xFFFF9C00  }
0x118: {  	[hbm4b:s0+s2] =	stream.linear.scatter [tilespmem:s13], [sflag:$0x3], $0x6400, $0x38;
	[tilespmem:$0xC990] =	vst v63  }
0x119: {  	_ =	swait.ge [sflag:s14], $0x6400  }
0x11a: {  	[sflag:s14] =	ssyncset.done $0x0  }
0x11b: {  	s0 =	rddreg [dreg:$0x1d];
	[sflag:s14] =	ssyncadd.s32 $0xFFFF9C00  }
0x11c: {  	[tilespmem:s2], [sflag:$0x5] =	stream.linear.gather [hbm4b:s0+s2], $0xC8, $0x38;
	[tilespmem:$0xC990] =	vst v63  }
0x11d: {  	_ =	swait.ge [sflag:s11], $0xC8  }
0x11e: {  	[sflag:s11] =	ssyncset.done $0x0  }
0x11f: {  	[sflag:s11] =	ssyncadd.s32 $0xFFFFFF38  }
0x120: {  	[tilespmem:s13], [sflag:$0x1] =	stream.indirect.gather [hbm4b:s3+s12], $0x80, s2, s12, $0xb8;
	[tilespmem:$0xC990] =	vst v63  }
0x121: {  	_ =	swait.ge [sflag:s9], $0x6400  }
0x122: {  	[sflag:s9] =	ssyncset.done $0x0  }
0x123: {  	s0 =	rddreg [dreg:$0x1e];
	[sflag:s9] =	ssyncadd.s32 $0xFFFF9C00  }
0x124: {  	[hbm4b:s0+s2] =	stream.linear.scatter [tilespmem:s6], [sflag:$0x4], $0x6400, $0x38;
	[tilespmem:$0xC990] =	vst v63  }
0x125: {  	_ =	swait.ge [sflag:s7], $0x6400  }
0x126: {  	[sflag:s7] =	ssyncset.done $0x0  }
0x127: {  	s0 =	rddreg [dreg:$0x1f];
	[sflag:s7] =	ssyncadd.s32 $0xFFFF9C00  }
0x128: {  	[tilespmem:s12], [sflag:$0x5] =	stream.linear.gather [hbm4b:s0+s2], $0xC8, $0x38;
	[tilespmem:$0xC990] =	vst v63  }
0x129: {  	_ =	swait.ge [sflag:s11], $0xC8  }
0x12a: {  	[sflag:s11] =	ssyncset.done $0x0  }
0x12b: {  	[sflag:s11] =	ssyncadd.s32 $0xFFFFFF38  }
0x12c: {  	[tilespmem:s6], [sflag:$0x2] =	stream.indirect.gather [hbm4b:s3+s12], $0x80, s12, s12, $0xb8;
	[tilespmem:$0xC990] =	vst v63  }
0x12d: {  	_ =	swait.ge [sflag:s15], $0x6400  }
0x12e: {  	s0 =	sld [smem:$0x7CB]  }
0x12f: {  	[sflag:s15] =	ssyncset.done $0x0  }
0x130: {  	[sflag:s15] =	ssyncadd.s32 $0xFFFF9C00  }
0x131: {  	[hbm4b:s0+s2] =	stream.linear.scatter [tilespmem:s13], [sflag:$0x3], $0x6400, $0x38;
	[tilespmem:$0xC990] =	vst v63  }
0x132: {  	_ =	swait.ge [sflag:s14], $0x6400  }
0x133: {  	s0 =	sld [smem:$0x7CC]  }
0x134: {  	[sflag:s14] =	ssyncset.done $0x0  }
0x135: {  	[sflag:s14] =	ssyncadd.s32 $0xFFFF9C00  }
0x136: {  	[tilespmem:s2], [sflag:$0x5] =	stream.linear.gather [hbm4b:s0+s2], $0xC8, $0x38;
	[tilespmem:$0xC990] =	vst v63  }
0x137: {  	_ =	swait.ge [sflag:s11], $0xC8  }
0x138: {  	[sflag:s11] =	ssyncset.done $0x0  }
0x139: {  	[sflag:s11] =	ssyncadd.s32 $0xFFFFFF38  }
0x13a: {  	[tilespmem:s13], [sflag:$0x1] =	stream.indirect.gather [hbm4b:s3+s12], $0x80, s2, s12, $0xb8;
	[tilespmem:$0xC990] =	vst v63  }
0x13b: {  	_ =	swait.ge [sflag:s9], $0x6400  }
0x13c: {  	s0 =	sld [smem:$0x7CD]  }
0x13d: {  	[sflag:s9] =	ssyncset.done $0x0  }
0x13e: {  	[sflag:s9] =	ssyncadd.s32 $0xFFFF9C00  }
0x13f: {  	[hbm4b:s0+s2] =	stream.linear.scatter [tilespmem:s6], [sflag:$0x4], $0x6400, $0x38;
	[tilespmem:$0xC990] =	vst v63  }
0x140: {  	_ =	swait.ge [sflag:s7], $0x6400  }
0x141: {  	s0 =	sld [smem:$0x7CE]  }
0x142: {  	[sflag:s7] =	ssyncset.done $0x0  }
0x143: {  	[sflag:s7] =	ssyncadd.s32 $0xFFFF9C00  }
0x144: {  	[tilespmem:s12], [sflag:$0x5] =	stream.linear.gather [hbm4b:s0+s2], $0xC8, $0x38;
	[tilespmem:$0xC990] =	vst v63  }
0x145: {  	_ =	swait.ge [sflag:s11], $0xC8  }
0x146: {  	[sflag:s11] =	ssyncset.done $0x0  }
0x147: {  	[sflag:s11] =	ssyncadd.s32 $0xFFFFFF38  }
0x148: {  	[tilespmem:s6], [sflag:$0x2] =	stream.indirect.gather [hbm4b:s3+s12], $0x80, s12, s12, $0xb8;
	[tilespmem:$0xC990] =	vst v63  }
0x149: {  	_ =	swait.ge [sflag:s15], $0x6400  }
0x14a: {  	s0 =	sld [smem:$0x7CF]  }
0x14b: {  	[sflag:s15] =	ssyncset.done $0x0  }
0x14c: {  	[sflag:s15] =	ssyncadd.s32 $0xFFFF9C00  }
0x14d: {  	[hbm4b:s0+s2] =	stream.linear.scatter [tilespmem:s13], [sflag:$0x3], $0x6400, $0x38;
	[tilespmem:$0xC990] =	vst v63  }
0x14e: {  	_ =	swait.ge [sflag:s14], $0x6400  }
0x14f: {  	s0 =	sld [smem:$0x7D0]  }
0x150: {  	[sflag:s14] =	ssyncset.done $0x0  }
0x151: {  	[sflag:s14] =	ssyncadd.s32 $0xFFFF9C00  }
0x152: {  	[tilespmem:s2], [sflag:$0x5] =	stream.linear.gather [hbm4b:s0+s2], $0xC8, $0x38;
	[tilespmem:$0xC990] =	vst v63  }
0x153: {  	_ =	swait.ge [sflag:s11], $0xC8  }
0x154: {  	[sflag:s11] =	ssyncset.done $0x0  }
0x155: {  	[sflag:s11] =	ssyncadd.s32 $0xFFFFFF38  }
0x156: {  	[tilespmem:s13], [sflag:$0x1] =	stream.indirect.gather [hbm4b:s3+s12], $0x80, s2, s12, $0xb8;
	[tilespmem:$0xC990] =	vst v63  }
0x157: {  	_ =	swait.ge [sflag:s9], $0x6400  }
0x158: {  	s0 =	sld [smem:$0x7D1]  }
0x159: {  	[sflag:s9] =	ssyncset.done $0x0  }
0x15a: {  	[sflag:s9] =	ssyncadd.s32 $0xFFFF9C00  }
0x15b: {  	[hbm4b:s0+s2] =	stream.linear.scatter [tilespmem:s6], [sflag:$0x4], $0x6400, $0x38;
	[tilespmem:$0xC990] =	vst v63  }
0x15c: {  	_ =	swait.ge [sflag:s7], $0x6400  }
0x15d: {  	s0 =	sld [smem:$0x7D2]  }
0x15e: {  	[sflag:s7] =	ssyncset.done $0x0  }
0x15f: {  	[sflag:s7] =	ssyncadd.s32 $0xFFFF9C00  }
0x160: {  	[tilespmem:s12], [sflag:$0x5] =	stream.linear.gather [hbm4b:s0+s2], $0xC8, $0x38;
	[tilespmem:$0xC990] =	vst v63  }
0x161: {  	_ =	swait.ge [sflag:s11], $0xC8  }
0x162: {  	[sflag:s11] =	ssyncset.done $0x0  }
0x163: {  	[sflag:s11] =	ssyncadd.s32 $0xFFFFFF38  }
0x164: {  	[tilespmem:s6], [sflag:$0x2] =	stream.indirect.gather [hbm4b:s3+s12], $0x80, s12, s12, $0xb8;
	[tilespmem:$0xC990] =	vst v63  }
0x165: {  	_ =	swait.ge [sflag:s15], $0x6400  }
0x166: {  	s0 =	sld [smem:$0x7D3]  }
0x167: {  	[sflag:s15] =	ssyncset.done $0x0  }
0x168: {  	[sflag:s15] =	ssyncadd.s32 $0xFFFF9C00  }
0x169: {  	[hbm4b:s0+s2] =	stream.linear.scatter [tilespmem:s13], [sflag:$0x3], $0x6400, $0x38;
	[tilespmem:$0xC990] =	vst v63  }
0x16a: {  	_ =	swait.ge [sflag:s14], $0x6400  }
0x16b: {  	s0 =	sld [smem:$0x7D4]  }
0x16c: {  	[sflag:s14] =	ssyncset.done $0x0  }
0x16d: {  	[sflag:s14] =	ssyncadd.s32 $0xFFFF9C00  }
0x16e: {  	[tilespmem:s2], [sflag:$0x5] =	stream.linear.gather [hbm4b:s0+s2], $0xC8, $0x38;
	[tilespmem:$0xC990] =	vst v63  }
0x16f: {  	_ =	swait.ge [sflag:s11], $0xC8  }
0x170: {  	[sflag:s11] =	ssyncset.done $0x0  }
0x171: {  	[sflag:s11] =	ssyncadd.s32 $0xFFFFFF38  }
0x172: {  	[tilespmem:s13], [sflag:$0x1] =	stream.indirect.gather [hbm4b:s3+s12], $0x80, s2, s12, $0xb8;
	[tilespmem:$0xC990] =	vst v63  }
0x173: {  	_ =	swait.ge [sflag:s9], $0x6400  }
0x174: {  	s0 =	sld [smem:$0x7D5]  }
0x175: {  	[sflag:s9] =	ssyncset.done $0x0  }
0x176: {  	[sflag:s9] =	ssyncadd.s32 $0xFFFF9C00  }
0x177: {  	[hbm4b:s0+s2] =	stream.linear.scatter [tilespmem:s6], [sflag:$0x4], $0x6400, $0x38;
	[tilespmem:$0xC990] =	vst v63  }
0x178: {  	_ =	swait.ge [sflag:s7], $0x6400  }
0x179: {  	s0 =	sld [smem:$0x7D6]  }
0x17a: {  	[sflag:s7] =	ssyncset.done $0x0  }
0x17b: {  	[sflag:s7] =	ssyncadd.s32 $0xFFFF9C00  }
0x17c: {  	[tilespmem:s12], [sflag:$0x5] =	stream.linear.gather [hbm4b:s0+s2], $0xC8, $0x38;
	[tilespmem:$0xC990] =	vst v63  }
0x17d: {  	_ =	swait.ge [sflag:s11], $0xC8  }
0x17e: {  	[sflag:s11] =	ssyncset.done $0x0  }
0x17f: {  	[sflag:s11] =	ssyncadd.s32 $0xFFFFFF38  }
0x180: {  	[tilespmem:s6], [sflag:$0x2] =	stream.indirect.gather [hbm4b:s3+s12], $0x80, s12, s12, $0xb8;
	[tilespmem:$0xC990] =	vst v63  }
0x181: {  	_ =	swait.ge [sflag:s15], $0x6400  }
0x182: {  	s0 =	sld [smem:$0x7D7]  }
0x183: {  	[sflag:s15] =	ssyncset.done $0x0  }
0x184: {  	[sflag:s15] =	ssyncadd.s32 $0xFFFF9C00  }
0x185: {  	[hbm4b:s0+s2] =	stream.linear.scatter [tilespmem:s13], [sflag:$0x3], $0x6400, $0x38;
	[tilespmem:$0xC990] =	vst v63  }
0x186: {  	_ =	swait.ge [sflag:s14], $0x6400  }
0x187: {  	s0 =	sld [smem:$0x7D8]  }
0x188: {  	[sflag:s14] =	ssyncset.done $0x0  }
0x189: {  	[sflag:s14] =	ssyncadd.s32 $0xFFFF9C00  }
0x18a: {  	[tilespmem:s2], [sflag:$0x5] =	stream.linear.gather [hbm4b:s0+s2], $0xC8, $0x38;
	[tilespmem:$0xC990] =	vst v63  }
0x18b: {  	_ =	swait.ge [sflag:s11], $0xC8  }
0x18c: {  	[sflag:s11] =	ssyncset.done $0x0  }
0x18d: {  	[sflag:s11] =	ssyncadd.s32 $0xFFFFFF38  }
0x18e: {  	[tilespmem:s13], [sflag:$0x1] =	stream.indirect.gather [hbm4b:s3+s12], $0x80, s2, s12, $0xb8;
	[tilespmem:$0xC990] =	vst v63  }
0x18f: {  	_ =	swait.ge [sflag:s9], $0x6400  }
0x190: {  	s0 =	sld [smem:$0x7D9]  }
0x191: {  	[sflag:s9] =	ssyncset.done $0x0  }
0x192: {  	[sflag:s9] =	ssyncadd.s32 $0xFFFF9C00  }
0x193: {  	[hbm4b:s0+s2] =	stream.linear.scatter [tilespmem:s6], [sflag:$0x4], $0x6400, $0x38;
	[tilespmem:$0xC990] =	vst v63  }
0x194: {  	_ =	swait.ge [sflag:s7], $0x6400  }
0x195: {  	s0 =	sld [smem:$0x7DA]  }
0x196: {  	[sflag:s7] =	ssyncset.done $0x0  }
0x197: {  	[sflag:s7] =	ssyncadd.s32 $0xFFFF9C00  }
0x198: {  	[tilespmem:s12], [sflag:$0x5] =	stream.linear.gather [hbm4b:s0+s2], $0xC8, $0x38;
	[tilespmem:$0xC990] =	vst v63  }
0x199: {  	_ =	swait.ge [sflag:s11], $0xC8  }
0x19a: {  	[sflag:s11] =	ssyncset.done $0x0  }
0x19b: {  	[sflag:s11] =	ssyncadd.s32 $0xFFFFFF38  }
0x19c: {  	[tilespmem:s6], [sflag:$0x2] =	stream.indirect.gather [hbm4b:s3+s12], $0x80, s12, s12, $0xb8;
	[tilespmem:$0xC990] =	vst v63  }
0x19d: {  	_ =	swait.ge [sflag:s15], $0x6400  }
0x19e: {  	s0 =	sld [smem:$0x7DB]  }
0x19f: {  	[sflag:s15] =	ssyncset.done $0x0  }
0x1a0: {  	[sflag:s15] =	ssyncadd.s32 $0xFFFF9C00  }
0x1a1: {  	[hbm4b:s0+s2] =	stream.linear.scatter [tilespmem:s13], [sflag:$0x3], $0x6400, $0x38;
	[tilespmem:$0xC990] =	vst v63  }
0x1a2: {  	_ =	swait.ge [sflag:s14], $0x6400  }
0x1a3: {  	s0 =	sld [smem:$0x7DC]  }
0x1a4: {  	[sflag:s14] =	ssyncset.done $0x0  }
0x1a5: {  	[sflag:s14] =	ssyncadd.s32 $0xFFFF9C00  }
0x1a6: {  	[tilespmem:s2], [sflag:$0x5] =	stream.linear.gather [hbm4b:s0+s2], $0xC8, $0x38;
	[tilespmem:$0xC990] =	vst v63  }
0x1a7: {  	_ =	swait.ge [sflag:s11], $0xC8  }
0x1a8: {  	[sflag:s11] =	ssyncset.done $0x0  }
0x1a9: {  	[sflag:s11] =	ssyncadd.s32 $0xFFFFFF38  }
0x1aa: {  	[tilespmem:s13], [sflag:$0x1] =	stream.indirect.gather [hbm4b:s3+s12], $0x80, s2, s12, $0xb8;
	[tilespmem:$0xC990] =	vst v63  }
0x1ab: {  	_ =	swait.ge [sflag:s9], $0x6400  }
0x1ac: {  	s0 =	sld [smem:$0x7DD]  }
0x1ad: {  	[sflag:s9] =	ssyncset.done $0x0  }
0x1ae: {  	[sflag:s9] =	ssyncadd.s32 $0xFFFF9C00  }
0x1af: {  	[hbm4b:s0+s2] =	stream.linear.scatter [tilespmem:s6], [sflag:$0x4], $0x6400, $0x38;
	[tilespmem:$0xC990] =	vst v63  }
0x1b0: {  	_ =	swait.ge [sflag:s7], $0x6400  }
0x1b1: {  	s0 =	sld [smem:$0x7DE]  }
0x1b2: {  	[sflag:s7] =	ssyncset.done $0x0  }
0x1b3: {  	[sflag:s7] =	ssyncadd.s32 $0xFFFF9C00  }
0x1b4: {  	[tilespmem:s12], [sflag:$0x5] =	stream.linear.gather [hbm4b:s0+s2], $0xC8, $0x38;
	[tilespmem:$0xC990] =	vst v63  }
0x1b5: {  	_ =	swait.ge [sflag:s11], $0xC8  }
0x1b6: {  	[sflag:s11] =	ssyncset.done $0x0  }
0x1b7: {  	[sflag:s11] =	ssyncadd.s32 $0xFFFFFF38  }
0x1b8: {  	[tilespmem:s6], [sflag:$0x2] =	stream.indirect.gather [hbm4b:s3+s12], $0x80, s12, s12, $0xb8;
	[tilespmem:$0xC990] =	vst v63  }
0x1b9: {  	_ =	swait.ge [sflag:s15], $0x6400  }
0x1ba: {  	s0 =	sld [smem:$0x7DF]  }
0x1bb: {  	[sflag:s15] =	ssyncset.done $0x0  }
0x1bc: {  	[sflag:s15] =	ssyncadd.s32 $0xFFFF9C00  }
0x1bd: {  	[hbm4b:s0+s2] =	stream.linear.scatter [tilespmem:s13], [sflag:$0x3], $0x6400, $0x38;
	[tilespmem:$0xC990] =	vst v63  }
0x1be: {  	_ =	swait.ge [sflag:s14], $0x6400  }
0x1bf: {  	s0 =	sld [smem:$0x7E0]  }
0x1c0: {  	[sflag:s14] =	ssyncset.done $0x0  }
0x1c1: {  	[sflag:s14] =	ssyncadd.s32 $0xFFFF9C00  }
0x1c2: {  	[tilespmem:s2], [sflag:$0x5] =	stream.linear.gather [hbm4b:s0+s2], $0xC8, $0x38;
	[tilespmem:$0xC990] =	vst v63  }
0x1c3: {  	_ =	swait.ge [sflag:s11], $0xC8  }
0x1c4: {  	[sflag:s11] =	ssyncset.done $0x0  }
0x1c5: {  	[sflag:s11] =	ssyncadd.s32 $0xFFFFFF38  }
0x1c6: {  	[tilespmem:s13], [sflag:$0x1] =	stream.indirect.gather [hbm4b:s3+s12], $0x80, s2, s12, $0xb8;
	[tilespmem:$0xC990] =	vst v63  }
0x1c7: {  	_ =	swait.ge [sflag:s9], $0x6400  }
0x1c8: {  	s0 =	sld [smem:$0x7E1]  }
0x1c9: {  	[sflag:s9] =	ssyncset.done $0x0  }
0x1ca: {  	[sflag:s9] =	ssyncadd.s32 $0xFFFF9C00  }
0x1cb: {  	[hbm4b:s0+s2] =	stream.linear.scatter [tilespmem:s6], [sflag:$0x4], $0x6400, $0x38;
	[tilespmem:$0xC990] =	vst v63  }
0x1cc: {  	_ =	swait.ge [sflag:s7], $0x6400  }
0x1cd: {  	s0 =	sld [smem:$0x7E2]  }
0x1ce: {  	[sflag:s7] =	ssyncset.done $0x0  }
0x1cf: {  	[sflag:s7] =	ssyncadd.s32 $0xFFFF9C00  }
0x1d0: {  	[tilespmem:s12], [sflag:$0x5] =	stream.linear.gather [hbm4b:s0+s2], $0xC8, $0x38;
	[tilespmem:$0xC990] =	vst v63  }
0x1d1: {  	_ =	swait.ge [sflag:s11], $0xC8  }
0x1d2: {  	[sflag:s11] =	ssyncset.done $0x0  }
0x1d3: {  	[sflag:s11] =	ssyncadd.s32 $0xFFFFFF38  }
0x1d4: {  	[tilespmem:s6], [sflag:$0x2] =	stream.indirect.gather [hbm4b:s3+s12], $0x80, s12, s12, $0xb8;
	[tilespmem:$0xC990] =	vst v63  }
0x1d5: {  	_ =	swait.ge [sflag:s15], $0x6400  }
0x1d6: {  	s0 =	sld [smem:$0x7E3]  }
0x1d7: {  	[sflag:s15] =	ssyncset.done $0x0  }
0x1d8: {  	[sflag:s15] =	ssyncadd.s32 $0xFFFF9C00  }
0x1d9: {  	[hbm4b:s0+s2] =	stream.linear.scatter [tilespmem:s13], [sflag:$0x3], $0x6400, $0x38;
	[tilespmem:$0xC990] =	vst v63  }
0x1da: {  	_ =	swait.ge [sflag:s14], $0x6400  }
0x1db: {  	s0 =	sld [smem:$0x7E4]  }
0x1dc: {  	[sflag:s14] =	ssyncset.done $0x0  }
0x1dd: {  	[sflag:s14] =	ssyncadd.s32 $0xFFFF9C00  }
0x1de: {  	[tilespmem:s2], [sflag:$0x5] =	stream.linear.gather [hbm4b:s0+s2], $0xC8, $0x38;
	[tilespmem:$0xC990] =	vst v63  }
0x1df: {  	_ =	swait.ge [sflag:s11], $0xC8  }
0x1e0: {  	[sflag:s11] =	ssyncset.done $0x0  }
0x1e1: {  	[sflag:s11] =	ssyncadd.s32 $0xFFFFFF38  }
0x1e2: {  	[tilespmem:s13], [sflag:$0x1] =	stream.indirect.gather [hbm4b:s3+s12], $0x80, s2, s12, $0xb8;
	[tilespmem:$0xC990] =	vst v63  }
0x1e3: {  	_ =	swait.ge [sflag:s9], $0x6400  }
0x1e4: {  	s0 =	sld [smem:$0x7E5]  }
0x1e5: {  	[sflag:s9] =	ssyncset.done $0x0  }
0x1e6: {  	[sflag:s9] =	ssyncadd.s32 $0xFFFF9C00  }
0x1e7: {  	[hbm4b:s0+s2] =	stream.linear.scatter [tilespmem:s6], [sflag:$0x4], $0x6400, $0x38;
	[tilespmem:$0xC990] =	vst v63  }
0x1e8: {  	_ =	swait.ge [sflag:s7], $0x6400  }
0x1e9: {  	s0 =	sld [smem:$0x7E6]  }
0x1ea: {  	[sflag:s7] =	ssyncset.done $0x0  }
0x1eb: {  	[sflag:s7] =	ssyncadd.s32 $0xFFFF9C00  }
0x1ec: {  	[tilespmem:s12], [sflag:$0x5] =	stream.linear.gather [hbm4b:s0+s2], $0xC8, $0x38;
	[tilespmem:$0xC990] =	vst v63  }
0x1ed: {  	_ =	swait.ge [sflag:s11], $0xC8  }
0x1ee: {  	[sflag:s11] =	ssyncset.done $0x0  }
0x1ef: {  	[sflag:s11] =	ssyncadd.s32 $0xFFFFFF38  }
0x1f0: {  	[tilespmem:s6], [sflag:$0x2] =	stream.indirect.gather [hbm4b:s3+s12], $0x80, s12, s12, $0xb8;
	[tilespmem:$0xC990] =	vst v63  }
0x1f1: {  	_ =	swait.ge [sflag:s15], $0x6400  }
0x1f2: {  	s0 =	sld [smem:$0x7E7]  }
0x1f3: {  	[sflag:s15] =	ssyncset.done $0x0  }
0x1f4: {  	[sflag:s15] =	ssyncadd.s32 $0xFFFF9C00  }
0x1f5: {  	[hbm4b:s0+s2] =	stream.linear.scatter [tilespmem:s13], [sflag:$0x3], $0x6400, $0x38;
	[tilespmem:$0xC990] =	vst v63  }
0x1f6: {  	_ =	swait.ge [sflag:s14], $0x6400  }
0x1f7: {  	s0 =	sld [smem:$0x7E8]  }
0x1f8: {  	[sflag:s14] =	ssyncset.done $0x0  }
0x1f9: {  	[sflag:s14] =	ssyncadd.s32 $0xFFFF9C00  }
0x1fa: {  	[tilespmem:s2], [sflag:$0x5] =	stream.linear.gather [hbm4b:s0+s2], $0xC8, $0x38;
	[tilespmem:$0xC990] =	vst v63  }
0x1fb: {  	_ =	swait.ge [sflag:s11], $0xC8  }
0x1fc: {  	[sflag:s11] =	ssyncset.done $0x0  }
0x1fd: {  	[sflag:s11] =	ssyncadd.s32 $0xFFFFFF38  }
0x1fe: {  	[tilespmem:s13], [sflag:$0x1] =	stream.indirect.gather [hbm4b:s3+s12], $0x80, s2, s12, $0xb8;
	[tilespmem:$0xC990] =	vst v63  }
0x1ff: {  	_ =	swait.ge [sflag:s9], $0x6400  }
0x200: {  	s0 =	sld [smem:$0x7E9]  }
0x201: {  	[sflag:s9] =	ssyncset.done $0x0  }
0x202: {  	[sflag:s9] =	ssyncadd.s32 $0xFFFF9C00  }
0x203: {  	[hbm4b:s0+s2] =	stream.linear.scatter [tilespmem:s6], [sflag:$0x4], $0x6400, $0x38;
	[tilespmem:$0xC990] =	vst v63  }
0x204: {  	_ =	swait.ge [sflag:s7], $0x6400  }
0x205: {  	s0 =	sld [smem:$0x7EA]  }
0x206: {  	[sflag:s7] =	ssyncset.done $0x0  }
0x207: {  	[sflag:s7] =	ssyncadd.s32 $0xFFFF9C00  }
0x208: {  	[tilespmem:s12], [sflag:$0x5] =	stream.linear.gather [hbm4b:s0+s2], $0xC8, $0x38;
	[tilespmem:$0xC990] =	vst v63  }
0x209: {  	_ =	swait.ge [sflag:s11], $0xC8  }
0x20a: {  	[sflag:s11] =	ssyncset.done $0x0  }
0x20b: {  	[sflag:s11] =	ssyncadd.s32 $0xFFFFFF38  }
0x20c: {  	[tilespmem:s6], [sflag:$0x2] =	stream.indirect.gather [hbm4b:s3+s12], $0x80, s12, s12, $0xb8;
	[tilespmem:$0xC990] =	vst v63  }
0x20d: {  	_ =	swait.ge [sflag:s15], $0x6400  }
0x20e: {  	s0 =	sld [smem:$0x7EB]  }
0x20f: {  	[sflag:s15] =	ssyncset.done $0x0  }
0x210: {  	[sflag:s15] =	ssyncadd.s32 $0xFFFF9C00  }
0x211: {  	[hbm4b:s0+s2] =	stream.linear.scatter [tilespmem:s13], [sflag:$0x3], $0x6400, $0x38;
	[tilespmem:$0xC990] =	vst v63  }
0x212: {  	_ =	swait.ge [sflag:s14], $0x6400  }
0x213: {  	s0 =	sld [smem:$0x7EC]  }
0x214: {  	[sflag:s14] =	ssyncset.done $0x0  }
0x215: {  	[sflag:s14] =	ssyncadd.s32 $0xFFFF9C00  }
0x216: {  	[tilespmem:s2], [sflag:$0x5] =	stream.linear.gather [hbm4b:s0+s2], $0xC8, $0x38;
	[tilespmem:$0xC990] =	vst v63  }
0x217: {  	_ =	swait.ge [sflag:s11], $0xC8  }
0x218: {  	[sflag:s11] =	ssyncset.done $0x0  }
0x219: {  	[sflag:s11] =	ssyncadd.s32 $0xFFFFFF38  }
0x21a: {  	[tilespmem:s13], [sflag:$0x1] =	stream.indirect.gather [hbm4b:s3+s12], $0x80, s2, s12, $0xb8;
	[tilespmem:$0xC990] =	vst v63  }
0x21b: {  	_ =	swait.ge [sflag:s9], $0x6400  }
0x21c: {  	s0 =	sld [smem:$0x7ED]  }
0x21d: {  	[sflag:s9] =	ssyncset.done $0x0  }
0x21e: {  	[sflag:s9] =	ssyncadd.s32 $0xFFFF9C00  }
0x21f: {  	[hbm4b:s0+s2] =	stream.linear.scatter [tilespmem:s6], [sflag:$0x4], $0x6400, $0x38;
	[tilespmem:$0xC990] =	vst v63  }
0x220: {  	_ =	swait.ge [sflag:s7], $0x6400  }
0x221: {  	s0 =	sld [smem:$0x7EE]  }
0x222: {  	[sflag:s7] =	ssyncset.done $0x0  }
0x223: {  	[sflag:s7] =	ssyncadd.s32 $0xFFFF9C00  }
0x224: {  	[tilespmem:s12], [sflag:$0x5] =	stream.linear.gather [hbm4b:s0+s2], $0xC8, $0x38;
	[tilespmem:$0xC990] =	vst v63  }
0x225: {  	_ =	swait.ge [sflag:s11], $0xC8  }
0x226: {  	[sflag:s11] =	ssyncset.done $0x0  }
0x227: {  	[sflag:s11] =	ssyncadd.s32 $0xFFFFFF38  }
0x228: {  	[tilespmem:s6], [sflag:$0x2] =	stream.indirect.gather [hbm4b:s3+s12], $0x80, s12, s12, $0xb8;
	[tilespmem:$0xC990] =	vst v63  }
0x229: {  	_ =	swait.ge [sflag:s15], $0x6400  }
0x22a: {  	s0 =	sld [smem:$0x7EF]  }
0x22b: {  	[sflag:s15] =	ssyncset.done $0x0  }
0x22c: {  	[sflag:s15] =	ssyncadd.s32 $0xFFFF9C00  }
0x22d: {  	[hbm4b:s0+s2] =	stream.linear.scatter [tilespmem:s13], [sflag:$0x3], $0x6400, $0x38;
	[tilespmem:$0xC990] =	vst v63  }
0x22e: {  	_ =	swait.ge [sflag:s14], $0x6400  }
0x22f: {  	s0 =	sld [smem:$0x7F0]  }
0x230: {  	[sflag:s14] =	ssyncset.done $0x0  }
0x231: {  	[sflag:s14] =	ssyncadd.s32 $0xFFFF9C00  }
0x232: {  	[tilespmem:s2], [sflag:$0x5] =	stream.linear.gather [hbm4b:s0+s2], $0xC8, $0x38;
	[tilespmem:$0xC990] =	vst v63  }
0x233: {  	_ =	swait.ge [sflag:s11], $0xC8  }
0x234: {  	[sflag:s11] =	ssyncset.done $0x0  }
0x235: {  	[sflag:s11] =	ssyncadd.s32 $0xFFFFFF38  }
0x236: {  	[tilespmem:s13], [sflag:$0x1] =	stream.indirect.gather [hbm4b:s3+s12], $0x80, s2, s12, $0xb8;
	[tilespmem:$0xC990] =	vst v63  }
0x237: {  	_ =	swait.ge [sflag:s9], $0x6400  }
0x238: {  	s0 =	sld [smem:$0x7F1]  }
0x239: {  	[sflag:s9] =	ssyncset.done $0x0  }
0x23a: {  	[sflag:s9] =	ssyncadd.s32 $0xFFFF9C00  }
0x23b: {  	[hbm4b:s0+s2] =	stream.linear.scatter [tilespmem:s6], [sflag:$0x4], $0x6400, $0x38;
	[tilespmem:$0xC990] =	vst v63  }
0x23c: {  	_ =	swait.ge [sflag:s7], $0x6400  }
0x23d: {  	s0 =	sld [smem:$0x7F2]  }
0x23e: {  	[sflag:s7] =	ssyncset.done $0x0  }
0x23f: {  	[sflag:s7] =	ssyncadd.s32 $0xFFFF9C00  }
0x240: {  	[tilespmem:s12], [sflag:$0x5] =	stream.linear.gather [hbm4b:s0+s2], $0xC8, $0x38;
	[tilespmem:$0xC990] =	vst v63  }
0x241: {  	_ =	swait.ge [sflag:s11], $0xC8  }
0x242: {  	[sflag:s11] =	ssyncset.done $0x0  }
0x243: {  	[sflag:s11] =	ssyncadd.s32 $0xFFFFFF38  }
0x244: {  	[tilespmem:s6], [sflag:$0x2] =	stream.indirect.gather [hbm4b:s3+s12], $0x80, s12, s12, $0xb8;
	[tilespmem:$0xC990] =	vst v63  }
0x245: {  	_ =	swait.ge [sflag:s15], $0x6400  }
0x246: {  	s0 =	sld [smem:$0x7F3]  }
0x247: {  	[sflag:s15] =	ssyncset.done $0x0  }
0x248: {  	[sflag:s15] =	ssyncadd.s32 $0xFFFF9C00  }
0x249: {  	[hbm4b:s0+s2] =	stream.linear.scatter [tilespmem:s13], [sflag:$0x3], $0x6400, $0x38;
	[tilespmem:$0xC990] =	vst v63  }
0x24a: {  	_ =	swait.ge [sflag:s14], $0x6400  }
0x24b: {  	s0 =	sld [smem:$0x7F4]  }
0x24c: {  	[sflag:s14] =	ssyncset.done $0x0  }
0x24d: {  	[sflag:s14] =	ssyncadd.s32 $0xFFFF9C00  }
0x24e: {  	[tilespmem:s2], [sflag:$0x5] =	stream.linear.gather [hbm4b:s0+s2], $0xC8, $0x38;
	[tilespmem:$0xC990] =	vst v63  }
0x24f: {  	_ =	swait.ge [sflag:s11], $0xC8  }
0x250: {  	[sflag:s11] =	ssyncset.done $0x0  }
0x251: {  	[sflag:s11] =	ssyncadd.s32 $0xFFFFFF38  }
0x252: {  	[tilespmem:s13], [sflag:$0x1] =	stream.indirect.gather [hbm4b:s3+s12], $0x80, s2, s12, $0xb8;
	[tilespmem:$0xC990] =	vst v63  }
0x253: {  	_ =	swait.ge [sflag:s9], $0x6400  }
0x254: {  	s0 =	sld [smem:$0x7F5]  }
0x255: {  	[sflag:s9] =	ssyncset.done $0x0  }
0x256: {  	[sflag:s9] =	ssyncadd.s32 $0xFFFF9C00  }
0x257: {  	[hbm4b:s0+s2] =	stream.linear.scatter [tilespmem:s6], [sflag:$0x4], $0x6400, $0x38;
	[tilespmem:$0xC990] =	vst v63  }
0x258: {  	_ =	swait.ge [sflag:s7], $0x6400  }
0x259: {  	s0 =	sld [smem:$0x7F6]  }
0x25a: {  	[sflag:s7] =	ssyncset.done $0x0  }
0x25b: {  	[sflag:s7] =	ssyncadd.s32 $0xFFFF9C00  }
0x25c: {  	[tilespmem:s12], [sflag:$0x5] =	stream.linear.gather [hbm4b:s0+s2], $0xC8, $0x38;
	[tilespmem:$0xC990] =	vst v63  }
0x25d: {  	_ =	swait.ge [sflag:s11], $0xC8  }
0x25e: {  	[sflag:s11] =	ssyncset.done $0x0  }
0x25f: {  	[sflag:s11] =	ssyncadd.s32 $0xFFFFFF38  }
0x260: {  	[tilespmem:s6], [sflag:$0x2] =	stream.indirect.gather [hbm4b:s3+s12], $0x80, s12, s12, $0xb8;
	[tilespmem:$0xC990] =	vst v63  }
0x261: {  	_ =	swait.ge [sflag:s15], $0x6400  }
0x262: {  	s0 =	sld [smem:$0x7F7]  }
0x263: {  	[sflag:s15] =	ssyncset.done $0x0  }
0x264: {  	[sflag:s15] =	ssyncadd.s32 $0xFFFF9C00  }
0x265: {  	[hbm4b:s0+s2] =	stream.linear.scatter [tilespmem:s13], [sflag:$0x3], $0x6400, $0x38;
	[tilespmem:$0xC990] =	vst v63  }
0x266: {  	_ =	swait.ge [sflag:s14], $0x6400  }
0x267: {  	s0 =	sld [smem:$0x7F8]  }
0x268: {  	[sflag:s14] =	ssyncset.done $0x0  }
0x269: {  	[sflag:s14] =	ssyncadd.s32 $0xFFFF9C00  }
0x26a: {  	[tilespmem:s2], [sflag:$0x5] =	stream.linear.gather [hbm4b:s0+s2], $0xC8, $0x38;
	[tilespmem:$0xC990] =	vst v63  }
0x26b: {  	_ =	swait.ge [sflag:s11], $0xC8  }
0x26c: {  	[sflag:s11] =	ssyncset.done $0x0  }
0x26d: {  	[sflag:s11] =	ssyncadd.s32 $0xFFFFFF38  }
0x26e: {  	[tilespmem:s13], [sflag:$0x1] =	stream.indirect.gather [hbm4b:s3+s12], $0x80, s2, s12, $0xb8;
	[tilespmem:$0xC990] =	vst v63  }
0x26f: {  	_ =	swait.ge [sflag:s9], $0x6400  }
0x270: {  	s0 =	sld [smem:$0x7F9]  }
0x271: {  	[sflag:s9] =	ssyncset.done $0x0  }
0x272: {  	[sflag:s9] =	ssyncadd.s32 $0xFFFF9C00  }
0x273: {  	[hbm4b:s0+s2] =	stream.linear.scatter [tilespmem:s6], [sflag:$0x4], $0x6400, $0x38;
	[tilespmem:$0xC990] =	vst v63  }
0x274: {  	_ =	swait.ge [sflag:s7], $0x6400  }
0x275: {  	s0 =	sld [smem:$0x7FA]  }
0x276: {  	[sflag:s7] =	ssyncset.done $0x0  }
0x277: {  	[sflag:s7] =	ssyncadd.s32 $0xFFFF9C00  }
0x278: {  	[tilespmem:s12], [sflag:$0x5] =	stream.linear.gather [hbm4b:s0+s2], $0xC8, $0x38;
	[tilespmem:$0xC990] =	vst v63  }
0x279: {  	_ =	swait.ge [sflag:s11], $0xC8  }
0x27a: {  	[sflag:s11] =	ssyncset.done $0x0  }
0x27b: {  	[sflag:s11] =	ssyncadd.s32 $0xFFFFFF38  }
0x27c: {  	[tilespmem:s6], [sflag:$0x2] =	stream.indirect.gather [hbm4b:s3+s12], $0x80, s12, s12, $0xb8;
	[tilespmem:$0xC990] =	vst v63  }
0x27d: {  	_ =	swait.ge [sflag:s15], $0x6400  }
0x27e: {  	s0 =	sld [smem:$0x7FB]  }
0x27f: {  	[sflag:s15] =	ssyncset.done $0x0  }
0x280: {  	[sflag:s15] =	ssyncadd.s32 $0xFFFF9C00  }
0x281: {  	[hbm4b:s0+s2] =	stream.linear.scatter [tilespmem:s13], [sflag:$0x3], $0x6400, $0x38;
	[tilespmem:$0xC990] =	vst v63  }
0x282: {  	_ =	swait.ge [sflag:s14], $0x6400  }
0x283: {  	s0 =	sld [smem:$0x7FC]  }
0x284: {  	[sflag:s14] =	ssyncset.done $0x0  }
0x285: {  	[sflag:s14] =	ssyncadd.s32 $0xFFFF9C00  }
0x286: {  	[tilespmem:s2], [sflag:$0x5] =	stream.linear.gather [hbm4b:s0+s2], $0xC8, $0x38;
	[tilespmem:$0xC990] =	vst v63  }
0x287: {  	_ =	swait.ge [sflag:s11], $0xC8  }
0x288: {  	[sflag:s11] =	ssyncset.done $0x0  }
0x289: {  	[sflag:s11] =	ssyncadd.s32 $0xFFFFFF38  }
0x28a: {  	[tilespmem:s13], [sflag:$0x1] =	stream.indirect.gather [hbm4b:s3+s12], $0x80, s2, s12, $0xb8;
	[tilespmem:$0xC990] =	vst v63  }
0x28b: {  	_ =	swait.ge [sflag:s9], $0x6400  }
0x28c: {  	s0 =	sld [smem:$0x7FD]  }
0x28d: {  	[sflag:s9] =	ssyncset.done $0x0  }
0x28e: {  	[sflag:s9] =	ssyncadd.s32 $0xFFFF9C00  }
0x28f: {  	[hbm4b:s0+s2] =	stream.linear.scatter [tilespmem:s6], [sflag:$0x4], $0x6400, $0x38;
	[tilespmem:$0xC990] =	vst v63  }
0x290: {  	_ =	swait.ge [sflag:s7], $0x6400  }
0x291: {  	[sflag:s7] =	ssyncset.done $0x0  }
0x292: {  	[sflag:s7] =	ssyncadd.s32 $0xFFFF9C00  }
0x293: {  	[tilespmem:s12], [sflag:$0x5] =	stream.linear.gather [hbm4b:s31+s2], $0xC8, $0x38;
	[tilespmem:$0xC990] =	vst v63  }
0x294: {  	_ =	swait.ge [sflag:s11], $0xC8  }
0x295: {  	[sflag:s11] =	ssyncset.done $0x0  }
0x296: {  	[sflag:s11] =	ssyncadd.s32 $0xFFFFFF38  }
0x297: {  	[tilespmem:s6], [sflag:$0x2] =	stream.indirect.gather [hbm4b:s3+s12], $0x80, s12, s12, $0xb8;
	[tilespmem:$0xC990] =	vst v63  }
0x298: {  	_ =	swait.ge [sflag:s15], $0x6400  }
0x299: {  	[sflag:s15] =	ssyncset.done $0x0  }
0x29a: {  	[sflag:s15] =	ssyncadd.s32 $0xFFFF9C00  }
0x29b: {  	[hbm4b:s29+s2] =	stream.linear.scatter [tilespmem:s13], [sflag:$0x3], $0x6400, $0x38;
	[tilespmem:$0xC990] =	vst v63  }
0x29c: {  	_ =	swait.ge [sflag:s14], $0x6400  }
0x29d: {  	[sflag:s14] =	ssyncset.done $0x0  }
0x29e: {  	[sflag:s14] =	ssyncadd.s32 $0xFFFF9C00  }
0x29f: {  	[tilespmem:s2], [sflag:$0x5] =	stream.linear.gather [hbm4b:s30+s2], $0xC8, $0x38;
	[tilespmem:$0xC990] =	vst v63  }
0x2a0: {  	_ =	swait.ge [sflag:s11], $0xC8  }
0x2a1: {  	[sflag:s11] =	ssyncset.done $0x0  }
0x2a2: {  	[sflag:s11] =	ssyncadd.s32 $0xFFFFFF38  }
0x2a3: {  	[tilespmem:s13], [sflag:$0x1] =	stream.indirect.gather [hbm4b:s3+s12], $0x80, s2, s12, $0xb8;
	[tilespmem:$0xC990] =	vst v63  }
0x2a4: {  	_ =	swait.ge [sflag:s9], $0x6400  }
0x2a5: {  	[sflag:s9] =	ssyncset.done $0x0  }
0x2a6: {  	[sflag:s9] =	ssyncadd.s32 $0xFFFF9C00  }
0x2a7: {  	[hbm4b:s28+s2] =	stream.linear.scatter [tilespmem:s6], [sflag:$0x4], $0x6400, $0x38;
	[tilespmem:$0xC990] =	vst v63  }
0x2a8: {  	_ =	swait.ge [sflag:s7], $0x6400  }
0x2a9: {  	[sflag:s7] =	ssyncset.done $0x0  }
0x2aa: {  	[sflag:s7] =	ssyncadd.s32 $0xFFFF9C00  }
0x2ab: {  	[tilespmem:s12], [sflag:$0x5] =	stream.linear.gather [hbm4b:s26+s2], $0xC8, $0x38;
	[tilespmem:$0xC990] =	vst v63  }
0x2ac: {  	_ =	swait.ge [sflag:s11], $0xC8  }
0x2ad: {  	[sflag:s11] =	ssyncset.done $0x0  }
0x2ae: {  	[sflag:s11] =	ssyncadd.s32 $0xFFFFFF38  }
0x2af: {  	[tilespmem:s6], [sflag:$0x2] =	stream.indirect.gather [hbm4b:s3+s12], $0x80, s12, s12, $0xb8;
	[tilespmem:$0xC990] =	vst v63  }
0x2b0: {  	_ =	swait.ge [sflag:s15], $0x6400  }
0x2b1: {  	[sflag:s15] =	ssyncset.done $0x0  }
0x2b2: {  	[sflag:s15] =	ssyncadd.s32 $0xFFFF9C00  }
0x2b3: {  	[hbm4b:s25+s2] =	stream.linear.scatter [tilespmem:s13], [sflag:$0x3], $0x6400, $0x38;
	[tilespmem:$0xC990] =	vst v63  }
0x2b4: {  	_ =	swait.ge [sflag:s14], $0x6400  }
0x2b5: {  	[sflag:s14] =	ssyncset.done $0x0  }
0x2b6: {  	[sflag:s14] =	ssyncadd.s32 $0xFFFF9C00  }
0x2b7: {  	[tilespmem:s2], [sflag:$0x5] =	stream.linear.gather [hbm4b:s24+s2], $0xC8, $0x38;
	[tilespmem:$0xC990] =	vst v63  }
0x2b8: {  	_ =	swait.ge [sflag:s11], $0xC8  }
0x2b9: {  	[sflag:s11] =	ssyncset.done $0x0  }
0x2ba: {  	[sflag:s11] =	ssyncadd.s32 $0xFFFFFF38  }
0x2bb: {  	[tilespmem:s13], [sflag:$0x1] =	stream.indirect.gather [hbm4b:s3+s12], $0x80, s2, s12, $0xb8;
	[tilespmem:$0xC990] =	vst v63  }
0x2bc: {  	_ =	swait.ge [sflag:s9], $0x6400  }
0x2bd: {  	[sflag:s9] =	ssyncset.done $0x0  }
0x2be: {  	[sflag:s9] =	ssyncadd.s32 $0xFFFF9C00  }
0x2bf: {  	[hbm4b:s22+s2] =	stream.linear.scatter [tilespmem:s6], [sflag:$0x4], $0x6400, $0x38;
	[tilespmem:$0xC990] =	vst v63  }
0x2c0: {  	_ =	swait.ge [sflag:s7], $0x6400  }
0x2c1: {  	[sflag:s7] =	ssyncset.done $0x0  }
0x2c2: {  	[sflag:s7] =	ssyncadd.s32 $0xFFFF9C00  }
0x2c3: {  	[tilespmem:s12], [sflag:$0x5] =	stream.linear.gather [hbm4b:s23+s2], $0xC8, $0x38;
	[tilespmem:$0xC990] =	vst v63  }
0x2c4: {  	_ =	swait.ge [sflag:s11], $0xC8  }
0x2c5: {  	[sflag:s11] =	ssyncset.done $0x0  }
0x2c6: {  	[sflag:s11] =	ssyncadd.s32 $0xFFFFFF38  }
0x2c7: {  	[tilespmem:s6], [sflag:$0x2] =	stream.indirect.gather [hbm4b:s3+s12], $0x80, s12, s12, $0xb8;
	[tilespmem:$0xC990] =	vst v63  }
0x2c8: {  	_ =	swait.ge [sflag:s15], $0x6400  }
0x2c9: {  	[sflag:s15] =	ssyncset.done $0x0  }
0x2ca: {  	[sflag:s15] =	ssyncadd.s32 $0xFFFF9C00  }
0x2cb: {  	[hbm4b:s21+s2] =	stream.linear.scatter [tilespmem:s13], [sflag:$0x3], $0x6400, $0x38;
	[tilespmem:$0xC990] =	vst v63  }
0x2cc: {  	_ =	swait.ge [sflag:s14], $0x6400  }
0x2cd: {  	[sflag:s14] =	ssyncset.done $0x0  }
0x2ce: {  	[sflag:s14] =	ssyncadd.s32 $0xFFFF9C00  }
0x2cf: {  	[tilespmem:s2], [sflag:$0x5] =	stream.linear.gather [hbm4b:s20+s2], $0xC8, $0x38;
	[tilespmem:$0xC990] =	vst v63  }
0x2d0: {  	_ =	swait.ge [sflag:s11], $0xC8  }
0x2d1: {  	[sflag:s11] =	ssyncset.done $0x0  }
0x2d2: {  	[sflag:s11] =	ssyncadd.s32 $0xFFFFFF38  }
0x2d3: {  	[tilespmem:s13], [sflag:$0x1] =	stream.indirect.gather [hbm4b:s3+s12], $0x80, s2, s12, $0xb8;
	[tilespmem:$0xC990] =	vst v63  }
0x2d4: {  	_ =	swait.ge [sflag:s9], $0x6400  }
0x2d5: {  	[sflag:s9] =	ssyncset.done $0x0  }
0x2d6: {  	[sflag:s9] =	ssyncadd.s32 $0xFFFF9C00  }
0x2d7: {  	[hbm4b:s19+s2] =	stream.linear.scatter [tilespmem:s6], [sflag:$0x4], $0x6400, $0x38;
	[tilespmem:$0xC990] =	vst v63  }
0x2d8: {  	_ =	swait.ge [sflag:s7], $0x6400  }
0x2d9: {  	[sflag:s7] =	ssyncset.done $0x0  }
0x2da: {  	[sflag:s7] =	ssyncadd.s32 $0xFFFF9C00  }
0x2db: {  	[tilespmem:s12], [sflag:$0x5] =	stream.linear.gather [hbm4b:s18+s2], $0xC8, $0x38;
	[tilespmem:$0xC990] =	vst v63  }
0x2dc: {  	_ =	swait.ge [sflag:s11], $0xC8  }
0x2dd: {  	[sflag:s11] =	ssyncset.done $0x0  }
0x2de: {  	[sflag:s11] =	ssyncadd.s32 $0xFFFFFF38  }
0x2df: {  	[tilespmem:s6], [sflag:$0x2] =	stream.indirect.gather [hbm4b:s3+s12], $0x80, s12, s12, $0xb8;
	[tilespmem:$0xC990] =	vst v63  }
0x2e0: {  	_ =	swait.ge [sflag:s15], $0x6400  }
0x2e1: {  	[sflag:s15] =	ssyncset.done $0x0  }
0x2e2: {  	[sflag:s15] =	ssyncadd.s32 $0xFFFF9C00  }
0x2e3: {  	[hbm4b:s16+s2] =	stream.linear.scatter [tilespmem:s13], [sflag:$0x3], $0x6400, $0x38;
	[tilespmem:$0xC990] =	vst v63  }
0x2e4: {  	_ =	swait.ge [sflag:s14], $0x6400  }
0x2e5: {  	[sflag:s14] =	ssyncset.done $0x0  }
0x2e6: {  	[sflag:s14] =	ssyncadd.s32 $0xFFFF9C00  }
0x2e7: {  	[tilespmem:s2], [sflag:$0x5] =	stream.linear.gather [hbm4b:s17+s2], $0xC8, $0x38;
	[tilespmem:$0xC990] =	vst v63  }
0x2e8: {  	_ =	swait.ge [sflag:s11], $0xC8  }
0x2e9: {  	[sflag:s11] =	ssyncset.done $0x0  }
0x2ea: {  	[sflag:s11] =	ssyncadd.s32 $0xFFFFFF38  }
0x2eb: {  	[tilespmem:s13], [sflag:$0x1] =	stream.indirect.gather [hbm4b:s3+s12], $0x80, s2, s12, $0xb8;
	[tilespmem:$0xC990] =	vst v63  }
0x2ec: {  	_ =	swait.ge [sflag:s9], $0x6400  }
0x2ed: {  	[sflag:s9] =	ssyncset.done $0x0  }
0x2ee: {  	[sflag:s9] =	ssyncadd.s32 $0xFFFF9C00  }
0x2ef: {  	[hbm4b:s10+s2] =	stream.linear.scatter [tilespmem:s6], [sflag:$0x4], $0x6400, $0x38;
	[tilespmem:$0xC990] =	vst v63  }
0x2f0: {  	_ =	swait.ge [sflag:s7], $0x6400  }
0x2f1: {  	[sflag:s7] =	ssyncset.done $0x0  }
0x2f2: {  	[sflag:s7] =	ssyncadd.s32 $0xFFFF9C00  }
0x2f3: {  	[tilespmem:s12], [sflag:$0x5] =	stream.linear.gather [hbm4b:s8+s2], $0xC8, $0x38;
	[tilespmem:$0xC990] =	vst v63  }
0x2f4: {  	_ =	swait.ge [sflag:s11], $0xC8  }
0x2f5: {  	[sflag:s11] =	ssyncset.done $0x0  }
0x2f6: {  	[sflag:s11] =	ssyncadd.s32 $0xFFFFFF38  }
0x2f7: {  	[tilespmem:s6], [sflag:$0x2] =	stream.indirect.gather [hbm4b:s3+s12], $0x80, s12, s12, $0xb8;
	[tilespmem:$0xC990] =	vst v63  }
0x2f8: {  	_ =	swait.ge [sflag:s15], $0x6400  }
0x2f9: {  	[sflag:s15] =	ssyncset.done $0x0  }
0x2fa: {  	[sflag:s15] =	ssyncadd.s32 $0xFFFF9C00  }
0x2fb: {  	[hbm4b:s5+s2] =	stream.linear.scatter [tilespmem:s13], [sflag:$0x3], $0x6400, $0x38;
	[tilespmem:$0xC990] =	vst v63  }
0x2fc: {  	_ =	swait.ge [sflag:s14], $0x6400  }
0x2fd: {  	[sflag:s14] =	ssyncset.done $0x0  }
0x2fe: {  	[sflag:s14] =	ssyncadd.s32 $0xFFFF9C00  }
0x2ff: {  	p1 =	sne.s32 s1, $0x1;
	_ =	swait.ge [sflag:s9], $0x6400  }
.Ltmp1:
0x300: {  	[sflag:s9] =	ssyncset.done $0x0;
	(pc) =	sbr.rel @!p1 .LBB2_3-.Ltmp1, $4  }
0x301: {  	[sflag:s9] =	ssyncadd.s32 $0xFFFF9C00  }
0x302: {  	[hbm4b:s4+s2] =	stream.linear.scatter [tilespmem:s6], [sflag:$0x4], $0x6400, $0x38;
	[tilespmem:$0xC990] =	vst v63  }
0x303: {  	s1 =	sadd.s32 $0xFFFFFFFF, s1;
	_ =	swait.ge [sflag:s7], $0x6400  }
0x304: {  	p0 =	por $0x1, $0x1;
	s0 =	rddreg [dreg:$0x2];
	[sflag:s7] =	ssyncset.done $0x0  }
.LBB2_2:
0x305: {  	[sflag:s7] =	ssyncadd.s32 $0xFFFF9C00  }
0x306: {  	[tilespmem:s2], [sflag:$0x5] =	stream.linear.gather [hbm4b:s0+s2], $0xC8, $0x38;
	[tilespmem:$0xC990] =	vst v63  }
0x307: {  	_ =	swait.ge [sflag:s11], $0xC8  }
0x308: {  	[sflag:s11] =	ssyncset.done $0x0  }
0x309: {  	[sflag:s11] =	ssyncadd.s32 $0xFFFFFF38  }
0x30a: {  	[tilespmem:s13], [sflag:$0x1] =	stream.indirect.gather [hbm4b:s3+s12], $0x80, s2, s12, $0xb8;
	[tilespmem:$0xC990] =	vst v63  }
0x30b: {  	s0 =	rddreg [dreg:$0x3]  }
0x30c: {  	[tilespmem:s12], [sflag:$0x5] =	stream.linear.gather [hbm4b:s0+s2], $0xC8, $0x38;
	[tilespmem:$0xC990] =	vst v63  }
0x30d: {  	_ =	swait.ge [sflag:s11], $0xC8  }
0x30e: {  	[sflag:s11] =	ssyncset.done $0x0  }
0x30f: {  	[sflag:s11] =	ssyncadd.s32 $0xFFFFFF38  }
0x310: {  	[tilespmem:s6], [sflag:$0x2] =	stream.indirect.gather [hbm4b:s3+s12], $0x80, s12, s12, $0xb8;
	[tilespmem:$0xC990] =	vst v63  }
0x311: {  	_ =	swait.ge [sflag:s15], $0x6400  }
0x312: {  	[sflag:s15] =	ssyncset.done $0x0  }
0x313: {  	s0 =	rddreg [dreg:$0x4];
	[sflag:s15] =	ssyncadd.s32 $0xFFFF9C00  }
0x314: {  	[hbm4b:s0+s2] =	stream.linear.scatter [tilespmem:s13], [sflag:$0x3], $0x6400, $0x38;
	[tilespmem:$0xC990] =	vst v63  }
0x315: {  	_ =	swait.ge [sflag:s14], $0x6400  }
0x316: {  	[sflag:s14] =	ssyncset.done $0x0  }
0x317: {  	s0 =	rddreg [dreg:$0x5];
	[sflag:s14] =	ssyncadd.s32 $0xFFFF9C00  }
0x318: {  	[tilespmem:s2], [sflag:$0x5] =	stream.linear.gather [hbm4b:s0+s2], $0xC8, $0x38;
	[tilespmem:$0xC990] =	vst v63  }
0x319: {  	_ =	swait.ge [sflag:s11], $0xC8  }
0x31a: {  	[sflag:s11] =	ssyncset.done $0x0  }
0x31b: {  	[sflag:s11] =	ssyncadd.s32 $0xFFFFFF38  }
0x31c: {  	[tilespmem:s13], [sflag:$0x1] =	stream.indirect.gather [hbm4b:s3+s12], $0x80, s2, s12, $0xb8;
	[tilespmem:$0xC990] =	vst v63  }
0x31d: {  	_ =	swait.ge [sflag:s9], $0x6400  }
0x31e: {  	[sflag:s9] =	ssyncset.done $0x0  }
0x31f: {  	s0 =	rddreg [dreg:$0x6];
	[sflag:s9] =	ssyncadd.s32 $0xFFFF9C00  }
0x320: {  	[hbm4b:s0+s2] =	stream.linear.scatter [tilespmem:s6], [sflag:$0x4], $0x6400, $0x38;
	[tilespmem:$0xC990] =	vst v63  }
0x321: {  	_ =	swait.ge [sflag:s7], $0x6400  }
0x322: {  	[sflag:s7] =	ssyncset.done $0x0  }
0x323: {  	s0 =	rddreg [dreg:$0x7];
	[sflag:s7] =	ssyncadd.s32 $0xFFFF9C00  }
0x324: {  	[tilespmem:s12], [sflag:$0x5] =	stream.linear.gather [hbm4b:s0+s2], $0xC8, $0x38;
	[tilespmem:$0xC990] =	vst v63  }
0x325: {  	_ =	swait.ge [sflag:s11], $0xC8  }
0x326: {  	[sflag:s11] =	ssyncset.done $0x0  }
0x327: {  	[sflag:s11] =	ssyncadd.s32 $0xFFFFFF38  }
0x328: {  	[tilespmem:s6], [sflag:$0x2] =	stream.indirect.gather [hbm4b:s3+s12], $0x80, s12, s12, $0xb8;
	[tilespmem:$0xC990] =	vst v63  }
0x329: {  	_ =	swait.ge [sflag:s15], $0x6400  }
0x32a: {  	[sflag:s15] =	ssyncset.done $0x0  }
0x32b: {  	s0 =	rddreg [dreg:$0x8];
	[sflag:s15] =	ssyncadd.s32 $0xFFFF9C00  }
0x32c: {  	[hbm4b:s0+s2] =	stream.linear.scatter [tilespmem:s13], [sflag:$0x3], $0x6400, $0x38;
	[tilespmem:$0xC990] =	vst v63  }
0x32d: {  	_ =	swait.ge [sflag:s14], $0x6400  }
0x32e: {  	[sflag:s14] =	ssyncset.done $0x0  }
0x32f: {  	s0 =	rddreg [dreg:$0x9];
	[sflag:s14] =	ssyncadd.s32 $0xFFFF9C00  }
0x330: {  	[tilespmem:s2], [sflag:$0x5] =	stream.linear.gather [hbm4b:s0+s2], $0xC8, $0x38;
	[tilespmem:$0xC990] =	vst v63  }
0x331: {  	_ =	swait.ge [sflag:s11], $0xC8  }
0x332: {  	[sflag:s11] =	ssyncset.done $0x0  }
0x333: {  	[sflag:s11] =	ssyncadd.s32 $0xFFFFFF38  }
0x334: {  	[tilespmem:s13], [sflag:$0x1] =	stream.indirect.gather [hbm4b:s3+s12], $0x80, s2, s12, $0xb8;
	[tilespmem:$0xC990] =	vst v63  }
0x335: {  	_ =	swait.ge [sflag:s9], $0x6400  }
0x336: {  	[sflag:s9] =	ssyncset.done $0x0  }
0x337: {  	s0 =	rddreg [dreg:$0xa];
	[sflag:s9] =	ssyncadd.s32 $0xFFFF9C00  }
0x338: {  	[hbm4b:s0+s2] =	stream.linear.scatter [tilespmem:s6], [sflag:$0x4], $0x6400, $0x38;
	[tilespmem:$0xC990] =	vst v63  }
0x339: {  	_ =	swait.ge [sflag:s7], $0x6400  }
0x33a: {  	[sflag:s7] =	ssyncset.done $0x0  }
0x33b: {  	s0 =	rddreg [dreg:$0xb];
	[sflag:s7] =	ssyncadd.s32 $0xFFFF9C00  }
0x33c: {  	[tilespmem:s12], [sflag:$0x5] =	stream.linear.gather [hbm4b:s0+s2], $0xC8, $0x38;
	[tilespmem:$0xC990] =	vst v63  }
0x33d: {  	_ =	swait.ge [sflag:s11], $0xC8  }
0x33e: {  	[sflag:s11] =	ssyncset.done $0x0  }
0x33f: {  	[sflag:s11] =	ssyncadd.s32 $0xFFFFFF38  }
0x340: {  	[tilespmem:s6], [sflag:$0x2] =	stream.indirect.gather [hbm4b:s3+s12], $0x80, s12, s12, $0xb8;
	[tilespmem:$0xC990] =	vst v63  }
0x341: {  	_ =	swait.ge [sflag:s15], $0x6400  }
0x342: {  	[sflag:s15] =	ssyncset.done $0x0  }
0x343: {  	s0 =	rddreg [dreg:$0xc];
	[sflag:s15] =	ssyncadd.s32 $0xFFFF9C00  }
0x344: {  	[hbm4b:s0+s2] =	stream.linear.scatter [tilespmem:s13], [sflag:$0x3], $0x6400, $0x38;
	[tilespmem:$0xC990] =	vst v63  }
0x345: {  	_ =	swait.ge [sflag:s14], $0x6400  }
0x346: {  	[sflag:s14] =	ssyncset.done $0x0  }
0x347: {  	s0 =	rddreg [dreg:$0xd];
	[sflag:s14] =	ssyncadd.s32 $0xFFFF9C00  }
0x348: {  	[tilespmem:s2], [sflag:$0x5] =	stream.linear.gather [hbm4b:s0+s2], $0xC8, $0x38;
	[tilespmem:$0xC990] =	vst v63  }
0x349: {  	_ =	swait.ge [sflag:s11], $0xC8  }
0x34a: {  	[sflag:s11] =	ssyncset.done $0x0  }
0x34b: {  	[sflag:s11] =	ssyncadd.s32 $0xFFFFFF38  }
0x34c: {  	[tilespmem:s13], [sflag:$0x1] =	stream.indirect.gather [hbm4b:s3+s12], $0x80, s2, s12, $0xb8;
	[tilespmem:$0xC990] =	vst v63  }
0x34d: {  	_ =	swait.ge [sflag:s9], $0x6400  }
0x34e: {  	[sflag:s9] =	ssyncset.done $0x0  }
0x34f: {  	s0 =	rddreg [dreg:$0xe];
	[sflag:s9] =	ssyncadd.s32 $0xFFFF9C00  }
0x350: {  	[hbm4b:s0+s2] =	stream.linear.scatter [tilespmem:s6], [sflag:$0x4], $0x6400, $0x38;
	[tilespmem:$0xC990] =	vst v63  }
0x351: {  	_ =	swait.ge [sflag:s7], $0x6400  }
0x352: {  	[sflag:s7] =	ssyncset.done $0x0  }
0x353: {  	s0 =	rddreg [dreg:$0xf];
	[sflag:s7] =	ssyncadd.s32 $0xFFFF9C00  }
0x354: {  	[tilespmem:s12], [sflag:$0x5] =	stream.linear.gather [hbm4b:s0+s2], $0xC8, $0x38;
	[tilespmem:$0xC990] =	vst v63  }
0x355: {  	_ =	swait.ge [sflag:s11], $0xC8  }
0x356: {  	[sflag:s11] =	ssyncset.done $0x0  }
0x357: {  	[sflag:s11] =	ssyncadd.s32 $0xFFFFFF38  }
0x358: {  	[tilespmem:s6], [sflag:$0x2] =	stream.indirect.gather [hbm4b:s3+s12], $0x80, s12, s12, $0xb8;
	[tilespmem:$0xC990] =	vst v63  }
0x359: {  	_ =	swait.ge [sflag:s15], $0x6400  }
0x35a: {  	[sflag:s15] =	ssyncset.done $0x0  }
0x35b: {  	s0 =	rddreg [dreg:$0x10];
	[sflag:s15] =	ssyncadd.s32 $0xFFFF9C00  }
0x35c: {  	[hbm4b:s0+s2] =	stream.linear.scatter [tilespmem:s13], [sflag:$0x3], $0x6400, $0x38;
	[tilespmem:$0xC990] =	vst v63  }
0x35d: {  	_ =	swait.ge [sflag:s14], $0x6400  }
0x35e: {  	[sflag:s14] =	ssyncset.done $0x0  }
0x35f: {  	s0 =	rddreg [dreg:$0x11];
	[sflag:s14] =	ssyncadd.s32 $0xFFFF9C00  }
0x360: {  	[tilespmem:s2], [sflag:$0x5] =	stream.linear.gather [hbm4b:s0+s2], $0xC8, $0x38;
	[tilespmem:$0xC990] =	vst v63  }
0x361: {  	_ =	swait.ge [sflag:s11], $0xC8  }
0x362: {  	[sflag:s11] =	ssyncset.done $0x0  }
0x363: {  	[sflag:s11] =	ssyncadd.s32 $0xFFFFFF38  }
0x364: {  	[tilespmem:s13], [sflag:$0x1] =	stream.indirect.gather [hbm4b:s3+s12], $0x80, s2, s12, $0xb8;
	[tilespmem:$0xC990] =	vst v63  }
0x365: {  	_ =	swait.ge [sflag:s9], $0x6400  }
0x366: {  	[sflag:s9] =	ssyncset.done $0x0  }
0x367: {  	s0 =	rddreg [dreg:$0x12];
	[sflag:s9] =	ssyncadd.s32 $0xFFFF9C00  }
0x368: {  	[hbm4b:s0+s2] =	stream.linear.scatter [tilespmem:s6], [sflag:$0x4], $0x6400, $0x38;
	[tilespmem:$0xC990] =	vst v63  }
0x369: {  	_ =	swait.ge [sflag:s7], $0x6400  }
0x36a: {  	[sflag:s7] =	ssyncset.done $0x0  }
0x36b: {  	s0 =	rddreg [dreg:$0x13];
	[sflag:s7] =	ssyncadd.s32 $0xFFFF9C00  }
0x36c: {  	[tilespmem:s12], [sflag:$0x5] =	stream.linear.gather [hbm4b:s0+s2], $0xC8, $0x38;
	[tilespmem:$0xC990] =	vst v63  }
0x36d: {  	_ =	swait.ge [sflag:s11], $0xC8  }
0x36e: {  	[sflag:s11] =	ssyncset.done $0x0  }
0x36f: {  	[sflag:s11] =	ssyncadd.s32 $0xFFFFFF38  }
0x370: {  	[tilespmem:s6], [sflag:$0x2] =	stream.indirect.gather [hbm4b:s3+s12], $0x80, s12, s12, $0xb8;
	[tilespmem:$0xC990] =	vst v63  }
0x371: {  	_ =	swait.ge [sflag:s15], $0x6400  }
0x372: {  	[sflag:s15] =	ssyncset.done $0x0  }
0x373: {  	s0 =	rddreg [dreg:$0x14];
	[sflag:s15] =	ssyncadd.s32 $0xFFFF9C00  }
0x374: {  	[hbm4b:s0+s2] =	stream.linear.scatter [tilespmem:s13], [sflag:$0x3], $0x6400, $0x38;
	[tilespmem:$0xC990] =	vst v63  }
0x375: {  	_ =	swait.ge [sflag:s14], $0x6400  }
0x376: {  	[sflag:s14] =	ssyncset.done $0x0  }
0x377: {  	s0 =	rddreg [dreg:$0x15];
	[sflag:s14] =	ssyncadd.s32 $0xFFFF9C00  }
0x378: {  	[tilespmem:s2], [sflag:$0x5] =	stream.linear.gather [hbm4b:s0+s2], $0xC8, $0x38;
	[tilespmem:$0xC990] =	vst v63  }
0x379: {  	_ =	swait.ge [sflag:s11], $0xC8  }
0x37a: {  	[sflag:s11] =	ssyncset.done $0x0  }
0x37b: {  	[sflag:s11] =	ssyncadd.s32 $0xFFFFFF38  }
0x37c: {  	[tilespmem:s13], [sflag:$0x1] =	stream.indirect.gather [hbm4b:s3+s12], $0x80, s2, s12, $0xb8;
	[tilespmem:$0xC990] =	vst v63  }
0x37d: {  	_ =	swait.ge [sflag:s9], $0x6400  }
0x37e: {  	[sflag:s9] =	ssyncset.done $0x0  }
0x37f: {  	s0 =	rddreg [dreg:$0x16];
	[sflag:s9] =	ssyncadd.s32 $0xFFFF9C00  }
0x380: {  	[hbm4b:s0+s2] =	stream.linear.scatter [tilespmem:s6], [sflag:$0x4], $0x6400, $0x38;
	[tilespmem:$0xC990] =	vst v63  }
0x381: {  	_ =	swait.ge [sflag:s7], $0x6400  }
0x382: {  	[sflag:s7] =	ssyncset.done $0x0  }
0x383: {  	s0 =	rddreg [dreg:$0x17];
	[sflag:s7] =	ssyncadd.s32 $0xFFFF9C00  }
0x384: {  	[tilespmem:s12], [sflag:$0x5] =	stream.linear.gather [hbm4b:s0+s2], $0xC8, $0x38;
	[tilespmem:$0xC990] =	vst v63  }
0x385: {  	_ =	swait.ge [sflag:s11], $0xC8  }
0x386: {  	[sflag:s11] =	ssyncset.done $0x0  }
0x387: {  	[sflag:s11] =	ssyncadd.s32 $0xFFFFFF38  }
0x388: {  	[tilespmem:s6], [sflag:$0x2] =	stream.indirect.gather [hbm4b:s3+s12], $0x80, s12, s12, $0xb8;
	[tilespmem:$0xC990] =	vst v63  }
0x389: {  	_ =	swait.ge [sflag:s15], $0x6400  }
0x38a: {  	[sflag:s15] =	ssyncset.done $0x0  }
0x38b: {  	s0 =	rddreg [dreg:$0x18];
	[sflag:s15] =	ssyncadd.s32 $0xFFFF9C00  }
0x38c: {  	[hbm4b:s0+s2] =	stream.linear.scatter [tilespmem:s13], [sflag:$0x3], $0x6400, $0x38;
	[tilespmem:$0xC990] =	vst v63  }
0x38d: {  	_ =	swait.ge [sflag:s14], $0x6400  }
0x38e: {  	[sflag:s14] =	ssyncset.done $0x0  }
0x38f: {  	s0 =	rddreg [dreg:$0x19];
	[sflag:s14] =	ssyncadd.s32 $0xFFFF9C00  }
0x390: {  	[tilespmem:s2], [sflag:$0x5] =	stream.linear.gather [hbm4b:s0+s2], $0xC8, $0x38;
	[tilespmem:$0xC990] =	vst v63  }
0x391: {  	_ =	swait.ge [sflag:s11], $0xC8  }
0x392: {  	[sflag:s11] =	ssyncset.done $0x0  }
0x393: {  	[sflag:s11] =	ssyncadd.s32 $0xFFFFFF38  }
0x394: {  	[tilespmem:s13], [sflag:$0x1] =	stream.indirect.gather [hbm4b:s3+s12], $0x80, s2, s12, $0xb8;
	[tilespmem:$0xC990] =	vst v63  }
0x395: {  	_ =	swait.ge [sflag:s9], $0x6400  }
0x396: {  	[sflag:s9] =	ssyncset.done $0x0  }
0x397: {  	s0 =	rddreg [dreg:$0x1a];
	[sflag:s9] =	ssyncadd.s32 $0xFFFF9C00  }
0x398: {  	[hbm4b:s0+s2] =	stream.linear.scatter [tilespmem:s6], [sflag:$0x4], $0x6400, $0x38;
	[tilespmem:$0xC990] =	vst v63  }
0x399: {  	_ =	swait.ge [sflag:s7], $0x6400  }
0x39a: {  	[sflag:s7] =	ssyncset.done $0x0  }
0x39b: {  	s0 =	rddreg [dreg:$0x1b];
	[sflag:s7] =	ssyncadd.s32 $0xFFFF9C00  }
0x39c: {  	[tilespmem:s12], [sflag:$0x5] =	stream.linear.gather [hbm4b:s0+s2], $0xC8, $0x38;
	[tilespmem:$0xC990] =	vst v63  }
0x39d: {  	_ =	swait.ge [sflag:s11], $0xC8  }
0x39e: {  	[sflag:s11] =	ssyncset.done $0x0  }
0x39f: {  	[sflag:s11] =	ssyncadd.s32 $0xFFFFFF38  }
0x3a0: {  	[tilespmem:s6], [sflag:$0x2] =	stream.indirect.gather [hbm4b:s3+s12], $0x80, s12, s12, $0xb8;
	[tilespmem:$0xC990] =	vst v63  }
0x3a1: {  	_ =	swait.ge [sflag:s15], $0x6400  }
0x3a2: {  	[sflag:s15] =	ssyncset.done $0x0  }
0x3a3: {  	s0 =	rddreg [dreg:$0x1c];
	[sflag:s15] =	ssyncadd.s32 $0xFFFF9C00  }
0x3a4: {  	[hbm4b:s0+s2] =	stream.linear.scatter [tilespmem:s13], [sflag:$0x3], $0x6400, $0x38;
	[tilespmem:$0xC990] =	vst v63  }
0x3a5: {  	_ =	swait.ge [sflag:s14], $0x6400  }
0x3a6: {  	[sflag:s14] =	ssyncset.done $0x0  }
0x3a7: {  	s0 =	rddreg [dreg:$0x1d];
	[sflag:s14] =	ssyncadd.s32 $0xFFFF9C00  }
0x3a8: {  	[tilespmem:s2], [sflag:$0x5] =	stream.linear.gather [hbm4b:s0+s2], $0xC8, $0x38;
	[tilespmem:$0xC990] =	vst v63  }
0x3a9: {  	_ =	swait.ge [sflag:s11], $0xC8  }
0x3aa: {  	[sflag:s11] =	ssyncset.done $0x0  }
0x3ab: {  	[sflag:s11] =	ssyncadd.s32 $0xFFFFFF38  }
0x3ac: {  	[tilespmem:s13], [sflag:$0x1] =	stream.indirect.gather [hbm4b:s3+s12], $0x80, s2, s12, $0xb8;
	[tilespmem:$0xC990] =	vst v63  }
0x3ad: {  	_ =	swait.ge [sflag:s9], $0x6400  }
0x3ae: {  	[sflag:s9] =	ssyncset.done $0x0  }
0x3af: {  	s0 =	rddreg [dreg:$0x1e];
	[sflag:s9] =	ssyncadd.s32 $0xFFFF9C00  }
0x3b0: {  	[hbm4b:s0+s2] =	stream.linear.scatter [tilespmem:s6], [sflag:$0x4], $0x6400, $0x38;
	[tilespmem:$0xC990] =	vst v63  }
0x3b1: {  	_ =	swait.ge [sflag:s7], $0x6400  }
0x3b2: {  	[sflag:s7] =	ssyncset.done $0x0  }
0x3b3: {  	s0 =	rddreg [dreg:$0x1f];
	[sflag:s7] =	ssyncadd.s32 $0xFFFF9C00  }
0x3b4: {  	[tilespmem:s12], [sflag:$0x5] =	stream.linear.gather [hbm4b:s0+s2], $0xC8, $0x38;
	[tilespmem:$0xC990] =	vst v63  }
0x3b5: {  	_ =	swait.ge [sflag:s11], $0xC8  }
0x3b6: {  	[sflag:s11] =	ssyncset.done $0x0  }
0x3b7: {  	[sflag:s11] =	ssyncadd.s32 $0xFFFFFF38  }
0x3b8: {  	[tilespmem:s6], [sflag:$0x2] =	stream.indirect.gather [hbm4b:s3+s12], $0x80, s12, s12, $0xb8;
	[tilespmem:$0xC990] =	vst v63  }
0x3b9: {  	_ =	swait.ge [sflag:s15], $0x6400  }
0x3ba: {  	s0 =	sld [smem:$0x7CB]  }
0x3bb: {  	[sflag:s15] =	ssyncset.done $0x0  }
0x3bc: {  	[sflag:s15] =	ssyncadd.s32 $0xFFFF9C00  }
0x3bd: {  	[hbm4b:s0+s2] =	stream.linear.scatter [tilespmem:s13], [sflag:$0x3], $0x6400, $0x38;
	[tilespmem:$0xC990] =	vst v63  }
0x3be: {  	_ =	swait.ge [sflag:s14], $0x6400  }
0x3bf: {  	s0 =	sld [smem:$0x7CC]  }
0x3c0: {  	[sflag:s14] =	ssyncset.done $0x0  }
0x3c1: {  	[sflag:s14] =	ssyncadd.s32 $0xFFFF9C00  }
0x3c2: {  	[tilespmem:s2], [sflag:$0x5] =	stream.linear.gather [hbm4b:s0+s2], $0xC8, $0x38;
	[tilespmem:$0xC990] =	vst v63  }
0x3c3: {  	_ =	swait.ge [sflag:s11], $0xC8  }
0x3c4: {  	[sflag:s11] =	ssyncset.done $0x0  }
0x3c5: {  	[sflag:s11] =	ssyncadd.s32 $0xFFFFFF38  }
0x3c6: {  	[tilespmem:s13], [sflag:$0x1] =	stream.indirect.gather [hbm4b:s3+s12], $0x80, s2, s12, $0xb8;
	[tilespmem:$0xC990] =	vst v63  }
0x3c7: {  	_ =	swait.ge [sflag:s9], $0x6400  }
0x3c8: {  	s0 =	sld [smem:$0x7CD]  }
0x3c9: {  	[sflag:s9] =	ssyncset.done $0x0  }
0x3ca: {  	[sflag:s9] =	ssyncadd.s32 $0xFFFF9C00  }
0x3cb: {  	[hbm4b:s0+s2] =	stream.linear.scatter [tilespmem:s6], [sflag:$0x4], $0x6400, $0x38;
	[tilespmem:$0xC990] =	vst v63  }
0x3cc: {  	_ =	swait.ge [sflag:s7], $0x6400  }
0x3cd: {  	s0 =	sld [smem:$0x7CE]  }
0x3ce: {  	[sflag:s7] =	ssyncset.done $0x0  }
0x3cf: {  	[sflag:s7] =	ssyncadd.s32 $0xFFFF9C00  }
0x3d0: {  	[tilespmem:s12], [sflag:$0x5] =	stream.linear.gather [hbm4b:s0+s2], $0xC8, $0x38;
	[tilespmem:$0xC990] =	vst v63  }
0x3d1: {  	_ =	swait.ge [sflag:s11], $0xC8  }
0x3d2: {  	[sflag:s11] =	ssyncset.done $0x0  }
0x3d3: {  	[sflag:s11] =	ssyncadd.s32 $0xFFFFFF38  }
0x3d4: {  	[tilespmem:s6], [sflag:$0x2] =	stream.indirect.gather [hbm4b:s3+s12], $0x80, s12, s12, $0xb8;
	[tilespmem:$0xC990] =	vst v63  }
0x3d5: {  	_ =	swait.ge [sflag:s15], $0x6400  }
0x3d6: {  	s0 =	sld [smem:$0x7CF]  }
0x3d7: {  	[sflag:s15] =	ssyncset.done $0x0  }
0x3d8: {  	[sflag:s15] =	ssyncadd.s32 $0xFFFF9C00  }
0x3d9: {  	[hbm4b:s0+s2] =	stream.linear.scatter [tilespmem:s13], [sflag:$0x3], $0x6400, $0x38;
	[tilespmem:$0xC990] =	vst v63  }
0x3da: {  	_ =	swait.ge [sflag:s14], $0x6400  }
0x3db: {  	s0 =	sld [smem:$0x7D0]  }
0x3dc: {  	[sflag:s14] =	ssyncset.done $0x0  }
0x3dd: {  	[sflag:s14] =	ssyncadd.s32 $0xFFFF9C00  }
0x3de: {  	[tilespmem:s2], [sflag:$0x5] =	stream.linear.gather [hbm4b:s0+s2], $0xC8, $0x38;
	[tilespmem:$0xC990] =	vst v63  }
0x3df: {  	_ =	swait.ge [sflag:s11], $0xC8  }
0x3e0: {  	[sflag:s11] =	ssyncset.done $0x0  }
0x3e1: {  	[sflag:s11] =	ssyncadd.s32 $0xFFFFFF38  }
0x3e2: {  	[tilespmem:s13], [sflag:$0x1] =	stream.indirect.gather [hbm4b:s3+s12], $0x80, s2, s12, $0xb8;
	[tilespmem:$0xC990] =	vst v63  }
0x3e3: {  	_ =	swait.ge [sflag:s9], $0x6400  }
0x3e4: {  	s0 =	sld [smem:$0x7D1]  }
0x3e5: {  	[sflag:s9] =	ssyncset.done $0x0  }
0x3e6: {  	[sflag:s9] =	ssyncadd.s32 $0xFFFF9C00  }
0x3e7: {  	[hbm4b:s0+s2] =	stream.linear.scatter [tilespmem:s6], [sflag:$0x4], $0x6400, $0x38;
	[tilespmem:$0xC990] =	vst v63  }
0x3e8: {  	_ =	swait.ge [sflag:s7], $0x6400  }
0x3e9: {  	s0 =	sld [smem:$0x7D2]  }
0x3ea: {  	[sflag:s7] =	ssyncset.done $0x0  }
0x3eb: {  	[sflag:s7] =	ssyncadd.s32 $0xFFFF9C00  }
0x3ec: {  	[tilespmem:s12], [sflag:$0x5] =	stream.linear.gather [hbm4b:s0+s2], $0xC8, $0x38;
	[tilespmem:$0xC990] =	vst v63  }
0x3ed: {  	_ =	swait.ge [sflag:s11], $0xC8  }
0x3ee: {  	[sflag:s11] =	ssyncset.done $0x0  }
0x3ef: {  	[sflag:s11] =	ssyncadd.s32 $0xFFFFFF38  }
0x3f0: {  	[tilespmem:s6], [sflag:$0x2] =	stream.indirect.gather [hbm4b:s3+s12], $0x80, s12, s12, $0xb8;
	[tilespmem:$0xC990] =	vst v63  }
0x3f1: {  	_ =	swait.ge [sflag:s15], $0x6400  }
0x3f2: {  	s0 =	sld [smem:$0x7D3]  }
0x3f3: {  	[sflag:s15] =	ssyncset.done $0x0  }
0x3f4: {  	[sflag:s15] =	ssyncadd.s32 $0xFFFF9C00  }
0x3f5: {  	[hbm4b:s0+s2] =	stream.linear.scatter [tilespmem:s13], [sflag:$0x3], $0x6400, $0x38;
	[tilespmem:$0xC990] =	vst v63  }
0x3f6: {  	_ =	swait.ge [sflag:s14], $0x6400  }
0x3f7: {  	s0 =	sld [smem:$0x7D4]  }
0x3f8: {  	[sflag:s14] =	ssyncset.done $0x0  }
0x3f9: {  	[sflag:s14] =	ssyncadd.s32 $0xFFFF9C00  }
0x3fa: {  	[tilespmem:s2], [sflag:$0x5] =	stream.linear.gather [hbm4b:s0+s2], $0xC8, $0x38;
	[tilespmem:$0xC990] =	vst v63  }
0x3fb: {  	_ =	swait.ge [sflag:s11], $0xC8  }
0x3fc: {  	[sflag:s11] =	ssyncset.done $0x0  }
0x3fd: {  	[sflag:s11] =	ssyncadd.s32 $0xFFFFFF38  }
0x3fe: {  	[tilespmem:s13], [sflag:$0x1] =	stream.indirect.gather [hbm4b:s3+s12], $0x80, s2, s12, $0xb8;
	[tilespmem:$0xC990] =	vst v63  }
0x3ff: {  	_ =	swait.ge [sflag:s9], $0x6400  }
0x400: {  	s0 =	sld [smem:$0x7D5]  }
0x401: {  	[sflag:s9] =	ssyncset.done $0x0  }
0x402: {  	[sflag:s9] =	ssyncadd.s32 $0xFFFF9C00  }
0x403: {  	[hbm4b:s0+s2] =	stream.linear.scatter [tilespmem:s6], [sflag:$0x4], $0x6400, $0x38;
	[tilespmem:$0xC990] =	vst v63  }
0x404: {  	_ =	swait.ge [sflag:s7], $0x6400  }
0x405: {  	s0 =	sld [smem:$0x7D6]  }
0x406: {  	[sflag:s7] =	ssyncset.done $0x0  }
0x407: {  	[sflag:s7] =	ssyncadd.s32 $0xFFFF9C00  }
0x408: {  	[tilespmem:s12], [sflag:$0x5] =	stream.linear.gather [hbm4b:s0+s2], $0xC8, $0x38;
	[tilespmem:$0xC990] =	vst v63  }
0x409: {  	_ =	swait.ge [sflag:s11], $0xC8  }
0x40a: {  	[sflag:s11] =	ssyncset.done $0x0  }
0x40b: {  	[sflag:s11] =	ssyncadd.s32 $0xFFFFFF38  }
0x40c: {  	[tilespmem:s6], [sflag:$0x2] =	stream.indirect.gather [hbm4b:s3+s12], $0x80, s12, s12, $0xb8;
	[tilespmem:$0xC990] =	vst v63  }
0x40d: {  	_ =	swait.ge [sflag:s15], $0x6400  }
0x40e: {  	s0 =	sld [smem:$0x7D7]  }
0x40f: {  	[sflag:s15] =	ssyncset.done $0x0  }
0x410: {  	[sflag:s15] =	ssyncadd.s32 $0xFFFF9C00  }
0x411: {  	[hbm4b:s0+s2] =	stream.linear.scatter [tilespmem:s13], [sflag:$0x3], $0x6400, $0x38;
	[tilespmem:$0xC990] =	vst v63  }
0x412: {  	_ =	swait.ge [sflag:s14], $0x6400  }
0x413: {  	s0 =	sld [smem:$0x7D8]  }
0x414: {  	[sflag:s14] =	ssyncset.done $0x0  }
0x415: {  	[sflag:s14] =	ssyncadd.s32 $0xFFFF9C00  }
0x416: {  	[tilespmem:s2], [sflag:$0x5] =	stream.linear.gather [hbm4b:s0+s2], $0xC8, $0x38;
	[tilespmem:$0xC990] =	vst v63  }
0x417: {  	_ =	swait.ge [sflag:s11], $0xC8  }
0x418: {  	[sflag:s11] =	ssyncset.done $0x0  }
0x419: {  	[sflag:s11] =	ssyncadd.s32 $0xFFFFFF38  }
0x41a: {  	[tilespmem:s13], [sflag:$0x1] =	stream.indirect.gather [hbm4b:s3+s12], $0x80, s2, s12, $0xb8;
	[tilespmem:$0xC990] =	vst v63  }
0x41b: {  	_ =	swait.ge [sflag:s9], $0x6400  }
0x41c: {  	s0 =	sld [smem:$0x7D9]  }
0x41d: {  	[sflag:s9] =	ssyncset.done $0x0  }
0x41e: {  	[sflag:s9] =	ssyncadd.s32 $0xFFFF9C00  }
0x41f: {  	[hbm4b:s0+s2] =	stream.linear.scatter [tilespmem:s6], [sflag:$0x4], $0x6400, $0x38;
	[tilespmem:$0xC990] =	vst v63  }
0x420: {  	_ =	swait.ge [sflag:s7], $0x6400  }
0x421: {  	s0 =	sld [smem:$0x7DA]  }
0x422: {  	[sflag:s7] =	ssyncset.done $0x0  }
0x423: {  	[sflag:s7] =	ssyncadd.s32 $0xFFFF9C00  }
0x424: {  	[tilespmem:s12], [sflag:$0x5] =	stream.linear.gather [hbm4b:s0+s2], $0xC8, $0x38;
	[tilespmem:$0xC990] =	vst v63  }
0x425: {  	_ =	swait.ge [sflag:s11], $0xC8  }
0x426: {  	[sflag:s11] =	ssyncset.done $0x0  }
0x427: {  	[sflag:s11] =	ssyncadd.s32 $0xFFFFFF38  }
0x428: {  	[tilespmem:s6], [sflag:$0x2] =	stream.indirect.gather [hbm4b:s3+s12], $0x80, s12, s12, $0xb8;
	[tilespmem:$0xC990] =	vst v63  }
0x429: {  	_ =	swait.ge [sflag:s15], $0x6400  }
0x42a: {  	s0 =	sld [smem:$0x7DB]  }
0x42b: {  	[sflag:s15] =	ssyncset.done $0x0  }
0x42c: {  	[sflag:s15] =	ssyncadd.s32 $0xFFFF9C00  }
0x42d: {  	[hbm4b:s0+s2] =	stream.linear.scatter [tilespmem:s13], [sflag:$0x3], $0x6400, $0x38;
	[tilespmem:$0xC990] =	vst v63  }
0x42e: {  	_ =	swait.ge [sflag:s14], $0x6400  }
0x42f: {  	s0 =	sld [smem:$0x7DC]  }
0x430: {  	[sflag:s14] =	ssyncset.done $0x0  }
0x431: {  	[sflag:s14] =	ssyncadd.s32 $0xFFFF9C00  }
0x432: {  	[tilespmem:s2], [sflag:$0x5] =	stream.linear.gather [hbm4b:s0+s2], $0xC8, $0x38;
	[tilespmem:$0xC990] =	vst v63  }
0x433: {  	_ =	swait.ge [sflag:s11], $0xC8  }
0x434: {  	[sflag:s11] =	ssyncset.done $0x0  }
0x435: {  	[sflag:s11] =	ssyncadd.s32 $0xFFFFFF38  }
0x436: {  	[tilespmem:s13], [sflag:$0x1] =	stream.indirect.gather [hbm4b:s3+s12], $0x80, s2, s12, $0xb8;
	[tilespmem:$0xC990] =	vst v63  }
0x437: {  	_ =	swait.ge [sflag:s9], $0x6400  }
0x438: {  	s0 =	sld [smem:$0x7DD]  }
0x439: {  	[sflag:s9] =	ssyncset.done $0x0  }
0x43a: {  	[sflag:s9] =	ssyncadd.s32 $0xFFFF9C00  }
0x43b: {  	[hbm4b:s0+s2] =	stream.linear.scatter [tilespmem:s6], [sflag:$0x4], $0x6400, $0x38;
	[tilespmem:$0xC990] =	vst v63  }
0x43c: {  	_ =	swait.ge [sflag:s7], $0x6400  }
0x43d: {  	s0 =	sld [smem:$0x7DE]  }
0x43e: {  	[sflag:s7] =	ssyncset.done $0x0  }
0x43f: {  	[sflag:s7] =	ssyncadd.s32 $0xFFFF9C00  }
0x440: {  	[tilespmem:s12], [sflag:$0x5] =	stream.linear.gather [hbm4b:s0+s2], $0xC8, $0x38;
	[tilespmem:$0xC990] =	vst v63  }
0x441: {  	_ =	swait.ge [sflag:s11], $0xC8  }
0x442: {  	[sflag:s11] =	ssyncset.done $0x0  }
0x443: {  	[sflag:s11] =	ssyncadd.s32 $0xFFFFFF38  }
0x444: {  	[tilespmem:s6], [sflag:$0x2] =	stream.indirect.gather [hbm4b:s3+s12], $0x80, s12, s12, $0xb8;
	[tilespmem:$0xC990] =	vst v63  }
0x445: {  	_ =	swait.ge [sflag:s15], $0x6400  }
0x446: {  	s0 =	sld [smem:$0x7DF]  }
0x447: {  	[sflag:s15] =	ssyncset.done $0x0  }
0x448: {  	[sflag:s15] =	ssyncadd.s32 $0xFFFF9C00  }
0x449: {  	[hbm4b:s0+s2] =	stream.linear.scatter [tilespmem:s13], [sflag:$0x3], $0x6400, $0x38;
	[tilespmem:$0xC990] =	vst v63  }
0x44a: {  	_ =	swait.ge [sflag:s14], $0x6400  }
0x44b: {  	s0 =	sld [smem:$0x7E0]  }
0x44c: {  	[sflag:s14] =	ssyncset.done $0x0  }
0x44d: {  	[sflag:s14] =	ssyncadd.s32 $0xFFFF9C00  }
0x44e: {  	[tilespmem:s2], [sflag:$0x5] =	stream.linear.gather [hbm4b:s0+s2], $0xC8, $0x38;
	[tilespmem:$0xC990] =	vst v63  }
0x44f: {  	_ =	swait.ge [sflag:s11], $0xC8  }
0x450: {  	[sflag:s11] =	ssyncset.done $0x0  }
0x451: {  	[sflag:s11] =	ssyncadd.s32 $0xFFFFFF38  }
0x452: {  	[tilespmem:s13], [sflag:$0x1] =	stream.indirect.gather [hbm4b:s3+s12], $0x80, s2, s12, $0xb8;
	[tilespmem:$0xC990] =	vst v63  }
0x453: {  	_ =	swait.ge [sflag:s9], $0x6400  }
0x454: {  	s0 =	sld [smem:$0x7E1]  }
0x455: {  	[sflag:s9] =	ssyncset.done $0x0  }
0x456: {  	[sflag:s9] =	ssyncadd.s32 $0xFFFF9C00  }
0x457: {  	[hbm4b:s0+s2] =	stream.linear.scatter [tilespmem:s6], [sflag:$0x4], $0x6400, $0x38;
	[tilespmem:$0xC990] =	vst v63  }
0x458: {  	_ =	swait.ge [sflag:s7], $0x6400  }
0x459: {  	s0 =	sld [smem:$0x7E2]  }
0x45a: {  	[sflag:s7] =	ssyncset.done $0x0  }
0x45b: {  	[sflag:s7] =	ssyncadd.s32 $0xFFFF9C00  }
0x45c: {  	[tilespmem:s12], [sflag:$0x5] =	stream.linear.gather [hbm4b:s0+s2], $0xC8, $0x38;
	[tilespmem:$0xC990] =	vst v63  }
0x45d: {  	_ =	swait.ge [sflag:s11], $0xC8  }
0x45e: {  	[sflag:s11] =	ssyncset.done $0x0  }
0x45f: {  	[sflag:s11] =	ssyncadd.s32 $0xFFFFFF38  }
0x460: {  	[tilespmem:s6], [sflag:$0x2] =	stream.indirect.gather [hbm4b:s3+s12], $0x80, s12, s12, $0xb8;
	[tilespmem:$0xC990] =	vst v63  }
0x461: {  	_ =	swait.ge [sflag:s15], $0x6400  }
0x462: {  	s0 =	sld [smem:$0x7E3]  }
0x463: {  	[sflag:s15] =	ssyncset.done $0x0  }
0x464: {  	[sflag:s15] =	ssyncadd.s32 $0xFFFF9C00  }
0x465: {  	[hbm4b:s0+s2] =	stream.linear.scatter [tilespmem:s13], [sflag:$0x3], $0x6400, $0x38;
	[tilespmem:$0xC990] =	vst v63  }
0x466: {  	_ =	swait.ge [sflag:s14], $0x6400  }
0x467: {  	s0 =	sld [smem:$0x7E4]  }
0x468: {  	[sflag:s14] =	ssyncset.done $0x0  }
0x469: {  	[sflag:s14] =	ssyncadd.s32 $0xFFFF9C00  }
0x46a: {  	[tilespmem:s2], [sflag:$0x5] =	stream.linear.gather [hbm4b:s0+s2], $0xC8, $0x38;
	[tilespmem:$0xC990] =	vst v63  }
0x46b: {  	_ =	swait.ge [sflag:s11], $0xC8  }
0x46c: {  	[sflag:s11] =	ssyncset.done $0x0  }
0x46d: {  	[sflag:s11] =	ssyncadd.s32 $0xFFFFFF38  }
0x46e: {  	[tilespmem:s13], [sflag:$0x1] =	stream.indirect.gather [hbm4b:s3+s12], $0x80, s2, s12, $0xb8;
	[tilespmem:$0xC990] =	vst v63  }
0x46f: {  	_ =	swait.ge [sflag:s9], $0x6400  }
0x470: {  	s0 =	sld [smem:$0x7E5]  }
0x471: {  	[sflag:s9] =	ssyncset.done $0x0  }
0x472: {  	[sflag:s9] =	ssyncadd.s32 $0xFFFF9C00  }
0x473: {  	[hbm4b:s0+s2] =	stream.linear.scatter [tilespmem:s6], [sflag:$0x4], $0x6400, $0x38;
	[tilespmem:$0xC990] =	vst v63  }
0x474: {  	_ =	swait.ge [sflag:s7], $0x6400  }
0x475: {  	s0 =	sld [smem:$0x7E6]  }
0x476: {  	[sflag:s7] =	ssyncset.done $0x0  }
0x477: {  	[sflag:s7] =	ssyncadd.s32 $0xFFFF9C00  }
0x478: {  	[tilespmem:s12], [sflag:$0x5] =	stream.linear.gather [hbm4b:s0+s2], $0xC8, $0x38;
	[tilespmem:$0xC990] =	vst v63  }
0x479: {  	_ =	swait.ge [sflag:s11], $0xC8  }
0x47a: {  	[sflag:s11] =	ssyncset.done $0x0  }
0x47b: {  	[sflag:s11] =	ssyncadd.s32 $0xFFFFFF38  }
0x47c: {  	[tilespmem:s6], [sflag:$0x2] =	stream.indirect.gather [hbm4b:s3+s12], $0x80, s12, s12, $0xb8;
	[tilespmem:$0xC990] =	vst v63  }
0x47d: {  	_ =	swait.ge [sflag:s15], $0x6400  }
0x47e: {  	s0 =	sld [smem:$0x7E7]  }
0x47f: {  	[sflag:s15] =	ssyncset.done $0x0  }
0x480: {  	[sflag:s15] =	ssyncadd.s32 $0xFFFF9C00  }
0x481: {  	[hbm4b:s0+s2] =	stream.linear.scatter [tilespmem:s13], [sflag:$0x3], $0x6400, $0x38;
	[tilespmem:$0xC990] =	vst v63  }
0x482: {  	_ =	swait.ge [sflag:s14], $0x6400  }
0x483: {  	s0 =	sld [smem:$0x7E8]  }
0x484: {  	[sflag:s14] =	ssyncset.done $0x0  }
0x485: {  	[sflag:s14] =	ssyncadd.s32 $0xFFFF9C00  }
0x486: {  	[tilespmem:s2], [sflag:$0x5] =	stream.linear.gather [hbm4b:s0+s2], $0xC8, $0x38;
	[tilespmem:$0xC990] =	vst v63  }
0x487: {  	_ =	swait.ge [sflag:s11], $0xC8  }
0x488: {  	[sflag:s11] =	ssyncset.done $0x0  }
0x489: {  	[sflag:s11] =	ssyncadd.s32 $0xFFFFFF38  }
0x48a: {  	[tilespmem:s13], [sflag:$0x1] =	stream.indirect.gather [hbm4b:s3+s12], $0x80, s2, s12, $0xb8;
	[tilespmem:$0xC990] =	vst v63  }
0x48b: {  	_ =	swait.ge [sflag:s9], $0x6400  }
0x48c: {  	s0 =	sld [smem:$0x7E9]  }
0x48d: {  	[sflag:s9] =	ssyncset.done $0x0  }
0x48e: {  	[sflag:s9] =	ssyncadd.s32 $0xFFFF9C00  }
0x48f: {  	[hbm4b:s0+s2] =	stream.linear.scatter [tilespmem:s6], [sflag:$0x4], $0x6400, $0x38;
	[tilespmem:$0xC990] =	vst v63  }
0x490: {  	_ =	swait.ge [sflag:s7], $0x6400  }
0x491: {  	s0 =	sld [smem:$0x7EA]  }
0x492: {  	[sflag:s7] =	ssyncset.done $0x0  }
0x493: {  	[sflag:s7] =	ssyncadd.s32 $0xFFFF9C00  }
0x494: {  	[tilespmem:s12], [sflag:$0x5] =	stream.linear.gather [hbm4b:s0+s2], $0xC8, $0x38;
	[tilespmem:$0xC990] =	vst v63  }
0x495: {  	_ =	swait.ge [sflag:s11], $0xC8  }
0x496: {  	[sflag:s11] =	ssyncset.done $0x0  }
0x497: {  	[sflag:s11] =	ssyncadd.s32 $0xFFFFFF38  }
0x498: {  	[tilespmem:s6], [sflag:$0x2] =	stream.indirect.gather [hbm4b:s3+s12], $0x80, s12, s12, $0xb8;
	[tilespmem:$0xC990] =	vst v63  }
0x499: {  	_ =	swait.ge [sflag:s15], $0x6400  }
0x49a: {  	s0 =	sld [smem:$0x7EB]  }
0x49b: {  	[sflag:s15] =	ssyncset.done $0x0  }
0x49c: {  	[sflag:s15] =	ssyncadd.s32 $0xFFFF9C00  }
0x49d: {  	[hbm4b:s0+s2] =	stream.linear.scatter [tilespmem:s13], [sflag:$0x3], $0x6400, $0x38;
	[tilespmem:$0xC990] =	vst v63  }
0x49e: {  	_ =	swait.ge [sflag:s14], $0x6400  }
0x49f: {  	s0 =	sld [smem:$0x7EC]  }
0x4a0: {  	[sflag:s14] =	ssyncset.done $0x0  }
0x4a1: {  	[sflag:s14] =	ssyncadd.s32 $0xFFFF9C00  }
0x4a2: {  	[tilespmem:s2], [sflag:$0x5] =	stream.linear.gather [hbm4b:s0+s2], $0xC8, $0x38;
	[tilespmem:$0xC990] =	vst v63  }
0x4a3: {  	_ =	swait.ge [sflag:s11], $0xC8  }
0x4a4: {  	[sflag:s11] =	ssyncset.done $0x0  }
0x4a5: {  	[sflag:s11] =	ssyncadd.s32 $0xFFFFFF38  }
0x4a6: {  	[tilespmem:s13], [sflag:$0x1] =	stream.indirect.gather [hbm4b:s3+s12], $0x80, s2, s12, $0xb8;
	[tilespmem:$0xC990] =	vst v63  }
0x4a7: {  	_ =	swait.ge [sflag:s9], $0x6400  }
0x4a8: {  	s0 =	sld [smem:$0x7ED]  }
0x4a9: {  	[sflag:s9] =	ssyncset.done $0x0  }
0x4aa: {  	[sflag:s9] =	ssyncadd.s32 $0xFFFF9C00  }
0x4ab: {  	[hbm4b:s0+s2] =	stream.linear.scatter [tilespmem:s6], [sflag:$0x4], $0x6400, $0x38;
	[tilespmem:$0xC990] =	vst v63  }
0x4ac: {  	_ =	swait.ge [sflag:s7], $0x6400  }
0x4ad: {  	s0 =	sld [smem:$0x7EE]  }
0x4ae: {  	[sflag:s7] =	ssyncset.done $0x0  }
0x4af: {  	[sflag:s7] =	ssyncadd.s32 $0xFFFF9C00  }
0x4b0: {  	[tilespmem:s12], [sflag:$0x5] =	stream.linear.gather [hbm4b:s0+s2], $0xC8, $0x38;
	[tilespmem:$0xC990] =	vst v63  }
0x4b1: {  	_ =	swait.ge [sflag:s11], $0xC8  }
0x4b2: {  	[sflag:s11] =	ssyncset.done $0x0  }
0x4b3: {  	[sflag:s11] =	ssyncadd.s32 $0xFFFFFF38  }
0x4b4: {  	[tilespmem:s6], [sflag:$0x2] =	stream.indirect.gather [hbm4b:s3+s12], $0x80, s12, s12, $0xb8;
	[tilespmem:$0xC990] =	vst v63  }
0x4b5: {  	_ =	swait.ge [sflag:s15], $0x6400  }
0x4b6: {  	s0 =	sld [smem:$0x7EF]  }
0x4b7: {  	[sflag:s15] =	ssyncset.done $0x0  }
0x4b8: {  	[sflag:s15] =	ssyncadd.s32 $0xFFFF9C00  }
0x4b9: {  	[hbm4b:s0+s2] =	stream.linear.scatter [tilespmem:s13], [sflag:$0x3], $0x6400, $0x38;
	[tilespmem:$0xC990] =	vst v63  }
0x4ba: {  	_ =	swait.ge [sflag:s14], $0x6400  }
0x4bb: {  	s0 =	sld [smem:$0x7F0]  }
0x4bc: {  	[sflag:s14] =	ssyncset.done $0x0  }
0x4bd: {  	[sflag:s14] =	ssyncadd.s32 $0xFFFF9C00  }
0x4be: {  	[tilespmem:s2], [sflag:$0x5] =	stream.linear.gather [hbm4b:s0+s2], $0xC8, $0x38;
	[tilespmem:$0xC990] =	vst v63  }
0x4bf: {  	_ =	swait.ge [sflag:s11], $0xC8  }
0x4c0: {  	[sflag:s11] =	ssyncset.done $0x0  }
0x4c1: {  	[sflag:s11] =	ssyncadd.s32 $0xFFFFFF38  }
0x4c2: {  	[tilespmem:s13], [sflag:$0x1] =	stream.indirect.gather [hbm4b:s3+s12], $0x80, s2, s12, $0xb8;
	[tilespmem:$0xC990] =	vst v63  }
0x4c3: {  	_ =	swait.ge [sflag:s9], $0x6400  }
0x4c4: {  	s0 =	sld [smem:$0x7F1]  }
0x4c5: {  	[sflag:s9] =	ssyncset.done $0x0  }
0x4c6: {  	[sflag:s9] =	ssyncadd.s32 $0xFFFF9C00  }
0x4c7: {  	[hbm4b:s0+s2] =	stream.linear.scatter [tilespmem:s6], [sflag:$0x4], $0x6400, $0x38;
	[tilespmem:$0xC990] =	vst v63  }
0x4c8: {  	_ =	swait.ge [sflag:s7], $0x6400  }
0x4c9: {  	s0 =	sld [smem:$0x7F2]  }
0x4ca: {  	[sflag:s7] =	ssyncset.done $0x0  }
0x4cb: {  	[sflag:s7] =	ssyncadd.s32 $0xFFFF9C00  }
0x4cc: {  	[tilespmem:s12], [sflag:$0x5] =	stream.linear.gather [hbm4b:s0+s2], $0xC8, $0x38;
	[tilespmem:$0xC990] =	vst v63  }
0x4cd: {  	_ =	swait.ge [sflag:s11], $0xC8  }
0x4ce: {  	[sflag:s11] =	ssyncset.done $0x0  }
0x4cf: {  	[sflag:s11] =	ssyncadd.s32 $0xFFFFFF38  }
0x4d0: {  	[tilespmem:s6], [sflag:$0x2] =	stream.indirect.gather [hbm4b:s3+s12], $0x80, s12, s12, $0xb8;
	[tilespmem:$0xC990] =	vst v63  }
0x4d1: {  	_ =	swait.ge [sflag:s15], $0x6400  }
0x4d2: {  	s0 =	sld [smem:$0x7F3]  }
0x4d3: {  	[sflag:s15] =	ssyncset.done $0x0  }
0x4d4: {  	[sflag:s15] =	ssyncadd.s32 $0xFFFF9C00  }
0x4d5: {  	[hbm4b:s0+s2] =	stream.linear.scatter [tilespmem:s13], [sflag:$0x3], $0x6400, $0x38;
	[tilespmem:$0xC990] =	vst v63  }
0x4d6: {  	_ =	swait.ge [sflag:s14], $0x6400  }
0x4d7: {  	s0 =	sld [smem:$0x7F4]  }
0x4d8: {  	[sflag:s14] =	ssyncset.done $0x0  }
0x4d9: {  	[sflag:s14] =	ssyncadd.s32 $0xFFFF9C00  }
0x4da: {  	[tilespmem:s2], [sflag:$0x5] =	stream.linear.gather [hbm4b:s0+s2], $0xC8, $0x38;
	[tilespmem:$0xC990] =	vst v63  }
0x4db: {  	_ =	swait.ge [sflag:s11], $0xC8  }
0x4dc: {  	[sflag:s11] =	ssyncset.done $0x0  }
0x4dd: {  	[sflag:s11] =	ssyncadd.s32 $0xFFFFFF38  }
0x4de: {  	[tilespmem:s13], [sflag:$0x1] =	stream.indirect.gather [hbm4b:s3+s12], $0x80, s2, s12, $0xb8;
	[tilespmem:$0xC990] =	vst v63  }
0x4df: {  	_ =	swait.ge [sflag:s9], $0x6400  }
0x4e0: {  	s0 =	sld [smem:$0x7F5]  }
0x4e1: {  	[sflag:s9] =	ssyncset.done $0x0  }
0x4e2: {  	[sflag:s9] =	ssyncadd.s32 $0xFFFF9C00  }
0x4e3: {  	[hbm4b:s0+s2] =	stream.linear.scatter [tilespmem:s6], [sflag:$0x4], $0x6400, $0x38;
	[tilespmem:$0xC990] =	vst v63  }
0x4e4: {  	_ =	swait.ge [sflag:s7], $0x6400  }
0x4e5: {  	s0 =	sld [smem:$0x7F6]  }
0x4e6: {  	[sflag:s7] =	ssyncset.done $0x0  }
0x4e7: {  	[sflag:s7] =	ssyncadd.s32 $0xFFFF9C00  }
0x4e8: {  	[tilespmem:s12], [sflag:$0x5] =	stream.linear.gather [hbm4b:s0+s2], $0xC8, $0x38;
	[tilespmem:$0xC990] =	vst v63  }
0x4e9: {  	_ =	swait.ge [sflag:s11], $0xC8  }
0x4ea: {  	[sflag:s11] =	ssyncset.done $0x0  }
0x4eb: {  	[sflag:s11] =	ssyncadd.s32 $0xFFFFFF38  }
0x4ec: {  	[tilespmem:s6], [sflag:$0x2] =	stream.indirect.gather [hbm4b:s3+s12], $0x80, s12, s12, $0xb8;
	[tilespmem:$0xC990] =	vst v63  }
0x4ed: {  	_ =	swait.ge [sflag:s15], $0x6400  }
0x4ee: {  	s0 =	sld [smem:$0x7F7]  }
0x4ef: {  	[sflag:s15] =	ssyncset.done $0x0  }
0x4f0: {  	[sflag:s15] =	ssyncadd.s32 $0xFFFF9C00  }
0x4f1: {  	[hbm4b:s0+s2] =	stream.linear.scatter [tilespmem:s13], [sflag:$0x3], $0x6400, $0x38;
	[tilespmem:$0xC990] =	vst v63  }
0x4f2: {  	_ =	swait.ge [sflag:s14], $0x6400  }
0x4f3: {  	s0 =	sld [smem:$0x7F8]  }
0x4f4: {  	[sflag:s14] =	ssyncset.done $0x0  }
0x4f5: {  	[sflag:s14] =	ssyncadd.s32 $0xFFFF9C00  }
0x4f6: {  	[tilespmem:s2], [sflag:$0x5] =	stream.linear.gather [hbm4b:s0+s2], $0xC8, $0x38;
	[tilespmem:$0xC990] =	vst v63  }
0x4f7: {  	_ =	swait.ge [sflag:s11], $0xC8  }
0x4f8: {  	[sflag:s11] =	ssyncset.done $0x0  }
0x4f9: {  	[sflag:s11] =	ssyncadd.s32 $0xFFFFFF38  }
0x4fa: {  	[tilespmem:s13], [sflag:$0x1] =	stream.indirect.gather [hbm4b:s3+s12], $0x80, s2, s12, $0xb8;
	[tilespmem:$0xC990] =	vst v63  }
0x4fb: {  	_ =	swait.ge [sflag:s9], $0x6400  }
0x4fc: {  	s0 =	sld [smem:$0x7F9]  }
0x4fd: {  	[sflag:s9] =	ssyncset.done $0x0  }
0x4fe: {  	[sflag:s9] =	ssyncadd.s32 $0xFFFF9C00  }
0x4ff: {  	[hbm4b:s0+s2] =	stream.linear.scatter [tilespmem:s6], [sflag:$0x4], $0x6400, $0x38;
	[tilespmem:$0xC990] =	vst v63  }
0x500: {  	_ =	swait.ge [sflag:s7], $0x6400  }
0x501: {  	s0 =	sld [smem:$0x7FA]  }
0x502: {  	[sflag:s7] =	ssyncset.done $0x0  }
0x503: {  	[sflag:s7] =	ssyncadd.s32 $0xFFFF9C00  }
0x504: {  	[tilespmem:s12], [sflag:$0x5] =	stream.linear.gather [hbm4b:s0+s2], $0xC8, $0x38;
	[tilespmem:$0xC990] =	vst v63  }
0x505: {  	_ =	swait.ge [sflag:s11], $0xC8  }
0x506: {  	[sflag:s11] =	ssyncset.done $0x0  }
0x507: {  	[sflag:s11] =	ssyncadd.s32 $0xFFFFFF38  }
0x508: {  	[tilespmem:s6], [sflag:$0x2] =	stream.indirect.gather [hbm4b:s3+s12], $0x80, s12, s12, $0xb8;
	[tilespmem:$0xC990] =	vst v63  }
0x509: {  	_ =	swait.ge [sflag:s15], $0x6400  }
0x50a: {  	s0 =	sld [smem:$0x7FB]  }
0x50b: {  	[sflag:s15] =	ssyncset.done $0x0  }
0x50c: {  	[sflag:s15] =	ssyncadd.s32 $0xFFFF9C00  }
0x50d: {  	[hbm4b:s0+s2] =	stream.linear.scatter [tilespmem:s13], [sflag:$0x3], $0x6400, $0x38;
	[tilespmem:$0xC990] =	vst v63  }
0x50e: {  	_ =	swait.ge [sflag:s14], $0x6400  }
0x50f: {  	s0 =	sld [smem:$0x7FC]  }
0x510: {  	[sflag:s14] =	ssyncset.done $0x0  }
0x511: {  	[sflag:s14] =	ssyncadd.s32 $0xFFFF9C00  }
0x512: {  	[tilespmem:s2], [sflag:$0x5] =	stream.linear.gather [hbm4b:s0+s2], $0xC8, $0x38;
	[tilespmem:$0xC990] =	vst v63  }
0x513: {  	_ =	swait.ge [sflag:s11], $0xC8  }
0x514: {  	[sflag:s11] =	ssyncset.done $0x0  }
0x515: {  	[sflag:s11] =	ssyncadd.s32 $0xFFFFFF38  }
0x516: {  	[tilespmem:s13], [sflag:$0x1] =	stream.indirect.gather [hbm4b:s3+s12], $0x80, s2, s12, $0xb8;
	[tilespmem:$0xC990] =	vst v63  }
0x517: {  	_ =	swait.ge [sflag:s9], $0x6400  }
0x518: {  	s0 =	sld [smem:$0x7FD]  }
0x519: {  	[sflag:s9] =	ssyncset.done $0x0  }
0x51a: {  	[sflag:s9] =	ssyncadd.s32 $0xFFFF9C00  }
0x51b: {  	[hbm4b:s0+s2] =	stream.linear.scatter [tilespmem:s6], [sflag:$0x4], $0x6400, $0x38;
	[tilespmem:$0xC990] =	vst v63  }
0x51c: {  	_ =	swait.ge [sflag:s7], $0x6400  }
0x51d: {  	[sflag:s7] =	ssyncset.done $0x0  }
0x51e: {  	[sflag:s7] =	ssyncadd.s32 $0xFFFF9C00  }
0x51f: {  	[tilespmem:s12], [sflag:$0x5] =	stream.linear.gather [hbm4b:s31+s2], $0xC8, $0x38;
	[tilespmem:$0xC990] =	vst v63  }
0x520: {  	_ =	swait.ge [sflag:s11], $0xC8  }
0x521: {  	[sflag:s11] =	ssyncset.done $0x0  }
0x522: {  	[sflag:s11] =	ssyncadd.s32 $0xFFFFFF38  }
0x523: {  	[tilespmem:s6], [sflag:$0x2] =	stream.indirect.gather [hbm4b:s3+s12], $0x80, s12, s12, $0xb8;
	[tilespmem:$0xC990] =	vst v63  }
0x524: {  	_ =	swait.ge [sflag:s15], $0x6400  }
0x525: {  	[sflag:s15] =	ssyncset.done $0x0  }
0x526: {  	[sflag:s15] =	ssyncadd.s32 $0xFFFF9C00  }
0x527: {  	[hbm4b:s29+s2] =	stream.linear.scatter [tilespmem:s13], [sflag:$0x3], $0x6400, $0x38;
	[tilespmem:$0xC990] =	vst v63  }
0x528: {  	_ =	swait.ge [sflag:s14], $0x6400  }
0x529: {  	[sflag:s14] =	ssyncset.done $0x0  }
0x52a: {  	[sflag:s14] =	ssyncadd.s32 $0xFFFF9C00  }
0x52b: {  	[tilespmem:s2], [sflag:$0x5] =	stream.linear.gather [hbm4b:s30+s2], $0xC8, $0x38;
	[tilespmem:$0xC990] =	vst v63  }
0x52c: {  	_ =	swait.ge [sflag:s11], $0xC8  }
0x52d: {  	[sflag:s11] =	ssyncset.done $0x0  }
0x52e: {  	[sflag:s11] =	ssyncadd.s32 $0xFFFFFF38  }
0x52f: {  	[tilespmem:s13], [sflag:$0x1] =	stream.indirect.gather [hbm4b:s3+s12], $0x80, s2, s12, $0xb8;
	[tilespmem:$0xC990] =	vst v63  }
0x530: {  	_ =	swait.ge [sflag:s9], $0x6400  }
0x531: {  	[sflag:s9] =	ssyncset.done $0x0  }
0x532: {  	[sflag:s9] =	ssyncadd.s32 $0xFFFF9C00  }
0x533: {  	[hbm4b:s28+s2] =	stream.linear.scatter [tilespmem:s6], [sflag:$0x4], $0x6400, $0x38;
	[tilespmem:$0xC990] =	vst v63  }
0x534: {  	_ =	swait.ge [sflag:s7], $0x6400  }
0x535: {  	[sflag:s7] =	ssyncset.done $0x0  }
0x536: {  	[sflag:s7] =	ssyncadd.s32 $0xFFFF9C00  }
0x537: {  	[tilespmem:s12], [sflag:$0x5] =	stream.linear.gather [hbm4b:s26+s2], $0xC8, $0x38;
	[tilespmem:$0xC990] =	vst v63  }
0x538: {  	_ =	swait.ge [sflag:s11], $0xC8  }
0x539: {  	[sflag:s11] =	ssyncset.done $0x0  }
0x53a: {  	[sflag:s11] =	ssyncadd.s32 $0xFFFFFF38  }
0x53b: {  	[tilespmem:s6], [sflag:$0x2] =	stream.indirect.gather [hbm4b:s3+s12], $0x80, s12, s12, $0xb8;
	[tilespmem:$0xC990] =	vst v63  }
0x53c: {  	_ =	swait.ge [sflag:s15], $0x6400  }
0x53d: {  	[sflag:s15] =	ssyncset.done $0x0  }
0x53e: {  	[sflag:s15] =	ssyncadd.s32 $0xFFFF9C00  }
0x53f: {  	[hbm4b:s25+s2] =	stream.linear.scatter [tilespmem:s13], [sflag:$0x3], $0x6400, $0x38;
	[tilespmem:$0xC990] =	vst v63  }
0x540: {  	_ =	swait.ge [sflag:s14], $0x6400  }
0x541: {  	[sflag:s14] =	ssyncset.done $0x0  }
0x542: {  	[sflag:s14] =	ssyncadd.s32 $0xFFFF9C00  }
0x543: {  	[tilespmem:s2], [sflag:$0x5] =	stream.linear.gather [hbm4b:s24+s2], $0xC8, $0x38;
	[tilespmem:$0xC990] =	vst v63  }
0x544: {  	_ =	swait.ge [sflag:s11], $0xC8  }
0x545: {  	[sflag:s11] =	ssyncset.done $0x0  }
0x546: {  	[sflag:s11] =	ssyncadd.s32 $0xFFFFFF38  }
0x547: {  	[tilespmem:s13], [sflag:$0x1] =	stream.indirect.gather [hbm4b:s3+s12], $0x80, s2, s12, $0xb8;
	[tilespmem:$0xC990] =	vst v63  }
0x548: {  	_ =	swait.ge [sflag:s9], $0x6400  }
0x549: {  	[sflag:s9] =	ssyncset.done $0x0  }
0x54a: {  	[sflag:s9] =	ssyncadd.s32 $0xFFFF9C00  }
0x54b: {  	[hbm4b:s22+s2] =	stream.linear.scatter [tilespmem:s6], [sflag:$0x4], $0x6400, $0x38;
	[tilespmem:$0xC990] =	vst v63  }
0x54c: {  	_ =	swait.ge [sflag:s7], $0x6400  }
0x54d: {  	[sflag:s7] =	ssyncset.done $0x0  }
0x54e: {  	[sflag:s7] =	ssyncadd.s32 $0xFFFF9C00  }
0x54f: {  	[tilespmem:s12], [sflag:$0x5] =	stream.linear.gather [hbm4b:s23+s2], $0xC8, $0x38;
	[tilespmem:$0xC990] =	vst v63  }
0x550: {  	_ =	swait.ge [sflag:s11], $0xC8  }
0x551: {  	[sflag:s11] =	ssyncset.done $0x0  }
0x552: {  	[sflag:s11] =	ssyncadd.s32 $0xFFFFFF38  }
0x553: {  	[tilespmem:s6], [sflag:$0x2] =	stream.indirect.gather [hbm4b:s3+s12], $0x80, s12, s12, $0xb8;
	[tilespmem:$0xC990] =	vst v63  }
0x554: {  	_ =	swait.ge [sflag:s15], $0x6400  }
0x555: {  	[sflag:s15] =	ssyncset.done $0x0  }
0x556: {  	[sflag:s15] =	ssyncadd.s32 $0xFFFF9C00  }
0x557: {  	[hbm4b:s21+s2] =	stream.linear.scatter [tilespmem:s13], [sflag:$0x3], $0x6400, $0x38;
	[tilespmem:$0xC990] =	vst v63  }
0x558: {  	_ =	swait.ge [sflag:s14], $0x6400  }
0x559: {  	[sflag:s14] =	ssyncset.done $0x0  }
0x55a: {  	[sflag:s14] =	ssyncadd.s32 $0xFFFF9C00  }
0x55b: {  	[tilespmem:s2], [sflag:$0x5] =	stream.linear.gather [hbm4b:s20+s2], $0xC8, $0x38;
	[tilespmem:$0xC990] =	vst v63  }
0x55c: {  	_ =	swait.ge [sflag:s11], $0xC8  }
0x55d: {  	[sflag:s11] =	ssyncset.done $0x0  }
0x55e: {  	[sflag:s11] =	ssyncadd.s32 $0xFFFFFF38  }
0x55f: {  	[tilespmem:s13], [sflag:$0x1] =	stream.indirect.gather [hbm4b:s3+s12], $0x80, s2, s12, $0xb8;
	[tilespmem:$0xC990] =	vst v63  }
0x560: {  	_ =	swait.ge [sflag:s9], $0x6400  }
0x561: {  	[sflag:s9] =	ssyncset.done $0x0  }
0x562: {  	[sflag:s9] =	ssyncadd.s32 $0xFFFF9C00  }
0x563: {  	[hbm4b:s19+s2] =	stream.linear.scatter [tilespmem:s6], [sflag:$0x4], $0x6400, $0x38;
	[tilespmem:$0xC990] =	vst v63  }
0x564: {  	_ =	swait.ge [sflag:s7], $0x6400  }
0x565: {  	[sflag:s7] =	ssyncset.done $0x0  }
0x566: {  	[sflag:s7] =	ssyncadd.s32 $0xFFFF9C00  }
0x567: {  	[tilespmem:s12], [sflag:$0x5] =	stream.linear.gather [hbm4b:s18+s2], $0xC8, $0x38;
	[tilespmem:$0xC990] =	vst v63  }
0x568: {  	_ =	swait.ge [sflag:s11], $0xC8  }
0x569: {  	[sflag:s11] =	ssyncset.done $0x0  }
0x56a: {  	[sflag:s11] =	ssyncadd.s32 $0xFFFFFF38  }
0x56b: {  	[tilespmem:s6], [sflag:$0x2] =	stream.indirect.gather [hbm4b:s3+s12], $0x80, s12, s12, $0xb8;
	[tilespmem:$0xC990] =	vst v63  }
0x56c: {  	_ =	swait.ge [sflag:s15], $0x6400  }
0x56d: {  	[sflag:s15] =	ssyncset.done $0x0  }
0x56e: {  	[sflag:s15] =	ssyncadd.s32 $0xFFFF9C00  }
0x56f: {  	[hbm4b:s16+s2] =	stream.linear.scatter [tilespmem:s13], [sflag:$0x3], $0x6400, $0x38;
	[tilespmem:$0xC990] =	vst v63  }
0x570: {  	_ =	swait.ge [sflag:s14], $0x6400  }
0x571: {  	[sflag:s14] =	ssyncset.done $0x0  }
0x572: {  	[sflag:s14] =	ssyncadd.s32 $0xFFFF9C00  }
0x573: {  	[tilespmem:s2], [sflag:$0x5] =	stream.linear.gather [hbm4b:s17+s2], $0xC8, $0x38;
	[tilespmem:$0xC990] =	vst v63  }
0x574: {  	_ =	swait.ge [sflag:s11], $0xC8  }
0x575: {  	[sflag:s11] =	ssyncset.done $0x0  }
0x576: {  	[sflag:s11] =	ssyncadd.s32 $0xFFFFFF38  }
0x577: {  	[tilespmem:s13], [sflag:$0x1] =	stream.indirect.gather [hbm4b:s3+s12], $0x80, s2, s12, $0xb8;
	[tilespmem:$0xC990] =	vst v63  }
0x578: {  	_ =	swait.ge [sflag:s9], $0x6400  }
0x579: {  	[sflag:s9] =	ssyncset.done $0x0  }
0x57a: {  	[sflag:s9] =	ssyncadd.s32 $0xFFFF9C00  }
0x57b: {  	[hbm4b:s10+s2] =	stream.linear.scatter [tilespmem:s6], [sflag:$0x4], $0x6400, $0x38;
	[tilespmem:$0xC990] =	vst v63  }
0x57c: {  	_ =	swait.ge [sflag:s7], $0x6400  }
0x57d: {  	[sflag:s7] =	ssyncset.done $0x0  }
0x57e: {  	[sflag:s7] =	ssyncadd.s32 $0xFFFF9C00  }
0x57f: {  	[tilespmem:s12], [sflag:$0x5] =	stream.linear.gather [hbm4b:s8+s2], $0xC8, $0x38;
	[tilespmem:$0xC990] =	vst v63  }
0x580: {  	_ =	swait.ge [sflag:s11], $0xC8  }
0x581: {  	[sflag:s11] =	ssyncset.done $0x0  }
0x582: {  	[sflag:s11] =	ssyncadd.s32 $0xFFFFFF38  }
0x583: {  	[tilespmem:s6], [sflag:$0x2] =	stream.indirect.gather [hbm4b:s3+s12], $0x80, s12, s12, $0xb8;
	[tilespmem:$0xC990] =	vst v63  }
0x584: {  	_ =	swait.ge [sflag:s15], $0x6400  }
0x585: {  	[sflag:s15] =	ssyncset.done $0x0  }
0x586: {  	[sflag:s15] =	ssyncadd.s32 $0xFFFF9C00  }
0x587: {  	[hbm4b:s5+s2] =	stream.linear.scatter [tilespmem:s13], [sflag:$0x3], $0x6400, $0x38;
	[tilespmem:$0xC990] =	vst v63  }
0x588: {  	_ =	swait.ge [sflag:s14], $0x6400  }
0x589: {  	[sflag:s14] =	ssyncset.done $0x0  }
0x58a: {  	[sflag:s14] =	ssyncadd.s32 $0xFFFF9C00  }
0x58b: {  	p1 =	sne.s32 s1, $0x1;
	_ =	swait.ge [sflag:s9], $0x6400  }
.Ltmp2:
0x58c: {  	[sflag:s9] =	ssyncset.done $0x0;
	(pc) =	sbr.rel @p1 .LBB2_2-.Ltmp2, $4  }
0x58d: {  	[sflag:s9] =	ssyncadd.s32 $0xFFFF9C00  }
0x58e: {  	[hbm4b:s4+s2] =	stream.linear.scatter [tilespmem:s6], [sflag:$0x4], $0x6400, $0x38;
	[tilespmem:$0xC990] =	vst v63  }
0x58f: {  	_ =	swait.ge [sflag:s7], $0x6400  }
0x590: {  	s1 =	sadd.s32 $0xFFFFFFFF, s1;
	s0 =	rddreg [dreg:$0x2];
	[sflag:s7] =	ssyncset.done $0x0  }
.LBB2_3:
0x591: {  	[sflag:s7] =	ssyncadd.s32 @p0 $0xFFFF9C00  }
0x592: {  	[tilespmem:s2], [sflag:$0x5] =	stream.linear.gather [hbm4b:s0+s2], $0xC8, $0x38;
	[tilespmem:$0xC990] =	vst v63  }
0x593: {  	_ =	swait.ge [sflag:s11], $0xC8  }
0x594: {  	[sflag:s11] =	ssyncset.done $0x0  }
0x595: {  	[sflag:s11] =	ssyncadd.s32 $0xFFFFFF38  }
0x596: {  	[tilespmem:s13], [sflag:$0x1] =	stream.indirect.gather [hbm4b:s3+s12], $0x80, s2, s12, $0xb8;
	[tilespmem:$0xC990] =	vst v63  }
0x597: {  	s1 =	rddreg [dreg:$0x3]  }
0x598: {  	[tilespmem:s12], [sflag:$0x5] =	stream.linear.gather [hbm4b:s1+s2], $0xC8, $0x38;
	[tilespmem:$0xC990] =	vst v63  }
0x599: {  	_ =	swait.ge [sflag:s11], $0xC8  }
0x59a: {  	[sflag:s11] =	ssyncset.done $0x0  }
0x59b: {  	[sflag:s11] =	ssyncadd.s32 $0xFFFFFF38  }
0x59c: {  	[tilespmem:s6], [sflag:$0x2] =	stream.indirect.gather [hbm4b:s3+s12], $0x80, s12, s12, $0xb8;
	[tilespmem:$0xC990] =	vst v63  }
0x59d: {  	_ =	swait.ge [sflag:s15], $0x6400  }
0x59e: {  	[sflag:s15] =	ssyncset.done $0x0  }
0x59f: {  	s1 =	rddreg [dreg:$0x4];
	[sflag:s15] =	ssyncadd.s32 $0xFFFF9C00  }
0x5a0: {  	[hbm4b:s1+s2] =	stream.linear.scatter [tilespmem:s13], [sflag:$0x3], $0x6400, $0x38;
	[tilespmem:$0xC990] =	vst v63  }
0x5a1: {  	_ =	swait.ge [sflag:s14], $0x6400  }
0x5a2: {  	[sflag:s14] =	ssyncset.done $0x0  }
0x5a3: {  	s1 =	rddreg [dreg:$0x5];
	[sflag:s14] =	ssyncadd.s32 $0xFFFF9C00  }
0x5a4: {  	[tilespmem:s2], [sflag:$0x5] =	stream.linear.gather [hbm4b:s1+s2], $0xC8, $0x38;
	[tilespmem:$0xC990] =	vst v63  }
0x5a5: {  	_ =	swait.ge [sflag:s11], $0xC8  }
0x5a6: {  	[sflag:s11] =	ssyncset.done $0x0  }
0x5a7: {  	[sflag:s11] =	ssyncadd.s32 $0xFFFFFF38  }
0x5a8: {  	[tilespmem:s13], [sflag:$0x1] =	stream.indirect.gather [hbm4b:s3+s12], $0x80, s2, s12, $0xb8;
	[tilespmem:$0xC990] =	vst v63  }
0x5a9: {  	_ =	swait.ge [sflag:s9], $0x6400  }
0x5aa: {  	[sflag:s9] =	ssyncset.done $0x0  }
0x5ab: {  	s1 =	rddreg [dreg:$0x6];
	[sflag:s9] =	ssyncadd.s32 $0xFFFF9C00  }
0x5ac: {  	[hbm4b:s1+s2] =	stream.linear.scatter [tilespmem:s6], [sflag:$0x4], $0x6400, $0x38;
	[tilespmem:$0xC990] =	vst v63  }
0x5ad: {  	_ =	swait.ge [sflag:s7], $0x6400  }
0x5ae: {  	[sflag:s7] =	ssyncset.done $0x0  }
0x5af: {  	s1 =	rddreg [dreg:$0x7];
	[sflag:s7] =	ssyncadd.s32 $0xFFFF9C00  }
0x5b0: {  	[tilespmem:s12], [sflag:$0x5] =	stream.linear.gather [hbm4b:s1+s2], $0xC8, $0x38;
	[tilespmem:$0xC990] =	vst v63  }
0x5b1: {  	_ =	swait.ge [sflag:s11], $0xC8  }
0x5b2: {  	[sflag:s11] =	ssyncset.done $0x0  }
0x5b3: {  	[sflag:s11] =	ssyncadd.s32 $0xFFFFFF38  }
0x5b4: {  	[tilespmem:s6], [sflag:$0x2] =	stream.indirect.gather [hbm4b:s3+s12], $0x80, s12, s12, $0xb8;
	[tilespmem:$0xC990] =	vst v63  }
0x5b5: {  	_ =	swait.ge [sflag:s15], $0x6400  }
0x5b6: {  	s1 =	rddreg [dreg:$0x8];
	[sflag:s15] =	ssyncset.done $0x0  }
0x5b7: {  	[sflag:s15] =	ssyncadd.s32 $0xFFFF9C00  }
0x5b8: {  	[hbm4b:s1+s2] =	stream.linear.scatter [tilespmem:s13], [sflag:$0x3], $0x6400, $0x38;
	[tilespmem:$0xC990] =	vst v63  }
0x5b9: {  	_ =	swait.ge [sflag:s14], $0x6400  }
0x5ba: {  	[sflag:s14] =	ssyncset.done $0x0  }
0x5bb: {  	s1 =	rddreg [dreg:$0x9];
	[sflag:s14] =	ssyncadd.s32 $0xFFFF9C00  }
0x5bc: {  	[tilespmem:s2], [sflag:$0x5] =	stream.linear.gather [hbm4b:s1+s2], $0xC8, $0x38;
	[tilespmem:$0xC990] =	vst v63  }
0x5bd: {  	_ =	swait.ge [sflag:s11], $0xC8  }
0x5be: {  	[sflag:s11] =	ssyncset.done $0x0  }
0x5bf: {  	[sflag:s11] =	ssyncadd.s32 $0xFFFFFF38  }
0x5c0: {  	[tilespmem:s13], [sflag:$0x1] =	stream.indirect.gather [hbm4b:s3+s12], $0x80, s2, s12, $0xb8;
	[tilespmem:$0xC990] =	vst v63  }
0x5c1: {  	_ =	swait.ge [sflag:s9], $0x6400  }
0x5c2: {  	[sflag:s9] =	ssyncset.done $0x0  }
0x5c3: {  	s1 =	rddreg [dreg:$0xa];
	[sflag:s9] =	ssyncadd.s32 $0xFFFF9C00  }
0x5c4: {  	[hbm4b:s1+s2] =	stream.linear.scatter [tilespmem:s6], [sflag:$0x4], $0x6400, $0x38;
	[tilespmem:$0xC990] =	vst v63  }
0x5c5: {  	_ =	swait.ge [sflag:s7], $0x6400  }
0x5c6: {  	[sflag:s7] =	ssyncset.done $0x0  }
0x5c7: {  	s1 =	rddreg [dreg:$0xb];
	[sflag:s7] =	ssyncadd.s32 $0xFFFF9C00  }
0x5c8: {  	[tilespmem:s12], [sflag:$0x5] =	stream.linear.gather [hbm4b:s1+s2], $0xC8, $0x38;
	[tilespmem:$0xC990] =	vst v63  }
0x5c9: {  	_ =	swait.ge [sflag:s11], $0xC8  }
0x5ca: {  	[sflag:s11] =	ssyncset.done $0x0  }
0x5cb: {  	[sflag:s11] =	ssyncadd.s32 $0xFFFFFF38  }
0x5cc: {  	[tilespmem:s6], [sflag:$0x2] =	stream.indirect.gather [hbm4b:s3+s12], $0x80, s12, s12, $0xb8;
	[tilespmem:$0xC990] =	vst v63  }
0x5cd: {  	_ =	swait.ge [sflag:s15], $0x6400  }
0x5ce: {  	[sflag:s15] =	ssyncset.done $0x0  }
0x5cf: {  	s1 =	rddreg [dreg:$0xc];
	[sflag:s15] =	ssyncadd.s32 $0xFFFF9C00  }
0x5d0: {  	[hbm4b:s1+s2] =	stream.linear.scatter [tilespmem:s13], [sflag:$0x3], $0x6400, $0x38;
	[tilespmem:$0xC990] =	vst v63  }
0x5d1: {  	_ =	swait.ge [sflag:s14], $0x6400  }
0x5d2: {  	[sflag:s14] =	ssyncset.done $0x0  }
0x5d3: {  	s1 =	rddreg [dreg:$0xd];
	[sflag:s14] =	ssyncadd.s32 $0xFFFF9C00  }
0x5d4: {  	[tilespmem:s2], [sflag:$0x5] =	stream.linear.gather [hbm4b:s1+s2], $0xC8, $0x38;
	[tilespmem:$0xC990] =	vst v63  }
0x5d5: {  	_ =	swait.ge [sflag:s11], $0xC8  }
0x5d6: {  	[sflag:s11] =	ssyncset.done $0x0  }
0x5d7: {  	[sflag:s11] =	ssyncadd.s32 $0xFFFFFF38  }
0x5d8: {  	[tilespmem:s13], [sflag:$0x1] =	stream.indirect.gather [hbm4b:s3+s12], $0x80, s2, s12, $0xb8;
	[tilespmem:$0xC990] =	vst v63  }
0x5d9: {  	_ =	swait.ge [sflag:s9], $0x6400  }
0x5da: {  	[sflag:s9] =	ssyncset.done $0x0  }
0x5db: {  	s1 =	rddreg [dreg:$0xe];
	[sflag:s9] =	ssyncadd.s32 $0xFFFF9C00  }
0x5dc: {  	[hbm4b:s1+s2] =	stream.linear.scatter [tilespmem:s6], [sflag:$0x4], $0x6400, $0x38;
	[tilespmem:$0xC990] =	vst v63  }
0x5dd: {  	_ =	swait.ge [sflag:s7], $0x6400  }
0x5de: {  	[sflag:s7] =	ssyncset.done $0x0  }
0x5df: {  	s1 =	rddreg [dreg:$0xf];
	[sflag:s7] =	ssyncadd.s32 $0xFFFF9C00  }
0x5e0: {  	[tilespmem:s12], [sflag:$0x5] =	stream.linear.gather [hbm4b:s1+s2], $0xC8, $0x38;
	[tilespmem:$0xC990] =	vst v63  }
0x5e1: {  	_ =	swait.ge [sflag:s11], $0xC8  }
0x5e2: {  	[sflag:s11] =	ssyncset.done $0x0  }
0x5e3: {  	[sflag:s11] =	ssyncadd.s32 $0xFFFFFF38  }
0x5e4: {  	[tilespmem:s6], [sflag:$0x2] =	stream.indirect.gather [hbm4b:s3+s12], $0x80, s12, s12, $0xb8;
	[tilespmem:$0xC990] =	vst v63  }
0x5e5: {  	_ =	swait.ge [sflag:s15], $0x6400  }
0x5e6: {  	[sflag:s15] =	ssyncset.done $0x0  }
0x5e7: {  	s1 =	rddreg [dreg:$0x10];
	[sflag:s15] =	ssyncadd.s32 $0xFFFF9C00  }
0x5e8: {  	[hbm4b:s1+s2] =	stream.linear.scatter [tilespmem:s13], [sflag:$0x3], $0x6400, $0x38;
	[tilespmem:$0xC990] =	vst v63  }
0x5e9: {  	_ =	swait.ge [sflag:s14], $0x6400  }
0x5ea: {  	[sflag:s14] =	ssyncset.done $0x0  }
0x5eb: {  	s1 =	rddreg [dreg:$0x11];
	[sflag:s14] =	ssyncadd.s32 $0xFFFF9C00  }
0x5ec: {  	[tilespmem:s2], [sflag:$0x5] =	stream.linear.gather [hbm4b:s1+s2], $0xC8, $0x38;
	[tilespmem:$0xC990] =	vst v63  }
0x5ed: {  	_ =	swait.ge [sflag:s11], $0xC8  }
0x5ee: {  	[sflag:s11] =	ssyncset.done $0x0  }
0x5ef: {  	[sflag:s11] =	ssyncadd.s32 $0xFFFFFF38  }
0x5f0: {  	[tilespmem:s13], [sflag:$0x1] =	stream.indirect.gather [hbm4b:s3+s12], $0x80, s2, s12, $0xb8;
	[tilespmem:$0xC990] =	vst v63  }
0x5f1: {  	_ =	swait.ge [sflag:s9], $0x6400  }
0x5f2: {  	[sflag:s9] =	ssyncset.done $0x0  }
0x5f3: {  	s1 =	rddreg [dreg:$0x12];
	[sflag:s9] =	ssyncadd.s32 $0xFFFF9C00  }
0x5f4: {  	[hbm4b:s1+s2] =	stream.linear.scatter [tilespmem:s6], [sflag:$0x4], $0x6400, $0x38;
	[tilespmem:$0xC990] =	vst v63  }
0x5f5: {  	_ =	swait.ge [sflag:s7], $0x6400  }
0x5f6: {  	[sflag:s7] =	ssyncset.done $0x0  }
0x5f7: {  	s1 =	rddreg [dreg:$0x13];
	[sflag:s7] =	ssyncadd.s32 $0xFFFF9C00  }
0x5f8: {  	[tilespmem:s12], [sflag:$0x5] =	stream.linear.gather [hbm4b:s1+s2], $0xC8, $0x38;
	[tilespmem:$0xC990] =	vst v63  }
0x5f9: {  	_ =	swait.ge [sflag:s11], $0xC8  }
0x5fa: {  	[sflag:s11] =	ssyncset.done $0x0  }
0x5fb: {  	[sflag:s11] =	ssyncadd.s32 $0xFFFFFF38  }
0x5fc: {  	[tilespmem:s6], [sflag:$0x2] =	stream.indirect.gather [hbm4b:s3+s12], $0x80, s12, s12, $0xb8;
	[tilespmem:$0xC990] =	vst v63  }
0x5fd: {  	_ =	swait.ge [sflag:s15], $0x6400  }
0x5fe: {  	[sflag:s15] =	ssyncset.done $0x0  }
0x5ff: {  	s1 =	rddreg [dreg:$0x14];
	[sflag:s15] =	ssyncadd.s32 $0xFFFF9C00  }
0x600: {  	[hbm4b:s1+s2] =	stream.linear.scatter [tilespmem:s13], [sflag:$0x3], $0x6400, $0x38;
	[tilespmem:$0xC990] =	vst v63  }
0x601: {  	_ =	swait.ge [sflag:s14], $0x6400  }
0x602: {  	[sflag:s14] =	ssyncset.done $0x0  }
0x603: {  	s1 =	rddreg [dreg:$0x15];
	[sflag:s14] =	ssyncadd.s32 $0xFFFF9C00  }
0x604: {  	[tilespmem:s2], [sflag:$0x5] =	stream.linear.gather [hbm4b:s1+s2], $0xC8, $0x38;
	[tilespmem:$0xC990] =	vst v63  }
0x605: {  	_ =	swait.ge [sflag:s11], $0xC8  }
0x606: {  	[sflag:s11] =	ssyncset.done $0x0  }
0x607: {  	[sflag:s11] =	ssyncadd.s32 $0xFFFFFF38  }
0x608: {  	[tilespmem:s13], [sflag:$0x1] =	stream.indirect.gather [hbm4b:s3+s12], $0x80, s2, s12, $0xb8;
	[tilespmem:$0xC990] =	vst v63  }
0x609: {  	_ =	swait.ge [sflag:s9], $0x6400  }
0x60a: {  	[sflag:s9] =	ssyncset.done $0x0  }
0x60b: {  	s1 =	rddreg [dreg:$0x16];
	[sflag:s9] =	ssyncadd.s32 $0xFFFF9C00  }
0x60c: {  	[hbm4b:s1+s2] =	stream.linear.scatter [tilespmem:s6], [sflag:$0x4], $0x6400, $0x38;
	[tilespmem:$0xC990] =	vst v63  }
0x60d: {  	_ =	swait.ge [sflag:s7], $0x6400  }
0x60e: {  	[sflag:s7] =	ssyncset.done $0x0  }
0x60f: {  	s1 =	rddreg [dreg:$0x17];
	[sflag:s7] =	ssyncadd.s32 $0xFFFF9C00  }
0x610: {  	[tilespmem:s12], [sflag:$0x5] =	stream.linear.gather [hbm4b:s1+s2], $0xC8, $0x38;
	[tilespmem:$0xC990] =	vst v63  }
0x611: {  	_ =	swait.ge [sflag:s11], $0xC8  }
0x612: {  	[sflag:s11] =	ssyncset.done $0x0  }
0x613: {  	[sflag:s11] =	ssyncadd.s32 $0xFFFFFF38  }
0x614: {  	[tilespmem:s6], [sflag:$0x2] =	stream.indirect.gather [hbm4b:s3+s12], $0x80, s12, s12, $0xb8;
	[tilespmem:$0xC990] =	vst v63  }
0x615: {  	_ =	swait.ge [sflag:s15], $0x6400  }
0x616: {  	[sflag:s15] =	ssyncset.done $0x0  }
0x617: {  	s1 =	rddreg [dreg:$0x18];
	[sflag:s15] =	ssyncadd.s32 $0xFFFF9C00  }
0x618: {  	[hbm4b:s1+s2] =	stream.linear.scatter [tilespmem:s13], [sflag:$0x3], $0x6400, $0x38;
	[tilespmem:$0xC990] =	vst v63  }
0x619: {  	_ =	swait.ge [sflag:s14], $0x6400  }
0x61a: {  	[sflag:s14] =	ssyncset.done $0x0  }
0x61b: {  	s1 =	rddreg [dreg:$0x19];
	[sflag:s14] =	ssyncadd.s32 $0xFFFF9C00  }
0x61c: {  	[tilespmem:s2], [sflag:$0x5] =	stream.linear.gather [hbm4b:s1+s2], $0xC8, $0x38;
	[tilespmem:$0xC990] =	vst v63  }
0x61d: {  	_ =	swait.ge [sflag:s11], $0xC8  }
0x61e: {  	[sflag:s11] =	ssyncset.done $0x0  }
0x61f: {  	[sflag:s11] =	ssyncadd.s32 $0xFFFFFF38  }
0x620: {  	[tilespmem:s13], [sflag:$0x1] =	stream.indirect.gather [hbm4b:s3+s12], $0x80, s2, s12, $0xb8;
	[tilespmem:$0xC990] =	vst v63  }
0x621: {  	_ =	swait.ge [sflag:s9], $0x6400  }
0x622: {  	[sflag:s9] =	ssyncset.done $0x0  }
0x623: {  	s1 =	rddreg [dreg:$0x1a];
	[sflag:s9] =	ssyncadd.s32 $0xFFFF9C00  }
0x624: {  	[hbm4b:s1+s2] =	stream.linear.scatter [tilespmem:s6], [sflag:$0x4], $0x6400, $0x38;
	[tilespmem:$0xC990] =	vst v63  }
0x625: {  	_ =	swait.ge [sflag:s7], $0x6400  }
0x626: {  	[sflag:s7] =	ssyncset.done $0x0  }
0x627: {  	s1 =	rddreg [dreg:$0x1b];
	[sflag:s7] =	ssyncadd.s32 $0xFFFF9C00  }
0x628: {  	[tilespmem:s12], [sflag:$0x5] =	stream.linear.gather [hbm4b:s1+s2], $0xC8, $0x38;
	[tilespmem:$0xC990] =	vst v63  }
0x629: {  	_ =	swait.ge [sflag:s11], $0xC8  }
0x62a: {  	[sflag:s11] =	ssyncset.done $0x0  }
0x62b: {  	[sflag:s11] =	ssyncadd.s32 $0xFFFFFF38  }
0x62c: {  	[tilespmem:s6], [sflag:$0x2] =	stream.indirect.gather [hbm4b:s3+s12], $0x80, s12, s12, $0xb8;
	[tilespmem:$0xC990] =	vst v63  }
0x62d: {  	_ =	swait.ge [sflag:s15], $0x6400  }
0x62e: {  	[sflag:s15] =	ssyncset.done $0x0  }
0x62f: {  	s1 =	rddreg [dreg:$0x1c];
	[sflag:s15] =	ssyncadd.s32 $0xFFFF9C00  }
0x630: {  	[hbm4b:s1+s2] =	stream.linear.scatter [tilespmem:s13], [sflag:$0x3], $0x6400, $0x38;
	[tilespmem:$0xC990] =	vst v63  }
0x631: {  	_ =	swait.ge [sflag:s14], $0x6400  }
0x632: {  	[sflag:s14] =	ssyncset.done $0x0  }
0x633: {  	s1 =	rddreg [dreg:$0x1d];
	[sflag:s14] =	ssyncadd.s32 $0xFFFF9C00  }
0x634: {  	[tilespmem:s2], [sflag:$0x5] =	stream.linear.gather [hbm4b:s1+s2], $0xC8, $0x38;
	[tilespmem:$0xC990] =	vst v63  }
0x635: {  	_ =	swait.ge [sflag:s11], $0xC8  }
0x636: {  	[sflag:s11] =	ssyncset.done $0x0  }
0x637: {  	[sflag:s11] =	ssyncadd.s32 $0xFFFFFF38  }
0x638: {  	[tilespmem:s13], [sflag:$0x1] =	stream.indirect.gather [hbm4b:s3+s12], $0x80, s2, s12, $0xb8;
	[tilespmem:$0xC990] =	vst v63  }
0x639: {  	_ =	swait.ge [sflag:s9], $0x6400  }
0x63a: {  	[sflag:s9] =	ssyncset.done $0x0  }
0x63b: {  	s1 =	rddreg [dreg:$0x1e];
	[sflag:s9] =	ssyncadd.s32 $0xFFFF9C00  }
0x63c: {  	[hbm4b:s1+s2] =	stream.linear.scatter [tilespmem:s6], [sflag:$0x4], $0x6400, $0x38;
	[tilespmem:$0xC990] =	vst v63  }
0x63d: {  	_ =	swait.ge [sflag:s7], $0x6400  }
0x63e: {  	[sflag:s7] =	ssyncset.done $0x0  }
0x63f: {  	s1 =	rddreg [dreg:$0x1f];
	[sflag:s7] =	ssyncadd.s32 $0xFFFF9C00  }
0x640: {  	[tilespmem:s12], [sflag:$0x5] =	stream.linear.gather [hbm4b:s1+s2], $0xC8, $0x38;
	[tilespmem:$0xC990] =	vst v63  }
0x641: {  	_ =	swait.ge [sflag:s11], $0xC8  }
0x642: {  	[sflag:s11] =	ssyncset.done $0x0  }
0x643: {  	[sflag:s11] =	ssyncadd.s32 $0xFFFFFF38  }
0x644: {  	[tilespmem:s6], [sflag:$0x2] =	stream.indirect.gather [hbm4b:s3+s12], $0x80, s12, s12, $0xb8;
	[tilespmem:$0xC990] =	vst v63  }
0x645: {  	_ =	swait.ge [sflag:s15], $0x6400  }
0x646: {  	s1 =	sld [smem:$0x7CB]  }
0x647: {  	[sflag:s15] =	ssyncset.done $0x0  }
0x648: {  	[sflag:s15] =	ssyncadd.s32 $0xFFFF9C00  }
0x649: {  	[hbm4b:s1+s2] =	stream.linear.scatter [tilespmem:s13], [sflag:$0x3], $0x6400, $0x38;
	[tilespmem:$0xC990] =	vst v63  }
0x64a: {  	_ =	swait.ge [sflag:s14], $0x6400  }
0x64b: {  	s1 =	sld [smem:$0x7CC]  }
0x64c: {  	[sflag:s14] =	ssyncset.done $0x0  }
0x64d: {  	[sflag:s14] =	ssyncadd.s32 $0xFFFF9C00  }
0x64e: {  	[tilespmem:s2], [sflag:$0x5] =	stream.linear.gather [hbm4b:s1+s2], $0xC8, $0x38;
	[tilespmem:$0xC990] =	vst v63  }
0x64f: {  	_ =	swait.ge [sflag:s11], $0xC8  }
0x650: {  	[sflag:s11] =	ssyncset.done $0x0  }
0x651: {  	[sflag:s11] =	ssyncadd.s32 $0xFFFFFF38  }
0x652: {  	[tilespmem:s13], [sflag:$0x1] =	stream.indirect.gather [hbm4b:s3+s12], $0x80, s2, s12, $0xb8;
	[tilespmem:$0xC990] =	vst v63  }
0x653: {  	_ =	swait.ge [sflag:s9], $0x6400  }
0x654: {  	s1 =	sld [smem:$0x7CD]  }
0x655: {  	[sflag:s9] =	ssyncset.done $0x0  }
0x656: {  	[sflag:s9] =	ssyncadd.s32 $0xFFFF9C00  }
0x657: {  	[hbm4b:s1+s2] =	stream.linear.scatter [tilespmem:s6], [sflag:$0x4], $0x6400, $0x38;
	[tilespmem:$0xC990] =	vst v63  }
0x658: {  	_ =	swait.ge [sflag:s7], $0x6400  }
0x659: {  	s1 =	sld [smem:$0x7CE]  }
0x65a: {  	[sflag:s7] =	ssyncset.done $0x0  }
0x65b: {  	[sflag:s7] =	ssyncadd.s32 $0xFFFF9C00  }
0x65c: {  	[tilespmem:s12], [sflag:$0x5] =	stream.linear.gather [hbm4b:s1+s2], $0xC8, $0x38;
	[tilespmem:$0xC990] =	vst v63  }
0x65d: {  	_ =	swait.ge [sflag:s11], $0xC8  }
0x65e: {  	[sflag:s11] =	ssyncset.done $0x0  }
0x65f: {  	[sflag:s11] =	ssyncadd.s32 $0xFFFFFF38  }
0x660: {  	[tilespmem:s6], [sflag:$0x2] =	stream.indirect.gather [hbm4b:s3+s12], $0x80, s12, s12, $0xb8;
	[tilespmem:$0xC990] =	vst v63  }
0x661: {  	_ =	swait.ge [sflag:s15], $0x6400  }
0x662: {  	s1 =	sld [smem:$0x7CF]  }
0x663: {  	[sflag:s15] =	ssyncset.done $0x0  }
0x664: {  	[sflag:s15] =	ssyncadd.s32 $0xFFFF9C00  }
0x665: {  	[hbm4b:s1+s2] =	stream.linear.scatter [tilespmem:s13], [sflag:$0x3], $0x6400, $0x38;
	[tilespmem:$0xC990] =	vst v63  }
0x666: {  	_ =	swait.ge [sflag:s14], $0x6400  }
0x667: {  	s1 =	sld [smem:$0x7D0]  }
0x668: {  	[sflag:s14] =	ssyncset.done $0x0  }
0x669: {  	[sflag:s14] =	ssyncadd.s32 $0xFFFF9C00  }
0x66a: {  	[tilespmem:s2], [sflag:$0x5] =	stream.linear.gather [hbm4b:s1+s2], $0xC8, $0x38;
	[tilespmem:$0xC990] =	vst v63  }
0x66b: {  	_ =	swait.ge [sflag:s11], $0xC8  }
0x66c: {  	[sflag:s11] =	ssyncset.done $0x0  }
0x66d: {  	[sflag:s11] =	ssyncadd.s32 $0xFFFFFF38  }
0x66e: {  	[tilespmem:s13], [sflag:$0x1] =	stream.indirect.gather [hbm4b:s3+s12], $0x80, s2, s12, $0xb8;
	[tilespmem:$0xC990] =	vst v63  }
0x66f: {  	_ =	swait.ge [sflag:s9], $0x6400  }
0x670: {  	s1 =	sld [smem:$0x7D1]  }
0x671: {  	[sflag:s9] =	ssyncset.done $0x0  }
0x672: {  	[sflag:s9] =	ssyncadd.s32 $0xFFFF9C00  }
0x673: {  	[hbm4b:s1+s2] =	stream.linear.scatter [tilespmem:s6], [sflag:$0x4], $0x6400, $0x38;
	[tilespmem:$0xC990] =	vst v63  }
0x674: {  	_ =	swait.ge [sflag:s7], $0x6400  }
0x675: {  	s1 =	sld [smem:$0x7D2]  }
0x676: {  	[sflag:s7] =	ssyncset.done $0x0  }
0x677: {  	[sflag:s7] =	ssyncadd.s32 $0xFFFF9C00  }
0x678: {  	[tilespmem:s12], [sflag:$0x5] =	stream.linear.gather [hbm4b:s1+s2], $0xC8, $0x38;
	[tilespmem:$0xC990] =	vst v63  }
0x679: {  	_ =	swait.ge [sflag:s11], $0xC8  }
0x67a: {  	[sflag:s11] =	ssyncset.done $0x0  }
0x67b: {  	[sflag:s11] =	ssyncadd.s32 $0xFFFFFF38  }
0x67c: {  	[tilespmem:s6], [sflag:$0x2] =	stream.indirect.gather [hbm4b:s3+s12], $0x80, s12, s12, $0xb8;
	[tilespmem:$0xC990] =	vst v63  }
0x67d: {  	_ =	swait.ge [sflag:s15], $0x6400  }
0x67e: {  	s1 =	sld [smem:$0x7D3]  }
0x67f: {  	[sflag:s15] =	ssyncset.done $0x0  }
0x680: {  	[sflag:s15] =	ssyncadd.s32 $0xFFFF9C00  }
0x681: {  	[hbm4b:s1+s2] =	stream.linear.scatter [tilespmem:s13], [sflag:$0x3], $0x6400, $0x38;
	[tilespmem:$0xC990] =	vst v63  }
0x682: {  	_ =	swait.ge [sflag:s14], $0x6400  }
0x683: {  	s1 =	sld [smem:$0x7D4]  }
0x684: {  	[sflag:s14] =	ssyncset.done $0x0  }
0x685: {  	[sflag:s14] =	ssyncadd.s32 $0xFFFF9C00  }
0x686: {  	[tilespmem:s2], [sflag:$0x5] =	stream.linear.gather [hbm4b:s1+s2], $0xC8, $0x38;
	[tilespmem:$0xC990] =	vst v63  }
0x687: {  	_ =	swait.ge [sflag:s11], $0xC8  }
0x688: {  	[sflag:s11] =	ssyncset.done $0x0  }
0x689: {  	[sflag:s11] =	ssyncadd.s32 $0xFFFFFF38  }
0x68a: {  	[tilespmem:s13], [sflag:$0x1] =	stream.indirect.gather [hbm4b:s3+s12], $0x80, s2, s12, $0xb8;
	[tilespmem:$0xC990] =	vst v63  }
0x68b: {  	_ =	swait.ge [sflag:s9], $0x6400  }
0x68c: {  	s1 =	sld [smem:$0x7D5]  }
0x68d: {  	[sflag:s9] =	ssyncset.done $0x0  }
0x68e: {  	[sflag:s9] =	ssyncadd.s32 $0xFFFF9C00  }
0x68f: {  	[hbm4b:s1+s2] =	stream.linear.scatter [tilespmem:s6], [sflag:$0x4], $0x6400, $0x38;
	[tilespmem:$0xC990] =	vst v63  }
0x690: {  	_ =	swait.ge [sflag:s7], $0x6400  }
0x691: {  	s1 =	sld [smem:$0x7D6]  }
0x692: {  	[sflag:s7] =	ssyncset.done $0x0  }
0x693: {  	[sflag:s7] =	ssyncadd.s32 $0xFFFF9C00  }
0x694: {  	[tilespmem:s12], [sflag:$0x5] =	stream.linear.gather [hbm4b:s1+s2], $0xC8, $0x38;
	[tilespmem:$0xC990] =	vst v63  }
0x695: {  	_ =	swait.ge [sflag:s11], $0xC8  }
0x696: {  	[sflag:s11] =	ssyncset.done $0x0  }
0x697: {  	[sflag:s11] =	ssyncadd.s32 $0xFFFFFF38  }
0x698: {  	[tilespmem:s6], [sflag:$0x2] =	stream.indirect.gather [hbm4b:s3+s12], $0x80, s12, s12, $0xb8;
	[tilespmem:$0xC990] =	vst v63  }
0x699: {  	_ =	swait.ge [sflag:s15], $0x6400  }
0x69a: {  	s1 =	sld [smem:$0x7D7]  }
0x69b: {  	[sflag:s15] =	ssyncset.done $0x0  }
0x69c: {  	[sflag:s15] =	ssyncadd.s32 $0xFFFF9C00  }
0x69d: {  	[hbm4b:s1+s2] =	stream.linear.scatter [tilespmem:s13], [sflag:$0x3], $0x6400, $0x38;
	[tilespmem:$0xC990] =	vst v63  }
0x69e: {  	_ =	swait.ge [sflag:s14], $0x6400  }
0x69f: {  	s1 =	sld [smem:$0x7D8]  }
0x6a0: {  	[sflag:s14] =	ssyncset.done $0x0  }
0x6a1: {  	[sflag:s14] =	ssyncadd.s32 $0xFFFF9C00  }
0x6a2: {  	[tilespmem:s2], [sflag:$0x5] =	stream.linear.gather [hbm4b:s1+s2], $0xC8, $0x38;
	[tilespmem:$0xC990] =	vst v63  }
0x6a3: {  	_ =	swait.ge [sflag:s11], $0xC8  }
0x6a4: {  	[sflag:s11] =	ssyncset.done $0x0  }
0x6a5: {  	[sflag:s11] =	ssyncadd.s32 $0xFFFFFF38  }
0x6a6: {  	[tilespmem:s13], [sflag:$0x1] =	stream.indirect.gather [hbm4b:s3+s12], $0x80, s2, s12, $0xb8;
	[tilespmem:$0xC990] =	vst v63  }
0x6a7: {  	_ =	swait.ge [sflag:s9], $0x6400  }
0x6a8: {  	s1 =	sld [smem:$0x7D9]  }
0x6a9: {  	[sflag:s9] =	ssyncset.done $0x0  }
0x6aa: {  	[sflag:s9] =	ssyncadd.s32 $0xFFFF9C00  }
0x6ab: {  	[hbm4b:s1+s2] =	stream.linear.scatter [tilespmem:s6], [sflag:$0x4], $0x6400, $0x38;
	[tilespmem:$0xC990] =	vst v63  }
0x6ac: {  	_ =	swait.ge [sflag:s7], $0x6400  }
0x6ad: {  	s1 =	sld [smem:$0x7DA]  }
0x6ae: {  	[sflag:s7] =	ssyncset.done $0x0  }
0x6af: {  	[sflag:s7] =	ssyncadd.s32 $0xFFFF9C00  }
0x6b0: {  	[tilespmem:s12], [sflag:$0x5] =	stream.linear.gather [hbm4b:s1+s2], $0xC8, $0x38;
	[tilespmem:$0xC990] =	vst v63  }
0x6b1: {  	_ =	swait.ge [sflag:s11], $0xC8  }
0x6b2: {  	[sflag:s11] =	ssyncset.done $0x0  }
0x6b3: {  	[sflag:s11] =	ssyncadd.s32 $0xFFFFFF38  }
0x6b4: {  	[tilespmem:s6], [sflag:$0x2] =	stream.indirect.gather [hbm4b:s3+s12], $0x80, s12, s12, $0xb8;
	[tilespmem:$0xC990] =	vst v63  }
0x6b5: {  	_ =	swait.ge [sflag:s15], $0x6400  }
0x6b6: {  	s1 =	sld [smem:$0x7DB]  }
0x6b7: {  	[sflag:s15] =	ssyncset.done $0x0  }
0x6b8: {  	[sflag:s15] =	ssyncadd.s32 $0xFFFF9C00  }
0x6b9: {  	[hbm4b:s1+s2] =	stream.linear.scatter [tilespmem:s13], [sflag:$0x3], $0x6400, $0x38;
	[tilespmem:$0xC990] =	vst v63  }
0x6ba: {  	_ =	swait.ge [sflag:s14], $0x6400  }
0x6bb: {  	s1 =	sld [smem:$0x7DC]  }
0x6bc: {  	[sflag:s14] =	ssyncset.done $0x0  }
0x6bd: {  	[sflag:s14] =	ssyncadd.s32 $0xFFFF9C00  }
0x6be: {  	[tilespmem:s2], [sflag:$0x5] =	stream.linear.gather [hbm4b:s1+s2], $0xC8, $0x38;
	[tilespmem:$0xC990] =	vst v63  }
0x6bf: {  	_ =	swait.ge [sflag:s11], $0xC8  }
0x6c0: {  	[sflag:s11] =	ssyncset.done $0x0  }
0x6c1: {  	[sflag:s11] =	ssyncadd.s32 $0xFFFFFF38  }
0x6c2: {  	[tilespmem:s13], [sflag:$0x1] =	stream.indirect.gather [hbm4b:s3+s12], $0x80, s2, s12, $0xb8;
	[tilespmem:$0xC990] =	vst v63  }
0x6c3: {  	_ =	swait.ge [sflag:s9], $0x6400  }
0x6c4: {  	s1 =	sld [smem:$0x7DD]  }
0x6c5: {  	[sflag:s9] =	ssyncset.done $0x0  }
0x6c6: {  	[sflag:s9] =	ssyncadd.s32 $0xFFFF9C00  }
0x6c7: {  	[hbm4b:s1+s2] =	stream.linear.scatter [tilespmem:s6], [sflag:$0x4], $0x6400, $0x38;
	[tilespmem:$0xC990] =	vst v63  }
0x6c8: {  	_ =	swait.ge [sflag:s7], $0x6400  }
0x6c9: {  	s1 =	sld [smem:$0x7DE]  }
0x6ca: {  	[sflag:s7] =	ssyncset.done $0x0  }
0x6cb: {  	[sflag:s7] =	ssyncadd.s32 $0xFFFF9C00  }
0x6cc: {  	[tilespmem:s12], [sflag:$0x5] =	stream.linear.gather [hbm4b:s1+s2], $0xC8, $0x38;
	[tilespmem:$0xC990] =	vst v63  }
0x6cd: {  	_ =	swait.ge [sflag:s11], $0xC8  }
0x6ce: {  	[sflag:s11] =	ssyncset.done $0x0  }
0x6cf: {  	[sflag:s11] =	ssyncadd.s32 $0xFFFFFF38  }
0x6d0: {  	[tilespmem:s6], [sflag:$0x2] =	stream.indirect.gather [hbm4b:s3+s12], $0x80, s12, s12, $0xb8;
	[tilespmem:$0xC990] =	vst v63  }
0x6d1: {  	_ =	swait.ge [sflag:s15], $0x6400  }
0x6d2: {  	s1 =	sld [smem:$0x7DF]  }
0x6d3: {  	[sflag:s15] =	ssyncset.done $0x0  }
0x6d4: {  	[sflag:s15] =	ssyncadd.s32 $0xFFFF9C00  }
0x6d5: {  	[hbm4b:s1+s2] =	stream.linear.scatter [tilespmem:s13], [sflag:$0x3], $0x6400, $0x38;
	[tilespmem:$0xC990] =	vst v63  }
0x6d6: {  	_ =	swait.ge [sflag:s14], $0x6400  }
0x6d7: {  	s1 =	sld [smem:$0x7E0]  }
0x6d8: {  	[sflag:s14] =	ssyncset.done $0x0  }
0x6d9: {  	[sflag:s14] =	ssyncadd.s32 $0xFFFF9C00  }
0x6da: {  	[tilespmem:s2], [sflag:$0x5] =	stream.linear.gather [hbm4b:s1+s2], $0xC8, $0x38;
	[tilespmem:$0xC990] =	vst v63  }
0x6db: {  	_ =	swait.ge [sflag:s11], $0xC8  }
0x6dc: {  	[sflag:s11] =	ssyncset.done $0x0  }
0x6dd: {  	[sflag:s11] =	ssyncadd.s32 $0xFFFFFF38  }
0x6de: {  	[tilespmem:s13], [sflag:$0x1] =	stream.indirect.gather [hbm4b:s3+s12], $0x80, s2, s12, $0xb8;
	[tilespmem:$0xC990] =	vst v63  }
0x6df: {  	_ =	swait.ge [sflag:s9], $0x6400  }
0x6e0: {  	s1 =	sld [smem:$0x7E1]  }
0x6e1: {  	[sflag:s9] =	ssyncset.done $0x0  }
0x6e2: {  	[sflag:s9] =	ssyncadd.s32 $0xFFFF9C00  }
0x6e3: {  	[hbm4b:s1+s2] =	stream.linear.scatter [tilespmem:s6], [sflag:$0x4], $0x6400, $0x38;
	[tilespmem:$0xC990] =	vst v63  }
0x6e4: {  	_ =	swait.ge [sflag:s7], $0x6400  }
0x6e5: {  	s1 =	sld [smem:$0x7E2]  }
0x6e6: {  	[sflag:s7] =	ssyncset.done $0x0  }
0x6e7: {  	[sflag:s7] =	ssyncadd.s32 $0xFFFF9C00  }
0x6e8: {  	[tilespmem:s12], [sflag:$0x5] =	stream.linear.gather [hbm4b:s1+s2], $0xC8, $0x38;
	[tilespmem:$0xC990] =	vst v63  }
0x6e9: {  	_ =	swait.ge [sflag:s11], $0xC8  }
0x6ea: {  	[sflag:s11] =	ssyncset.done $0x0  }
0x6eb: {  	[sflag:s11] =	ssyncadd.s32 $0xFFFFFF38  }
0x6ec: {  	[tilespmem:s6], [sflag:$0x2] =	stream.indirect.gather [hbm4b:s3+s12], $0x80, s12, s12, $0xb8;
	[tilespmem:$0xC990] =	vst v63  }
0x6ed: {  	_ =	swait.ge [sflag:s15], $0x6400  }
0x6ee: {  	s1 =	sld [smem:$0x7E3]  }
0x6ef: {  	[sflag:s15] =	ssyncset.done $0x0  }
0x6f0: {  	[sflag:s15] =	ssyncadd.s32 $0xFFFF9C00  }
0x6f1: {  	[hbm4b:s1+s2] =	stream.linear.scatter [tilespmem:s13], [sflag:$0x3], $0x6400, $0x38;
	[tilespmem:$0xC990] =	vst v63  }
0x6f2: {  	_ =	swait.ge [sflag:s14], $0x6400  }
0x6f3: {  	s1 =	sld [smem:$0x7E4]  }
0x6f4: {  	[sflag:s14] =	ssyncset.done $0x0  }
0x6f5: {  	[sflag:s14] =	ssyncadd.s32 $0xFFFF9C00  }
0x6f6: {  	[tilespmem:s2], [sflag:$0x5] =	stream.linear.gather [hbm4b:s1+s2], $0xC8, $0x38;
	[tilespmem:$0xC990] =	vst v63  }
0x6f7: {  	_ =	swait.ge [sflag:s11], $0xC8  }
0x6f8: {  	[sflag:s11] =	ssyncset.done $0x0  }
0x6f9: {  	[sflag:s11] =	ssyncadd.s32 $0xFFFFFF38  }
0x6fa: {  	[tilespmem:s13], [sflag:$0x1] =	stream.indirect.gather [hbm4b:s3+s12], $0x80, s2, s12, $0xb8;
	[tilespmem:$0xC990] =	vst v63  }
0x6fb: {  	_ =	swait.ge [sflag:s9], $0x6400  }
0x6fc: {  	s1 =	sld [smem:$0x7E5]  }
0x6fd: {  	[sflag:s9] =	ssyncset.done $0x0  }
0x6fe: {  	[sflag:s9] =	ssyncadd.s32 $0xFFFF9C00  }
0x6ff: {  	[hbm4b:s1+s2] =	stream.linear.scatter [tilespmem:s6], [sflag:$0x4], $0x6400, $0x38;
	[tilespmem:$0xC990] =	vst v63  }
0x700: {  	_ =	swait.ge [sflag:s7], $0x6400  }
0x701: {  	s1 =	sld [smem:$0x7E6]  }
0x702: {  	[sflag:s7] =	ssyncset.done $0x0  }
0x703: {  	[sflag:s7] =	ssyncadd.s32 $0xFFFF9C00  }
0x704: {  	[tilespmem:s12], [sflag:$0x5] =	stream.linear.gather [hbm4b:s1+s2], $0xC8, $0x38;
	[tilespmem:$0xC990] =	vst v63  }
0x705: {  	_ =	swait.ge [sflag:s11], $0xC8  }
0x706: {  	[sflag:s11] =	ssyncset.done $0x0  }
0x707: {  	[sflag:s11] =	ssyncadd.s32 $0xFFFFFF38  }
0x708: {  	[tilespmem:s6], [sflag:$0x2] =	stream.indirect.gather [hbm4b:s3+s12], $0x80, s12, s12, $0xb8;
	[tilespmem:$0xC990] =	vst v63  }
0x709: {  	_ =	swait.ge [sflag:s15], $0x6400  }
0x70a: {  	s1 =	sld [smem:$0x7E7]  }
0x70b: {  	[sflag:s15] =	ssyncset.done $0x0  }
0x70c: {  	[sflag:s15] =	ssyncadd.s32 $0xFFFF9C00  }
0x70d: {  	[hbm4b:s1+s2] =	stream.linear.scatter [tilespmem:s13], [sflag:$0x3], $0x6400, $0x38;
	[tilespmem:$0xC990] =	vst v63  }
0x70e: {  	_ =	swait.ge [sflag:s14], $0x6400  }
0x70f: {  	s1 =	sld [smem:$0x7E8]  }
0x710: {  	[sflag:s14] =	ssyncset.done $0x0  }
0x711: {  	[sflag:s14] =	ssyncadd.s32 $0xFFFF9C00  }
0x712: {  	[tilespmem:s2], [sflag:$0x5] =	stream.linear.gather [hbm4b:s1+s2], $0xC8, $0x38;
	[tilespmem:$0xC990] =	vst v63  }
0x713: {  	_ =	swait.ge [sflag:s11], $0xC8  }
0x714: {  	[sflag:s11] =	ssyncset.done $0x0  }
0x715: {  	[sflag:s11] =	ssyncadd.s32 $0xFFFFFF38  }
0x716: {  	[tilespmem:s13], [sflag:$0x1] =	stream.indirect.gather [hbm4b:s3+s12], $0x80, s2, s12, $0xb8;
	[tilespmem:$0xC990] =	vst v63  }
0x717: {  	_ =	swait.ge [sflag:s9], $0x6400  }
0x718: {  	s1 =	sld [smem:$0x7E9]  }
0x719: {  	[sflag:s9] =	ssyncset.done $0x0  }
0x71a: {  	[sflag:s9] =	ssyncadd.s32 $0xFFFF9C00  }
0x71b: {  	[hbm4b:s1+s2] =	stream.linear.scatter [tilespmem:s6], [sflag:$0x4], $0x6400, $0x38;
	[tilespmem:$0xC990] =	vst v63  }
0x71c: {  	_ =	swait.ge [sflag:s7], $0x6400  }
0x71d: {  	s1 =	sld [smem:$0x7EA]  }
0x71e: {  	[sflag:s7] =	ssyncset.done $0x0  }
0x71f: {  	[sflag:s7] =	ssyncadd.s32 $0xFFFF9C00  }
0x720: {  	[tilespmem:s12], [sflag:$0x5] =	stream.linear.gather [hbm4b:s1+s2], $0xC8, $0x38;
	[tilespmem:$0xC990] =	vst v63  }
0x721: {  	_ =	swait.ge [sflag:s11], $0xC8  }
0x722: {  	[sflag:s11] =	ssyncset.done $0x0  }
0x723: {  	[sflag:s11] =	ssyncadd.s32 $0xFFFFFF38  }
0x724: {  	[tilespmem:s6], [sflag:$0x2] =	stream.indirect.gather [hbm4b:s3+s12], $0x80, s12, s12, $0xb8;
	[tilespmem:$0xC990] =	vst v63  }
0x725: {  	_ =	swait.ge [sflag:s15], $0x6400  }
0x726: {  	s1 =	sld [smem:$0x7EB]  }
0x727: {  	[sflag:s15] =	ssyncset.done $0x0  }
0x728: {  	[sflag:s15] =	ssyncadd.s32 $0xFFFF9C00  }
0x729: {  	[hbm4b:s1+s2] =	stream.linear.scatter [tilespmem:s13], [sflag:$0x3], $0x6400, $0x38;
	[tilespmem:$0xC990] =	vst v63  }
0x72a: {  	_ =	swait.ge [sflag:s14], $0x6400  }
0x72b: {  	s1 =	sld [smem:$0x7EC]  }
0x72c: {  	[sflag:s14] =	ssyncset.done $0x0  }
0x72d: {  	[sflag:s14] =	ssyncadd.s32 $0xFFFF9C00  }
0x72e: {  	[tilespmem:s2], [sflag:$0x5] =	stream.linear.gather [hbm4b:s1+s2], $0xC8, $0x38;
	[tilespmem:$0xC990] =	vst v63  }
0x72f: {  	_ =	swait.ge [sflag:s11], $0xC8  }
0x730: {  	[sflag:s11] =	ssyncset.done $0x0  }
0x731: {  	[sflag:s11] =	ssyncadd.s32 $0xFFFFFF38  }
0x732: {  	[tilespmem:s13], [sflag:$0x1] =	stream.indirect.gather [hbm4b:s3+s12], $0x80, s2, s12, $0xb8;
	[tilespmem:$0xC990] =	vst v63  }
0x733: {  	_ =	swait.ge [sflag:s9], $0x6400  }
0x734: {  	s1 =	sld [smem:$0x7ED]  }
0x735: {  	[sflag:s9] =	ssyncset.done $0x0  }
0x736: {  	[sflag:s9] =	ssyncadd.s32 $0xFFFF9C00  }
0x737: {  	[hbm4b:s1+s2] =	stream.linear.scatter [tilespmem:s6], [sflag:$0x4], $0x6400, $0x38;
	[tilespmem:$0xC990] =	vst v63  }
0x738: {  	_ =	swait.ge [sflag:s7], $0x6400  }
0x739: {  	s1 =	sld [smem:$0x7EE]  }
0x73a: {  	[sflag:s7] =	ssyncset.done $0x0  }
0x73b: {  	[sflag:s7] =	ssyncadd.s32 $0xFFFF9C00  }
0x73c: {  	[tilespmem:s12], [sflag:$0x5] =	stream.linear.gather [hbm4b:s1+s2], $0xC8, $0x38;
	[tilespmem:$0xC990] =	vst v63  }
0x73d: {  	_ =	swait.ge [sflag:s11], $0xC8  }
0x73e: {  	[sflag:s11] =	ssyncset.done $0x0  }
0x73f: {  	[sflag:s11] =	ssyncadd.s32 $0xFFFFFF38  }
0x740: {  	[tilespmem:s6], [sflag:$0x2] =	stream.indirect.gather [hbm4b:s3+s12], $0x80, s12, s12, $0xb8;
	[tilespmem:$0xC990] =	vst v63  }
0x741: {  	_ =	swait.ge [sflag:s15], $0x6400  }
0x742: {  	s1 =	sld [smem:$0x7EF]  }
0x743: {  	[sflag:s15] =	ssyncset.done $0x0  }
0x744: {  	[sflag:s15] =	ssyncadd.s32 $0xFFFF9C00  }
0x745: {  	[hbm4b:s1+s2] =	stream.linear.scatter [tilespmem:s13], [sflag:$0x3], $0x6400, $0x38;
	[tilespmem:$0xC990] =	vst v63  }
0x746: {  	_ =	swait.ge [sflag:s14], $0x6400  }
0x747: {  	s1 =	sld [smem:$0x7F0]  }
0x748: {  	[sflag:s14] =	ssyncset.done $0x0  }
0x749: {  	[sflag:s14] =	ssyncadd.s32 $0xFFFF9C00  }
0x74a: {  	[tilespmem:s2], [sflag:$0x5] =	stream.linear.gather [hbm4b:s1+s2], $0xC8, $0x38;
	[tilespmem:$0xC990] =	vst v63  }
0x74b: {  	_ =	swait.ge [sflag:s11], $0xC8  }
0x74c: {  	[sflag:s11] =	ssyncset.done $0x0  }
0x74d: {  	[sflag:s11] =	ssyncadd.s32 $0xFFFFFF38  }
0x74e: {  	[tilespmem:s13], [sflag:$0x1] =	stream.indirect.gather [hbm4b:s3+s12], $0x80, s2, s12, $0xb8;
	[tilespmem:$0xC990] =	vst v63  }
0x74f: {  	_ =	swait.ge [sflag:s9], $0x6400  }
0x750: {  	s1 =	sld [smem:$0x7F1]  }
0x751: {  	[sflag:s9] =	ssyncset.done $0x0  }
0x752: {  	[sflag:s9] =	ssyncadd.s32 $0xFFFF9C00  }
0x753: {  	[hbm4b:s1+s2] =	stream.linear.scatter [tilespmem:s6], [sflag:$0x4], $0x6400, $0x38;
	[tilespmem:$0xC990] =	vst v63  }
0x754: {  	_ =	swait.ge [sflag:s7], $0x6400  }
0x755: {  	s1 =	sld [smem:$0x7F2]  }
0x756: {  	[sflag:s7] =	ssyncset.done $0x0  }
0x757: {  	[sflag:s7] =	ssyncadd.s32 $0xFFFF9C00  }
0x758: {  	[tilespmem:s12], [sflag:$0x5] =	stream.linear.gather [hbm4b:s1+s2], $0xC8, $0x38;
	[tilespmem:$0xC990] =	vst v63  }
0x759: {  	_ =	swait.ge [sflag:s11], $0xC8  }
0x75a: {  	[sflag:s11] =	ssyncset.done $0x0  }
0x75b: {  	[sflag:s11] =	ssyncadd.s32 $0xFFFFFF38  }
0x75c: {  	[tilespmem:s6], [sflag:$0x2] =	stream.indirect.gather [hbm4b:s3+s12], $0x80, s12, s12, $0xb8;
	[tilespmem:$0xC990] =	vst v63  }
0x75d: {  	_ =	swait.ge [sflag:s15], $0x6400  }
0x75e: {  	s1 =	sld [smem:$0x7F3]  }
0x75f: {  	[sflag:s15] =	ssyncset.done $0x0  }
0x760: {  	[sflag:s15] =	ssyncadd.s32 $0xFFFF9C00  }
0x761: {  	[hbm4b:s1+s2] =	stream.linear.scatter [tilespmem:s13], [sflag:$0x3], $0x6400, $0x38;
	[tilespmem:$0xC990] =	vst v63  }
0x762: {  	_ =	swait.ge [sflag:s14], $0x6400  }
0x763: {  	s1 =	sld [smem:$0x7F4]  }
0x764: {  	[sflag:s14] =	ssyncset.done $0x0  }
0x765: {  	[sflag:s14] =	ssyncadd.s32 $0xFFFF9C00  }
0x766: {  	[tilespmem:s2], [sflag:$0x5] =	stream.linear.gather [hbm4b:s1+s2], $0xC8, $0x38;
	[tilespmem:$0xC990] =	vst v63  }
0x767: {  	_ =	swait.ge [sflag:s11], $0xC8  }
0x768: {  	[sflag:s11] =	ssyncset.done $0x0  }
0x769: {  	[sflag:s11] =	ssyncadd.s32 $0xFFFFFF38  }
0x76a: {  	[tilespmem:s13], [sflag:$0x1] =	stream.indirect.gather [hbm4b:s3+s12], $0x80, s2, s12, $0xb8;
	[tilespmem:$0xC990] =	vst v63  }
0x76b: {  	_ =	swait.ge [sflag:s9], $0x6400  }
0x76c: {  	s1 =	sld [smem:$0x7F5]  }
0x76d: {  	[sflag:s9] =	ssyncset.done $0x0  }
0x76e: {  	[sflag:s9] =	ssyncadd.s32 $0xFFFF9C00  }
0x76f: {  	[hbm4b:s1+s2] =	stream.linear.scatter [tilespmem:s6], [sflag:$0x4], $0x6400, $0x38;
	[tilespmem:$0xC990] =	vst v63  }
0x770: {  	_ =	swait.ge [sflag:s7], $0x6400  }
0x771: {  	s1 =	sld [smem:$0x7F6]  }
0x772: {  	[sflag:s7] =	ssyncset.done $0x0  }
0x773: {  	[sflag:s7] =	ssyncadd.s32 $0xFFFF9C00  }
0x774: {  	[tilespmem:s12], [sflag:$0x5] =	stream.linear.gather [hbm4b:s1+s2], $0xC8, $0x38;
	[tilespmem:$0xC990] =	vst v63  }
0x775: {  	_ =	swait.ge [sflag:s11], $0xC8  }
0x776: {  	[sflag:s11] =	ssyncset.done $0x0  }
0x777: {  	[sflag:s11] =	ssyncadd.s32 $0xFFFFFF38  }
0x778: {  	[tilespmem:s6], [sflag:$0x2] =	stream.indirect.gather [hbm4b:s3+s12], $0x80, s12, s12, $0xb8;
	[tilespmem:$0xC990] =	vst v63  }
0x779: {  	_ =	swait.ge [sflag:s15], $0x6400  }
0x77a: {  	s1 =	sld [smem:$0x7F7]  }
0x77b: {  	[sflag:s15] =	ssyncset.done $0x0  }
0x77c: {  	[sflag:s15] =	ssyncadd.s32 $0xFFFF9C00  }
0x77d: {  	[hbm4b:s1+s2] =	stream.linear.scatter [tilespmem:s13], [sflag:$0x3], $0x6400, $0x38;
	[tilespmem:$0xC990] =	vst v63  }
0x77e: {  	_ =	swait.ge [sflag:s14], $0x6400  }
0x77f: {  	s1 =	sld [smem:$0x7F8]  }
0x780: {  	[sflag:s14] =	ssyncset.done $0x0  }
0x781: {  	[sflag:s14] =	ssyncadd.s32 $0xFFFF9C00  }
0x782: {  	[tilespmem:s2], [sflag:$0x5] =	stream.linear.gather [hbm4b:s1+s2], $0xC8, $0x38;
	[tilespmem:$0xC990] =	vst v63  }
0x783: {  	_ =	swait.ge [sflag:s11], $0xC8  }
0x784: {  	[sflag:s11] =	ssyncset.done $0x0  }
0x785: {  	[sflag:s11] =	ssyncadd.s32 $0xFFFFFF38  }
0x786: {  	[tilespmem:s13], [sflag:$0x1] =	stream.indirect.gather [hbm4b:s3+s12], $0x80, s2, s12, $0xb8;
	[tilespmem:$0xC990] =	vst v63  }
0x787: {  	_ =	swait.ge [sflag:s9], $0x6400  }
0x788: {  	s1 =	sld [smem:$0x7F9]  }
0x789: {  	[sflag:s9] =	ssyncset.done $0x0  }
0x78a: {  	[sflag:s9] =	ssyncadd.s32 $0xFFFF9C00  }
0x78b: {  	[hbm4b:s1+s2] =	stream.linear.scatter [tilespmem:s6], [sflag:$0x4], $0x6400, $0x38;
	[tilespmem:$0xC990] =	vst v63  }
0x78c: {  	_ =	swait.ge [sflag:s7], $0x6400  }
0x78d: {  	s1 =	sld [smem:$0x7FA]  }
0x78e: {  	[sflag:s7] =	ssyncset.done $0x0  }
0x78f: {  	[sflag:s7] =	ssyncadd.s32 $0xFFFF9C00  }
0x790: {  	[tilespmem:s12], [sflag:$0x5] =	stream.linear.gather [hbm4b:s1+s2], $0xC8, $0x38;
	[tilespmem:$0xC990] =	vst v63  }
0x791: {  	_ =	swait.ge [sflag:s11], $0xC8  }
0x792: {  	[sflag:s11] =	ssyncset.done $0x0  }
0x793: {  	[sflag:s11] =	ssyncadd.s32 $0xFFFFFF38  }
0x794: {  	[tilespmem:s6], [sflag:$0x2] =	stream.indirect.gather [hbm4b:s3+s12], $0x80, s12, s12, $0xb8;
	[tilespmem:$0xC990] =	vst v63  }
0x795: {  	_ =	swait.ge [sflag:s15], $0x6400  }
0x796: {  	s1 =	sld [smem:$0x7FB]  }
0x797: {  	[sflag:s15] =	ssyncset.done $0x0  }
0x798: {  	[sflag:s15] =	ssyncadd.s32 $0xFFFF9C00  }
0x799: {  	[hbm4b:s1+s2] =	stream.linear.scatter [tilespmem:s13], [sflag:$0x3], $0x6400, $0x38;
	[tilespmem:$0xC990] =	vst v63  }
0x79a: {  	_ =	swait.ge [sflag:s14], $0x6400  }
0x79b: {  	s1 =	sld [smem:$0x7FC]  }
0x79c: {  	[sflag:s14] =	ssyncset.done $0x0  }
0x79d: {  	[sflag:s14] =	ssyncadd.s32 $0xFFFF9C00  }
0x79e: {  	[tilespmem:s2], [sflag:$0x5] =	stream.linear.gather [hbm4b:s1+s2], $0xC8, $0x38;
	[tilespmem:$0xC990] =	vst v63  }
0x79f: {  	_ =	swait.ge [sflag:s11], $0xC8  }
0x7a0: {  	[sflag:s11] =	ssyncset.done $0x0  }
0x7a1: {  	[sflag:s11] =	ssyncadd.s32 $0xFFFFFF38  }
0x7a2: {  	[tilespmem:s13], [sflag:$0x1] =	stream.indirect.gather [hbm4b:s3+s12], $0x80, s2, s12, $0xb8;
	[tilespmem:$0xC990] =	vst v63  }
0x7a3: {  	_ =	swait.ge [sflag:s9], $0x6400  }
0x7a4: {  	s1 =	sld [smem:$0x7FD]  }
0x7a5: {  	[sflag:s9] =	ssyncset.done $0x0  }
0x7a6: {  	[sflag:s9] =	ssyncadd.s32 $0xFFFF9C00  }
0x7a7: {  	[hbm4b:s1+s2] =	stream.linear.scatter [tilespmem:s6], [sflag:$0x4], $0x6400, $0x38;
	[tilespmem:$0xC990] =	vst v63  }
0x7a8: {  	_ =	swait.ge [sflag:s7], $0x6400  }
0x7a9: {  	[sflag:s7] =	ssyncset.done $0x0  }
0x7aa: {  	[sflag:s7] =	ssyncadd.s32 $0xFFFF9C00  }
0x7ab: {  	[tilespmem:s12], [sflag:$0x5] =	stream.linear.gather [hbm4b:s31+s2], $0xC8, $0x38;
	[tilespmem:$0xC990] =	vst v63  }
0x7ac: {  	_ =	swait.ge [sflag:s11], $0xC8  }
0x7ad: {  	[sflag:s11] =	ssyncset.done $0x0  }
0x7ae: {  	[sflag:s11] =	ssyncadd.s32 $0xFFFFFF38  }
0x7af: {  	[tilespmem:s6], [sflag:$0x2] =	stream.indirect.gather [hbm4b:s3+s12], $0x80, s12, s12, $0xb8;
	[tilespmem:$0xC990] =	vst v63  }
0x7b0: {  	_ =	swait.ge [sflag:s15], $0x6400  }
0x7b1: {  	[sflag:s15] =	ssyncset.done $0x0  }
0x7b2: {  	[sflag:s15] =	ssyncadd.s32 $0xFFFF9C00  }
0x7b3: {  	[hbm4b:s29+s2] =	stream.linear.scatter [tilespmem:s13], [sflag:$0x3], $0x6400, $0x38;
	[tilespmem:$0xC990] =	vst v63  }
0x7b4: {  	_ =	swait.ge [sflag:s14], $0x6400  }
0x7b5: {  	[sflag:s14] =	ssyncset.done $0x0  }
0x7b6: {  	[sflag:s14] =	ssyncadd.s32 $0xFFFF9C00  }
0x7b7: {  	[tilespmem:s2], [sflag:$0x5] =	stream.linear.gather [hbm4b:s30+s2], $0xC8, $0x38;
	[tilespmem:$0xC990] =	vst v63  }
0x7b8: {  	_ =	swait.ge [sflag:s11], $0xC8  }
0x7b9: {  	[sflag:s11] =	ssyncset.done $0x0  }
0x7ba: {  	[sflag:s11] =	ssyncadd.s32 $0xFFFFFF38  }
0x7bb: {  	[tilespmem:s13], [sflag:$0x1] =	stream.indirect.gather [hbm4b:s3+s12], $0x80, s2, s12, $0xb8;
	[tilespmem:$0xC990] =	vst v63  }
0x7bc: {  	_ =	swait.ge [sflag:s9], $0x6400  }
0x7bd: {  	[sflag:s9] =	ssyncset.done $0x0  }
0x7be: {  	[sflag:s9] =	ssyncadd.s32 $0xFFFF9C00  }
0x7bf: {  	[hbm4b:s28+s2] =	stream.linear.scatter [tilespmem:s6], [sflag:$0x4], $0x6400, $0x38;
	[tilespmem:$0xC990] =	vst v63  }
0x7c0: {  	_ =	swait.ge [sflag:s7], $0x6400  }
0x7c1: {  	[sflag:s7] =	ssyncset.done $0x0  }
0x7c2: {  	[sflag:s7] =	ssyncadd.s32 $0xFFFF9C00  }
0x7c3: {  	[tilespmem:s12], [sflag:$0x5] =	stream.linear.gather [hbm4b:s26+s2], $0xC8, $0x38;
	[tilespmem:$0xC990] =	vst v63  }
0x7c4: {  	_ =	swait.ge [sflag:s11], $0xC8  }
0x7c5: {  	[sflag:s11] =	ssyncset.done $0x0  }
0x7c6: {  	[sflag:s11] =	ssyncadd.s32 $0xFFFFFF38  }
0x7c7: {  	[tilespmem:s6], [sflag:$0x2] =	stream.indirect.gather [hbm4b:s3+s12], $0x80, s12, s12, $0xb8;
	[tilespmem:$0xC990] =	vst v63  }
0x7c8: {  	_ =	swait.ge [sflag:s15], $0x6400  }
0x7c9: {  	[sflag:s15] =	ssyncset.done $0x0  }
0x7ca: {  	[sflag:s15] =	ssyncadd.s32 $0xFFFF9C00  }
0x7cb: {  	[hbm4b:s25+s2] =	stream.linear.scatter [tilespmem:s13], [sflag:$0x3], $0x6400, $0x38;
	[tilespmem:$0xC990] =	vst v63  }
0x7cc: {  	_ =	swait.ge [sflag:s14], $0x6400  }
0x7cd: {  	[sflag:s14] =	ssyncset.done $0x0  }
0x7ce: {  	[sflag:s14] =	ssyncadd.s32 $0xFFFF9C00  }
0x7cf: {  	[tilespmem:s2], [sflag:$0x5] =	stream.linear.gather [hbm4b:s24+s2], $0xC8, $0x38;
	[tilespmem:$0xC990] =	vst v63  }
0x7d0: {  	_ =	swait.ge [sflag:s11], $0xC8  }
0x7d1: {  	[sflag:s11] =	ssyncset.done $0x0  }
0x7d2: {  	[sflag:s11] =	ssyncadd.s32 $0xFFFFFF38  }
0x7d3: {  	[tilespmem:s13], [sflag:$0x1] =	stream.indirect.gather [hbm4b:s3+s12], $0x80, s2, s12, $0xb8;
	[tilespmem:$0xC990] =	vst v63  }
0x7d4: {  	_ =	swait.ge [sflag:s9], $0x6400  }
0x7d5: {  	[sflag:s9] =	ssyncset.done $0x0  }
0x7d6: {  	[sflag:s9] =	ssyncadd.s32 $0xFFFF9C00  }
0x7d7: {  	[hbm4b:s22+s2] =	stream.linear.scatter [tilespmem:s6], [sflag:$0x4], $0x6400, $0x38;
	[tilespmem:$0xC990] =	vst v63  }
0x7d8: {  	_ =	swait.ge [sflag:s7], $0x6400  }
0x7d9: {  	[sflag:s7] =	ssyncset.done $0x0  }
0x7da: {  	[sflag:s7] =	ssyncadd.s32 $0xFFFF9C00  }
0x7db: {  	[tilespmem:s12], [sflag:$0x5] =	stream.linear.gather [hbm4b:s23+s2], $0xC8, $0x38;
	[tilespmem:$0xC990] =	vst v63  }
0x7dc: {  	_ =	swait.ge [sflag:s11], $0xC8  }
0x7dd: {  	[sflag:s11] =	ssyncset.done $0x0  }
0x7de: {  	[sflag:s11] =	ssyncadd.s32 $0xFFFFFF38  }
0x7df: {  	[tilespmem:s6], [sflag:$0x2] =	stream.indirect.gather [hbm4b:s3+s12], $0x80, s12, s12, $0xb8;
	[tilespmem:$0xC990] =	vst v63  }
0x7e0: {  	_ =	swait.ge [sflag:s15], $0x6400  }
0x7e1: {  	[sflag:s15] =	ssyncset.done $0x0  }
0x7e2: {  	[sflag:s15] =	ssyncadd.s32 $0xFFFF9C00  }
0x7e3: {  	[hbm4b:s21+s2] =	stream.linear.scatter [tilespmem:s13], [sflag:$0x3], $0x6400, $0x38;
	[tilespmem:$0xC990] =	vst v63  }
0x7e4: {  	_ =	swait.ge [sflag:s14], $0x6400  }
0x7e5: {  	[sflag:s14] =	ssyncset.done $0x0  }
0x7e6: {  	[sflag:s14] =	ssyncadd.s32 $0xFFFF9C00  }
0x7e7: {  	[tilespmem:s2], [sflag:$0x5] =	stream.linear.gather [hbm4b:s20+s2], $0xC8, $0x38;
	[tilespmem:$0xC990] =	vst v63  }
0x7e8: {  	_ =	swait.ge [sflag:s11], $0xC8  }
0x7e9: {  	[sflag:s11] =	ssyncset.done $0x0  }
0x7ea: {  	[sflag:s11] =	ssyncadd.s32 $0xFFFFFF38  }
0x7eb: {  	[tilespmem:s13], [sflag:$0x1] =	stream.indirect.gather [hbm4b:s3+s12], $0x80, s2, s12, $0xb8;
	[tilespmem:$0xC990] =	vst v63  }
0x7ec: {  	_ =	swait.ge [sflag:s9], $0x6400  }
0x7ed: {  	[sflag:s9] =	ssyncset.done $0x0  }
0x7ee: {  	[sflag:s9] =	ssyncadd.s32 $0xFFFF9C00  }
0x7ef: {  	[hbm4b:s19+s2] =	stream.linear.scatter [tilespmem:s6], [sflag:$0x4], $0x6400, $0x38;
	[tilespmem:$0xC990] =	vst v63  }
0x7f0: {  	_ =	swait.ge [sflag:s7], $0x6400  }
0x7f1: {  	[sflag:s7] =	ssyncset.done $0x0  }
0x7f2: {  	[sflag:s7] =	ssyncadd.s32 $0xFFFF9C00  }
0x7f3: {  	[tilespmem:s12], [sflag:$0x5] =	stream.linear.gather [hbm4b:s18+s2], $0xC8, $0x38;
	[tilespmem:$0xC990] =	vst v63  }
0x7f4: {  	_ =	swait.ge [sflag:s11], $0xC8  }
0x7f5: {  	[sflag:s11] =	ssyncset.done $0x0  }
0x7f6: {  	[sflag:s11] =	ssyncadd.s32 $0xFFFFFF38  }
0x7f7: {  	[tilespmem:s6], [sflag:$0x2] =	stream.indirect.gather [hbm4b:s3+s12], $0x80, s12, s12, $0xb8;
	[tilespmem:$0xC990] =	vst v63  }
0x7f8: {  	_ =	swait.ge [sflag:s15], $0x6400  }
0x7f9: {  	[sflag:s15] =	ssyncset.done $0x0  }
0x7fa: {  	[sflag:s15] =	ssyncadd.s32 $0xFFFF9C00  }
0x7fb: {  	[hbm4b:s16+s2] =	stream.linear.scatter [tilespmem:s13], [sflag:$0x3], $0x6400, $0x38;
	[tilespmem:$0xC990] =	vst v63  }
0x7fc: {  	_ =	swait.ge [sflag:s14], $0x6400  }
0x7fd: {  	[sflag:s14] =	ssyncset.done $0x0  }
0x7fe: {  	[sflag:s14] =	ssyncadd.s32 $0xFFFF9C00  }
0x7ff: {  	[tilespmem:s2], [sflag:$0x5] =	stream.linear.gather [hbm4b:s17+s2], $0xC8, $0x38;
	[tilespmem:$0xC990] =	vst v63  }
0x800: {  	_ =	swait.ge [sflag:s11], $0xC8  }
0x801: {  	[sflag:s11] =	ssyncset.done $0x0  }
0x802: {  	[sflag:s11] =	ssyncadd.s32 $0xFFFFFF38  }
0x803: {  	[tilespmem:s13], [sflag:$0x1] =	stream.indirect.gather [hbm4b:s3+s12], $0x80, s2, s12, $0xb8;
	[tilespmem:$0xC990] =	vst v63  }
0x804: {  	_ =	swait.ge [sflag:s9], $0x6400  }
0x805: {  	[sflag:s9] =	ssyncset.done $0x0  }
0x806: {  	[sflag:s9] =	ssyncadd.s32 $0xFFFF9C00  }
0x807: {  	[hbm4b:s10+s2] =	stream.linear.scatter [tilespmem:s6], [sflag:$0x4], $0x6400, $0x38;
	[tilespmem:$0xC990] =	vst v63  }
0x808: {  	_ =	swait.ge [sflag:s7], $0x6400  }
0x809: {  	[sflag:s7] =	ssyncset.done $0x0  }
0x80a: {  	[sflag:s7] =	ssyncadd.s32 $0xFFFF9C00  }
0x80b: {  	[tilespmem:s12], [sflag:$0x5] =	stream.linear.gather [hbm4b:s8+s2], $0xC8, $0x38;
	[tilespmem:$0xC990] =	vst v63  }
0x80c: {  	_ =	swait.ge [sflag:s11], $0xC8  }
0x80d: {  	[sflag:s11] =	ssyncset.done $0x0  }
0x80e: {  	[sflag:s11] =	ssyncadd.s32 $0xFFFFFF38  }
0x80f: {  	[tilespmem:s6], [sflag:$0x2] =	stream.indirect.gather [hbm4b:s3+s12], $0x80, s12, s12, $0xb8;
	[tilespmem:$0xC990] =	vst v63  }
0x810: {  	_ =	swait.ge [sflag:s15], $0x6400  }
0x811: {  	[sflag:s15] =	ssyncset.done $0x0  }
0x812: {  	[sflag:s15] =	ssyncadd.s32 $0xFFFF9C00  }
0x813: {  	[hbm4b:s5+s2] =	stream.linear.scatter [tilespmem:s13], [sflag:$0x3], $0x6400, $0x38;
	[tilespmem:$0xC990] =	vst v63  }
0x814: {  	_ =	swait.ge [sflag:s14], $0x6400  }
0x815: {  	[sflag:s14] =	ssyncset.done $0x0  }
0x816: {  	[sflag:s14] =	ssyncadd.s32 $0xFFFF9C00  }
0x817: {  	_ =	swait.ge [sflag:s9], $0x6400  }
0x818: {  	[sflag:s9] =	ssyncset.done $0x0  }
0x819: {  	[sflag:s9] =	ssyncadd.s32 $0xFFFF9C00  }
0x81a: {  	[hbm4b:s4+s2] =	stream.linear.scatter [tilespmem:s6], [sflag:$0x4], $0x6400, $0x38;
	[tilespmem:$0xC990] =	vst v63  }
0x81b: {  	_ =	swait.ge [sflag:s7], $0x6400  }
0x81c: {  	[sflag:s7] =	ssyncset.done $0x0  }
0x81d: {  	[sflag:s7] =	ssyncadd.s32 $0xFFFF9C00  }
0x81e: {  	_ =	sfence.sel $0x180000  }
0x81f: {  	[bflag:$0x0] =	sbarrier.arrive $0xFFFF  }
0x820: {  	_ =	strace $0x90000047  }
0x821: {  	s31 =	stileid.u32;
	[bflag:$0x2] =	sbarrier.arrive $0xFFFF  }
0x822: {  	p0 =	sne.s32 s31, $0x0;
	s0 =	rddreg [dreg:$0x1]  }
0x823: {  	s0 =	sadd.s32 @!p0 $0x100000, s0  }
0x824: {  	[sflag:s0] =	ssyncadd.tile.s32 @!p0 $0x1;
	_ =	shalt  }
.Lfunc_end2:
_tile_overlayer_lowered:
.L_overlay_start_2:
0x825: {  	(tag) =	ssettag $0x2  }
0x826: {  	s0 =	rddreg [dreg:$0x0];
	s2 =	stileid.u32  }
0x827: {  	s1 =	rddreg [dreg:$0x1];
	p0 =	sne.s32 s2, $0x0  }
0x828: {  	s3 =	rddreg [dreg:$0x2];
	[bflag:$0x3] =	sbarrier.arrive $0xFFFF;
	s2 =	simm.s32 @!p0 $0x1C05  }
0x829: {  	[timem:s3], [sflag:s2] =	dma.local @!p0 [hbm:s0], s1  }
0x82a: {  	s0 =	simm.s32 @!p0 $0x5  }
0x82b: {  	_ =	swait.ge @!p0 [sflag:s0], s1  }
0x82c: {  	s1 =	ssub.s32 @!p0 $0x0, s1;
	[sflag:s0] =	ssyncset.done @!p0 $0x0  }
0x82d: {  	[sflag:s0] =	ssyncadd.s32 @!p0 s1  }
0x82e: {  	[bflag:$0x3] =	sbarrier.arrive $0xFFFF  }
0x82f: {  	_ =	shalt  }

</sc_bundles>
